<compile_context>
chip_gen: v7x
topology: tpu7x:2x2x1
jax: 0.10.2.dev20260603
libtpu: 0.0.44.dev20260713+nightly
codegen_flags: <defaults>
</compile_context>

<pallas_src>
import functools

import jax
import jax.numpy as jnp
from jax import lax
from jax.experimental import pallas as pl
from jax.experimental.pallas import tpu as pltpu
from jax.experimental.pallas import tpu_sc as plsc

NC = 2
NS = 16
NW = NC * NS
L = 16

D = 128
V = 100000
B = 1024
G = 10
Z = 10
ROWS = D // NW

LAMB = 0.01


def _sc_rv_body(rv_hbm, wids_hbm, wpT_hbm,
                row_v, idx_v, out1a, out1b, sem_w0, sem_w1):
    wid = lax.axis_index("s") * NC + lax.axis_index("c")
    out1 = [out1a, out1b]
    sem_w = [sem_w0, sem_w1]

    pltpu.sync_copy(wids_hbm, idx_v)
    for r in range(ROWS):
        d = wid * ROWS + r
        pltpu.sync_copy(rv_hbm.at[pl.ds(d * V, V)], row_v)
        ob = out1[r % 2]
        if r >= 2:
            pltpu.make_async_copy(ob, wpT_hbm.at[d - 2], sem_w[r % 2]).wait()

        def gbody(i, c):
            for u in range(2):
                base = (2 * i + u) * L
                vs = [plsc.load_gather(row_v, [idx_v[pl.ds(g * B + base, L)]])
                      for g in range(G)]
                while len(vs) > 1:
                    vs = [vs[j] + vs[j + 1] for j in range(0, len(vs) - 1, 2)] \
                        + ([vs[-1]] if len(vs) % 2 else [])
                ob[pl.ds(base, L)] = vs[0] * (1.0 / G)
            return c
        lax.fori_loop(0, B // L // 2, gbody, 0)
        pltpu.make_async_copy(ob, wpT_hbm.at[d], sem_w[r % 2]).start()

    for r in range(max(ROWS - 2, 0), ROWS):
        d = wid * ROWS + r
        pltpu.make_async_copy(out1[r % 2], wpT_hbm.at[d], sem_w[r % 2]).wait()


def _sc_rd_body(rd_hbm, dids_hbm, nids_hbm, docsT_hbm, negsT_hbm,
                row_v, idx_v, did_v, out1a, out1b, outz_v,
                sem_d0, sem_d1, sem_n):
    wid = lax.axis_index("s") * NC + lax.axis_index("c")
    out1 = [out1a, out1b]
    sem_d = [sem_d0, sem_d1]

    pltpu.sync_copy(nids_hbm, idx_v)
    pltpu.sync_copy(dids_hbm, did_v)
    for r in range(ROWS):
        d = wid * ROWS + r
        pltpu.sync_copy(rd_hbm.at[d], row_v)
        ob = out1[r % 2]
        if r >= 2:
            pltpu.make_async_copy(ob, docsT_hbm.at[d - 2], sem_d[r % 2]).wait()
        if r >= 1:
            pltpu.make_async_copy(outz_v, negsT_hbm.at[d - 1], sem_n).wait()

        def dbody(i, c):
            for u in range(4):
                base = (4 * i + u) * L
                idx = did_v[pl.ds(base, L)]
                ob[pl.ds(base, L)] = plsc.load_gather(row_v, [idx])
            return c
        lax.fori_loop(0, B // L // 4, dbody, 0)
        pltpu.make_async_copy(ob, docsT_hbm.at[d], sem_d[r % 2]).start()

        def nbody(i, c):
            for z in range(Z):
                for u in range(2):
                    base = z * B + (2 * i + u) * L
                    idx = idx_v[pl.ds(base, L)]
                    outz_v[pl.ds(base, L)] = plsc.load_gather(row_v, [idx])
            return c
        lax.fori_loop(0, B // L // 2, nbody, 0)
        pltpu.make_async_copy(outz_v, negsT_hbm.at[d], sem_n).start()

    for r in range(max(ROWS - 2, 0), ROWS):
        d = wid * ROWS + r
        pltpu.make_async_copy(out1[r % 2], docsT_hbm.at[d], sem_d[r % 2]).wait()
    pltpu.make_async_copy(outz_v, negsT_hbm.at[wid * ROWS + ROWS - 1],
                          sem_n).wait()


@functools.cache
def _get_sc_calls():
  mesh = plsc.VectorSubcoreMesh(
      core_axis_name="c", subcore_axis_name="s",
      num_cores=NC, num_subcores=NS)
  cparams = pltpu.CompilerParams(needs_layout_passes=False)
  rv_call = pl.kernel(
      _sc_rv_body,
      out_type=jax.ShapeDtypeStruct((D, B), jnp.float32),
      mesh=mesh,
      compiler_params=cparams,
      scratch_types=[
          pltpu.VMEM((V,), jnp.float32),
          pltpu.VMEM((G * B,), jnp.int32),
          pltpu.VMEM((B,), jnp.float32),
          pltpu.VMEM((B,), jnp.float32),
          pltpu.SemaphoreType.DMA,
          pltpu.SemaphoreType.DMA,
      ],
  )
  rd_call = pl.kernel(
      _sc_rd_body,
      out_type=(
          jax.ShapeDtypeStruct((D, B), jnp.float32),
          jax.ShapeDtypeStruct((D, Z * B), jnp.float32),
      ),
      mesh=mesh,
      compiler_params=cparams,
      scratch_types=[
          pltpu.VMEM((V,), jnp.float32),
          pltpu.VMEM((Z * B,), jnp.int32),
          pltpu.VMEM((B,), jnp.int32),
          pltpu.VMEM((B,), jnp.float32),
          pltpu.VMEM((B,), jnp.float32),
          pltpu.VMEM((Z * B,), jnp.float32),
          pltpu.SemaphoreType.DMA,
          pltpu.SemaphoreType.DMA,
          pltpu.SemaphoreType.DMA,
      ],
  )
  return rv_call, rd_call



SSQ_RB = 32
SSQ_NB = D // SSQ_RB


def _ssq_body(rd_ref, out_ref, acc_ref):
    i = pl.program_id(0)

    @pl.when(i == 0)
    def _init():
        acc_ref[0, 0] = 0.0

    x = rd_ref[...]
    acc_ref[0, 0] += jnp.sum(x * x)

    @pl.when(i == SSQ_NB - 1)
    def _fin():
        out_ref[...] = jnp.broadcast_to(acc_ref[0, 0], (1, 1))


def _tc_ssq(rd, interpret=False):
    return pl.pallas_call(
        _ssq_body,
        grid=(SSQ_NB,),
        in_specs=[pl.BlockSpec((SSQ_RB, V), lambda i: (i, 0))],
        out_specs=pl.BlockSpec((1, 1), lambda i: (0, 0)),
        out_shape=jax.ShapeDtypeStruct((1, 1), jnp.float32),
        scratch_shapes=[pltpu.SMEM((1, 1), jnp.float32)],
        interpret=interpret,
    )(rd)



def _tc_body(wpT_ref, docsT_ref, negsT_ref, ssq_ref, proj_ref, beta_ref,
             out_ref):
    wpT = wpT_ref[...]
    n2 = jnp.sum(wpT * wpT, axis=0, keepdims=True)
    normedT = wpT / jnp.sqrt(n2)
    tT = jnp.dot(proj_ref[...], normedT,
                 preferred_element_type=jnp.float32)
    mean = jnp.mean(tT, axis=1, keepdims=True)
    var = jnp.sum((tT - mean) ** 2, axis=1, keepdims=True) / (B - 1)
    std = jnp.sqrt(var)
    t = jnp.clip((tT - mean) / jnp.sqrt(std) + beta_ref[...], -1.0, 1.0)

    pos = jnp.sum(t * docsT_ref[...], axis=0, keepdims=True)
    p_pos = jnp.minimum(jax.nn.sigmoid(pos), 0.999)
    acc = Z * jnp.log(p_pos)
    for z in range(Z):
        dz = jnp.sum(t * negsT_ref[:, z * B:(z + 1) * B], axis=0,
                     keepdims=True)
        p = jnp.minimum(jax.nn.sigmoid(dz), 0.999)
        acc = acc + jnp.log(jnp.maximum(1.0 - p, 0.01))

    total = jnp.sum(acc) * ((Z + 1) / (2 * Z))
    reg = ssq_ref[0, 0] + jnp.sum(proj_ref[...] * proj_ref[...])
    loss = total / B + LAMB / (2 * B) * reg
    out_ref[...] = jnp.broadcast_to(loss, (1, 1))


def kernel(rv, rd, proj, beta, word_ids, doc_ids, nsample_ids):
    widsT = jnp.transpose(word_ids).astype(jnp.int32).reshape(-1)
    nidsT = jnp.transpose(nsample_ids).astype(jnp.int32).reshape(-1)
    dids = doc_ids.astype(jnp.int32)

    rv_call, rd_call = _get_sc_calls()
    wpT = rv_call(rv.reshape(-1), widsT)
    docsT, negsT = rd_call(rd, dids, nidsT)
    ssq = _tc_ssq(rd)

    out = pl.pallas_call(
        _tc_body,
        out_shape=jax.ShapeDtypeStruct((1, 1), jnp.float32),
    )(wpT, docsT, negsT, ssq, proj, beta)
    return out[0, 0]

# --- scband reference (transcript-rebuilt; emitter-appended) ---
"""Pipeline reference for scband-nvsm-25735444037692 (READ-ONLY COPY).

The authoritative reference and input builder live on the scoring server;
editing this copy changes nothing except your own understanding.
"""

import jax, jax.numpy as jnp
import numpy as np


def setup_inputs(seed: int = 0) -> dict:
    key = jax.random.key(seed)
    ks = jax.random.split(key, 7)
    num_documents = 100000
    vocab = 100000
    doc_dim = 128
    word_dim = 128
    batch = 1024
    n_gram = 10
    z = 10
    # learned parameters (xavier-like init for rd/proj, fixed pretrained-style rv, uniform beta)
    rd = jax.random.normal(ks[0], (doc_dim, num_documents), dtype=jnp.float32) * (2.0 / (doc_dim + num_documents)) ** 0.5
    rv = jax.random.normal(ks[1], (word_dim, vocab), dtype=jnp.float32) * 0.1
    proj = jax.random.normal(ks[2], (doc_dim, word_dim), dtype=jnp.float32) * (2.0 / (doc_dim + word_dim)) ** 0.5
    beta = jax.random.uniform(ks[3], (doc_dim, 1), dtype=jnp.float32)
    # pre-sampled batch indices (replaces the torch module's internal random sampling)
    word_ids = jax.random.randint(ks[4], (batch, n_gram), 0, vocab)
    doc_ids = jax.random.randint(ks[5], (batch,), 0, num_documents)
    nsample_ids = jax.random.randint(ks[6], (batch, z), 0, num_documents)
    return {"rv": rv, "rd": rd, "proj": proj, "beta": beta,
            "word_ids": word_ids, "doc_ids": doc_ids, "nsample_ids": nsample_ids}


def reference(rv, rd, proj, beta, word_ids, doc_ids, nsample_ids):
    z = nsample_ids.shape[1]
    batch = word_ids.shape[0]
    lamb = 0.01
    # sample_batch: per-sample n-gram word embedding gather  rv.index_select(1, ids) -> (word_dim, n_gram)
    words = jnp.take(rv.T, word_ids, axis=0)          # (B, n_gram, word_dim)
    # g(): mean over the n-gram positions (torch: words.mean(1) on the (B*word_dim, n_gram) layout)
    wp = words.mean(axis=1)                            # (B, word_dim)
    # norm(): x / ||x||_F per sample
    normed = wp / jnp.linalg.norm(wp, axis=1, keepdims=True)
    # f(): proj @ x per sample -> t_tensor is (doc_dim, B) in torch; we keep (B, doc_dim)
    t_tensor = normed @ proj.T                         # (B, doc_dim)
    # batch statistics over the batch axis (torch t_tensor.mean(1)/std(1), std is unbiased)
    mean = t_tensor.mean(axis=0)                       # (doc_dim,)
    std = jnp.std(t_tensor, axis=0, ddof=1)            # (doc_dim,) unbiased like torch.std
    # t(): hardtanh((x - mean)/sqrt(std) + beta)  (sqrt of std kept faithful to source)
    t = jnp.clip((t_tensor - mean) / jnp.sqrt(std) + beta.reshape(-1), -1.0, 1.0)  # (B, doc_dim)
    # positive document embedding gather  rd.index_select(1, doc_idx)
    docs = jnp.take(rd.T, doc_ids, axis=0)             # (B, doc_dim)
    p_pos = jnp.clip(jax.nn.sigmoid(jnp.sum(t * docs, axis=1)), -0.999, 0.999)  # (B,)
    log_p = z * jnp.log(p_pos)                         # (B,)
    # negative sample gather  rd.index_select(1, nsample_indices) -> (doc_dim, z)
    neg = jnp.take(rd.T, nsample_ids, axis=0)          # (B, z, doc_dim)
    p_neg = jnp.clip(jax.nn.sigmoid(jnp.einsum('bd,bzd->bz', t, neg)), -0.999, 0.999)
    nsample_log = jnp.sum(jnp.log(jnp.clip(1.0 - p_neg, 0.01, None)), axis=1)    # (B,)
    out = (z + 1) / (2 * z) * (log_p + nsample_log)    # (B,)
    loss = jnp.sum(out) / batch + lamb / (2 * batch) * (jnp.sum(rd * rd) + jnp.sum(proj * proj))
    return loss

if __name__ == "__main__":
    import jax
    _d = setup_inputs()
    print(jax.jit(kernel)(*tuple(_d.values())))

</pallas_src>

<mosaic_0001>
#map = affine_map<(d0, d1) -> (0, 0)>
#map1 = affine_map<(d0, d1) -> (0)>
module attributes {stable_mosaic.version = 14 : i64} {
  func.func @_sc_rd_body(%arg0: i32, %arg1: i32, %arg2: memref<128x100000xf32, #tpu.memory_space<hbm>>, %arg3: memref<1024xi32, #tpu.memory_space<hbm>>, %arg4: memref<10240xi32, #tpu.memory_space<hbm>>, %arg5: memref<128x1024xf32, #tpu.memory_space<hbm>>, %arg6: memref<128x10240xf32, #tpu.memory_space<hbm>>, %arg7: memref<100000xf32, #tpu.memory_space<vmem>>, %arg8: memref<10240xi32, #tpu.memory_space<vmem>>, %arg9: memref<1024xi32, #tpu.memory_space<vmem>>, %arg10: memref<1024xf32, #tpu.memory_space<vmem>>, %arg11: memref<1024xf32, #tpu.memory_space<vmem>>, %arg12: memref<10240xf32, #tpu.memory_space<vmem>>, %arg13: memref<!tpu.dma_semaphore, #tpu.memory_space<semaphore_mem>>, %arg14: memref<!tpu.dma_semaphore, #tpu.memory_space<semaphore_mem>>, %arg15: memref<!tpu.dma_semaphore, #tpu.memory_space<semaphore_mem>>) attributes {dimension_semantics = [#tpu.dimension_semantics<core_parallel>, #tpu.dimension_semantics<subcore_parallel>], iteration_bounds = array<i64: 2, 16>, scalar_prefetch = 0 : i64, scratch_operands = 9 : i64, tpu.core_type = #tpu.core_type<sc_vector_subcore>, window_params = [{transform_indices = #map}, {transform_indices = #map1}, {transform_indices = #map1}, {transform_indices = #map}, {transform_indices = #map}]} {
    %mul3A = arith.constant 2 : i32
    %mul3A_0 = arith.muli %arg1, %mul3A : i32
    %add3A = arith.addi %mul3A_0, %arg0 : i32
    "tpu.region"() ({
      %run_scoped3A = tpu.sem_alloc : memref<!tpu.dma_semaphore, #tpu.memory_space<semaphore_mem>>
      tpu.enqueue_dma source(%arg4 : memref<10240xi32, #tpu.memory_space<hbm>>) target(%arg8 : memref<10240xi32, #tpu.memory_space<vmem>>) target_semaphore(%run_scoped3A : memref<!tpu.dma_semaphore, #tpu.memory_space<semaphore_mem>>)
      tpu.wait_dma2 semaphore(%run_scoped3A : memref<!tpu.dma_semaphore, #tpu.memory_space<semaphore_mem>>) src(%arg4 : memref<10240xi32, #tpu.memory_space<hbm>>) dst(%arg8 : memref<10240xi32, #tpu.memory_space<vmem>>)
      tpu.yield
    }) : () -> ()
    "tpu.region"() ({
      %run_scoped3A = tpu.sem_alloc : memref<!tpu.dma_semaphore, #tpu.memory_space<semaphore_mem>>
      tpu.enqueue_dma source(%arg3 : memref<1024xi32, #tpu.memory_space<hbm>>) target(%arg9 : memref<1024xi32, #tpu.memory_space<vmem>>) target_semaphore(%run_scoped3A : memref<!tpu.dma_semaphore, #tpu.memory_space<semaphore_mem>>)
      tpu.wait_dma2 semaphore(%run_scoped3A : memref<!tpu.dma_semaphore, #tpu.memory_space<semaphore_mem>>) src(%arg3 : memref<1024xi32, #tpu.memory_space<hbm>>) dst(%arg9 : memref<1024xi32, #tpu.memory_space<vmem>>)
      tpu.yield
    }) : () -> ()
    %mul3A_1 = arith.constant 4 : i32
    %mul3A_2 = arith.muli %add3A, %mul3A_1 : i32
    %add3A_3 = arith.constant 0 : i32
    %add3A_4 = arith.addi %mul3A_2, %add3A_3 : i32
    "tpu.region"() ({
      %run_scoped3A = tpu.sem_alloc : memref<!tpu.dma_semaphore, #tpu.memory_space<semaphore_mem>>
      %dma_start3A_181 = arith.constant 0 : i32
      %dma_start3A_182 = tpu.memref_slice %arg2[%add3A_4, %dma_start3A_181] : memref<128x100000xf32, #tpu.memory_space<hbm>> -> memref<1x100000xf32, #tpu.memory_space<hbm>>
      %dma_start3A_183 = tpu.memref_squeeze %dma_start3A_182 : memref<1x100000xf32, #tpu.memory_space<hbm>> -> memref<100000xf32, #tpu.memory_space<hbm>>
      %dma_start3A_184 = arith.constant 0 : i32
      %dma_start3A_185 = tpu.memref_slice %arg2[%add3A_4, %dma_start3A_184] : memref<128x100000xf32, #tpu.memory_space<hbm>> -> memref<1x100000xf32, #tpu.memory_space<hbm>>
      %dma_start3A_186 = tpu.memref_squeeze %dma_start3A_185 : memref<1x100000xf32, #tpu.memory_space<hbm>> -> memref<100000xf32, #tpu.memory_space<hbm>>
      tpu.enqueue_dma source(%dma_start3A_186 : memref<100000xf32, #tpu.memory_space<hbm>>) target(%arg7 : memref<100000xf32, #tpu.memory_space<vmem>>) target_semaphore(%run_scoped3A : memref<!tpu.dma_semaphore, #tpu.memory_space<semaphore_mem>>)
      %dma_wait3A_187 = arith.constant 0 : i32
      %dma_wait3A_188 = tpu.memref_slice %arg2[%add3A_4, %dma_wait3A_187] : memref<128x100000xf32, #tpu.memory_space<hbm>> -> memref<1x100000xf32, #tpu.memory_space<hbm>>
      %dma_wait3A_189 = tpu.memref_squeeze %dma_wait3A_188 : memref<1x100000xf32, #tpu.memory_space<hbm>> -> memref<100000xf32, #tpu.memory_space<hbm>>
      %dma_wait3A_190 = arith.constant 0 : i32
      %dma_wait3A_191 = tpu.memref_slice %arg2[%add3A_4, %dma_wait3A_190] : memref<128x100000xf32, #tpu.memory_space<hbm>> -> memref<1x100000xf32, #tpu.memory_space<hbm>>
      %dma_wait3A_192 = tpu.memref_squeeze %dma_wait3A_191 : memref<1x100000xf32, #tpu.memory_space<hbm>> -> memref<100000xf32, #tpu.memory_space<hbm>>
      tpu.wait_dma2 semaphore(%run_scoped3A : memref<!tpu.dma_semaphore, #tpu.memory_space<semaphore_mem>>) src(%dma_wait3A_192 : memref<100000xf32, #tpu.memory_space<hbm>>) dst(%arg7 : memref<100000xf32, #tpu.memory_space<vmem>>)
      tpu.yield
    }) : () -> ()
    %scan3A = arith.constant 0 : i32
    %scan3A_5 = arith.constant 0 : i32
    %scan3A_6 = arith.constant 16 : i32
    %scan3A_7 = arith.addi %scan3A_5, %scan3A_6 : i32
    %scan3A_8 = arith.constant 1 : i32
    scf.for %scan3A_181 = %scan3A_5 to %scan3A_7 step %scan3A_8  : i32 {
      %mul3A_182 = arith.constant 4 : i32
      %mul3A_183 = arith.muli %mul3A_182, %scan3A_181 : i32
      %add3A_184 = arith.constant 0 : i32
      %add3A_185 = arith.addi %mul3A_183, %add3A_184 : i32
      %mul3A_186 = arith.constant 16 : i32
      %mul3A_187 = arith.muli %add3A_185, %mul3A_186 : i32
      %get3A = arith.index_cast %mul3A_187 : i32 to index
      %get3A_188 = tpu.vector_load %arg9[%get3A] {strides = array<i32>} : memref<1024xi32, #tpu.memory_space<vmem>>, vector<16xi32>,
      %gather3A = tpu.vector_load_idx %arg7[%get3A_188] : memref<100000xf32, #tpu.memory_space<vmem>>[vector<16xi32>], vector<16xf32>,
      %swap3A = arith.index_cast %mul3A_187 : i32 to index
      %swap3A_189 = tpu.vector_load %arg10[%swap3A] {strides = array<i32>} : memref<1024xf32, #tpu.memory_space<vmem>>, vector<16xf32>,
      tpu.vector_store %arg10[%swap3A], %gather3A {strides = array<i32>} : memref<1024xf32, #tpu.memory_space<vmem>>, vector<16xf32>,
      %mul3A_190 = arith.constant 4 : i32
      %mul3A_191 = arith.muli %mul3A_190, %scan3A_181 : i32
      %add3A_192 = arith.constant 1 : i32
      %add3A_193 = arith.addi %mul3A_191, %add3A_192 : i32
      %mul3A_194 = arith.constant 16 : i32
      %mul3A_195 = arith.muli %add3A_193, %mul3A_194 : i32
      %get3A_196 = arith.index_cast %mul3A_195 : i32 to index
      %get3A_197 = tpu.vector_load %arg9[%get3A_196] {strides = array<i32>} : memref<1024xi32, #tpu.memory_space<vmem>>, vector<16xi32>,
      %gather3A_198 = tpu.vector_load_idx %arg7[%get3A_197] : memref<100000xf32, #tpu.memory_space<vmem>>[vector<16xi32>], vector<16xf32>,
      %swap3A_199 = arith.index_cast %mul3A_195 : i32 to index
      %swap3A_200 = tpu.vector_load %arg10[%swap3A_199] {strides = array<i32>} : memref<1024xf32, #tpu.memory_space<vmem>>, vector<16xf32>,
      tpu.vector_store %arg10[%swap3A_199], %gather3A_198 {strides = array<i32>} : memref<1024xf32, #tpu.memory_space<vmem>>, vector<16xf32>,
      %mul3A_201 = arith.constant 4 : i32
      %mul3A_202 = arith.muli %mul3A_201, %scan3A_181 : i32
      %add3A_203 = arith.constant 2 : i32
      %add3A_204 = arith.addi %mul3A_202, %add3A_203 : i32
      %mul3A_205 = arith.constant 16 : i32
      %mul3A_206 = arith.muli %add3A_204, %mul3A_205 : i32
      %get3A_207 = arith.index_cast %mul3A_206 : i32 to index
      %get3A_208 = tpu.vector_load %arg9[%get3A_207] {strides = array<i32>} : memref<1024xi32, #tpu.memory_space<vmem>>, vector<16xi32>,
      %gather3A_209 = tpu.vector_load_idx %arg7[%get3A_208] : memref<100000xf32, #tpu.memory_space<vmem>>[vector<16xi32>], vector<16xf32>,
      %swap3A_210 = arith.index_cast %mul3A_206 : i32 to index
      %swap3A_211 = tpu.vector_load %arg10[%swap3A_210] {strides = array<i32>} : memref<1024xf32, #tpu.memory_space<vmem>>, vector<16xf32>,
      tpu.vector_store %arg10[%swap3A_210], %gather3A_209 {strides = array<i32>} : memref<1024xf32, #tpu.memory_space<vmem>>, vector<16xf32>,
      %mul3A_212 = arith.constant 4 : i32
      %mul3A_213 = arith.muli %mul3A_212, %scan3A_181 : i32
      %add3A_214 = arith.constant 3 : i32
      %add3A_215 = arith.addi %mul3A_213, %add3A_214 : i32
      %mul3A_216 = arith.constant 16 : i32
      %mul3A_217 = arith.muli %add3A_215, %mul3A_216 : i32
      %get3A_218 = arith.index_cast %mul3A_217 : i32 to index
      %get3A_219 = tpu.vector_load %arg9[%get3A_218] {strides = array<i32>} : memref<1024xi32, #tpu.memory_space<vmem>>, vector<16xi32>,
      %gather3A_220 = tpu.vector_load_idx %arg7[%get3A_219] : memref<100000xf32, #tpu.memory_space<vmem>>[vector<16xi32>], vector<16xf32>,
      %swap3A_221 = arith.index_cast %mul3A_217 : i32 to index
      %swap3A_222 = tpu.vector_load %arg10[%swap3A_221] {strides = array<i32>} : memref<1024xf32, #tpu.memory_space<vmem>>, vector<16xf32>,
      tpu.vector_store %arg10[%swap3A_221], %gather3A_220 {strides = array<i32>} : memref<1024xf32, #tpu.memory_space<vmem>>, vector<16xf32>,
    }
    %scan3A_9 = arith.constant 16 : i32
    %dma_start3A = arith.constant 0 : i32
    %dma_start3A_10 = tpu.memref_slice %arg5[%add3A_4, %dma_start3A] : memref<128x1024xf32, #tpu.memory_space<hbm>> -> memref<1x1024xf32, #tpu.memory_space<hbm>>
    %dma_start3A_11 = tpu.memref_squeeze %dma_start3A_10 : memref<1x1024xf32, #tpu.memory_space<hbm>> -> memref<1024xf32, #tpu.memory_space<hbm>>
    %dma_start3A_12 = arith.constant 0 : i32
    %dma_start3A_13 = tpu.memref_slice %arg5[%add3A_4, %dma_start3A_12] : memref<128x1024xf32, #tpu.memory_space<hbm>> -> memref<1x1024xf32, #tpu.memory_space<hbm>>
    %dma_start3A_14 = tpu.memref_squeeze %dma_start3A_13 : memref<1x1024xf32, #tpu.memory_space<hbm>> -> memref<1024xf32, #tpu.memory_space<hbm>>
    tpu.enqueue_dma source(%arg10 : memref<1024xf32, #tpu.memory_space<vmem>>) target(%dma_start3A_14 : memref<1024xf32, #tpu.memory_space<hbm>>) target_semaphore(%arg13 : memref<!tpu.dma_semaphore, #tpu.memory_space<semaphore_mem>>)
    %scan3A_15 = arith.constant 0 : i32
    %scan3A_16 = arith.constant 0 : i32
    %scan3A_17 = arith.constant 32 : i32
    %scan3A_18 = arith.addi %scan3A_16, %scan3A_17 : i32
    %scan3A_19 = arith.constant 1 : i32
    scf.for %scan3A_181 = %scan3A_16 to %scan3A_18 step %scan3A_19  : i32 {
      %mul3A_182 = arith.constant 2 : i32
      %mul3A_183 = arith.muli %mul3A_182, %scan3A_181 : i32
      %add3A_184 = arith.constant 0 : i32
      %add3A_185 = arith.addi %mul3A_183, %add3A_184 : i32
      %mul3A_186 = arith.constant 16 : i32
      %mul3A_187 = arith.muli %add3A_185, %mul3A_186 : i32
      %add3A_188 = arith.constant 0 : i32
      %add3A_189 = arith.addi %add3A_188, %mul3A_187 : i32
      %get3A = arith.index_cast %add3A_189 : i32 to index
      %get3A_190 = tpu.vector_load %arg8[%get3A] {strides = array<i32>} : memref<10240xi32, #tpu.memory_space<vmem>>, vector<16xi32>,
      %gather3A = tpu.vector_load_idx %arg7[%get3A_190] : memref<100000xf32, #tpu.memory_space<vmem>>[vector<16xi32>], vector<16xf32>,
      %swap3A = arith.index_cast %add3A_189 : i32 to index
      %swap3A_191 = tpu.vector_load %arg12[%swap3A] {strides = array<i32>} : memref<10240xf32, #tpu.memory_space<vmem>>, vector<16xf32>,
      tpu.vector_store %arg12[%swap3A], %gather3A {strides = array<i32>} : memref<10240xf32, #tpu.memory_space<vmem>>, vector<16xf32>,
      %mul3A_192 = arith.constant 2 : i32
      %mul3A_193 = arith.muli %mul3A_192, %scan3A_181 : i32
      %add3A_194 = arith.constant 1 : i32
      %add3A_195 = arith.addi %mul3A_193, %add3A_194 : i32
      %mul3A_196 = arith.constant 16 : i32
      %mul3A_197 = arith.muli %add3A_195, %mul3A_196 : i32
      %add3A_198 = arith.constant 0 : i32
      %add3A_199 = arith.addi %add3A_198, %mul3A_197 : i32
      %get3A_200 = arith.index_cast %add3A_199 : i32 to index
      %get3A_201 = tpu.vector_load %arg8[%get3A_200] {strides = array<i32>} : memref<10240xi32, #tpu.memory_space<vmem>>, vector<16xi32>,
      %gather3A_202 = tpu.vector_load_idx %arg7[%get3A_201] : memref<100000xf32, #tpu.memory_space<vmem>>[vector<16xi32>], vector<16xf32>,
      %swap3A_203 = arith.index_cast %add3A_199 : i32 to index
      %swap3A_204 = tpu.vector_load %arg12[%swap3A_203] {strides = array<i32>} : memref<10240xf32, #tpu.memory_space<vmem>>, vector<16xf32>,
      tpu.vector_store %arg12[%swap3A_203], %gather3A_202 {strides = array<i32>} : memref<10240xf32, #tpu.memory_space<vmem>>, vector<16xf32>,
      %mul3A_205 = arith.constant 2 : i32
      %mul3A_206 = arith.muli %mul3A_205, %scan3A_181 : i32
      %add3A_207 = arith.constant 0 : i32
      %add3A_208 = arith.addi %mul3A_206, %add3A_207 : i32
      %mul3A_209 = arith.constant 16 : i32
      %mul3A_210 = arith.muli %add3A_208, %mul3A_209 : i32
      %add3A_211 = arith.constant 1024 : i32
      %add3A_212 = arith.addi %add3A_211, %mul3A_210 : i32
      %get3A_213 = arith.index_cast %add3A_212 : i32 to index
      %get3A_214 = tpu.vector_load %arg8[%get3A_213] {strides = array<i32>} : memref<10240xi32, #tpu.memory_space<vmem>>, vector<16xi32>,
      %gather3A_215 = tpu.vector_load_idx %arg7[%get3A_214] : memref<100000xf32, #tpu.memory_space<vmem>>[vector<16xi32>], vector<16xf32>,
      %swap3A_216 = arith.index_cast %add3A_212 : i32 to index
      %swap3A_217 = tpu.vector_load %arg12[%swap3A_216] {strides = array<i32>} : memref<10240xf32, #tpu.memory_space<vmem>>, vector<16xf32>,
      tpu.vector_store %arg12[%swap3A_216], %gather3A_215 {strides = array<i32>} : memref<10240xf32, #tpu.memory_space<vmem>>, vector<16xf32>,
      %mul3A_218 = arith.constant 2 : i32
      %mul3A_219 = arith.muli %mul3A_218, %scan3A_181 : i32
      %add3A_220 = arith.constant 1 : i32
      %add3A_221 = arith.addi %mul3A_219, %add3A_220 : i32
      %mul3A_222 = arith.constant 16 : i32
      %mul3A_223 = arith.muli %add3A_221, %mul3A_222 : i32
      %add3A_224 = arith.constant 1024 : i32
      %add3A_225 = arith.addi %add3A_224, %mul3A_223 : i32
      %get3A_226 = arith.index_cast %add3A_225 : i32 to index
      %get3A_227 = tpu.vector_load %arg8[%get3A_226] {strides = array<i32>} : memref<10240xi32, #tpu.memory_space<vmem>>, vector<16xi32>,
      %gather3A_228 = tpu.vector_load_idx %arg7[%get3A_227] : memref<100000xf32, #tpu.memory_space<vmem>>[vector<16xi32>], vector<16xf32>,
      %swap3A_229 = arith.index_cast %add3A_225 : i32 to index
      %swap3A_230 = tpu.vector_load %arg12[%swap3A_229] {strides = array<i32>} : memref<10240xf32, #tpu.memory_space<vmem>>, vector<16xf32>,
      tpu.vector_store %arg12[%swap3A_229], %gather3A_228 {strides = array<i32>} : memref<10240xf32, #tpu.memory_space<vmem>>, vector<16xf32>,
      %mul3A_231 = arith.constant 2 : i32
      %mul3A_232 = arith.muli %mul3A_231, %scan3A_181 : i32
      %add3A_233 = arith.constant 0 : i32
      %add3A_234 = arith.addi %mul3A_232, %add3A_233 : i32
      %mul3A_235 = arith.constant 16 : i32
      %mul3A_236 = arith.muli %add3A_234, %mul3A_235 : i32
      %add3A_237 = arith.constant 2048 : i32
      %add3A_238 = arith.addi %add3A_237, %mul3A_236 : i32
      %get3A_239 = arith.index_cast %add3A_238 : i32 to index
      %get3A_240 = tpu.vector_load %arg8[%get3A_239] {strides = array<i32>} : memref<10240xi32, #tpu.memory_space<vmem>>, vector<16xi32>,
      %gather3A_241 = tpu.vector_load_idx %arg7[%get3A_240] : memref<100000xf32, #tpu.memory_space<vmem>>[vector<16xi32>], vector<16xf32>,
      %swap3A_242 = arith.index_cast %add3A_238 : i32 to index
      %swap3A_243 = tpu.vector_load %arg12[%swap3A_242] {strides = array<i32>} : memref<10240xf32, #tpu.memory_space<vmem>>, vector<16xf32>,
      tpu.vector_store %arg12[%swap3A_242], %gather3A_241 {strides = array<i32>} : memref<10240xf32, #tpu.memory_space<vmem>>, vector<16xf32>,
      %mul3A_244 = arith.constant 2 : i32
      %mul3A_245 = arith.muli %mul3A_244, %scan3A_181 : i32
      %add3A_246 = arith.constant 1 : i32
      %add3A_247 = arith.addi %mul3A_245, %add3A_246 : i32
      %mul3A_248 = arith.constant 16 : i32
      %mul3A_249 = arith.muli %add3A_247, %mul3A_248 : i32
      %add3A_250 = arith.constant 2048 : i32
      %add3A_251 = arith.addi %add3A_250, %mul3A_249 : i32
      %get3A_252 = arith.index_cast %add3A_251 : i32 to index
      %get3A_253 = tpu.vector_load %arg8[%get3A_252] {strides = array<i32>} : memref<10240xi32, #tpu.memory_space<vmem>>, vector<16xi32>,
      %gather3A_254 = tpu.vector_load_idx %arg7[%get3A_253] : memref<100000xf32, #tpu.memory_space<vmem>>[vector<16xi32>], vector<16xf32>,
      %swap3A_255 = arith.index_cast %add3A_251 : i32 to index
      %swap3A_256 = tpu.vector_load %arg12[%swap3A_255] {strides = array<i32>} : memref<10240xf32, #tpu.memory_space<vmem>>, vector<16xf32>,
      tpu.vector_store %arg12[%swap3A_255], %gather3A_254 {strides = array<i32>} : memref<10240xf32, #tpu.memory_space<vmem>>, vector<16xf32>,
      %mul3A_257 = arith.constant 2 : i32
      %mul3A_258 = arith.muli %mul3A_257, %scan3A_181 : i32
      %add3A_259 = arith.constant 0 : i32
      %add3A_260 = arith.addi %mul3A_258, %add3A_259 : i32
      %mul3A_261 = arith.constant 16 : i32
      %mul3A_262 = arith.muli %add3A_260, %mul3A_261 : i32
      %add3A_263 = arith.constant 3072 : i32
      %add3A_264 = arith.addi %add3A_263, %mul3A_262 : i32
      %get3A_265 = arith.index_cast %add3A_264 : i32 to index
      %get3A_266 = tpu.vector_load %arg8[%get3A_265] {strides = array<i32>} : memref<10240xi32, #tpu.memory_space<vmem>>, vector<16xi32>,
      %gather3A_267 = tpu.vector_load_idx %arg7[%get3A_266] : memref<100000xf32, #tpu.memory_space<vmem>>[vector<16xi32>], vector<16xf32>,
      %swap3A_268 = arith.index_cast %add3A_264 : i32 to index
      %swap3A_269 = tpu.vector_load %arg12[%swap3A_268] {strides = array<i32>} : memref<10240xf32, #tpu.memory_space<vmem>>, vector<16xf32>,
      tpu.vector_store %arg12[%swap3A_268], %gather3A_267 {strides = array<i32>} : memref<10240xf32, #tpu.memory_space<vmem>>, vector<16xf32>,
      %mul3A_270 = arith.constant 2 : i32
      %mul3A_271 = arith.muli %mul3A_270, %scan3A_181 : i32
      %add3A_272 = arith.constant 1 : i32
      %add3A_273 = arith.addi %mul3A_271, %add3A_272 : i32
      %mul3A_274 = arith.constant 16 : i32
      %mul3A_275 = arith.muli %add3A_273, %mul3A_274 : i32
      %add3A_276 = arith.constant 3072 : i32
      %add3A_277 = arith.addi %add3A_276, %mul3A_275 : i32
      %get3A_278 = arith.index_cast %add3A_277 : i32 to index
      %get3A_279 = tpu.vector_load %arg8[%get3A_278] {strides = array<i32>} : memref<10240xi32, #tpu.memory_space<vmem>>, vector<16xi32>,
      %gather3A_280 = tpu.vector_load_idx %arg7[%get3A_279] : memref<100000xf32, #tpu.memory_space<vmem>>[vector<16xi32>], vector<16xf32>,
      %swap3A_281 = arith.index_cast %add3A_277 : i32 to index
      %swap3A_282 = tpu.vector_load %arg12[%swap3A_281] {strides = array<i32>} : memref<10240xf32, #tpu.memory_space<vmem>>, vector<16xf32>,
      tpu.vector_store %arg12[%swap3A_281], %gather3A_280 {strides = array<i32>} : memref<10240xf32, #tpu.memory_space<vmem>>, vector<16xf32>,
      %mul3A_283 = arith.constant 2 : i32
      %mul3A_284 = arith.muli %mul3A_283, %scan3A_181 : i32
      %add3A_285 = arith.constant 0 : i32
      %add3A_286 = arith.addi %mul3A_284, %add3A_285 : i32
      %mul3A_287 = arith.constant 16 : i32
      %mul3A_288 = arith.muli %add3A_286, %mul3A_287 : i32
      %add3A_289 = arith.constant 4096 : i32
      %add3A_290 = arith.addi %add3A_289, %mul3A_288 : i32
      %get3A_291 = arith.index_cast %add3A_290 : i32 to index
      %get3A_292 = tpu.vector_load %arg8[%get3A_291] {strides = array<i32>} : memref<10240xi32, #tpu.memory_space<vmem>>, vector<16xi32>,
      %gather3A_293 = tpu.vector_load_idx %arg7[%get3A_292] : memref<100000xf32, #tpu.memory_space<vmem>>[vector<16xi32>], vector<16xf32>,
      %swap3A_294 = arith.index_cast %add3A_290 : i32 to index
      %swap3A_295 = tpu.vector_load %arg12[%swap3A_294] {strides = array<i32>} : memref<10240xf32, #tpu.memory_space<vmem>>, vector<16xf32>,
      tpu.vector_store %arg12[%swap3A_294], %gather3A_293 {strides = array<i32>} : memref<10240xf32, #tpu.memory_space<vmem>>, vector<16xf32>,
      %mul3A_296 = arith.constant 2 : i32
      %mul3A_297 = arith.muli %mul3A_296, %scan3A_181 : i32
      %add3A_298 = arith.constant 1 : i32
      %add3A_299 = arith.addi %mul3A_297, %add3A_298 : i32
      %mul3A_300 = arith.constant 16 : i32
      %mul3A_301 = arith.muli %add3A_299, %mul3A_300 : i32
      %add3A_302 = arith.constant 4096 : i32
      %add3A_303 = arith.addi %add3A_302, %mul3A_301 : i32
      %get3A_304 = arith.index_cast %add3A_303 : i32 to index
      %get3A_305 = tpu.vector_load %arg8[%get3A_304] {strides = array<i32>} : memref<10240xi32, #tpu.memory_space<vmem>>, vector<16xi32>,
      %gather3A_306 = tpu.vector_load_idx %arg7[%get3A_305] : memref<100000xf32, #tpu.memory_space<vmem>>[vector<16xi32>], vector<16xf32>,
      %swap3A_307 = arith.index_cast %add3A_303 : i32 to index
      %swap3A_308 = tpu.vector_load %arg12[%swap3A_307] {strides = array<i32>} : memref<10240xf32, #tpu.memory_space<vmem>>, vector<16xf32>,
      tpu.vector_store %arg12[%swap3A_307], %gather3A_306 {strides = array<i32>} : memref<10240xf32, #tpu.memory_space<vmem>>, vector<16xf32>,
      %mul3A_309 = arith.constant 2 : i32
      %mul3A_310 = arith.muli %mul3A_309, %scan3A_181 : i32
      %add3A_311 = arith.constant 0 : i32
      %add3A_312 = arith.addi %mul3A_310, %add3A_311 : i32
      %mul3A_313 = arith.constant 16 : i32
      %mul3A_314 = arith.muli %add3A_312, %mul3A_313 : i32
      %add3A_315 = arith.constant 5120 : i32
      %add3A_316 = arith.addi %add3A_315, %mul3A_314 : i32
      %get3A_317 = arith.index_cast %add3A_316 : i32 to index
      %get3A_318 = tpu.vector_load %arg8[%get3A_317] {strides = array<i32>} : memref<10240xi32, #tpu.memory_space<vmem>>, vector<16xi32>,
      %gather3A_319 = tpu.vector_load_idx %arg7[%get3A_318] : memref<100000xf32, #tpu.memory_space<vmem>>[vector<16xi32>], vector<16xf32>,
      %swap3A_320 = arith.index_cast %add3A_316 : i32 to index
      %swap3A_321 = tpu.vector_load %arg12[%swap3A_320] {strides = array<i32>} : memref<10240xf32, #tpu.memory_space<vmem>>, vector<16xf32>,
      tpu.vector_store %arg12[%swap3A_320], %gather3A_319 {strides = array<i32>} : memref<10240xf32, #tpu.memory_space<vmem>>, vector<16xf32>,
      %mul3A_322 = arith.constant 2 : i32
      %mul3A_323 = arith.muli %mul3A_322, %scan3A_181 : i32
      %add3A_324 = arith.constant 1 : i32
      %add3A_325 = arith.addi %mul3A_323, %add3A_324 : i32
      %mul3A_326 = arith.constant 16 : i32
      %mul3A_327 = arith.muli %add3A_325, %mul3A_326 : i32
      %add3A_328 = arith.constant 5120 : i32
      %add3A_329 = arith.addi %add3A_328, %mul3A_327 : i32
      %get3A_330 = arith.index_cast %add3A_329 : i32 to index
      %get3A_331 = tpu.vector_load %arg8[%get3A_330] {strides = array<i32>} : memref<10240xi32, #tpu.memory_space<vmem>>, vector<16xi32>,
      %gather3A_332 = tpu.vector_load_idx %arg7[%get3A_331] : memref<100000xf32, #tpu.memory_space<vmem>>[vector<16xi32>], vector<16xf32>,
      %swap3A_333 = arith.index_cast %add3A_329 : i32 to index
      %swap3A_334 = tpu.vector_load %arg12[%swap3A_333] {strides = array<i32>} : memref<10240xf32, #tpu.memory_space<vmem>>, vector<16xf32>,
      tpu.vector_store %arg12[%swap3A_333], %gather3A_332 {strides = array<i32>} : memref<10240xf32, #tpu.memory_space<vmem>>, vector<16xf32>,
      %mul3A_335 = arith.constant 2 : i32
      %mul3A_336 = arith.muli %mul3A_335, %scan3A_181 : i32
      %add3A_337 = arith.constant 0 : i32
      %add3A_338 = arith.addi %mul3A_336, %add3A_337 : i32
      %mul3A_339 = arith.constant 16 : i32
      %mul3A_340 = arith.muli %add3A_338, %mul3A_339 : i32
      %add3A_341 = arith.constant 6144 : i32
      %add3A_342 = arith.addi %add3A_341, %mul3A_340 : i32
      %get3A_343 = arith.index_cast %add3A_342 : i32 to index
      %get3A_344 = tpu.vector_load %arg8[%get3A_343] {strides = array<i32>} : memref<10240xi32, #tpu.memory_space<vmem>>, vector<16xi32>,
      %gather3A_345 = tpu.vector_load_idx %arg7[%get3A_344] : memref<100000xf32, #tpu.memory_space<vmem>>[vector<16xi32>], vector<16xf32>,
      %swap3A_346 = arith.index_cast %add3A_342 : i32 to index
      %swap3A_347 = tpu.vector_load %arg12[%swap3A_346] {strides = array<i32>} : memref<10240xf32, #tpu.memory_space<vmem>>, vector<16xf32>,
      tpu.vector_store %arg12[%swap3A_346], %gather3A_345 {strides = array<i32>} : memref<10240xf32, #tpu.memory_space<vmem>>, vector<16xf32>,
      %mul3A_348 = arith.constant 2 : i32
      %mul3A_349 = arith.muli %mul3A_348, %scan3A_181 : i32
      %add3A_350 = arith.constant 1 : i32
      %add3A_351 = arith.addi %mul3A_349, %add3A_350 : i32
      %mul3A_352 = arith.constant 16 : i32
      %mul3A_353 = arith.muli %add3A_351, %mul3A_352 : i32
      %add3A_354 = arith.constant 6144 : i32
      %add3A_355 = arith.addi %add3A_354, %mul3A_353 : i32
      %get3A_356 = arith.index_cast %add3A_355 : i32 to index
      %get3A_357 = tpu.vector_load %arg8[%get3A_356] {strides = array<i32>} : memref<10240xi32, #tpu.memory_space<vmem>>, vector<16xi32>,
      %gather3A_358 = tpu.vector_load_idx %arg7[%get3A_357] : memref<100000xf32, #tpu.memory_space<vmem>>[vector<16xi32>], vector<16xf32>,
      %swap3A_359 = arith.index_cast %add3A_355 : i32 to index
      %swap3A_360 = tpu.vector_load %arg12[%swap3A_359] {strides = array<i32>} : memref<10240xf32, #tpu.memory_space<vmem>>, vector<16xf32>,
      tpu.vector_store %arg12[%swap3A_359], %gather3A_358 {strides = array<i32>} : memref<10240xf32, #tpu.memory_space<vmem>>, vector<16xf32>,
      %mul3A_361 = arith.constant 2 : i32
      %mul3A_362 = arith.muli %mul3A_361, %scan3A_181 : i32
      %add3A_363 = arith.constant 0 : i32
      %add3A_364 = arith.addi %mul3A_362, %add3A_363 : i32
      %mul3A_365 = arith.constant 16 : i32
      %mul3A_366 = arith.muli %add3A_364, %mul3A_365 : i32
      %add3A_367 = arith.constant 7168 : i32
      %add3A_368 = arith.addi %add3A_367, %mul3A_366 : i32
      %get3A_369 = arith.index_cast %add3A_368 : i32 to index
      %get3A_370 = tpu.vector_load %arg8[%get3A_369] {strides = array<i32>} : memref<10240xi32, #tpu.memory_space<vmem>>, vector<16xi32>,
      %gather3A_371 = tpu.vector_load_idx %arg7[%get3A_370] : memref<100000xf32, #tpu.memory_space<vmem>>[vector<16xi32>], vector<16xf32>,
      %swap3A_372 = arith.index_cast %add3A_368 : i32 to index
      %swap3A_373 = tpu.vector_load %arg12[%swap3A_372] {strides = array<i32>} : memref<10240xf32, #tpu.memory_space<vmem>>, vector<16xf32>,
      tpu.vector_store %arg12[%swap3A_372], %gather3A_371 {strides = array<i32>} : memref<10240xf32, #tpu.memory_space<vmem>>, vector<16xf32>,
      %mul3A_374 = arith.constant 2 : i32
      %mul3A_375 = arith.muli %mul3A_374, %scan3A_181 : i32
      %add3A_376 = arith.constant 1 : i32
      %add3A_377 = arith.addi %mul3A_375, %add3A_376 : i32
      %mul3A_378 = arith.constant 16 : i32
      %mul3A_379 = arith.muli %add3A_377, %mul3A_378 : i32
      %add3A_380 = arith.constant 7168 : i32
      %add3A_381 = arith.addi %add3A_380, %mul3A_379 : i32
      %get3A_382 = arith.index_cast %add3A_381 : i32 to index
      %get3A_383 = tpu.vector_load %arg8[%get3A_382] {strides = array<i32>} : memref<10240xi32, #tpu.memory_space<vmem>>, vector<16xi32>,
      %gather3A_384 = tpu.vector_load_idx %arg7[%get3A_383] : memref<100000xf32, #tpu.memory_space<vmem>>[vector<16xi32>], vector<16xf32>,
      %swap3A_385 = arith.index_cast %add3A_381 : i32 to index
      %swap3A_386 = tpu.vector_load %arg12[%swap3A_385] {strides = array<i32>} : memref<10240xf32, #tpu.memory_space<vmem>>, vector<16xf32>,
      tpu.vector_store %arg12[%swap3A_385], %gather3A_384 {strides = array<i32>} : memref<10240xf32, #tpu.memory_space<vmem>>, vector<16xf32>,
      %mul3A_387 = arith.constant 2 : i32
      %mul3A_388 = arith.muli %mul3A_387, %scan3A_181 : i32
      %add3A_389 = arith.constant 0 : i32
      %add3A_390 = arith.addi %mul3A_388, %add3A_389 : i32
      %mul3A_391 = arith.constant 16 : i32
      %mul3A_392 = arith.muli %add3A_390, %mul3A_391 : i32
      %add3A_393 = arith.constant 8192 : i32
      %add3A_394 = arith.addi %add3A_393, %mul3A_392 : i32
      %get3A_395 = arith.index_cast %add3A_394 : i32 to index
      %get3A_396 = tpu.vector_load %arg8[%get3A_395] {strides = array<i32>} : memref<10240xi32, #tpu.memory_space<vmem>>, vector<16xi32>,
      %gather3A_397 = tpu.vector_load_idx %arg7[%get3A_396] : memref<100000xf32, #tpu.memory_space<vmem>>[vector<16xi32>], vector<16xf32>,
      %swap3A_398 = arith.index_cast %add3A_394 : i32 to index
      %swap3A_399 = tpu.vector_load %arg12[%swap3A_398] {strides = array<i32>} : memref<10240xf32, #tpu.memory_space<vmem>>, vector<16xf32>,
      tpu.vector_store %arg12[%swap3A_398], %gather3A_397 {strides = array<i32>} : memref<10240xf32, #tpu.memory_space<vmem>>, vector<16xf32>,
      %mul3A_400 = arith.constant 2 : i32
      %mul3A_401 = arith.muli %mul3A_400, %scan3A_181 : i32
      %add3A_402 = arith.constant 1 : i32
      %add3A_403 = arith.addi %mul3A_401, %add3A_402 : i32
      %mul3A_404 = arith.constant 16 : i32
      %mul3A_405 = arith.muli %add3A_403, %mul3A_404 : i32
      %add3A_406 = arith.constant 8192 : i32
      %add3A_407 = arith.addi %add3A_406, %mul3A_405 : i32
      %get3A_408 = arith.index_cast %add3A_407 : i32 to index
      %get3A_409 = tpu.vector_load %arg8[%get3A_408] {strides = array<i32>} : memref<10240xi32, #tpu.memory_space<vmem>>, vector<16xi32>,
      %gather3A_410 = tpu.vector_load_idx %arg7[%get3A_409] : memref<100000xf32, #tpu.memory_space<vmem>>[vector<16xi32>], vector<16xf32>,
      %swap3A_411 = arith.index_cast %add3A_407 : i32 to index
      %swap3A_412 = tpu.vector_load %arg12[%swap3A_411] {strides = array<i32>} : memref<10240xf32, #tpu.memory_space<vmem>>, vector<16xf32>,
      tpu.vector_store %arg12[%swap3A_411], %gather3A_410 {strides = array<i32>} : memref<10240xf32, #tpu.memory_space<vmem>>, vector<16xf32>,
      %mul3A_413 = arith.constant 2 : i32
      %mul3A_414 = arith.muli %mul3A_413, %scan3A_181 : i32
      %add3A_415 = arith.constant 0 : i32
      %add3A_416 = arith.addi %mul3A_414, %add3A_415 : i32
      %mul3A_417 = arith.constant 16 : i32
      %mul3A_418 = arith.muli %add3A_416, %mul3A_417 : i32
      %add3A_419 = arith.constant 9216 : i32
      %add3A_420 = arith.addi %add3A_419, %mul3A_418 : i32
      %get3A_421 = arith.index_cast %add3A_420 : i32 to index
      %get3A_422 = tpu.vector_load %arg8[%get3A_421] {strides = array<i32>} : memref<10240xi32, #tpu.memory_space<vmem>>, vector<16xi32>,
      %gather3A_423 = tpu.vector_load_idx %arg7[%get3A_422] : memref<100000xf32, #tpu.memory_space<vmem>>[vector<16xi32>], vector<16xf32>,
      %swap3A_424 = arith.index_cast %add3A_420 : i32 to index
      %swap3A_425 = tpu.vector_load %arg12[%swap3A_424] {strides = array<i32>} : memref<10240xf32, #tpu.memory_space<vmem>>, vector<16xf32>,
      tpu.vector_store %arg12[%swap3A_424], %gather3A_423 {strides = array<i32>} : memref<10240xf32, #tpu.memory_space<vmem>>, vector<16xf32>,
      %mul3A_426 = arith.constant 2 : i32
      %mul3A_427 = arith.muli %mul3A_426, %scan3A_181 : i32
      %add3A_428 = arith.constant 1 : i32
      %add3A_429 = arith.addi %mul3A_427, %add3A_428 : i32
      %mul3A_430 = arith.constant 16 : i32
      %mul3A_431 = arith.muli %add3A_429, %mul3A_430 : i32
      %add3A_432 = arith.constant 9216 : i32
      %add3A_433 = arith.addi %add3A_432, %mul3A_431 : i32
      %get3A_434 = arith.index_cast %add3A_433 : i32 to index
      %get3A_435 = tpu.vector_load %arg8[%get3A_434] {strides = array<i32>} : memref<10240xi32, #tpu.memory_space<vmem>>, vector<16xi32>,
      %gather3A_436 = tpu.vector_load_idx %arg7[%get3A_435] : memref<100000xf32, #tpu.memory_space<vmem>>[vector<16xi32>], vector<16xf32>,
      %swap3A_437 = arith.index_cast %add3A_433 : i32 to index
      %swap3A_438 = tpu.vector_load %arg12[%swap3A_437] {strides = array<i32>} : memref<10240xf32, #tpu.memory_space<vmem>>, vector<16xf32>,
      tpu.vector_store %arg12[%swap3A_437], %gather3A_436 {strides = array<i32>} : memref<10240xf32, #tpu.memory_space<vmem>>, vector<16xf32>,
    }
    %scan3A_20 = arith.constant 32 : i32
    %dma_start3A_21 = arith.constant 0 : i32
    %dma_start3A_22 = tpu.memref_slice %arg6[%add3A_4, %dma_start3A_21] : memref<128x10240xf32, #tpu.memory_space<hbm>> -> memref<1x10240xf32, #tpu.memory_space<hbm>>
    %dma_start3A_23 = tpu.memref_squeeze %dma_start3A_22 : memref<1x10240xf32, #tpu.memory_space<hbm>> -> memref<10240xf32, #tpu.memory_space<hbm>>
    %dma_start3A_24 = arith.constant 0 : i32
    %dma_start3A_25 = tpu.memref_slice %arg6[%add3A_4, %dma_start3A_24] : memref<128x10240xf32, #tpu.memory_space<hbm>> -> memref<1x10240xf32, #tpu.memory_space<hbm>>
    %dma_start3A_26 = tpu.memref_squeeze %dma_start3A_25 : memref<1x10240xf32, #tpu.memory_space<hbm>> -> memref<10240xf32, #tpu.memory_space<hbm>>
    tpu.enqueue_dma source(%arg12 : memref<10240xf32, #tpu.memory_space<vmem>>) target(%dma_start3A_26 : memref<10240xf32, #tpu.memory_space<hbm>>) target_semaphore(%arg15 : memref<!tpu.dma_semaphore, #tpu.memory_space<semaphore_mem>>)
    %mul3A_27 = arith.constant 4 : i32
    %mul3A_28 = arith.muli %add3A, %mul3A_27 : i32
    %add3A_29 = arith.constant 1 : i32
    %add3A_30 = arith.addi %mul3A_28, %add3A_29 : i32
    "tpu.region"() ({
      %run_scoped3A = tpu.sem_alloc : memref<!tpu.dma_semaphore, #tpu.memory_space<semaphore_mem>>
      %dma_start3A_181 = arith.constant 0 : i32
      %dma_start3A_182 = tpu.memref_slice %arg2[%add3A_30, %dma_start3A_181] : memref<128x100000xf32, #tpu.memory_space<hbm>> -> memref<1x100000xf32, #tpu.memory_space<hbm>>
      %dma_start3A_183 = tpu.memref_squeeze %dma_start3A_182 : memref<1x100000xf32, #tpu.memory_space<hbm>> -> memref<100000xf32, #tpu.memory_space<hbm>>
      %dma_start3A_184 = arith.constant 0 : i32
      %dma_start3A_185 = tpu.memref_slice %arg2[%add3A_30, %dma_start3A_184] : memref<128x100000xf32, #tpu.memory_space<hbm>> -> memref<1x100000xf32, #tpu.memory_space<hbm>>
      %dma_start3A_186 = tpu.memref_squeeze %dma_start3A_185 : memref<1x100000xf32, #tpu.memory_space<hbm>> -> memref<100000xf32, #tpu.memory_space<hbm>>
      tpu.enqueue_dma source(%dma_start3A_186 : memref<100000xf32, #tpu.memory_space<hbm>>) target(%arg7 : memref<100000xf32, #tpu.memory_space<vmem>>) target_semaphore(%run_scoped3A : memref<!tpu.dma_semaphore, #tpu.memory_space<semaphore_mem>>)
      %dma_wait3A_187 = arith.constant 0 : i32
      %dma_wait3A_188 = tpu.memref_slice %arg2[%add3A_30, %dma_wait3A_187] : memref<128x100000xf32, #tpu.memory_space<hbm>> -> memref<1x100000xf32, #tpu.memory_space<hbm>>
      %dma_wait3A_189 = tpu.memref_squeeze %dma_wait3A_188 : memref<1x100000xf32, #tpu.memory_space<hbm>> -> memref<100000xf32, #tpu.memory_space<hbm>>
      %dma_wait3A_190 = arith.constant 0 : i32
      %dma_wait3A_191 = tpu.memref_slice %arg2[%add3A_30, %dma_wait3A_190] : memref<128x100000xf32, #tpu.memory_space<hbm>> -> memref<1x100000xf32, #tpu.memory_space<hbm>>
      %dma_wait3A_192 = tpu.memref_squeeze %dma_wait3A_191 : memref<1x100000xf32, #tpu.memory_space<hbm>> -> memref<100000xf32, #tpu.memory_space<hbm>>
      tpu.wait_dma2 semaphore(%run_scoped3A : memref<!tpu.dma_semaphore, #tpu.memory_space<semaphore_mem>>) src(%dma_wait3A_192 : memref<100000xf32, #tpu.memory_space<hbm>>) dst(%arg7 : memref<100000xf32, #tpu.memory_space<vmem>>)
      tpu.yield
    }) : () -> ()
    %sub3A = arith.constant 1 : i32
    %sub3A_31 = arith.subi %add3A_30, %sub3A : i32
    %dma_wait3A = arith.constant 0 : i32
    %dma_wait3A_32 = tpu.memref_slice %arg6[%sub3A_31, %dma_wait3A] : memref<128x10240xf32, #tpu.memory_space<hbm>> -> memref<1x10240xf32, #tpu.memory_space<hbm>>
    %dma_wait3A_33 = tpu.memref_squeeze %dma_wait3A_32 : memref<1x10240xf32, #tpu.memory_space<hbm>> -> memref<10240xf32, #tpu.memory_space<hbm>>
    %dma_wait3A_34 = arith.constant 0 : i32
    %dma_wait3A_35 = tpu.memref_slice %arg6[%sub3A_31, %dma_wait3A_34] : memref<128x10240xf32, #tpu.memory_space<hbm>> -> memref<1x10240xf32, #tpu.memory_space<hbm>>
    %dma_wait3A_36 = tpu.memref_squeeze %dma_wait3A_35 : memref<1x10240xf32, #tpu.memory_space<hbm>> -> memref<10240xf32, #tpu.memory_space<hbm>>
    tpu.wait_dma2 semaphore(%arg15 : memref<!tpu.dma_semaphore, #tpu.memory_space<semaphore_mem>>) src(%arg12 : memref<10240xf32, #tpu.memory_space<vmem>>) dst(%dma_wait3A_36 : memref<10240xf32, #tpu.memory_space<hbm>>)
    %scan3A_37 = arith.constant 0 : i32
    %scan3A_38 = arith.constant 0 : i32
    %scan3A_39 = arith.constant 16 : i32
    %scan3A_40 = arith.addi %scan3A_38, %scan3A_39 : i32
    %scan3A_41 = arith.constant 1 : i32
    scf.for %scan3A_181 = %scan3A_38 to %scan3A_40 step %scan3A_41  : i32 {
      %mul3A_182 = arith.constant 4 : i32
      %mul3A_183 = arith.muli %mul3A_182, %scan3A_181 : i32
      %add3A_184 = arith.constant 0 : i32
      %add3A_185 = arith.addi %mul3A_183, %add3A_184 : i32
      %mul3A_186 = arith.constant 16 : i32
      %mul3A_187 = arith.muli %add3A_185, %mul3A_186 : i32
      %get3A = arith.index_cast %mul3A_187 : i32 to index
      %get3A_188 = tpu.vector_load %arg9[%get3A] {strides = array<i32>} : memref<1024xi32, #tpu.memory_space<vmem>>, vector<16xi32>,
      %gather3A = tpu.vector_load_idx %arg7[%get3A_188] : memref<100000xf32, #tpu.memory_space<vmem>>[vector<16xi32>], vector<16xf32>,
      %swap3A = arith.index_cast %mul3A_187 : i32 to index
      %swap3A_189 = tpu.vector_load %arg11[%swap3A] {strides = array<i32>} : memref<1024xf32, #tpu.memory_space<vmem>>, vector<16xf32>,
      tpu.vector_store %arg11[%swap3A], %gather3A {strides = array<i32>} : memref<1024xf32, #tpu.memory_space<vmem>>, vector<16xf32>,
      %mul3A_190 = arith.constant 4 : i32
      %mul3A_191 = arith.muli %mul3A_190, %scan3A_181 : i32
      %add3A_192 = arith.constant 1 : i32
      %add3A_193 = arith.addi %mul3A_191, %add3A_192 : i32
      %mul3A_194 = arith.constant 16 : i32
      %mul3A_195 = arith.muli %add3A_193, %mul3A_194 : i32
      %get3A_196 = arith.index_cast %mul3A_195 : i32 to index
      %get3A_197 = tpu.vector_load %arg9[%get3A_196] {strides = array<i32>} : memref<1024xi32, #tpu.memory_space<vmem>>, vector<16xi32>,
      %gather3A_198 = tpu.vector_load_idx %arg7[%get3A_197] : memref<100000xf32, #tpu.memory_space<vmem>>[vector<16xi32>], vector<16xf32>,
      %swap3A_199 = arith.index_cast %mul3A_195 : i32 to index
      %swap3A_200 = tpu.vector_load %arg11[%swap3A_199] {strides = array<i32>} : memref<1024xf32, #tpu.memory_space<vmem>>, vector<16xf32>,
      tpu.vector_store %arg11[%swap3A_199], %gather3A_198 {strides = array<i32>} : memref<1024xf32, #tpu.memory_space<vmem>>, vector<16xf32>,
      %mul3A_201 = arith.constant 4 : i32
      %mul3A_202 = arith.muli %mul3A_201, %scan3A_181 : i32
      %add3A_203 = arith.constant 2 : i32
      %add3A_204 = arith.addi %mul3A_202, %add3A_203 : i32
      %mul3A_205 = arith.constant 16 : i32
      %mul3A_206 = arith.muli %add3A_204, %mul3A_205 : i32
      %get3A_207 = arith.index_cast %mul3A_206 : i32 to index
      %get3A_208 = tpu.vector_load %arg9[%get3A_207] {strides = array<i32>} : memref<1024xi32, #tpu.memory_space<vmem>>, vector<16xi32>,
      %gather3A_209 = tpu.vector_load_idx %arg7[%get3A_208] : memref<100000xf32, #tpu.memory_space<vmem>>[vector<16xi32>], vector<16xf32>,
      %swap3A_210 = arith.index_cast %mul3A_206 : i32 to index
      %swap3A_211 = tpu.vector_load %arg11[%swap3A_210] {strides = array<i32>} : memref<1024xf32, #tpu.memory_space<vmem>>, vector<16xf32>,
      tpu.vector_store %arg11[%swap3A_210], %gather3A_209 {strides = array<i32>} : memref<1024xf32, #tpu.memory_space<vmem>>, vector<16xf32>,
      %mul3A_212 = arith.constant 4 : i32
      %mul3A_213 = arith.muli %mul3A_212, %scan3A_181 : i32
      %add3A_214 = arith.constant 3 : i32
      %add3A_215 = arith.addi %mul3A_213, %add3A_214 : i32
      %mul3A_216 = arith.constant 16 : i32
      %mul3A_217 = arith.muli %add3A_215, %mul3A_216 : i32
      %get3A_218 = arith.index_cast %mul3A_217 : i32 to index
      %get3A_219 = tpu.vector_load %arg9[%get3A_218] {strides = array<i32>} : memref<1024xi32, #tpu.memory_space<vmem>>, vector<16xi32>,
      %gather3A_220 = tpu.vector_load_idx %arg7[%get3A_219] : memref<100000xf32, #tpu.memory_space<vmem>>[vector<16xi32>], vector<16xf32>,
      %swap3A_221 = arith.index_cast %mul3A_217 : i32 to index
      %swap3A_222 = tpu.vector_load %arg11[%swap3A_221] {strides = array<i32>} : memref<1024xf32, #tpu.memory_space<vmem>>, vector<16xf32>,
      tpu.vector_store %arg11[%swap3A_221], %gather3A_220 {strides = array<i32>} : memref<1024xf32, #tpu.memory_space<vmem>>, vector<16xf32>,
    }
    %scan3A_42 = arith.constant 16 : i32
    %dma_start3A_43 = arith.constant 0 : i32
    %dma_start3A_44 = tpu.memref_slice %arg5[%add3A_30, %dma_start3A_43] : memref<128x1024xf32, #tpu.memory_space<hbm>> -> memref<1x1024xf32, #tpu.memory_space<hbm>>
    %dma_start3A_45 = tpu.memref_squeeze %dma_start3A_44 : memref<1x1024xf32, #tpu.memory_space<hbm>> -> memref<1024xf32, #tpu.memory_space<hbm>>
    %dma_start3A_46 = arith.constant 0 : i32
    %dma_start3A_47 = tpu.memref_slice %arg5[%add3A_30, %dma_start3A_46] : memref<128x1024xf32, #tpu.memory_space<hbm>> -> memref<1x1024xf32, #tpu.memory_space<hbm>>
    %dma_start3A_48 = tpu.memref_squeeze %dma_start3A_47 : memref<1x1024xf32, #tpu.memory_space<hbm>> -> memref<1024xf32, #tpu.memory_space<hbm>>
    tpu.enqueue_dma source(%arg11 : memref<1024xf32, #tpu.memory_space<vmem>>) target(%dma_start3A_48 : memref<1024xf32, #tpu.memory_space<hbm>>) target_semaphore(%arg14 : memref<!tpu.dma_semaphore, #tpu.memory_space<semaphore_mem>>)
    %scan3A_49 = arith.constant 0 : i32
    %scan3A_50 = arith.constant 0 : i32
    %scan3A_51 = arith.constant 32 : i32
    %scan3A_52 = arith.addi %scan3A_50, %scan3A_51 : i32
    %scan3A_53 = arith.constant 1 : i32
    scf.for %scan3A_181 = %scan3A_50 to %scan3A_52 step %scan3A_53  : i32 {
      %mul3A_182 = arith.constant 2 : i32
      %mul3A_183 = arith.muli %mul3A_182, %scan3A_181 : i32
      %add3A_184 = arith.constant 0 : i32
      %add3A_185 = arith.addi %mul3A_183, %add3A_184 : i32
      %mul3A_186 = arith.constant 16 : i32
      %mul3A_187 = arith.muli %add3A_185, %mul3A_186 : i32
      %add3A_188 = arith.constant 0 : i32
      %add3A_189 = arith.addi %add3A_188, %mul3A_187 : i32
      %get3A = arith.index_cast %add3A_189 : i32 to index
      %get3A_190 = tpu.vector_load %arg8[%get3A] {strides = array<i32>} : memref<10240xi32, #tpu.memory_space<vmem>>, vector<16xi32>,
      %gather3A = tpu.vector_load_idx %arg7[%get3A_190] : memref<100000xf32, #tpu.memory_space<vmem>>[vector<16xi32>], vector<16xf32>,
      %swap3A = arith.index_cast %add3A_189 : i32 to index
      %swap3A_191 = tpu.vector_load %arg12[%swap3A] {strides = array<i32>} : memref<10240xf32, #tpu.memory_space<vmem>>, vector<16xf32>,
      tpu.vector_store %arg12[%swap3A], %gather3A {strides = array<i32>} : memref<10240xf32, #tpu.memory_space<vmem>>, vector<16xf32>,
      %mul3A_192 = arith.constant 2 : i32
      %mul3A_193 = arith.muli %mul3A_192, %scan3A_181 : i32
      %add3A_194 = arith.constant 1 : i32
      %add3A_195 = arith.addi %mul3A_193, %add3A_194 : i32
      %mul3A_196 = arith.constant 16 : i32
      %mul3A_197 = arith.muli %add3A_195, %mul3A_196 : i32
      %add3A_198 = arith.constant 0 : i32
      %add3A_199 = arith.addi %add3A_198, %mul3A_197 : i32
      %get3A_200 = arith.index_cast %add3A_199 : i32 to index
      %get3A_201 = tpu.vector_load %arg8[%get3A_200] {strides = array<i32>} : memref<10240xi32, #tpu.memory_space<vmem>>, vector<16xi32>,
      %gather3A_202 = tpu.vector_load_idx %arg7[%get3A_201] : memref<100000xf32, #tpu.memory_space<vmem>>[vector<16xi32>], vector<16xf32>,
      %swap3A_203 = arith.index_cast %add3A_199 : i32 to index
      %swap3A_204 = tpu.vector_load %arg12[%swap3A_203] {strides = array<i32>} : memref<10240xf32, #tpu.memory_space<vmem>>, vector<16xf32>,
      tpu.vector_store %arg12[%swap3A_203], %gather3A_202 {strides = array<i32>} : memref<10240xf32, #tpu.memory_space<vmem>>, vector<16xf32>,
      %mul3A_205 = arith.constant 2 : i32
      %mul3A_206 = arith.muli %mul3A_205, %scan3A_181 : i32
      %add3A_207 = arith.constant 0 : i32
      %add3A_208 = arith.addi %mul3A_206, %add3A_207 : i32
      %mul3A_209 = arith.constant 16 : i32
      %mul3A_210 = arith.muli %add3A_208, %mul3A_209 : i32
      %add3A_211 = arith.constant 1024 : i32
      %add3A_212 = arith.addi %add3A_211, %mul3A_210 : i32
      %get3A_213 = arith.index_cast %add3A_212 : i32 to index
      %get3A_214 = tpu.vector_load %arg8[%get3A_213] {strides = array<i32>} : memref<10240xi32, #tpu.memory_space<vmem>>, vector<16xi32>,
      %gather3A_215 = tpu.vector_load_idx %arg7[%get3A_214] : memref<100000xf32, #tpu.memory_space<vmem>>[vector<16xi32>], vector<16xf32>,
      %swap3A_216 = arith.index_cast %add3A_212 : i32 to index
      %swap3A_217 = tpu.vector_load %arg12[%swap3A_216] {strides = array<i32>} : memref<10240xf32, #tpu.memory_space<vmem>>, vector<16xf32>,
      tpu.vector_store %arg12[%swap3A_216], %gather3A_215 {strides = array<i32>} : memref<10240xf32, #tpu.memory_space<vmem>>, vector<16xf32>,
      %mul3A_218 = arith.constant 2 : i32
      %mul3A_219 = arith.muli %mul3A_218, %scan3A_181 : i32
      %add3A_220 = arith.constant 1 : i32
      %add3A_221 = arith.addi %mul3A_219, %add3A_220 : i32
      %mul3A_222 = arith.constant 16 : i32
      %mul3A_223 = arith.muli %add3A_221, %mul3A_222 : i32
      %add3A_224 = arith.constant 1024 : i32
      %add3A_225 = arith.addi %add3A_224, %mul3A_223 : i32
      %get3A_226 = arith.index_cast %add3A_225 : i32 to index
      %get3A_227 = tpu.vector_load %arg8[%get3A_226] {strides = array<i32>} : memref<10240xi32, #tpu.memory_space<vmem>>, vector<16xi32>,
      %gather3A_228 = tpu.vector_load_idx %arg7[%get3A_227] : memref<100000xf32, #tpu.memory_space<vmem>>[vector<16xi32>], vector<16xf32>,
      %swap3A_229 = arith.index_cast %add3A_225 : i32 to index
      %swap3A_230 = tpu.vector_load %arg12[%swap3A_229] {strides = array<i32>} : memref<10240xf32, #tpu.memory_space<vmem>>, vector<16xf32>,
      tpu.vector_store %arg12[%swap3A_229], %gather3A_228 {strides = array<i32>} : memref<10240xf32, #tpu.memory_space<vmem>>, vector<16xf32>,
      %mul3A_231 = arith.constant 2 : i32
      %mul3A_232 = arith.muli %mul3A_231, %scan3A_181 : i32
      %add3A_233 = arith.constant 0 : i32
      %add3A_234 = arith.addi %mul3A_232, %add3A_233 : i32
      %mul3A_235 = arith.constant 16 : i32
      %mul3A_236 = arith.muli %add3A_234, %mul3A_235 : i32
      %add3A_237 = arith.constant 2048 : i32
      %add3A_238 = arith.addi %add3A_237, %mul3A_236 : i32
      %get3A_239 = arith.index_cast %add3A_238 : i32 to index
      %get3A_240 = tpu.vector_load %arg8[%get3A_239] {strides = array<i32>} : memref<10240xi32, #tpu.memory_space<vmem>>, vector<16xi32>,
      %gather3A_241 = tpu.vector_load_idx %arg7[%get3A_240] : memref<100000xf32, #tpu.memory_space<vmem>>[vector<16xi32>], vector<16xf32>,
      %swap3A_242 = arith.index_cast %add3A_238 : i32 to index
      %swap3A_243 = tpu.vector_load %arg12[%swap3A_242] {strides = array<i32>} : memref<10240xf32, #tpu.memory_space<vmem>>, vector<16xf32>,
      tpu.vector_store %arg12[%swap3A_242], %gather3A_241 {strides = array<i32>} : memref<10240xf32, #tpu.memory_space<vmem>>, vector<16xf32>,
      %mul3A_244 = arith.constant 2 : i32
      %mul3A_245 = arith.muli %mul3A_244, %scan3A_181 : i32
      %add3A_246 = arith.constant 1 : i32
      %add3A_247 = arith.addi %mul3A_245, %add3A_246 : i32
      %mul3A_248 = arith.constant 16 : i32
      %mul3A_249 = arith.muli %add3A_247, %mul3A_248 : i32
      %add3A_250 = arith.constant 2048 : i32
      %add3A_251 = arith.addi %add3A_250, %mul3A_249 : i32
      %get3A_252 = arith.index_cast %add3A_251 : i32 to index
      %get3A_253 = tpu.vector_load %arg8[%get3A_252] {strides = array<i32>} : memref<10240xi32, #tpu.memory_space<vmem>>, vector<16xi32>,
      %gather3A_254 = tpu.vector_load_idx %arg7[%get3A_253] : memref<100000xf32, #tpu.memory_space<vmem>>[vector<16xi32>], vector<16xf32>,
      %swap3A_255 = arith.index_cast %add3A_251 : i32 to index
      %swap3A_256 = tpu.vector_load %arg12[%swap3A_255] {strides = array<i32>} : memref<10240xf32, #tpu.memory_space<vmem>>, vector<16xf32>,
      tpu.vector_store %arg12[%swap3A_255], %gather3A_254 {strides = array<i32>} : memref<10240xf32, #tpu.memory_space<vmem>>, vector<16xf32>,
      %mul3A_257 = arith.constant 2 : i32
      %mul3A_258 = arith.muli %mul3A_257, %scan3A_181 : i32
      %add3A_259 = arith.constant 0 : i32
      %add3A_260 = arith.addi %mul3A_258, %add3A_259 : i32
      %mul3A_261 = arith.constant 16 : i32
      %mul3A_262 = arith.muli %add3A_260, %mul3A_261 : i32
      %add3A_263 = arith.constant 3072 : i32
      %add3A_264 = arith.addi %add3A_263, %mul3A_262 : i32
      %get3A_265 = arith.index_cast %add3A_264 : i32 to index
      %get3A_266 = tpu.vector_load %arg8[%get3A_265] {strides = array<i32>} : memref<10240xi32, #tpu.memory_space<vmem>>, vector<16xi32>,
      %gather3A_267 = tpu.vector_load_idx %arg7[%get3A_266] : memref<100000xf32, #tpu.memory_space<vmem>>[vector<16xi32>], vector<16xf32>,
      %swap3A_268 = arith.index_cast %add3A_264 : i32 to index
      %swap3A_269 = tpu.vector_load %arg12[%swap3A_268] {strides = array<i32>} : memref<10240xf32, #tpu.memory_space<vmem>>, vector<16xf32>,
      tpu.vector_store %arg12[%swap3A_268], %gather3A_267 {strides = array<i32>} : memref<10240xf32, #tpu.memory_space<vmem>>, vector<16xf32>,
      %mul3A_270 = arith.constant 2 : i32
      %mul3A_271 = arith.muli %mul3A_270, %scan3A_181 : i32
      %add3A_272 = arith.constant 1 : i32
      %add3A_273 = arith.addi %mul3A_271, %add3A_272 : i32
      %mul3A_274 = arith.constant 16 : i32
      %mul3A_275 = arith.muli %add3A_273, %mul3A_274 : i32
      %add3A_276 = arith.constant 3072 : i32
      %add3A_277 = arith.addi %add3A_276, %mul3A_275 : i32
      %get3A_278 = arith.index_cast %add3A_277 : i32 to index
      %get3A_279 = tpu.vector_load %arg8[%get3A_278] {strides = array<i32>} : memref<10240xi32, #tpu.memory_space<vmem>>, vector<16xi32>,
      %gather3A_280 = tpu.vector_load_idx %arg7[%get3A_279] : memref<100000xf32, #tpu.memory_space<vmem>>[vector<16xi32>], vector<16xf32>,
      %swap3A_281 = arith.index_cast %add3A_277 : i32 to index
      %swap3A_282 = tpu.vector_load %arg12[%swap3A_281] {strides = array<i32>} : memref<10240xf32, #tpu.memory_space<vmem>>, vector<16xf32>,
      tpu.vector_store %arg12[%swap3A_281], %gather3A_280 {strides = array<i32>} : memref<10240xf32, #tpu.memory_space<vmem>>, vector<16xf32>,
      %mul3A_283 = arith.constant 2 : i32
      %mul3A_284 = arith.muli %mul3A_283, %scan3A_181 : i32
      %add3A_285 = arith.constant 0 : i32
      %add3A_286 = arith.addi %mul3A_284, %add3A_285 : i32
      %mul3A_287 = arith.constant 16 : i32
      %mul3A_288 = arith.muli %add3A_286, %mul3A_287 : i32
      %add3A_289 = arith.constant 4096 : i32
      %add3A_290 = arith.addi %add3A_289, %mul3A_288 : i32
      %get3A_291 = arith.index_cast %add3A_290 : i32 to index
      %get3A_292 = tpu.vector_load %arg8[%get3A_291] {strides = array<i32>} : memref<10240xi32, #tpu.memory_space<vmem>>, vector<16xi32>,
      %gather3A_293 = tpu.vector_load_idx %arg7[%get3A_292] : memref<100000xf32, #tpu.memory_space<vmem>>[vector<16xi32>], vector<16xf32>,
      %swap3A_294 = arith.index_cast %add3A_290 : i32 to index
      %swap3A_295 = tpu.vector_load %arg12[%swap3A_294] {strides = array<i32>} : memref<10240xf32, #tpu.memory_space<vmem>>, vector<16xf32>,
      tpu.vector_store %arg12[%swap3A_294], %gather3A_293 {strides = array<i32>} : memref<10240xf32, #tpu.memory_space<vmem>>, vector<16xf32>,
      %mul3A_296 = arith.constant 2 : i32
      %mul3A_297 = arith.muli %mul3A_296, %scan3A_181 : i32
      %add3A_298 = arith.constant 1 : i32
      %add3A_299 = arith.addi %mul3A_297, %add3A_298 : i32
      %mul3A_300 = arith.constant 16 : i32
      %mul3A_301 = arith.muli %add3A_299, %mul3A_300 : i32
      %add3A_302 = arith.constant 4096 : i32
      %add3A_303 = arith.addi %add3A_302, %mul3A_301 : i32
      %get3A_304 = arith.index_cast %add3A_303 : i32 to index
      %get3A_305 = tpu.vector_load %arg8[%get3A_304] {strides = array<i32>} : memref<10240xi32, #tpu.memory_space<vmem>>, vector<16xi32>,
      %gather3A_306 = tpu.vector_load_idx %arg7[%get3A_305] : memref<100000xf32, #tpu.memory_space<vmem>>[vector<16xi32>], vector<16xf32>,
      %swap3A_307 = arith.index_cast %add3A_303 : i32 to index
      %swap3A_308 = tpu.vector_load %arg12[%swap3A_307] {strides = array<i32>} : memref<10240xf32, #tpu.memory_space<vmem>>, vector<16xf32>,
      tpu.vector_store %arg12[%swap3A_307], %gather3A_306 {strides = array<i32>} : memref<10240xf32, #tpu.memory_space<vmem>>, vector<16xf32>,
      %mul3A_309 = arith.constant 2 : i32
      %mul3A_310 = arith.muli %mul3A_309, %scan3A_181 : i32
      %add3A_311 = arith.constant 0 : i32
      %add3A_312 = arith.addi %mul3A_310, %add3A_311 : i32
      %mul3A_313 = arith.constant 16 : i32
      %mul3A_314 = arith.muli %add3A_312, %mul3A_313 : i32
      %add3A_315 = arith.constant 5120 : i32
      %add3A_316 = arith.addi %add3A_315, %mul3A_314 : i32
      %get3A_317 = arith.index_cast %add3A_316 : i32 to index
      %get3A_318 = tpu.vector_load %arg8[%get3A_317] {strides = array<i32>} : memref<10240xi32, #tpu.memory_space<vmem>>, vector<16xi32>,
      %gather3A_319 = tpu.vector_load_idx %arg7[%get3A_318] : memref<100000xf32, #tpu.memory_space<vmem>>[vector<16xi32>], vector<16xf32>,
      %swap3A_320 = arith.index_cast %add3A_316 : i32 to index
      %swap3A_321 = tpu.vector_load %arg12[%swap3A_320] {strides = array<i32>} : memref<10240xf32, #tpu.memory_space<vmem>>, vector<16xf32>,
      tpu.vector_store %arg12[%swap3A_320], %gather3A_319 {strides = array<i32>} : memref<10240xf32, #tpu.memory_space<vmem>>, vector<16xf32>,
      %mul3A_322 = arith.constant 2 : i32
      %mul3A_323 = arith.muli %mul3A_322, %scan3A_181 : i32
      %add3A_324 = arith.constant 1 : i32
      %add3A_325 = arith.addi %mul3A_323, %add3A_324 : i32
      %mul3A_326 = arith.constant 16 : i32
      %mul3A_327 = arith.muli %add3A_325, %mul3A_326 : i32
      %add3A_328 = arith.constant 5120 : i32
      %add3A_329 = arith.addi %add3A_328, %mul3A_327 : i32
      %get3A_330 = arith.index_cast %add3A_329 : i32 to index
      %get3A_331 = tpu.vector_load %arg8[%get3A_330] {strides = array<i32>} : memref<10240xi32, #tpu.memory_space<vmem>>, vector<16xi32>,
      %gather3A_332 = tpu.vector_load_idx %arg7[%get3A_331] : memref<100000xf32, #tpu.memory_space<vmem>>[vector<16xi32>], vector<16xf32>,
      %swap3A_333 = arith.index_cast %add3A_329 : i32 to index
      %swap3A_334 = tpu.vector_load %arg12[%swap3A_333] {strides = array<i32>} : memref<10240xf32, #tpu.memory_space<vmem>>, vector<16xf32>,
      tpu.vector_store %arg12[%swap3A_333], %gather3A_332 {strides = array<i32>} : memref<10240xf32, #tpu.memory_space<vmem>>, vector<16xf32>,
      %mul3A_335 = arith.constant 2 : i32
      %mul3A_336 = arith.muli %mul3A_335, %scan3A_181 : i32
      %add3A_337 = arith.constant 0 : i32
      %add3A_338 = arith.addi %mul3A_336, %add3A_337 : i32
      %mul3A_339 = arith.constant 16 : i32
      %mul3A_340 = arith.muli %add3A_338, %mul3A_339 : i32
      %add3A_341 = arith.constant 6144 : i32
      %add3A_342 = arith.addi %add3A_341, %mul3A_340 : i32
      %get3A_343 = arith.index_cast %add3A_342 : i32 to index
      %get3A_344 = tpu.vector_load %arg8[%get3A_343] {strides = array<i32>} : memref<10240xi32, #tpu.memory_space<vmem>>, vector<16xi32>,
      %gather3A_345 = tpu.vector_load_idx %arg7[%get3A_344] : memref<100000xf32, #tpu.memory_space<vmem>>[vector<16xi32>], vector<16xf32>,
      %swap3A_346 = arith.index_cast %add3A_342 : i32 to index
      %swap3A_347 = tpu.vector_load %arg12[%swap3A_346] {strides = array<i32>} : memref<10240xf32, #tpu.memory_space<vmem>>, vector<16xf32>,
      tpu.vector_store %arg12[%swap3A_346], %gather3A_345 {strides = array<i32>} : memref<10240xf32, #tpu.memory_space<vmem>>, vector<16xf32>,
      %mul3A_348 = arith.constant 2 : i32
      %mul3A_349 = arith.muli %mul3A_348, %scan3A_181 : i32
      %add3A_350 = arith.constant 1 : i32
      %add3A_351 = arith.addi %mul3A_349, %add3A_350 : i32
      %mul3A_352 = arith.constant 16 : i32
      %mul3A_353 = arith.muli %add3A_351, %mul3A_352 : i32
      %add3A_354 = arith.constant 6144 : i32
      %add3A_355 = arith.addi %add3A_354, %mul3A_353 : i32
      %get3A_356 = arith.index_cast %add3A_355 : i32 to index
      %get3A_357 = tpu.vector_load %arg8[%get3A_356] {strides = array<i32>} : memref<10240xi32, #tpu.memory_space<vmem>>, vector<16xi32>,
      %gather3A_358 = tpu.vector_load_idx %arg7[%get3A_357] : memref<100000xf32, #tpu.memory_space<vmem>>[vector<16xi32>], vector<16xf32>,
      %swap3A_359 = arith.index_cast %add3A_355 : i32 to index
      %swap3A_360 = tpu.vector_load %arg12[%swap3A_359] {strides = array<i32>} : memref<10240xf32, #tpu.memory_space<vmem>>, vector<16xf32>,
      tpu.vector_store %arg12[%swap3A_359], %gather3A_358 {strides = array<i32>} : memref<10240xf32, #tpu.memory_space<vmem>>, vector<16xf32>,
      %mul3A_361 = arith.constant 2 : i32
      %mul3A_362 = arith.muli %mul3A_361, %scan3A_181 : i32
      %add3A_363 = arith.constant 0 : i32
      %add3A_364 = arith.addi %mul3A_362, %add3A_363 : i32
      %mul3A_365 = arith.constant 16 : i32
      %mul3A_366 = arith.muli %add3A_364, %mul3A_365 : i32
      %add3A_367 = arith.constant 7168 : i32
      %add3A_368 = arith.addi %add3A_367, %mul3A_366 : i32
      %get3A_369 = arith.index_cast %add3A_368 : i32 to index
      %get3A_370 = tpu.vector_load %arg8[%get3A_369] {strides = array<i32>} : memref<10240xi32, #tpu.memory_space<vmem>>, vector<16xi32>,
      %gather3A_371 = tpu.vector_load_idx %arg7[%get3A_370] : memref<100000xf32, #tpu.memory_space<vmem>>[vector<16xi32>], vector<16xf32>,
      %swap3A_372 = arith.index_cast %add3A_368 : i32 to index
      %swap3A_373 = tpu.vector_load %arg12[%swap3A_372] {strides = array<i32>} : memref<10240xf32, #tpu.memory_space<vmem>>, vector<16xf32>,
      tpu.vector_store %arg12[%swap3A_372], %gather3A_371 {strides = array<i32>} : memref<10240xf32, #tpu.memory_space<vmem>>, vector<16xf32>,
      %mul3A_374 = arith.constant 2 : i32
      %mul3A_375 = arith.muli %mul3A_374, %scan3A_181 : i32
      %add3A_376 = arith.constant 1 : i32
      %add3A_377 = arith.addi %mul3A_375, %add3A_376 : i32
      %mul3A_378 = arith.constant 16 : i32
      %mul3A_379 = arith.muli %add3A_377, %mul3A_378 : i32
      %add3A_380 = arith.constant 7168 : i32
      %add3A_381 = arith.addi %add3A_380, %mul3A_379 : i32
      %get3A_382 = arith.index_cast %add3A_381 : i32 to index
      %get3A_383 = tpu.vector_load %arg8[%get3A_382] {strides = array<i32>} : memref<10240xi32, #tpu.memory_space<vmem>>, vector<16xi32>,
      %gather3A_384 = tpu.vector_load_idx %arg7[%get3A_383] : memref<100000xf32, #tpu.memory_space<vmem>>[vector<16xi32>], vector<16xf32>,
      %swap3A_385 = arith.index_cast %add3A_381 : i32 to index
      %swap3A_386 = tpu.vector_load %arg12[%swap3A_385] {strides = array<i32>} : memref<10240xf32, #tpu.memory_space<vmem>>, vector<16xf32>,
      tpu.vector_store %arg12[%swap3A_385], %gather3A_384 {strides = array<i32>} : memref<10240xf32, #tpu.memory_space<vmem>>, vector<16xf32>,
      %mul3A_387 = arith.constant 2 : i32
      %mul3A_388 = arith.muli %mul3A_387, %scan3A_181 : i32
      %add3A_389 = arith.constant 0 : i32
      %add3A_390 = arith.addi %mul3A_388, %add3A_389 : i32
      %mul3A_391 = arith.constant 16 : i32
      %mul3A_392 = arith.muli %add3A_390, %mul3A_391 : i32
      %add3A_393 = arith.constant 8192 : i32
      %add3A_394 = arith.addi %add3A_393, %mul3A_392 : i32
      %get3A_395 = arith.index_cast %add3A_394 : i32 to index
      %get3A_396 = tpu.vector_load %arg8[%get3A_395] {strides = array<i32>} : memref<10240xi32, #tpu.memory_space<vmem>>, vector<16xi32>,
      %gather3A_397 = tpu.vector_load_idx %arg7[%get3A_396] : memref<100000xf32, #tpu.memory_space<vmem>>[vector<16xi32>], vector<16xf32>,
      %swap3A_398 = arith.index_cast %add3A_394 : i32 to index
      %swap3A_399 = tpu.vector_load %arg12[%swap3A_398] {strides = array<i32>} : memref<10240xf32, #tpu.memory_space<vmem>>, vector<16xf32>,
      tpu.vector_store %arg12[%swap3A_398], %gather3A_397 {strides = array<i32>} : memref<10240xf32, #tpu.memory_space<vmem>>, vector<16xf32>,
      %mul3A_400 = arith.constant 2 : i32
      %mul3A_401 = arith.muli %mul3A_400, %scan3A_181 : i32
      %add3A_402 = arith.constant 1 : i32
      %add3A_403 = arith.addi %mul3A_401, %add3A_402 : i32
      %mul3A_404 = arith.constant 16 : i32
      %mul3A_405 = arith.muli %add3A_403, %mul3A_404 : i32
      %add3A_406 = arith.constant 8192 : i32
      %add3A_407 = arith.addi %add3A_406, %mul3A_405 : i32
      %get3A_408 = arith.index_cast %add3A_407 : i32 to index
      %get3A_409 = tpu.vector_load %arg8[%get3A_408] {strides = array<i32>} : memref<10240xi32, #tpu.memory_space<vmem>>, vector<16xi32>,
      %gather3A_410 = tpu.vector_load_idx %arg7[%get3A_409] : memref<100000xf32, #tpu.memory_space<vmem>>[vector<16xi32>], vector<16xf32>,
      %swap3A_411 = arith.index_cast %add3A_407 : i32 to index
      %swap3A_412 = tpu.vector_load %arg12[%swap3A_411] {strides = array<i32>} : memref<10240xf32, #tpu.memory_space<vmem>>, vector<16xf32>,
      tpu.vector_store %arg12[%swap3A_411], %gather3A_410 {strides = array<i32>} : memref<10240xf32, #tpu.memory_space<vmem>>, vector<16xf32>,
      %mul3A_413 = arith.constant 2 : i32
      %mul3A_414 = arith.muli %mul3A_413, %scan3A_181 : i32
      %add3A_415 = arith.constant 0 : i32
      %add3A_416 = arith.addi %mul3A_414, %add3A_415 : i32
      %mul3A_417 = arith.constant 16 : i32
      %mul3A_418 = arith.muli %add3A_416, %mul3A_417 : i32
      %add3A_419 = arith.constant 9216 : i32
      %add3A_420 = arith.addi %add3A_419, %mul3A_418 : i32
      %get3A_421 = arith.index_cast %add3A_420 : i32 to index
      %get3A_422 = tpu.vector_load %arg8[%get3A_421] {strides = array<i32>} : memref<10240xi32, #tpu.memory_space<vmem>>, vector<16xi32>,
      %gather3A_423 = tpu.vector_load_idx %arg7[%get3A_422] : memref<100000xf32, #tpu.memory_space<vmem>>[vector<16xi32>], vector<16xf32>,
      %swap3A_424 = arith.index_cast %add3A_420 : i32 to index
      %swap3A_425 = tpu.vector_load %arg12[%swap3A_424] {strides = array<i32>} : memref<10240xf32, #tpu.memory_space<vmem>>, vector<16xf32>,
      tpu.vector_store %arg12[%swap3A_424], %gather3A_423 {strides = array<i32>} : memref<10240xf32, #tpu.memory_space<vmem>>, vector<16xf32>,
      %mul3A_426 = arith.constant 2 : i32
      %mul3A_427 = arith.muli %mul3A_426, %scan3A_181 : i32
      %add3A_428 = arith.constant 1 : i32
      %add3A_429 = arith.addi %mul3A_427, %add3A_428 : i32
      %mul3A_430 = arith.constant 16 : i32
      %mul3A_431 = arith.muli %add3A_429, %mul3A_430 : i32
      %add3A_432 = arith.constant 9216 : i32
      %add3A_433 = arith.addi %add3A_432, %mul3A_431 : i32
      %get3A_434 = arith.index_cast %add3A_433 : i32 to index
      %get3A_435 = tpu.vector_load %arg8[%get3A_434] {strides = array<i32>} : memref<10240xi32, #tpu.memory_space<vmem>>, vector<16xi32>,
      %gather3A_436 = tpu.vector_load_idx %arg7[%get3A_435] : memref<100000xf32, #tpu.memory_space<vmem>>[vector<16xi32>], vector<16xf32>,
      %swap3A_437 = arith.index_cast %add3A_433 : i32 to index
      %swap3A_438 = tpu.vector_load %arg12[%swap3A_437] {strides = array<i32>} : memref<10240xf32, #tpu.memory_space<vmem>>, vector<16xf32>,
      tpu.vector_store %arg12[%swap3A_437], %gather3A_436 {strides = array<i32>} : memref<10240xf32, #tpu.memory_space<vmem>>, vector<16xf32>,
    }
    %scan3A_54 = arith.constant 32 : i32
    %dma_start3A_55 = arith.constant 0 : i32
    %dma_start3A_56 = tpu.memref_slice %arg6[%add3A_30, %dma_start3A_55] : memref<128x10240xf32, #tpu.memory_space<hbm>> -> memref<1x10240xf32, #tpu.memory_space<hbm>>
    %dma_start3A_57 = tpu.memref_squeeze %dma_start3A_56 : memref<1x10240xf32, #tpu.memory_space<hbm>> -> memref<10240xf32, #tpu.memory_space<hbm>>
    %dma_start3A_58 = arith.constant 0 : i32
    %dma_start3A_59 = tpu.memref_slice %arg6[%add3A_30, %dma_start3A_58] : memref<128x10240xf32, #tpu.memory_space<hbm>> -> memref<1x10240xf32, #tpu.memory_space<hbm>>
    %dma_start3A_60 = tpu.memref_squeeze %dma_start3A_59 : memref<1x10240xf32, #tpu.memory_space<hbm>> -> memref<10240xf32, #tpu.memory_space<hbm>>
    tpu.enqueue_dma source(%arg12 : memref<10240xf32, #tpu.memory_space<vmem>>) target(%dma_start3A_60 : memref<10240xf32, #tpu.memory_space<hbm>>) target_semaphore(%arg15 : memref<!tpu.dma_semaphore, #tpu.memory_space<semaphore_mem>>)
    %mul3A_61 = arith.constant 4 : i32
    %mul3A_62 = arith.muli %add3A, %mul3A_61 : i32
    %add3A_63 = arith.constant 2 : i32
    %add3A_64 = arith.addi %mul3A_62, %add3A_63 : i32
    "tpu.region"() ({
      %run_scoped3A = tpu.sem_alloc : memref<!tpu.dma_semaphore, #tpu.memory_space<semaphore_mem>>
      %dma_start3A_181 = arith.constant 0 : i32
      %dma_start3A_182 = tpu.memref_slice %arg2[%add3A_64, %dma_start3A_181] : memref<128x100000xf32, #tpu.memory_space<hbm>> -> memref<1x100000xf32, #tpu.memory_space<hbm>>
      %dma_start3A_183 = tpu.memref_squeeze %dma_start3A_182 : memref<1x100000xf32, #tpu.memory_space<hbm>> -> memref<100000xf32, #tpu.memory_space<hbm>>
      %dma_start3A_184 = arith.constant 0 : i32
      %dma_start3A_185 = tpu.memref_slice %arg2[%add3A_64, %dma_start3A_184] : memref<128x100000xf32, #tpu.memory_space<hbm>> -> memref<1x100000xf32, #tpu.memory_space<hbm>>
      %dma_start3A_186 = tpu.memref_squeeze %dma_start3A_185 : memref<1x100000xf32, #tpu.memory_space<hbm>> -> memref<100000xf32, #tpu.memory_space<hbm>>
      tpu.enqueue_dma source(%dma_start3A_186 : memref<100000xf32, #tpu.memory_space<hbm>>) target(%arg7 : memref<100000xf32, #tpu.memory_space<vmem>>) target_semaphore(%run_scoped3A : memref<!tpu.dma_semaphore, #tpu.memory_space<semaphore_mem>>)
      %dma_wait3A_187 = arith.constant 0 : i32
      %dma_wait3A_188 = tpu.memref_slice %arg2[%add3A_64, %dma_wait3A_187] : memref<128x100000xf32, #tpu.memory_space<hbm>> -> memref<1x100000xf32, #tpu.memory_space<hbm>>
      %dma_wait3A_189 = tpu.memref_squeeze %dma_wait3A_188 : memref<1x100000xf32, #tpu.memory_space<hbm>> -> memref<100000xf32, #tpu.memory_space<hbm>>
      %dma_wait3A_190 = arith.constant 0 : i32
      %dma_wait3A_191 = tpu.memref_slice %arg2[%add3A_64, %dma_wait3A_190] : memref<128x100000xf32, #tpu.memory_space<hbm>> -> memref<1x100000xf32, #tpu.memory_space<hbm>>
      %dma_wait3A_192 = tpu.memref_squeeze %dma_wait3A_191 : memref<1x100000xf32, #tpu.memory_space<hbm>> -> memref<100000xf32, #tpu.memory_space<hbm>>
      tpu.wait_dma2 semaphore(%run_scoped3A : memref<!tpu.dma_semaphore, #tpu.memory_space<semaphore_mem>>) src(%dma_wait3A_192 : memref<100000xf32, #tpu.memory_space<hbm>>) dst(%arg7 : memref<100000xf32, #tpu.memory_space<vmem>>)
      tpu.yield
    }) : () -> ()
    %sub3A_65 = arith.constant 2 : i32
    %sub3A_66 = arith.subi %add3A_64, %sub3A_65 : i32
    %dma_wait3A_67 = arith.constant 0 : i32
    %dma_wait3A_68 = tpu.memref_slice %arg5[%sub3A_66, %dma_wait3A_67] : memref<128x1024xf32, #tpu.memory_space<hbm>> -> memref<1x1024xf32, #tpu.memory_space<hbm>>
    %dma_wait3A_69 = tpu.memref_squeeze %dma_wait3A_68 : memref<1x1024xf32, #tpu.memory_space<hbm>> -> memref<1024xf32, #tpu.memory_space<hbm>>
    %dma_wait3A_70 = arith.constant 0 : i32
    %dma_wait3A_71 = tpu.memref_slice %arg5[%sub3A_66, %dma_wait3A_70] : memref<128x1024xf32, #tpu.memory_space<hbm>> -> memref<1x1024xf32, #tpu.memory_space<hbm>>
    %dma_wait3A_72 = tpu.memref_squeeze %dma_wait3A_71 : memref<1x1024xf32, #tpu.memory_space<hbm>> -> memref<1024xf32, #tpu.memory_space<hbm>>
    tpu.wait_dma2 semaphore(%arg13 : memref<!tpu.dma_semaphore, #tpu.memory_space<semaphore_mem>>) src(%arg10 : memref<1024xf32, #tpu.memory_space<vmem>>) dst(%dma_wait3A_72 : memref<1024xf32, #tpu.memory_space<hbm>>)
    %sub3A_73 = arith.constant 1 : i32
    %sub3A_74 = arith.subi %add3A_64, %sub3A_73 : i32
    %dma_wait3A_75 = arith.constant 0 : i32
    %dma_wait3A_76 = tpu.memref_slice %arg6[%sub3A_74, %dma_wait3A_75] : memref<128x10240xf32, #tpu.memory_space<hbm>> -> memref<1x10240xf32, #tpu.memory_space<hbm>>
    %dma_wait3A_77 = tpu.memref_squeeze %dma_wait3A_76 : memref<1x10240xf32, #tpu.memory_space<hbm>> -> memref<10240xf32, #tpu.memory_space<hbm>>
    %dma_wait3A_78 = arith.constant 0 : i32
    %dma_wait3A_79 = tpu.memref_slice %arg6[%sub3A_74, %dma_wait3A_78] : memref<128x10240xf32, #tpu.memory_space<hbm>> -> memref<1x10240xf32, #tpu.memory_space<hbm>>
    %dma_wait3A_80 = tpu.memref_squeeze %dma_wait3A_79 : memref<1x10240xf32, #tpu.memory_space<hbm>> -> memref<10240xf32, #tpu.memory_space<hbm>>
    tpu.wait_dma2 semaphore(%arg15 : memref<!tpu.dma_semaphore, #tpu.memory_space<semaphore_mem>>) src(%arg12 : memref<10240xf32, #tpu.memory_space<vmem>>) dst(%dma_wait3A_80 : memref<10240xf32, #tpu.memory_space<hbm>>)
    %scan3A_81 = arith.constant 0 : i32
    %scan3A_82 = arith.constant 0 : i32
    %scan3A_83 = arith.constant 16 : i32
    %scan3A_84 = arith.addi %scan3A_82, %scan3A_83 : i32
    %scan3A_85 = arith.constant 1 : i32
    scf.for %scan3A_181 = %scan3A_82 to %scan3A_84 step %scan3A_85  : i32 {
      %mul3A_182 = arith.constant 4 : i32
      %mul3A_183 = arith.muli %mul3A_182, %scan3A_181 : i32
      %add3A_184 = arith.constant 0 : i32
      %add3A_185 = arith.addi %mul3A_183, %add3A_184 : i32
      %mul3A_186 = arith.constant 16 : i32
      %mul3A_187 = arith.muli %add3A_185, %mul3A_186 : i32
      %get3A = arith.index_cast %mul3A_187 : i32 to index
      %get3A_188 = tpu.vector_load %arg9[%get3A] {strides = array<i32>} : memref<1024xi32, #tpu.memory_space<vmem>>, vector<16xi32>,
      %gather3A = tpu.vector_load_idx %arg7[%get3A_188] : memref<100000xf32, #tpu.memory_space<vmem>>[vector<16xi32>], vector<16xf32>,
      %swap3A = arith.index_cast %mul3A_187 : i32 to index
      %swap3A_189 = tpu.vector_load %arg10[%swap3A] {strides = array<i32>} : memref<1024xf32, #tpu.memory_space<vmem>>, vector<16xf32>,
      tpu.vector_store %arg10[%swap3A], %gather3A {strides = array<i32>} : memref<1024xf32, #tpu.memory_space<vmem>>, vector<16xf32>,
      %mul3A_190 = arith.constant 4 : i32
      %mul3A_191 = arith.muli %mul3A_190, %scan3A_181 : i32
      %add3A_192 = arith.constant 1 : i32
      %add3A_193 = arith.addi %mul3A_191, %add3A_192 : i32
      %mul3A_194 = arith.constant 16 : i32
      %mul3A_195 = arith.muli %add3A_193, %mul3A_194 : i32
      %get3A_196 = arith.index_cast %mul3A_195 : i32 to index
      %get3A_197 = tpu.vector_load %arg9[%get3A_196] {strides = array<i32>} : memref<1024xi32, #tpu.memory_space<vmem>>, vector<16xi32>,
      %gather3A_198 = tpu.vector_load_idx %arg7[%get3A_197] : memref<100000xf32, #tpu.memory_space<vmem>>[vector<16xi32>], vector<16xf32>,
      %swap3A_199 = arith.index_cast %mul3A_195 : i32 to index
      %swap3A_200 = tpu.vector_load %arg10[%swap3A_199] {strides = array<i32>} : memref<1024xf32, #tpu.memory_space<vmem>>, vector<16xf32>,
      tpu.vector_store %arg10[%swap3A_199], %gather3A_198 {strides = array<i32>} : memref<1024xf32, #tpu.memory_space<vmem>>, vector<16xf32>,
      %mul3A_201 = arith.constant 4 : i32
      %mul3A_202 = arith.muli %mul3A_201, %scan3A_181 : i32
      %add3A_203 = arith.constant 2 : i32
      %add3A_204 = arith.addi %mul3A_202, %add3A_203 : i32
      %mul3A_205 = arith.constant 16 : i32
      %mul3A_206 = arith.muli %add3A_204, %mul3A_205 : i32
      %get3A_207 = arith.index_cast %mul3A_206 : i32 to index
      %get3A_208 = tpu.vector_load %arg9[%get3A_207] {strides = array<i32>} : memref<1024xi32, #tpu.memory_space<vmem>>, vector<16xi32>,
      %gather3A_209 = tpu.vector_load_idx %arg7[%get3A_208] : memref<100000xf32, #tpu.memory_space<vmem>>[vector<16xi32>], vector<16xf32>,
      %swap3A_210 = arith.index_cast %mul3A_206 : i32 to index
      %swap3A_211 = tpu.vector_load %arg10[%swap3A_210] {strides = array<i32>} : memref<1024xf32, #tpu.memory_space<vmem>>, vector<16xf32>,
      tpu.vector_store %arg10[%swap3A_210], %gather3A_209 {strides = array<i32>} : memref<1024xf32, #tpu.memory_space<vmem>>, vector<16xf32>,
      %mul3A_212 = arith.constant 4 : i32
      %mul3A_213 = arith.muli %mul3A_212, %scan3A_181 : i32
      %add3A_214 = arith.constant 3 : i32
      %add3A_215 = arith.addi %mul3A_213, %add3A_214 : i32
      %mul3A_216 = arith.constant 16 : i32
      %mul3A_217 = arith.muli %add3A_215, %mul3A_216 : i32
      %get3A_218 = arith.index_cast %mul3A_217 : i32 to index
      %get3A_219 = tpu.vector_load %arg9[%get3A_218] {strides = array<i32>} : memref<1024xi32, #tpu.memory_space<vmem>>, vector<16xi32>,
      %gather3A_220 = tpu.vector_load_idx %arg7[%get3A_219] : memref<100000xf32, #tpu.memory_space<vmem>>[vector<16xi32>], vector<16xf32>,
      %swap3A_221 = arith.index_cast %mul3A_217 : i32 to index
      %swap3A_222 = tpu.vector_load %arg10[%swap3A_221] {strides = array<i32>} : memref<1024xf32, #tpu.memory_space<vmem>>, vector<16xf32>,
      tpu.vector_store %arg10[%swap3A_221], %gather3A_220 {strides = array<i32>} : memref<1024xf32, #tpu.memory_space<vmem>>, vector<16xf32>,
    }
    %scan3A_86 = arith.constant 16 : i32
    %dma_start3A_87 = arith.constant 0 : i32
    %dma_start3A_88 = tpu.memref_slice %arg5[%add3A_64, %dma_start3A_87] : memref<128x1024xf32, #tpu.memory_space<hbm>> -> memref<1x1024xf32, #tpu.memory_space<hbm>>
    %dma_start3A_89 = tpu.memref_squeeze %dma_start3A_88 : memref<1x1024xf32, #tpu.memory_space<hbm>> -> memref<1024xf32, #tpu.memory_space<hbm>>
    %dma_start3A_90 = arith.constant 0 : i32
    %dma_start3A_91 = tpu.memref_slice %arg5[%add3A_64, %dma_start3A_90] : memref<128x1024xf32, #tpu.memory_space<hbm>> -> memref<1x1024xf32, #tpu.memory_space<hbm>>
    %dma_start3A_92 = tpu.memref_squeeze %dma_start3A_91 : memref<1x1024xf32, #tpu.memory_space<hbm>> -> memref<1024xf32, #tpu.memory_space<hbm>>
    tpu.enqueue_dma source(%arg10 : memref<1024xf32, #tpu.memory_space<vmem>>) target(%dma_start3A_92 : memref<1024xf32, #tpu.memory_space<hbm>>) target_semaphore(%arg13 : memref<!tpu.dma_semaphore, #tpu.memory_space<semaphore_mem>>)
    %scan3A_93 = arith.constant 0 : i32
    %scan3A_94 = arith.constant 0 : i32
    %scan3A_95 = arith.constant 32 : i32
    %scan3A_96 = arith.addi %scan3A_94, %scan3A_95 : i32
    %scan3A_97 = arith.constant 1 : i32
    scf.for %scan3A_181 = %scan3A_94 to %scan3A_96 step %scan3A_97  : i32 {
      %mul3A_182 = arith.constant 2 : i32
      %mul3A_183 = arith.muli %mul3A_182, %scan3A_181 : i32
      %add3A_184 = arith.constant 0 : i32
      %add3A_185 = arith.addi %mul3A_183, %add3A_184 : i32
      %mul3A_186 = arith.constant 16 : i32
      %mul3A_187 = arith.muli %add3A_185, %mul3A_186 : i32
      %add3A_188 = arith.constant 0 : i32
      %add3A_189 = arith.addi %add3A_188, %mul3A_187 : i32
      %get3A = arith.index_cast %add3A_189 : i32 to index
      %get3A_190 = tpu.vector_load %arg8[%get3A] {strides = array<i32>} : memref<10240xi32, #tpu.memory_space<vmem>>, vector<16xi32>,
      %gather3A = tpu.vector_load_idx %arg7[%get3A_190] : memref<100000xf32, #tpu.memory_space<vmem>>[vector<16xi32>], vector<16xf32>,
      %swap3A = arith.index_cast %add3A_189 : i32 to index
      %swap3A_191 = tpu.vector_load %arg12[%swap3A] {strides = array<i32>} : memref<10240xf32, #tpu.memory_space<vmem>>, vector<16xf32>,
      tpu.vector_store %arg12[%swap3A], %gather3A {strides = array<i32>} : memref<10240xf32, #tpu.memory_space<vmem>>, vector<16xf32>,
      %mul3A_192 = arith.constant 2 : i32
      %mul3A_193 = arith.muli %mul3A_192, %scan3A_181 : i32
      %add3A_194 = arith.constant 1 : i32
      %add3A_195 = arith.addi %mul3A_193, %add3A_194 : i32
      %mul3A_196 = arith.constant 16 : i32
      %mul3A_197 = arith.muli %add3A_195, %mul3A_196 : i32
      %add3A_198 = arith.constant 0 : i32
      %add3A_199 = arith.addi %add3A_198, %mul3A_197 : i32
      %get3A_200 = arith.index_cast %add3A_199 : i32 to index
      %get3A_201 = tpu.vector_load %arg8[%get3A_200] {strides = array<i32>} : memref<10240xi32, #tpu.memory_space<vmem>>, vector<16xi32>,
      %gather3A_202 = tpu.vector_load_idx %arg7[%get3A_201] : memref<100000xf32, #tpu.memory_space<vmem>>[vector<16xi32>], vector<16xf32>,
      %swap3A_203 = arith.index_cast %add3A_199 : i32 to index
      %swap3A_204 = tpu.vector_load %arg12[%swap3A_203] {strides = array<i32>} : memref<10240xf32, #tpu.memory_space<vmem>>, vector<16xf32>,
      tpu.vector_store %arg12[%swap3A_203], %gather3A_202 {strides = array<i32>} : memref<10240xf32, #tpu.memory_space<vmem>>, vector<16xf32>,
      %mul3A_205 = arith.constant 2 : i32
      %mul3A_206 = arith.muli %mul3A_205, %scan3A_181 : i32
      %add3A_207 = arith.constant 0 : i32
      %add3A_208 = arith.addi %mul3A_206, %add3A_207 : i32
      %mul3A_209 = arith.constant 16 : i32
      %mul3A_210 = arith.muli %add3A_208, %mul3A_209 : i32
      %add3A_211 = arith.constant 1024 : i32
      %add3A_212 = arith.addi %add3A_211, %mul3A_210 : i32
      %get3A_213 = arith.index_cast %add3A_212 : i32 to index
      %get3A_214 = tpu.vector_load %arg8[%get3A_213] {strides = array<i32>} : memref<10240xi32, #tpu.memory_space<vmem>>, vector<16xi32>,
      %gather3A_215 = tpu.vector_load_idx %arg7[%get3A_214] : memref<100000xf32, #tpu.memory_space<vmem>>[vector<16xi32>], vector<16xf32>,
      %swap3A_216 = arith.index_cast %add3A_212 : i32 to index
      %swap3A_217 = tpu.vector_load %arg12[%swap3A_216] {strides = array<i32>} : memref<10240xf32, #tpu.memory_space<vmem>>, vector<16xf32>,
      tpu.vector_store %arg12[%swap3A_216], %gather3A_215 {strides = array<i32>} : memref<10240xf32, #tpu.memory_space<vmem>>, vector<16xf32>,
      %mul3A_218 = arith.constant 2 : i32
      %mul3A_219 = arith.muli %mul3A_218, %scan3A_181 : i32
      %add3A_220 = arith.constant 1 : i32
      %add3A_221 = arith.addi %mul3A_219, %add3A_220 : i32
      %mul3A_222 = arith.constant 16 : i32
      %mul3A_223 = arith.muli %add3A_221, %mul3A_222 : i32
      %add3A_224 = arith.constant 1024 : i32
      %add3A_225 = arith.addi %add3A_224, %mul3A_223 : i32
      %get3A_226 = arith.index_cast %add3A_225 : i32 to index
      %get3A_227 = tpu.vector_load %arg8[%get3A_226] {strides = array<i32>} : memref<10240xi32, #tpu.memory_space<vmem>>, vector<16xi32>,
      %gather3A_228 = tpu.vector_load_idx %arg7[%get3A_227] : memref<100000xf32, #tpu.memory_space<vmem>>[vector<16xi32>], vector<16xf32>,
      %swap3A_229 = arith.index_cast %add3A_225 : i32 to index
      %swap3A_230 = tpu.vector_load %arg12[%swap3A_229] {strides = array<i32>} : memref<10240xf32, #tpu.memory_space<vmem>>, vector<16xf32>,
      tpu.vector_store %arg12[%swap3A_229], %gather3A_228 {strides = array<i32>} : memref<10240xf32, #tpu.memory_space<vmem>>, vector<16xf32>,
      %mul3A_231 = arith.constant 2 : i32
      %mul3A_232 = arith.muli %mul3A_231, %scan3A_181 : i32
      %add3A_233 = arith.constant 0 : i32
      %add3A_234 = arith.addi %mul3A_232, %add3A_233 : i32
      %mul3A_235 = arith.constant 16 : i32
      %mul3A_236 = arith.muli %add3A_234, %mul3A_235 : i32
      %add3A_237 = arith.constant 2048 : i32
      %add3A_238 = arith.addi %add3A_237, %mul3A_236 : i32
      %get3A_239 = arith.index_cast %add3A_238 : i32 to index
      %get3A_240 = tpu.vector_load %arg8[%get3A_239] {strides = array<i32>} : memref<10240xi32, #tpu.memory_space<vmem>>, vector<16xi32>,
      %gather3A_241 = tpu.vector_load_idx %arg7[%get3A_240] : memref<100000xf32, #tpu.memory_space<vmem>>[vector<16xi32>], vector<16xf32>,
      %swap3A_242 = arith.index_cast %add3A_238 : i32 to index
      %swap3A_243 = tpu.vector_load %arg12[%swap3A_242] {strides = array<i32>} : memref<10240xf32, #tpu.memory_space<vmem>>, vector<16xf32>,
      tpu.vector_store %arg12[%swap3A_242], %gather3A_241 {strides = array<i32>} : memref<10240xf32, #tpu.memory_space<vmem>>, vector<16xf32>,
      %mul3A_244 = arith.constant 2 : i32
      %mul3A_245 = arith.muli %mul3A_244, %scan3A_181 : i32
      %add3A_246 = arith.constant 1 : i32
      %add3A_247 = arith.addi %mul3A_245, %add3A_246 : i32
      %mul3A_248 = arith.constant 16 : i32
      %mul3A_249 = arith.muli %add3A_247, %mul3A_248 : i32
      %add3A_250 = arith.constant 2048 : i32
      %add3A_251 = arith.addi %add3A_250, %mul3A_249 : i32
      %get3A_252 = arith.index_cast %add3A_251 : i32 to index
      %get3A_253 = tpu.vector_load %arg8[%get3A_252] {strides = array<i32>} : memref<10240xi32, #tpu.memory_space<vmem>>, vector<16xi32>,
      %gather3A_254 = tpu.vector_load_idx %arg7[%get3A_253] : memref<100000xf32, #tpu.memory_space<vmem>>[vector<16xi32>], vector<16xf32>,
      %swap3A_255 = arith.index_cast %add3A_251 : i32 to index
      %swap3A_256 = tpu.vector_load %arg12[%swap3A_255] {strides = array<i32>} : memref<10240xf32, #tpu.memory_space<vmem>>, vector<16xf32>,
      tpu.vector_store %arg12[%swap3A_255], %gather3A_254 {strides = array<i32>} : memref<10240xf32, #tpu.memory_space<vmem>>, vector<16xf32>,
      %mul3A_257 = arith.constant 2 : i32
      %mul3A_258 = arith.muli %mul3A_257, %scan3A_181 : i32
      %add3A_259 = arith.constant 0 : i32
      %add3A_260 = arith.addi %mul3A_258, %add3A_259 : i32
      %mul3A_261 = arith.constant 16 : i32
      %mul3A_262 = arith.muli %add3A_260, %mul3A_261 : i32
      %add3A_263 = arith.constant 3072 : i32
      %add3A_264 = arith.addi %add3A_263, %mul3A_262 : i32
      %get3A_265 = arith.index_cast %add3A_264 : i32 to index
      %get3A_266 = tpu.vector_load %arg8[%get3A_265] {strides = array<i32>} : memref<10240xi32, #tpu.memory_space<vmem>>, vector<16xi32>,
      %gather3A_267 = tpu.vector_load_idx %arg7[%get3A_266] : memref<100000xf32, #tpu.memory_space<vmem>>[vector<16xi32>], vector<16xf32>,
      %swap3A_268 = arith.index_cast %add3A_264 : i32 to index
      %swap3A_269 = tpu.vector_load %arg12[%swap3A_268] {strides = array<i32>} : memref<10240xf32, #tpu.memory_space<vmem>>, vector<16xf32>,
      tpu.vector_store %arg12[%swap3A_268], %gather3A_267 {strides = array<i32>} : memref<10240xf32, #tpu.memory_space<vmem>>, vector<16xf32>,
      %mul3A_270 = arith.constant 2 : i32
      %mul3A_271 = arith.muli %mul3A_270, %scan3A_181 : i32
      %add3A_272 = arith.constant 1 : i32
      %add3A_273 = arith.addi %mul3A_271, %add3A_272 : i32
      %mul3A_274 = arith.constant 16 : i32
      %mul3A_275 = arith.muli %add3A_273, %mul3A_274 : i32
      %add3A_276 = arith.constant 3072 : i32
      %add3A_277 = arith.addi %add3A_276, %mul3A_275 : i32
      %get3A_278 = arith.index_cast %add3A_277 : i32 to index
      %get3A_279 = tpu.vector_load %arg8[%get3A_278] {strides = array<i32>} : memref<10240xi32, #tpu.memory_space<vmem>>, vector<16xi32>,
      %gather3A_280 = tpu.vector_load_idx %arg7[%get3A_279] : memref<100000xf32, #tpu.memory_space<vmem>>[vector<16xi32>], vector<16xf32>,
      %swap3A_281 = arith.index_cast %add3A_277 : i32 to index
      %swap3A_282 = tpu.vector_load %arg12[%swap3A_281] {strides = array<i32>} : memref<10240xf32, #tpu.memory_space<vmem>>, vector<16xf32>,
      tpu.vector_store %arg12[%swap3A_281], %gather3A_280 {strides = array<i32>} : memref<10240xf32, #tpu.memory_space<vmem>>, vector<16xf32>,
      %mul3A_283 = arith.constant 2 : i32
      %mul3A_284 = arith.muli %mul3A_283, %scan3A_181 : i32
      %add3A_285 = arith.constant 0 : i32
      %add3A_286 = arith.addi %mul3A_284, %add3A_285 : i32
      %mul3A_287 = arith.constant 16 : i32
      %mul3A_288 = arith.muli %add3A_286, %mul3A_287 : i32
      %add3A_289 = arith.constant 4096 : i32
      %add3A_290 = arith.addi %add3A_289, %mul3A_288 : i32
      %get3A_291 = arith.index_cast %add3A_290 : i32 to index
      %get3A_292 = tpu.vector_load %arg8[%get3A_291] {strides = array<i32>} : memref<10240xi32, #tpu.memory_space<vmem>>, vector<16xi32>,
      %gather3A_293 = tpu.vector_load_idx %arg7[%get3A_292] : memref<100000xf32, #tpu.memory_space<vmem>>[vector<16xi32>], vector<16xf32>,
      %swap3A_294 = arith.index_cast %add3A_290 : i32 to index
      %swap3A_295 = tpu.vector_load %arg12[%swap3A_294] {strides = array<i32>} : memref<10240xf32, #tpu.memory_space<vmem>>, vector<16xf32>,
      tpu.vector_store %arg12[%swap3A_294], %gather3A_293 {strides = array<i32>} : memref<10240xf32, #tpu.memory_space<vmem>>, vector<16xf32>,
      %mul3A_296 = arith.constant 2 : i32
      %mul3A_297 = arith.muli %mul3A_296, %scan3A_181 : i32
      %add3A_298 = arith.constant 1 : i32
      %add3A_299 = arith.addi %mul3A_297, %add3A_298 : i32
      %mul3A_300 = arith.constant 16 : i32
      %mul3A_301 = arith.muli %add3A_299, %mul3A_300 : i32
      %add3A_302 = arith.constant 4096 : i32
      %add3A_303 = arith.addi %add3A_302, %mul3A_301 : i32
      %get3A_304 = arith.index_cast %add3A_303 : i32 to index
      %get3A_305 = tpu.vector_load %arg8[%get3A_304] {strides = array<i32>} : memref<10240xi32, #tpu.memory_space<vmem>>, vector<16xi32>,
      %gather3A_306 = tpu.vector_load_idx %arg7[%get3A_305] : memref<100000xf32, #tpu.memory_space<vmem>>[vector<16xi32>], vector<16xf32>,
      %swap3A_307 = arith.index_cast %add3A_303 : i32 to index
      %swap3A_308 = tpu.vector_load %arg12[%swap3A_307] {strides = array<i32>} : memref<10240xf32, #tpu.memory_space<vmem>>, vector<16xf32>,
      tpu.vector_store %arg12[%swap3A_307], %gather3A_306 {strides = array<i32>} : memref<10240xf32, #tpu.memory_space<vmem>>, vector<16xf32>,
      %mul3A_309 = arith.constant 2 : i32
      %mul3A_310 = arith.muli %mul3A_309, %scan3A_181 : i32
      %add3A_311 = arith.constant 0 : i32
      %add3A_312 = arith.addi %mul3A_310, %add3A_311 : i32
      %mul3A_313 = arith.constant 16 : i32
      %mul3A_314 = arith.muli %add3A_312, %mul3A_313 : i32
      %add3A_315 = arith.constant 5120 : i32
      %add3A_316 = arith.addi %add3A_315, %mul3A_314 : i32
      %get3A_317 = arith.index_cast %add3A_316 : i32 to index
      %get3A_318 = tpu.vector_load %arg8[%get3A_317] {strides = array<i32>} : memref<10240xi32, #tpu.memory_space<vmem>>, vector<16xi32>,
      %gather3A_319 = tpu.vector_load_idx %arg7[%get3A_318] : memref<100000xf32, #tpu.memory_space<vmem>>[vector<16xi32>], vector<16xf32>,
      %swap3A_320 = arith.index_cast %add3A_316 : i32 to index
      %swap3A_321 = tpu.vector_load %arg12[%swap3A_320] {strides = array<i32>} : memref<10240xf32, #tpu.memory_space<vmem>>, vector<16xf32>,
      tpu.vector_store %arg12[%swap3A_320], %gather3A_319 {strides = array<i32>} : memref<10240xf32, #tpu.memory_space<vmem>>, vector<16xf32>,
      %mul3A_322 = arith.constant 2 : i32
      %mul3A_323 = arith.muli %mul3A_322, %scan3A_181 : i32
      %add3A_324 = arith.constant 1 : i32
      %add3A_325 = arith.addi %mul3A_323, %add3A_324 : i32
      %mul3A_326 = arith.constant 16 : i32
      %mul3A_327 = arith.muli %add3A_325, %mul3A_326 : i32
      %add3A_328 = arith.constant 5120 : i32
      %add3A_329 = arith.addi %add3A_328, %mul3A_327 : i32
      %get3A_330 = arith.index_cast %add3A_329 : i32 to index
      %get3A_331 = tpu.vector_load %arg8[%get3A_330] {strides = array<i32>} : memref<10240xi32, #tpu.memory_space<vmem>>, vector<16xi32>,
      %gather3A_332 = tpu.vector_load_idx %arg7[%get3A_331] : memref<100000xf32, #tpu.memory_space<vmem>>[vector<16xi32>], vector<16xf32>,
      %swap3A_333 = arith.index_cast %add3A_329 : i32 to index
      %swap3A_334 = tpu.vector_load %arg12[%swap3A_333] {strides = array<i32>} : memref<10240xf32, #tpu.memory_space<vmem>>, vector<16xf32>,
      tpu.vector_store %arg12[%swap3A_333], %gather3A_332 {strides = array<i32>} : memref<10240xf32, #tpu.memory_space<vmem>>, vector<16xf32>,
      %mul3A_335 = arith.constant 2 : i32
      %mul3A_336 = arith.muli %mul3A_335, %scan3A_181 : i32
      %add3A_337 = arith.constant 0 : i32
      %add3A_338 = arith.addi %mul3A_336, %add3A_337 : i32
      %mul3A_339 = arith.constant 16 : i32
      %mul3A_340 = arith.muli %add3A_338, %mul3A_339 : i32
      %add3A_341 = arith.constant 6144 : i32
      %add3A_342 = arith.addi %add3A_341, %mul3A_340 : i32
      %get3A_343 = arith.index_cast %add3A_342 : i32 to index
      %get3A_344 = tpu.vector_load %arg8[%get3A_343] {strides = array<i32>} : memref<10240xi32, #tpu.memory_space<vmem>>, vector<16xi32>,
      %gather3A_345 = tpu.vector_load_idx %arg7[%get3A_344] : memref<100000xf32, #tpu.memory_space<vmem>>[vector<16xi32>], vector<16xf32>,
      %swap3A_346 = arith.index_cast %add3A_342 : i32 to index
      %swap3A_347 = tpu.vector_load %arg12[%swap3A_346] {strides = array<i32>} : memref<10240xf32, #tpu.memory_space<vmem>>, vector<16xf32>,
      tpu.vector_store %arg12[%swap3A_346], %gather3A_345 {strides = array<i32>} : memref<10240xf32, #tpu.memory_space<vmem>>, vector<16xf32>,
      %mul3A_348 = arith.constant 2 : i32
      %mul3A_349 = arith.muli %mul3A_348, %scan3A_181 : i32
      %add3A_350 = arith.constant 1 : i32
      %add3A_351 = arith.addi %mul3A_349, %add3A_350 : i32
      %mul3A_352 = arith.constant 16 : i32
      %mul3A_353 = arith.muli %add3A_351, %mul3A_352 : i32
      %add3A_354 = arith.constant 6144 : i32
      %add3A_355 = arith.addi %add3A_354, %mul3A_353 : i32
      %get3A_356 = arith.index_cast %add3A_355 : i32 to index
      %get3A_357 = tpu.vector_load %arg8[%get3A_356] {strides = array<i32>} : memref<10240xi32, #tpu.memory_space<vmem>>, vector<16xi32>,
      %gather3A_358 = tpu.vector_load_idx %arg7[%get3A_357] : memref<100000xf32, #tpu.memory_space<vmem>>[vector<16xi32>], vector<16xf32>,
      %swap3A_359 = arith.index_cast %add3A_355 : i32 to index
      %swap3A_360 = tpu.vector_load %arg12[%swap3A_359] {strides = array<i32>} : memref<10240xf32, #tpu.memory_space<vmem>>, vector<16xf32>,
      tpu.vector_store %arg12[%swap3A_359], %gather3A_358 {strides = array<i32>} : memref<10240xf32, #tpu.memory_space<vmem>>, vector<16xf32>,
      %mul3A_361 = arith.constant 2 : i32
      %mul3A_362 = arith.muli %mul3A_361, %scan3A_181 : i32
      %add3A_363 = arith.constant 0 : i32
      %add3A_364 = arith.addi %mul3A_362, %add3A_363 : i32
      %mul3A_365 = arith.constant 16 : i32
      %mul3A_366 = arith.muli %add3A_364, %mul3A_365 : i32
      %add3A_367 = arith.constant 7168 : i32
      %add3A_368 = arith.addi %add3A_367, %mul3A_366 : i32
      %get3A_369 = arith.index_cast %add3A_368 : i32 to index
      %get3A_370 = tpu.vector_load %arg8[%get3A_369] {strides = array<i32>} : memref<10240xi32, #tpu.memory_space<vmem>>, vector<16xi32>,
      %gather3A_371 = tpu.vector_load_idx %arg7[%get3A_370] : memref<100000xf32, #tpu.memory_space<vmem>>[vector<16xi32>], vector<16xf32>,
      %swap3A_372 = arith.index_cast %add3A_368 : i32 to index
      %swap3A_373 = tpu.vector_load %arg12[%swap3A_372] {strides = array<i32>} : memref<10240xf32, #tpu.memory_space<vmem>>, vector<16xf32>,
      tpu.vector_store %arg12[%swap3A_372], %gather3A_371 {strides = array<i32>} : memref<10240xf32, #tpu.memory_space<vmem>>, vector<16xf32>,
      %mul3A_374 = arith.constant 2 : i32
      %mul3A_375 = arith.muli %mul3A_374, %scan3A_181 : i32
      %add3A_376 = arith.constant 1 : i32
      %add3A_377 = arith.addi %mul3A_375, %add3A_376 : i32
      %mul3A_378 = arith.constant 16 : i32
      %mul3A_379 = arith.muli %add3A_377, %mul3A_378 : i32
      %add3A_380 = arith.constant 7168 : i32
      %add3A_381 = arith.addi %add3A_380, %mul3A_379 : i32
      %get3A_382 = arith.index_cast %add3A_381 : i32 to index
      %get3A_383 = tpu.vector_load %arg8[%get3A_382] {strides = array<i32>} : memref<10240xi32, #tpu.memory_space<vmem>>, vector<16xi32>,
      %gather3A_384 = tpu.vector_load_idx %arg7[%get3A_383] : memref<100000xf32, #tpu.memory_space<vmem>>[vector<16xi32>], vector<16xf32>,
      %swap3A_385 = arith.index_cast %add3A_381 : i32 to index
      %swap3A_386 = tpu.vector_load %arg12[%swap3A_385] {strides = array<i32>} : memref<10240xf32, #tpu.memory_space<vmem>>, vector<16xf32>,
      tpu.vector_store %arg12[%swap3A_385], %gather3A_384 {strides = array<i32>} : memref<10240xf32, #tpu.memory_space<vmem>>, vector<16xf32>,
      %mul3A_387 = arith.constant 2 : i32
      %mul3A_388 = arith.muli %mul3A_387, %scan3A_181 : i32
      %add3A_389 = arith.constant 0 : i32
      %add3A_390 = arith.addi %mul3A_388, %add3A_389 : i32
      %mul3A_391 = arith.constant 16 : i32
      %mul3A_392 = arith.muli %add3A_390, %mul3A_391 : i32
      %add3A_393 = arith.constant 8192 : i32
      %add3A_394 = arith.addi %add3A_393, %mul3A_392 : i32
      %get3A_395 = arith.index_cast %add3A_394 : i32 to index
      %get3A_396 = tpu.vector_load %arg8[%get3A_395] {strides = array<i32>} : memref<10240xi32, #tpu.memory_space<vmem>>, vector<16xi32>,
      %gather3A_397 = tpu.vector_load_idx %arg7[%get3A_396] : memref<100000xf32, #tpu.memory_space<vmem>>[vector<16xi32>], vector<16xf32>,
      %swap3A_398 = arith.index_cast %add3A_394 : i32 to index
      %swap3A_399 = tpu.vector_load %arg12[%swap3A_398] {strides = array<i32>} : memref<10240xf32, #tpu.memory_space<vmem>>, vector<16xf32>,
      tpu.vector_store %arg12[%swap3A_398], %gather3A_397 {strides = array<i32>} : memref<10240xf32, #tpu.memory_space<vmem>>, vector<16xf32>,
      %mul3A_400 = arith.constant 2 : i32
      %mul3A_401 = arith.muli %mul3A_400, %scan3A_181 : i32
      %add3A_402 = arith.constant 1 : i32
      %add3A_403 = arith.addi %mul3A_401, %add3A_402 : i32
      %mul3A_404 = arith.constant 16 : i32
      %mul3A_405 = arith.muli %add3A_403, %mul3A_404 : i32
      %add3A_406 = arith.constant 8192 : i32
      %add3A_407 = arith.addi %add3A_406, %mul3A_405 : i32
      %get3A_408 = arith.index_cast %add3A_407 : i32 to index
      %get3A_409 = tpu.vector_load %arg8[%get3A_408] {strides = array<i32>} : memref<10240xi32, #tpu.memory_space<vmem>>, vector<16xi32>,
      %gather3A_410 = tpu.vector_load_idx %arg7[%get3A_409] : memref<100000xf32, #tpu.memory_space<vmem>>[vector<16xi32>], vector<16xf32>,
      %swap3A_411 = arith.index_cast %add3A_407 : i32 to index
      %swap3A_412 = tpu.vector_load %arg12[%swap3A_411] {strides = array<i32>} : memref<10240xf32, #tpu.memory_space<vmem>>, vector<16xf32>,
      tpu.vector_store %arg12[%swap3A_411], %gather3A_410 {strides = array<i32>} : memref<10240xf32, #tpu.memory_space<vmem>>, vector<16xf32>,
      %mul3A_413 = arith.constant 2 : i32
      %mul3A_414 = arith.muli %mul3A_413, %scan3A_181 : i32
      %add3A_415 = arith.constant 0 : i32
      %add3A_416 = arith.addi %mul3A_414, %add3A_415 : i32
      %mul3A_417 = arith.constant 16 : i32
      %mul3A_418 = arith.muli %add3A_416, %mul3A_417 : i32
      %add3A_419 = arith.constant 9216 : i32
      %add3A_420 = arith.addi %add3A_419, %mul3A_418 : i32
      %get3A_421 = arith.index_cast %add3A_420 : i32 to index
      %get3A_422 = tpu.vector_load %arg8[%get3A_421] {strides = array<i32>} : memref<10240xi32, #tpu.memory_space<vmem>>, vector<16xi32>,
      %gather3A_423 = tpu.vector_load_idx %arg7[%get3A_422] : memref<100000xf32, #tpu.memory_space<vmem>>[vector<16xi32>], vector<16xf32>,
      %swap3A_424 = arith.index_cast %add3A_420 : i32 to index
      %swap3A_425 = tpu.vector_load %arg12[%swap3A_424] {strides = array<i32>} : memref<10240xf32, #tpu.memory_space<vmem>>, vector<16xf32>,
      tpu.vector_store %arg12[%swap3A_424], %gather3A_423 {strides = array<i32>} : memref<10240xf32, #tpu.memory_space<vmem>>, vector<16xf32>,
      %mul3A_426 = arith.constant 2 : i32
      %mul3A_427 = arith.muli %mul3A_426, %scan3A_181 : i32
      %add3A_428 = arith.constant 1 : i32
      %add3A_429 = arith.addi %mul3A_427, %add3A_428 : i32
      %mul3A_430 = arith.constant 16 : i32
      %mul3A_431 = arith.muli %add3A_429, %mul3A_430 : i32
      %add3A_432 = arith.constant 9216 : i32
      %add3A_433 = arith.addi %add3A_432, %mul3A_431 : i32
      %get3A_434 = arith.index_cast %add3A_433 : i32 to index
      %get3A_435 = tpu.vector_load %arg8[%get3A_434] {strides = array<i32>} : memref<10240xi32, #tpu.memory_space<vmem>>, vector<16xi32>,
      %gather3A_436 = tpu.vector_load_idx %arg7[%get3A_435] : memref<100000xf32, #tpu.memory_space<vmem>>[vector<16xi32>], vector<16xf32>,
      %swap3A_437 = arith.index_cast %add3A_433 : i32 to index
      %swap3A_438 = tpu.vector_load %arg12[%swap3A_437] {strides = array<i32>} : memref<10240xf32, #tpu.memory_space<vmem>>, vector<16xf32>,
      tpu.vector_store %arg12[%swap3A_437], %gather3A_436 {strides = array<i32>} : memref<10240xf32, #tpu.memory_space<vmem>>, vector<16xf32>,
    }
    %scan3A_98 = arith.constant 32 : i32
    %dma_start3A_99 = arith.constant 0 : i32
    %dma_start3A_100 = tpu.memref_slice %arg6[%add3A_64, %dma_start3A_99] : memref<128x10240xf32, #tpu.memory_space<hbm>> -> memref<1x10240xf32, #tpu.memory_space<hbm>>
    %dma_start3A_101 = tpu.memref_squeeze %dma_start3A_100 : memref<1x10240xf32, #tpu.memory_space<hbm>> -> memref<10240xf32, #tpu.memory_space<hbm>>
    %dma_start3A_102 = arith.constant 0 : i32
    %dma_start3A_103 = tpu.memref_slice %arg6[%add3A_64, %dma_start3A_102] : memref<128x10240xf32, #tpu.memory_space<hbm>> -> memref<1x10240xf32, #tpu.memory_space<hbm>>
    %dma_start3A_104 = tpu.memref_squeeze %dma_start3A_103 : memref<1x10240xf32, #tpu.memory_space<hbm>> -> memref<10240xf32, #tpu.memory_space<hbm>>
    tpu.enqueue_dma source(%arg12 : memref<10240xf32, #tpu.memory_space<vmem>>) target(%dma_start3A_104 : memref<10240xf32, #tpu.memory_space<hbm>>) target_semaphore(%arg15 : memref<!tpu.dma_semaphore, #tpu.memory_space<semaphore_mem>>)
    %mul3A_105 = arith.constant 4 : i32
    %mul3A_106 = arith.muli %add3A, %mul3A_105 : i32
    %add3A_107 = arith.constant 3 : i32
    %add3A_108 = arith.addi %mul3A_106, %add3A_107 : i32
    "tpu.region"() ({
      %run_scoped3A = tpu.sem_alloc : memref<!tpu.dma_semaphore, #tpu.memory_space<semaphore_mem>>
      %dma_start3A_181 = arith.constant 0 : i32
      %dma_start3A_182 = tpu.memref_slice %arg2[%add3A_108, %dma_start3A_181] : memref<128x100000xf32, #tpu.memory_space<hbm>> -> memref<1x100000xf32, #tpu.memory_space<hbm>>
      %dma_start3A_183 = tpu.memref_squeeze %dma_start3A_182 : memref<1x100000xf32, #tpu.memory_space<hbm>> -> memref<100000xf32, #tpu.memory_space<hbm>>
      %dma_start3A_184 = arith.constant 0 : i32
      %dma_start3A_185 = tpu.memref_slice %arg2[%add3A_108, %dma_start3A_184] : memref<128x100000xf32, #tpu.memory_space<hbm>> -> memref<1x100000xf32, #tpu.memory_space<hbm>>
      %dma_start3A_186 = tpu.memref_squeeze %dma_start3A_185 : memref<1x100000xf32, #tpu.memory_space<hbm>> -> memref<100000xf32, #tpu.memory_space<hbm>>
      tpu.enqueue_dma source(%dma_start3A_186 : memref<100000xf32, #tpu.memory_space<hbm>>) target(%arg7 : memref<100000xf32, #tpu.memory_space<vmem>>) target_semaphore(%run_scoped3A : memref<!tpu.dma_semaphore, #tpu.memory_space<semaphore_mem>>)
      %dma_wait3A_187 = arith.constant 0 : i32
      %dma_wait3A_188 = tpu.memref_slice %arg2[%add3A_108, %dma_wait3A_187] : memref<128x100000xf32, #tpu.memory_space<hbm>> -> memref<1x100000xf32, #tpu.memory_space<hbm>>
      %dma_wait3A_189 = tpu.memref_squeeze %dma_wait3A_188 : memref<1x100000xf32, #tpu.memory_space<hbm>> -> memref<100000xf32, #tpu.memory_space<hbm>>
      %dma_wait3A_190 = arith.constant 0 : i32
      %dma_wait3A_191 = tpu.memref_slice %arg2[%add3A_108, %dma_wait3A_190] : memref<128x100000xf32, #tpu.memory_space<hbm>> -> memref<1x100000xf32, #tpu.memory_space<hbm>>
      %dma_wait3A_192 = tpu.memref_squeeze %dma_wait3A_191 : memref<1x100000xf32, #tpu.memory_space<hbm>> -> memref<100000xf32, #tpu.memory_space<hbm>>
      tpu.wait_dma2 semaphore(%run_scoped3A : memref<!tpu.dma_semaphore, #tpu.memory_space<semaphore_mem>>) src(%dma_wait3A_192 : memref<100000xf32, #tpu.memory_space<hbm>>) dst(%arg7 : memref<100000xf32, #tpu.memory_space<vmem>>)
      tpu.yield
    }) : () -> ()
    %sub3A_109 = arith.constant 2 : i32
    %sub3A_110 = arith.subi %add3A_108, %sub3A_109 : i32
    %dma_wait3A_111 = arith.constant 0 : i32
    %dma_wait3A_112 = tpu.memref_slice %arg5[%sub3A_110, %dma_wait3A_111] : memref<128x1024xf32, #tpu.memory_space<hbm>> -> memref<1x1024xf32, #tpu.memory_space<hbm>>
    %dma_wait3A_113 = tpu.memref_squeeze %dma_wait3A_112 : memref<1x1024xf32, #tpu.memory_space<hbm>> -> memref<1024xf32, #tpu.memory_space<hbm>>
    %dma_wait3A_114 = arith.constant 0 : i32
    %dma_wait3A_115 = tpu.memref_slice %arg5[%sub3A_110, %dma_wait3A_114] : memref<128x1024xf32, #tpu.memory_space<hbm>> -> memref<1x1024xf32, #tpu.memory_space<hbm>>
    %dma_wait3A_116 = tpu.memref_squeeze %dma_wait3A_115 : memref<1x1024xf32, #tpu.memory_space<hbm>> -> memref<1024xf32, #tpu.memory_space<hbm>>
    tpu.wait_dma2 semaphore(%arg14 : memref<!tpu.dma_semaphore, #tpu.memory_space<semaphore_mem>>) src(%arg11 : memref<1024xf32, #tpu.memory_space<vmem>>) dst(%dma_wait3A_116 : memref<1024xf32, #tpu.memory_space<hbm>>)
    %sub3A_117 = arith.constant 1 : i32
    %sub3A_118 = arith.subi %add3A_108, %sub3A_117 : i32
    %dma_wait3A_119 = arith.constant 0 : i32
    %dma_wait3A_120 = tpu.memref_slice %arg6[%sub3A_118, %dma_wait3A_119] : memref<128x10240xf32, #tpu.memory_space<hbm>> -> memref<1x10240xf32, #tpu.memory_space<hbm>>
    %dma_wait3A_121 = tpu.memref_squeeze %dma_wait3A_120 : memref<1x10240xf32, #tpu.memory_space<hbm>> -> memref<10240xf32, #tpu.memory_space<hbm>>
    %dma_wait3A_122 = arith.constant 0 : i32
    %dma_wait3A_123 = tpu.memref_slice %arg6[%sub3A_118, %dma_wait3A_122] : memref<128x10240xf32, #tpu.memory_space<hbm>> -> memref<1x10240xf32, #tpu.memory_space<hbm>>
    %dma_wait3A_124 = tpu.memref_squeeze %dma_wait3A_123 : memref<1x10240xf32, #tpu.memory_space<hbm>> -> memref<10240xf32, #tpu.memory_space<hbm>>
    tpu.wait_dma2 semaphore(%arg15 : memref<!tpu.dma_semaphore, #tpu.memory_space<semaphore_mem>>) src(%arg12 : memref<10240xf32, #tpu.memory_space<vmem>>) dst(%dma_wait3A_124 : memref<10240xf32, #tpu.memory_space<hbm>>)
    %scan3A_125 = arith.constant 0 : i32
    %scan3A_126 = arith.constant 0 : i32
    %scan3A_127 = arith.constant 16 : i32
    %scan3A_128 = arith.addi %scan3A_126, %scan3A_127 : i32
    %scan3A_129 = arith.constant 1 : i32
    scf.for %scan3A_181 = %scan3A_126 to %scan3A_128 step %scan3A_129  : i32 {
      %mul3A_182 = arith.constant 4 : i32
      %mul3A_183 = arith.muli %mul3A_182, %scan3A_181 : i32
      %add3A_184 = arith.constant 0 : i32
      %add3A_185 = arith.addi %mul3A_183, %add3A_184 : i32
      %mul3A_186 = arith.constant 16 : i32
      %mul3A_187 = arith.muli %add3A_185, %mul3A_186 : i32
      %get3A = arith.index_cast %mul3A_187 : i32 to index
      %get3A_188 = tpu.vector_load %arg9[%get3A] {strides = array<i32>} : memref<1024xi32, #tpu.memory_space<vmem>>, vector<16xi32>,
      %gather3A = tpu.vector_load_idx %arg7[%get3A_188] : memref<100000xf32, #tpu.memory_space<vmem>>[vector<16xi32>], vector<16xf32>,
      %swap3A = arith.index_cast %mul3A_187 : i32 to index
      %swap3A_189 = tpu.vector_load %arg11[%swap3A] {strides = array<i32>} : memref<1024xf32, #tpu.memory_space<vmem>>, vector<16xf32>,
      tpu.vector_store %arg11[%swap3A], %gather3A {strides = array<i32>} : memref<1024xf32, #tpu.memory_space<vmem>>, vector<16xf32>,
      %mul3A_190 = arith.constant 4 : i32
      %mul3A_191 = arith.muli %mul3A_190, %scan3A_181 : i32
      %add3A_192 = arith.constant 1 : i32
      %add3A_193 = arith.addi %mul3A_191, %add3A_192 : i32
      %mul3A_194 = arith.constant 16 : i32
      %mul3A_195 = arith.muli %add3A_193, %mul3A_194 : i32
      %get3A_196 = arith.index_cast %mul3A_195 : i32 to index
      %get3A_197 = tpu.vector_load %arg9[%get3A_196] {strides = array<i32>} : memref<1024xi32, #tpu.memory_space<vmem>>, vector<16xi32>,
      %gather3A_198 = tpu.vector_load_idx %arg7[%get3A_197] : memref<100000xf32, #tpu.memory_space<vmem>>[vector<16xi32>], vector<16xf32>,
      %swap3A_199 = arith.index_cast %mul3A_195 : i32 to index
      %swap3A_200 = tpu.vector_load %arg11[%swap3A_199] {strides = array<i32>} : memref<1024xf32, #tpu.memory_space<vmem>>, vector<16xf32>,
      tpu.vector_store %arg11[%swap3A_199], %gather3A_198 {strides = array<i32>} : memref<1024xf32, #tpu.memory_space<vmem>>, vector<16xf32>,
      %mul3A_201 = arith.constant 4 : i32
      %mul3A_202 = arith.muli %mul3A_201, %scan3A_181 : i32
      %add3A_203 = arith.constant 2 : i32
      %add3A_204 = arith.addi %mul3A_202, %add3A_203 : i32
      %mul3A_205 = arith.constant 16 : i32
      %mul3A_206 = arith.muli %add3A_204, %mul3A_205 : i32
      %get3A_207 = arith.index_cast %mul3A_206 : i32 to index
      %get3A_208 = tpu.vector_load %arg9[%get3A_207] {strides = array<i32>} : memref<1024xi32, #tpu.memory_space<vmem>>, vector<16xi32>,
      %gather3A_209 = tpu.vector_load_idx %arg7[%get3A_208] : memref<100000xf32, #tpu.memory_space<vmem>>[vector<16xi32>], vector<16xf32>,
      %swap3A_210 = arith.index_cast %mul3A_206 : i32 to index
      %swap3A_211 = tpu.vector_load %arg11[%swap3A_210] {strides = array<i32>} : memref<1024xf32, #tpu.memory_space<vmem>>, vector<16xf32>,
      tpu.vector_store %arg11[%swap3A_210], %gather3A_209 {strides = array<i32>} : memref<1024xf32, #tpu.memory_space<vmem>>, vector<16xf32>,
      %mul3A_212 = arith.constant 4 : i32
      %mul3A_213 = arith.muli %mul3A_212, %scan3A_181 : i32
      %add3A_214 = arith.constant 3 : i32
      %add3A_215 = arith.addi %mul3A_213, %add3A_214 : i32
      %mul3A_216 = arith.constant 16 : i32
      %mul3A_217 = arith.muli %add3A_215, %mul3A_216 : i32
      %get3A_218 = arith.index_cast %mul3A_217 : i32 to index
      %get3A_219 = tpu.vector_load %arg9[%get3A_218] {strides = array<i32>} : memref<1024xi32, #tpu.memory_space<vmem>>, vector<16xi32>,
      %gather3A_220 = tpu.vector_load_idx %arg7[%get3A_219] : memref<100000xf32, #tpu.memory_space<vmem>>[vector<16xi32>], vector<16xf32>,
      %swap3A_221 = arith.index_cast %mul3A_217 : i32 to index
      %swap3A_222 = tpu.vector_load %arg11[%swap3A_221] {strides = array<i32>} : memref<1024xf32, #tpu.memory_space<vmem>>, vector<16xf32>,
      tpu.vector_store %arg11[%swap3A_221], %gather3A_220 {strides = array<i32>} : memref<1024xf32, #tpu.memory_space<vmem>>, vector<16xf32>,
    }
    %scan3A_130 = arith.constant 16 : i32
    %dma_start3A_131 = arith.constant 0 : i32
    %dma_start3A_132 = tpu.memref_slice %arg5[%add3A_108, %dma_start3A_131] : memref<128x1024xf32, #tpu.memory_space<hbm>> -> memref<1x1024xf32, #tpu.memory_space<hbm>>
    %dma_start3A_133 = tpu.memref_squeeze %dma_start3A_132 : memref<1x1024xf32, #tpu.memory_space<hbm>> -> memref<1024xf32, #tpu.memory_space<hbm>>
    %dma_start3A_134 = arith.constant 0 : i32
    %dma_start3A_135 = tpu.memref_slice %arg5[%add3A_108, %dma_start3A_134] : memref<128x1024xf32, #tpu.memory_space<hbm>> -> memref<1x1024xf32, #tpu.memory_space<hbm>>
    %dma_start3A_136 = tpu.memref_squeeze %dma_start3A_135 : memref<1x1024xf32, #tpu.memory_space<hbm>> -> memref<1024xf32, #tpu.memory_space<hbm>>
    tpu.enqueue_dma source(%arg11 : memref<1024xf32, #tpu.memory_space<vmem>>) target(%dma_start3A_136 : memref<1024xf32, #tpu.memory_space<hbm>>) target_semaphore(%arg14 : memref<!tpu.dma_semaphore, #tpu.memory_space<semaphore_mem>>)
    %scan3A_137 = arith.constant 0 : i32
    %scan3A_138 = arith.constant 0 : i32
    %scan3A_139 = arith.constant 32 : i32
    %scan3A_140 = arith.addi %scan3A_138, %scan3A_139 : i32
    %scan3A_141 = arith.constant 1 : i32
    scf.for %scan3A_181 = %scan3A_138 to %scan3A_140 step %scan3A_141  : i32 {
      %mul3A_182 = arith.constant 2 : i32
      %mul3A_183 = arith.muli %mul3A_182, %scan3A_181 : i32
      %add3A_184 = arith.constant 0 : i32
      %add3A_185 = arith.addi %mul3A_183, %add3A_184 : i32
      %mul3A_186 = arith.constant 16 : i32
      %mul3A_187 = arith.muli %add3A_185, %mul3A_186 : i32
      %add3A_188 = arith.constant 0 : i32
      %add3A_189 = arith.addi %add3A_188, %mul3A_187 : i32
      %get3A = arith.index_cast %add3A_189 : i32 to index
      %get3A_190 = tpu.vector_load %arg8[%get3A] {strides = array<i32>} : memref<10240xi32, #tpu.memory_space<vmem>>, vector<16xi32>,
      %gather3A = tpu.vector_load_idx %arg7[%get3A_190] : memref<100000xf32, #tpu.memory_space<vmem>>[vector<16xi32>], vector<16xf32>,
      %swap3A = arith.index_cast %add3A_189 : i32 to index
      %swap3A_191 = tpu.vector_load %arg12[%swap3A] {strides = array<i32>} : memref<10240xf32, #tpu.memory_space<vmem>>, vector<16xf32>,
      tpu.vector_store %arg12[%swap3A], %gather3A {strides = array<i32>} : memref<10240xf32, #tpu.memory_space<vmem>>, vector<16xf32>,
      %mul3A_192 = arith.constant 2 : i32
      %mul3A_193 = arith.muli %mul3A_192, %scan3A_181 : i32
      %add3A_194 = arith.constant 1 : i32
      %add3A_195 = arith.addi %mul3A_193, %add3A_194 : i32
      %mul3A_196 = arith.constant 16 : i32
      %mul3A_197 = arith.muli %add3A_195, %mul3A_196 : i32
      %add3A_198 = arith.constant 0 : i32
      %add3A_199 = arith.addi %add3A_198, %mul3A_197 : i32
      %get3A_200 = arith.index_cast %add3A_199 : i32 to index
      %get3A_201 = tpu.vector_load %arg8[%get3A_200] {strides = array<i32>} : memref<10240xi32, #tpu.memory_space<vmem>>, vector<16xi32>,
      %gather3A_202 = tpu.vector_load_idx %arg7[%get3A_201] : memref<100000xf32, #tpu.memory_space<vmem>>[vector<16xi32>], vector<16xf32>,
      %swap3A_203 = arith.index_cast %add3A_199 : i32 to index
      %swap3A_204 = tpu.vector_load %arg12[%swap3A_203] {strides = array<i32>} : memref<10240xf32, #tpu.memory_space<vmem>>, vector<16xf32>,
      tpu.vector_store %arg12[%swap3A_203], %gather3A_202 {strides = array<i32>} : memref<10240xf32, #tpu.memory_space<vmem>>, vector<16xf32>,
      %mul3A_205 = arith.constant 2 : i32
      %mul3A_206 = arith.muli %mul3A_205, %scan3A_181 : i32
      %add3A_207 = arith.constant 0 : i32
      %add3A_208 = arith.addi %mul3A_206, %add3A_207 : i32
      %mul3A_209 = arith.constant 16 : i32
      %mul3A_210 = arith.muli %add3A_208, %mul3A_209 : i32
      %add3A_211 = arith.constant 1024 : i32
      %add3A_212 = arith.addi %add3A_211, %mul3A_210 : i32
      %get3A_213 = arith.index_cast %add3A_212 : i32 to index
      %get3A_214 = tpu.vector_load %arg8[%get3A_213] {strides = array<i32>} : memref<10240xi32, #tpu.memory_space<vmem>>, vector<16xi32>,
      %gather3A_215 = tpu.vector_load_idx %arg7[%get3A_214] : memref<100000xf32, #tpu.memory_space<vmem>>[vector<16xi32>], vector<16xf32>,
      %swap3A_216 = arith.index_cast %add3A_212 : i32 to index
      %swap3A_217 = tpu.vector_load %arg12[%swap3A_216] {strides = array<i32>} : memref<10240xf32, #tpu.memory_space<vmem>>, vector<16xf32>,
      tpu.vector_store %arg12[%swap3A_216], %gather3A_215 {strides = array<i32>} : memref<10240xf32, #tpu.memory_space<vmem>>, vector<16xf32>,
      %mul3A_218 = arith.constant 2 : i32
      %mul3A_219 = arith.muli %mul3A_218, %scan3A_181 : i32
      %add3A_220 = arith.constant 1 : i32
      %add3A_221 = arith.addi %mul3A_219, %add3A_220 : i32
      %mul3A_222 = arith.constant 16 : i32
      %mul3A_223 = arith.muli %add3A_221, %mul3A_222 : i32
      %add3A_224 = arith.constant 1024 : i32
      %add3A_225 = arith.addi %add3A_224, %mul3A_223 : i32
      %get3A_226 = arith.index_cast %add3A_225 : i32 to index
      %get3A_227 = tpu.vector_load %arg8[%get3A_226] {strides = array<i32>} : memref<10240xi32, #tpu.memory_space<vmem>>, vector<16xi32>,
      %gather3A_228 = tpu.vector_load_idx %arg7[%get3A_227] : memref<100000xf32, #tpu.memory_space<vmem>>[vector<16xi32>], vector<16xf32>,
      %swap3A_229 = arith.index_cast %add3A_225 : i32 to index
      %swap3A_230 = tpu.vector_load %arg12[%swap3A_229] {strides = array<i32>} : memref<10240xf32, #tpu.memory_space<vmem>>, vector<16xf32>,
      tpu.vector_store %arg12[%swap3A_229], %gather3A_228 {strides = array<i32>} : memref<10240xf32, #tpu.memory_space<vmem>>, vector<16xf32>,
      %mul3A_231 = arith.constant 2 : i32
      %mul3A_232 = arith.muli %mul3A_231, %scan3A_181 : i32
      %add3A_233 = arith.constant 0 : i32
      %add3A_234 = arith.addi %mul3A_232, %add3A_233 : i32
      %mul3A_235 = arith.constant 16 : i32
      %mul3A_236 = arith.muli %add3A_234, %mul3A_235 : i32
      %add3A_237 = arith.constant 2048 : i32
      %add3A_238 = arith.addi %add3A_237, %mul3A_236 : i32
      %get3A_239 = arith.index_cast %add3A_238 : i32 to index
      %get3A_240 = tpu.vector_load %arg8[%get3A_239] {strides = array<i32>} : memref<10240xi32, #tpu.memory_space<vmem>>, vector<16xi32>,
      %gather3A_241 = tpu.vector_load_idx %arg7[%get3A_240] : memref<100000xf32, #tpu.memory_space<vmem>>[vector<16xi32>], vector<16xf32>,
      %swap3A_242 = arith.index_cast %add3A_238 : i32 to index
      %swap3A_243 = tpu.vector_load %arg12[%swap3A_242] {strides = array<i32>} : memref<10240xf32, #tpu.memory_space<vmem>>, vector<16xf32>,
      tpu.vector_store %arg12[%swap3A_242], %gather3A_241 {strides = array<i32>} : memref<10240xf32, #tpu.memory_space<vmem>>, vector<16xf32>,
      %mul3A_244 = arith.constant 2 : i32
      %mul3A_245 = arith.muli %mul3A_244, %scan3A_181 : i32
      %add3A_246 = arith.constant 1 : i32
      %add3A_247 = arith.addi %mul3A_245, %add3A_246 : i32
      %mul3A_248 = arith.constant 16 : i32
      %mul3A_249 = arith.muli %add3A_247, %mul3A_248 : i32
      %add3A_250 = arith.constant 2048 : i32
      %add3A_251 = arith.addi %add3A_250, %mul3A_249 : i32
      %get3A_252 = arith.index_cast %add3A_251 : i32 to index
      %get3A_253 = tpu.vector_load %arg8[%get3A_252] {strides = array<i32>} : memref<10240xi32, #tpu.memory_space<vmem>>, vector<16xi32>,
      %gather3A_254 = tpu.vector_load_idx %arg7[%get3A_253] : memref<100000xf32, #tpu.memory_space<vmem>>[vector<16xi32>], vector<16xf32>,
      %swap3A_255 = arith.index_cast %add3A_251 : i32 to index
      %swap3A_256 = tpu.vector_load %arg12[%swap3A_255] {strides = array<i32>} : memref<10240xf32, #tpu.memory_space<vmem>>, vector<16xf32>,
      tpu.vector_store %arg12[%swap3A_255], %gather3A_254 {strides = array<i32>} : memref<10240xf32, #tpu.memory_space<vmem>>, vector<16xf32>,
      %mul3A_257 = arith.constant 2 : i32
      %mul3A_258 = arith.muli %mul3A_257, %scan3A_181 : i32
      %add3A_259 = arith.constant 0 : i32
      %add3A_260 = arith.addi %mul3A_258, %add3A_259 : i32
      %mul3A_261 = arith.constant 16 : i32
      %mul3A_262 = arith.muli %add3A_260, %mul3A_261 : i32
      %add3A_263 = arith.constant 3072 : i32
      %add3A_264 = arith.addi %add3A_263, %mul3A_262 : i32
      %get3A_265 = arith.index_cast %add3A_264 : i32 to index
      %get3A_266 = tpu.vector_load %arg8[%get3A_265] {strides = array<i32>} : memref<10240xi32, #tpu.memory_space<vmem>>, vector<16xi32>,
      %gather3A_267 = tpu.vector_load_idx %arg7[%get3A_266] : memref<100000xf32, #tpu.memory_space<vmem>>[vector<16xi32>], vector<16xf32>,
      %swap3A_268 = arith.index_cast %add3A_264 : i32 to index
      %swap3A_269 = tpu.vector_load %arg12[%swap3A_268] {strides = array<i32>} : memref<10240xf32, #tpu.memory_space<vmem>>, vector<16xf32>,
      tpu.vector_store %arg12[%swap3A_268], %gather3A_267 {strides = array<i32>} : memref<10240xf32, #tpu.memory_space<vmem>>, vector<16xf32>,
      %mul3A_270 = arith.constant 2 : i32
      %mul3A_271 = arith.muli %mul3A_270, %scan3A_181 : i32
      %add3A_272 = arith.constant 1 : i32
      %add3A_273 = arith.addi %mul3A_271, %add3A_272 : i32
      %mul3A_274 = arith.constant 16 : i32
      %mul3A_275 = arith.muli %add3A_273, %mul3A_274 : i32
      %add3A_276 = arith.constant 3072 : i32
      %add3A_277 = arith.addi %add3A_276, %mul3A_275 : i32
      %get3A_278 = arith.index_cast %add3A_277 : i32 to index
      %get3A_279 = tpu.vector_load %arg8[%get3A_278] {strides = array<i32>} : memref<10240xi32, #tpu.memory_space<vmem>>, vector<16xi32>,
      %gather3A_280 = tpu.vector_load_idx %arg7[%get3A_279] : memref<100000xf32, #tpu.memory_space<vmem>>[vector<16xi32>], vector<16xf32>,
      %swap3A_281 = arith.index_cast %add3A_277 : i32 to index
      %swap3A_282 = tpu.vector_load %arg12[%swap3A_281] {strides = array<i32>} : memref<10240xf32, #tpu.memory_space<vmem>>, vector<16xf32>,
      tpu.vector_store %arg12[%swap3A_281], %gather3A_280 {strides = array<i32>} : memref<10240xf32, #tpu.memory_space<vmem>>, vector<16xf32>,
      %mul3A_283 = arith.constant 2 : i32
      %mul3A_284 = arith.muli %mul3A_283, %scan3A_181 : i32
      %add3A_285 = arith.constant 0 : i32
      %add3A_286 = arith.addi %mul3A_284, %add3A_285 : i32
      %mul3A_287 = arith.constant 16 : i32
      %mul3A_288 = arith.muli %add3A_286, %mul3A_287 : i32
      %add3A_289 = arith.constant 4096 : i32
      %add3A_290 = arith.addi %add3A_289, %mul3A_288 : i32
      %get3A_291 = arith.index_cast %add3A_290 : i32 to index
      %get3A_292 = tpu.vector_load %arg8[%get3A_291] {strides = array<i32>} : memref<10240xi32, #tpu.memory_space<vmem>>, vector<16xi32>,
      %gather3A_293 = tpu.vector_load_idx %arg7[%get3A_292] : memref<100000xf32, #tpu.memory_space<vmem>>[vector<16xi32>], vector<16xf32>,
      %swap3A_294 = arith.index_cast %add3A_290 : i32 to index
      %swap3A_295 = tpu.vector_load %arg12[%swap3A_294] {strides = array<i32>} : memref<10240xf32, #tpu.memory_space<vmem>>, vector<16xf32>,
      tpu.vector_store %arg12[%swap3A_294], %gather3A_293 {strides = array<i32>} : memref<10240xf32, #tpu.memory_space<vmem>>, vector<16xf32>,
      %mul3A_296 = arith.constant 2 : i32
      %mul3A_297 = arith.muli %mul3A_296, %scan3A_181 : i32
      %add3A_298 = arith.constant 1 : i32
      %add3A_299 = arith.addi %mul3A_297, %add3A_298 : i32
      %mul3A_300 = arith.constant 16 : i32
      %mul3A_301 = arith.muli %add3A_299, %mul3A_300 : i32
      %add3A_302 = arith.constant 4096 : i32
      %add3A_303 = arith.addi %add3A_302, %mul3A_301 : i32
      %get3A_304 = arith.index_cast %add3A_303 : i32 to index
      %get3A_305 = tpu.vector_load %arg8[%get3A_304] {strides = array<i32>} : memref<10240xi32, #tpu.memory_space<vmem>>, vector<16xi32>,
      %gather3A_306 = tpu.vector_load_idx %arg7[%get3A_305] : memref<100000xf32, #tpu.memory_space<vmem>>[vector<16xi32>], vector<16xf32>,
      %swap3A_307 = arith.index_cast %add3A_303 : i32 to index
      %swap3A_308 = tpu.vector_load %arg12[%swap3A_307] {strides = array<i32>} : memref<10240xf32, #tpu.memory_space<vmem>>, vector<16xf32>,
      tpu.vector_store %arg12[%swap3A_307], %gather3A_306 {strides = array<i32>} : memref<10240xf32, #tpu.memory_space<vmem>>, vector<16xf32>,
      %mul3A_309 = arith.constant 2 : i32
      %mul3A_310 = arith.muli %mul3A_309, %scan3A_181 : i32
      %add3A_311 = arith.constant 0 : i32
      %add3A_312 = arith.addi %mul3A_310, %add3A_311 : i32
      %mul3A_313 = arith.constant 16 : i32
      %mul3A_314 = arith.muli %add3A_312, %mul3A_313 : i32
      %add3A_315 = arith.constant 5120 : i32
      %add3A_316 = arith.addi %add3A_315, %mul3A_314 : i32
      %get3A_317 = arith.index_cast %add3A_316 : i32 to index
      %get3A_318 = tpu.vector_load %arg8[%get3A_317] {strides = array<i32>} : memref<10240xi32, #tpu.memory_space<vmem>>, vector<16xi32>,
      %gather3A_319 = tpu.vector_load_idx %arg7[%get3A_318] : memref<100000xf32, #tpu.memory_space<vmem>>[vector<16xi32>], vector<16xf32>,
      %swap3A_320 = arith.index_cast %add3A_316 : i32 to index
      %swap3A_321 = tpu.vector_load %arg12[%swap3A_320] {strides = array<i32>} : memref<10240xf32, #tpu.memory_space<vmem>>, vector<16xf32>,
      tpu.vector_store %arg12[%swap3A_320], %gather3A_319 {strides = array<i32>} : memref<10240xf32, #tpu.memory_space<vmem>>, vector<16xf32>,
      %mul3A_322 = arith.constant 2 : i32
      %mul3A_323 = arith.muli %mul3A_322, %scan3A_181 : i32
      %add3A_324 = arith.constant 1 : i32
      %add3A_325 = arith.addi %mul3A_323, %add3A_324 : i32
      %mul3A_326 = arith.constant 16 : i32
      %mul3A_327 = arith.muli %add3A_325, %mul3A_326 : i32
      %add3A_328 = arith.constant 5120 : i32
      %add3A_329 = arith.addi %add3A_328, %mul3A_327 : i32
      %get3A_330 = arith.index_cast %add3A_329 : i32 to index
      %get3A_331 = tpu.vector_load %arg8[%get3A_330] {strides = array<i32>} : memref<10240xi32, #tpu.memory_space<vmem>>, vector<16xi32>,
      %gather3A_332 = tpu.vector_load_idx %arg7[%get3A_331] : memref<100000xf32, #tpu.memory_space<vmem>>[vector<16xi32>], vector<16xf32>,
      %swap3A_333 = arith.index_cast %add3A_329 : i32 to index
      %swap3A_334 = tpu.vector_load %arg12[%swap3A_333] {strides = array<i32>} : memref<10240xf32, #tpu.memory_space<vmem>>, vector<16xf32>,
      tpu.vector_store %arg12[%swap3A_333], %gather3A_332 {strides = array<i32>} : memref<10240xf32, #tpu.memory_space<vmem>>, vector<16xf32>,
      %mul3A_335 = arith.constant 2 : i32
      %mul3A_336 = arith.muli %mul3A_335, %scan3A_181 : i32
      %add3A_337 = arith.constant 0 : i32
      %add3A_338 = arith.addi %mul3A_336, %add3A_337 : i32
      %mul3A_339 = arith.constant 16 : i32
      %mul3A_340 = arith.muli %add3A_338, %mul3A_339 : i32
      %add3A_341 = arith.constant 6144 : i32
      %add3A_342 = arith.addi %add3A_341, %mul3A_340 : i32
      %get3A_343 = arith.index_cast %add3A_342 : i32 to index
      %get3A_344 = tpu.vector_load %arg8[%get3A_343] {strides = array<i32>} : memref<10240xi32, #tpu.memory_space<vmem>>, vector<16xi32>,
      %gather3A_345 = tpu.vector_load_idx %arg7[%get3A_344] : memref<100000xf32, #tpu.memory_space<vmem>>[vector<16xi32>], vector<16xf32>,
      %swap3A_346 = arith.index_cast %add3A_342 : i32 to index
      %swap3A_347 = tpu.vector_load %arg12[%swap3A_346] {strides = array<i32>} : memref<10240xf32, #tpu.memory_space<vmem>>, vector<16xf32>,
      tpu.vector_store %arg12[%swap3A_346], %gather3A_345 {strides = array<i32>} : memref<10240xf32, #tpu.memory_space<vmem>>, vector<16xf32>,
      %mul3A_348 = arith.constant 2 : i32
      %mul3A_349 = arith.muli %mul3A_348, %scan3A_181 : i32
      %add3A_350 = arith.constant 1 : i32
      %add3A_351 = arith.addi %mul3A_349, %add3A_350 : i32
      %mul3A_352 = arith.constant 16 : i32
      %mul3A_353 = arith.muli %add3A_351, %mul3A_352 : i32
      %add3A_354 = arith.constant 6144 : i32
      %add3A_355 = arith.addi %add3A_354, %mul3A_353 : i32
      %get3A_356 = arith.index_cast %add3A_355 : i32 to index
      %get3A_357 = tpu.vector_load %arg8[%get3A_356] {strides = array<i32>} : memref<10240xi32, #tpu.memory_space<vmem>>, vector<16xi32>,
      %gather3A_358 = tpu.vector_load_idx %arg7[%get3A_357] : memref<100000xf32, #tpu.memory_space<vmem>>[vector<16xi32>], vector<16xf32>,
      %swap3A_359 = arith.index_cast %add3A_355 : i32 to index
      %swap3A_360 = tpu.vector_load %arg12[%swap3A_359] {strides = array<i32>} : memref<10240xf32, #tpu.memory_space<vmem>>, vector<16xf32>,
      tpu.vector_store %arg12[%swap3A_359], %gather3A_358 {strides = array<i32>} : memref<10240xf32, #tpu.memory_space<vmem>>, vector<16xf32>,
      %mul3A_361 = arith.constant 2 : i32
      %mul3A_362 = arith.muli %mul3A_361, %scan3A_181 : i32
      %add3A_363 = arith.constant 0 : i32
      %add3A_364 = arith.addi %mul3A_362, %add3A_363 : i32
      %mul3A_365 = arith.constant 16 : i32
      %mul3A_366 = arith.muli %add3A_364, %mul3A_365 : i32
      %add3A_367 = arith.constant 7168 : i32
      %add3A_368 = arith.addi %add3A_367, %mul3A_366 : i32
      %get3A_369 = arith.index_cast %add3A_368 : i32 to index
      %get3A_370 = tpu.vector_load %arg8[%get3A_369] {strides = array<i32>} : memref<10240xi32, #tpu.memory_space<vmem>>, vector<16xi32>,
      %gather3A_371 = tpu.vector_load_idx %arg7[%get3A_370] : memref<100000xf32, #tpu.memory_space<vmem>>[vector<16xi32>], vector<16xf32>,
      %swap3A_372 = arith.index_cast %add3A_368 : i32 to index
      %swap3A_373 = tpu.vector_load %arg12[%swap3A_372] {strides = array<i32>} : memref<10240xf32, #tpu.memory_space<vmem>>, vector<16xf32>,
      tpu.vector_store %arg12[%swap3A_372], %gather3A_371 {strides = array<i32>} : memref<10240xf32, #tpu.memory_space<vmem>>, vector<16xf32>,
      %mul3A_374 = arith.constant 2 : i32
      %mul3A_375 = arith.muli %mul3A_374, %scan3A_181 : i32
      %add3A_376 = arith.constant 1 : i32
      %add3A_377 = arith.addi %mul3A_375, %add3A_376 : i32
      %mul3A_378 = arith.constant 16 : i32
      %mul3A_379 = arith.muli %add3A_377, %mul3A_378 : i32
      %add3A_380 = arith.constant 7168 : i32
      %add3A_381 = arith.addi %add3A_380, %mul3A_379 : i32
      %get3A_382 = arith.index_cast %add3A_381 : i32 to index
      %get3A_383 = tpu.vector_load %arg8[%get3A_382] {strides = array<i32>} : memref<10240xi32, #tpu.memory_space<vmem>>, vector<16xi32>,
      %gather3A_384 = tpu.vector_load_idx %arg7[%get3A_383] : memref<100000xf32, #tpu.memory_space<vmem>>[vector<16xi32>], vector<16xf32>,
      %swap3A_385 = arith.index_cast %add3A_381 : i32 to index
      %swap3A_386 = tpu.vector_load %arg12[%swap3A_385] {strides = array<i32>} : memref<10240xf32, #tpu.memory_space<vmem>>, vector<16xf32>,
      tpu.vector_store %arg12[%swap3A_385], %gather3A_384 {strides = array<i32>} : memref<10240xf32, #tpu.memory_space<vmem>>, vector<16xf32>,
      %mul3A_387 = arith.constant 2 : i32
      %mul3A_388 = arith.muli %mul3A_387, %scan3A_181 : i32
      %add3A_389 = arith.constant 0 : i32
      %add3A_390 = arith.addi %mul3A_388, %add3A_389 : i32
      %mul3A_391 = arith.constant 16 : i32
      %mul3A_392 = arith.muli %add3A_390, %mul3A_391 : i32
      %add3A_393 = arith.constant 8192 : i32
      %add3A_394 = arith.addi %add3A_393, %mul3A_392 : i32
      %get3A_395 = arith.index_cast %add3A_394 : i32 to index
      %get3A_396 = tpu.vector_load %arg8[%get3A_395] {strides = array<i32>} : memref<10240xi32, #tpu.memory_space<vmem>>, vector<16xi32>,
      %gather3A_397 = tpu.vector_load_idx %arg7[%get3A_396] : memref<100000xf32, #tpu.memory_space<vmem>>[vector<16xi32>], vector<16xf32>,
      %swap3A_398 = arith.index_cast %add3A_394 : i32 to index
      %swap3A_399 = tpu.vector_load %arg12[%swap3A_398] {strides = array<i32>} : memref<10240xf32, #tpu.memory_space<vmem>>, vector<16xf32>,
      tpu.vector_store %arg12[%swap3A_398], %gather3A_397 {strides = array<i32>} : memref<10240xf32, #tpu.memory_space<vmem>>, vector<16xf32>,
      %mul3A_400 = arith.constant 2 : i32
      %mul3A_401 = arith.muli %mul3A_400, %scan3A_181 : i32
      %add3A_402 = arith.constant 1 : i32
      %add3A_403 = arith.addi %mul3A_401, %add3A_402 : i32
      %mul3A_404 = arith.constant 16 : i32
      %mul3A_405 = arith.muli %add3A_403, %mul3A_404 : i32
      %add3A_406 = arith.constant 8192 : i32
      %add3A_407 = arith.addi %add3A_406, %mul3A_405 : i32
      %get3A_408 = arith.index_cast %add3A_407 : i32 to index
      %get3A_409 = tpu.vector_load %arg8[%get3A_408] {strides = array<i32>} : memref<10240xi32, #tpu.memory_space<vmem>>, vector<16xi32>,
      %gather3A_410 = tpu.vector_load_idx %arg7[%get3A_409] : memref<100000xf32, #tpu.memory_space<vmem>>[vector<16xi32>], vector<16xf32>,
      %swap3A_411 = arith.index_cast %add3A_407 : i32 to index
      %swap3A_412 = tpu.vector_load %arg12[%swap3A_411] {strides = array<i32>} : memref<10240xf32, #tpu.memory_space<vmem>>, vector<16xf32>,
      tpu.vector_store %arg12[%swap3A_411], %gather3A_410 {strides = array<i32>} : memref<10240xf32, #tpu.memory_space<vmem>>, vector<16xf32>,
      %mul3A_413 = arith.constant 2 : i32
      %mul3A_414 = arith.muli %mul3A_413, %scan3A_181 : i32
      %add3A_415 = arith.constant 0 : i32
      %add3A_416 = arith.addi %mul3A_414, %add3A_415 : i32
      %mul3A_417 = arith.constant 16 : i32
      %mul3A_418 = arith.muli %add3A_416, %mul3A_417 : i32
      %add3A_419 = arith.constant 9216 : i32
      %add3A_420 = arith.addi %add3A_419, %mul3A_418 : i32
      %get3A_421 = arith.index_cast %add3A_420 : i32 to index
      %get3A_422 = tpu.vector_load %arg8[%get3A_421] {strides = array<i32>} : memref<10240xi32, #tpu.memory_space<vmem>>, vector<16xi32>,
      %gather3A_423 = tpu.vector_load_idx %arg7[%get3A_422] : memref<100000xf32, #tpu.memory_space<vmem>>[vector<16xi32>], vector<16xf32>,
      %swap3A_424 = arith.index_cast %add3A_420 : i32 to index
      %swap3A_425 = tpu.vector_load %arg12[%swap3A_424] {strides = array<i32>} : memref<10240xf32, #tpu.memory_space<vmem>>, vector<16xf32>,
      tpu.vector_store %arg12[%swap3A_424], %gather3A_423 {strides = array<i32>} : memref<10240xf32, #tpu.memory_space<vmem>>, vector<16xf32>,
      %mul3A_426 = arith.constant 2 : i32
      %mul3A_427 = arith.muli %mul3A_426, %scan3A_181 : i32
      %add3A_428 = arith.constant 1 : i32
      %add3A_429 = arith.addi %mul3A_427, %add3A_428 : i32
      %mul3A_430 = arith.constant 16 : i32
      %mul3A_431 = arith.muli %add3A_429, %mul3A_430 : i32
      %add3A_432 = arith.constant 9216 : i32
      %add3A_433 = arith.addi %add3A_432, %mul3A_431 : i32
      %get3A_434 = arith.index_cast %add3A_433 : i32 to index
      %get3A_435 = tpu.vector_load %arg8[%get3A_434] {strides = array<i32>} : memref<10240xi32, #tpu.memory_space<vmem>>, vector<16xi32>,
      %gather3A_436 = tpu.vector_load_idx %arg7[%get3A_435] : memref<100000xf32, #tpu.memory_space<vmem>>[vector<16xi32>], vector<16xf32>,
      %swap3A_437 = arith.index_cast %add3A_433 : i32 to index
      %swap3A_438 = tpu.vector_load %arg12[%swap3A_437] {strides = array<i32>} : memref<10240xf32, #tpu.memory_space<vmem>>, vector<16xf32>,
      tpu.vector_store %arg12[%swap3A_437], %gather3A_436 {strides = array<i32>} : memref<10240xf32, #tpu.memory_space<vmem>>, vector<16xf32>,
    }
    %scan3A_142 = arith.constant 32 : i32
    %dma_start3A_143 = arith.constant 0 : i32
    %dma_start3A_144 = tpu.memref_slice %arg6[%add3A_108, %dma_start3A_143] : memref<128x10240xf32, #tpu.memory_space<hbm>> -> memref<1x10240xf32, #tpu.memory_space<hbm>>
    %dma_start3A_145 = tpu.memref_squeeze %dma_start3A_144 : memref<1x10240xf32, #tpu.memory_space<hbm>> -> memref<10240xf32, #tpu.memory_space<hbm>>
    %dma_start3A_146 = arith.constant 0 : i32
    %dma_start3A_147 = tpu.memref_slice %arg6[%add3A_108, %dma_start3A_146] : memref<128x10240xf32, #tpu.memory_space<hbm>> -> memref<1x10240xf32, #tpu.memory_space<hbm>>
    %dma_start3A_148 = tpu.memref_squeeze %dma_start3A_147 : memref<1x10240xf32, #tpu.memory_space<hbm>> -> memref<10240xf32, #tpu.memory_space<hbm>>
    tpu.enqueue_dma source(%arg12 : memref<10240xf32, #tpu.memory_space<vmem>>) target(%dma_start3A_148 : memref<10240xf32, #tpu.memory_space<hbm>>) target_semaphore(%arg15 : memref<!tpu.dma_semaphore, #tpu.memory_space<semaphore_mem>>)
    %mul3A_149 = arith.constant 4 : i32
    %mul3A_150 = arith.muli %add3A, %mul3A_149 : i32
    %add3A_151 = arith.constant 2 : i32
    %add3A_152 = arith.addi %mul3A_150, %add3A_151 : i32
    %dma_wait3A_153 = arith.constant 0 : i32
    %dma_wait3A_154 = tpu.memref_slice %arg5[%add3A_152, %dma_wait3A_153] : memref<128x1024xf32, #tpu.memory_space<hbm>> -> memref<1x1024xf32, #tpu.memory_space<hbm>>
    %dma_wait3A_155 = tpu.memref_squeeze %dma_wait3A_154 : memref<1x1024xf32, #tpu.memory_space<hbm>> -> memref<1024xf32, #tpu.memory_space<hbm>>
    %dma_wait3A_156 = arith.constant 0 : i32
    %dma_wait3A_157 = tpu.memref_slice %arg5[%add3A_152, %dma_wait3A_156] : memref<128x1024xf32, #tpu.memory_space<hbm>> -> memref<1x1024xf32, #tpu.memory_space<hbm>>
    %dma_wait3A_158 = tpu.memref_squeeze %dma_wait3A_157 : memref<1x1024xf32, #tpu.memory_space<hbm>> -> memref<1024xf32, #tpu.memory_space<hbm>>
    tpu.wait_dma2 semaphore(%arg13 : memref<!tpu.dma_semaphore, #tpu.memory_space<semaphore_mem>>) src(%arg10 : memref<1024xf32, #tpu.memory_space<vmem>>) dst(%dma_wait3A_158 : memref<1024xf32, #tpu.memory_space<hbm>>)
    %mul3A_159 = arith.constant 4 : i32
    %mul3A_160 = arith.muli %add3A, %mul3A_159 : i32
    %add3A_161 = arith.constant 3 : i32
    %add3A_162 = arith.addi %mul3A_160, %add3A_161 : i32
    %dma_wait3A_163 = arith.constant 0 : i32
    %dma_wait3A_164 = tpu.memref_slice %arg5[%add3A_162, %dma_wait3A_163] : memref<128x1024xf32, #tpu.memory_space<hbm>> -> memref<1x1024xf32, #tpu.memory_space<hbm>>
    %dma_wait3A_165 = tpu.memref_squeeze %dma_wait3A_164 : memref<1x1024xf32, #tpu.memory_space<hbm>> -> memref<1024xf32, #tpu.memory_space<hbm>>
    %dma_wait3A_166 = arith.constant 0 : i32
    %dma_wait3A_167 = tpu.memref_slice %arg5[%add3A_162, %dma_wait3A_166] : memref<128x1024xf32, #tpu.memory_space<hbm>> -> memref<1x1024xf32, #tpu.memory_space<hbm>>
    %dma_wait3A_168 = tpu.memref_squeeze %dma_wait3A_167 : memref<1x1024xf32, #tpu.memory_space<hbm>> -> memref<1024xf32, #tpu.memory_space<hbm>>
    tpu.wait_dma2 semaphore(%arg14 : memref<!tpu.dma_semaphore, #tpu.memory_space<semaphore_mem>>) src(%arg11 : memref<1024xf32, #tpu.memory_space<vmem>>) dst(%dma_wait3A_168 : memref<1024xf32, #tpu.memory_space<hbm>>)
    %mul3A_169 = arith.constant 4 : i32
    %mul3A_170 = arith.muli %add3A, %mul3A_169 : i32
    %add3A_171 = arith.constant 4 : i32
    %add3A_172 = arith.addi %mul3A_170, %add3A_171 : i32
    %sub3A_173 = arith.constant 1 : i32
    %sub3A_174 = arith.subi %add3A_172, %sub3A_173 : i32
    %dma_wait3A_175 = arith.constant 0 : i32
    %dma_wait3A_176 = tpu.memref_slice %arg6[%sub3A_174, %dma_wait3A_175] : memref<128x10240xf32, #tpu.memory_space<hbm>> -> memref<1x10240xf32, #tpu.memory_space<hbm>>
    %dma_wait3A_177 = tpu.memref_squeeze %dma_wait3A_176 : memref<1x10240xf32, #tpu.memory_space<hbm>> -> memref<10240xf32, #tpu.memory_space<hbm>>
    %dma_wait3A_178 = arith.constant 0 : i32
    %dma_wait3A_179 = tpu.memref_slice %arg6[%sub3A_174, %dma_wait3A_178] : memref<128x10240xf32, #tpu.memory_space<hbm>> -> memref<1x10240xf32, #tpu.memory_space<hbm>>
    %dma_wait3A_180 = tpu.memref_squeeze %dma_wait3A_179 : memref<1x10240xf32, #tpu.memory_space<hbm>> -> memref<10240xf32, #tpu.memory_space<hbm>>
    tpu.wait_dma2 semaphore(%arg15 : memref<!tpu.dma_semaphore, #tpu.memory_space<semaphore_mem>>) src(%arg12 : memref<10240xf32, #tpu.memory_space<vmem>>) dst(%dma_wait3A_180 : memref<10240xf32, #tpu.memory_space<hbm>>)
    return
  }
}

#map = affine_map<(d0, d1) -> (0)>
#map1 = affine_map<(d0, d1) -> (0, 0)>
module attributes {stable_mosaic.version = 14 : i64} {
  func.func @_sc_rv_body(%arg0: i32, %arg1: i32, %arg2: memref<12800000xf32, #tpu.memory_space<hbm>>, %arg3: memref<10240xi32, #tpu.memory_space<hbm>>, %arg4: memref<128x1024xf32, #tpu.memory_space<hbm>>, %arg5: memref<100000xf32, #tpu.memory_space<vmem>>, %arg6: memref<10240xi32, #tpu.memory_space<vmem>>, %arg7: memref<1024xf32, #tpu.memory_space<vmem>>, %arg8: memref<1024xf32, #tpu.memory_space<vmem>>, %arg9: memref<!tpu.dma_semaphore, #tpu.memory_space<semaphore_mem>>, %arg10: memref<!tpu.dma_semaphore, #tpu.memory_space<semaphore_mem>>) attributes {dimension_semantics = [#tpu.dimension_semantics<core_parallel>, #tpu.dimension_semantics<subcore_parallel>], iteration_bounds = array<i64: 2, 16>, scalar_prefetch = 0 : i64, scratch_operands = 6 : i64, tpu.core_type = #tpu.core_type<sc_vector_subcore>, window_params = [{transform_indices = #map}, {transform_indices = #map}, {transform_indices = #map1}]} {
    %mul3A = arith.constant 2 : i32
    %mul3A_0 = arith.muli %arg1, %mul3A : i32
    %add3A = arith.addi %mul3A_0, %arg0 : i32
    "tpu.region"() ({
      %run_scoped3A = tpu.sem_alloc : memref<!tpu.dma_semaphore, #tpu.memory_space<semaphore_mem>>
      tpu.enqueue_dma source(%arg3 : memref<10240xi32, #tpu.memory_space<hbm>>) target(%arg6 : memref<10240xi32, #tpu.memory_space<vmem>>) target_semaphore(%run_scoped3A : memref<!tpu.dma_semaphore, #tpu.memory_space<semaphore_mem>>)
      tpu.wait_dma2 semaphore(%run_scoped3A : memref<!tpu.dma_semaphore, #tpu.memory_space<semaphore_mem>>) src(%arg3 : memref<10240xi32, #tpu.memory_space<hbm>>) dst(%arg6 : memref<10240xi32, #tpu.memory_space<vmem>>)
      tpu.yield
    }) : () -> ()
    %mul3A_1 = arith.constant 4 : i32
    %mul3A_2 = arith.muli %add3A, %mul3A_1 : i32
    %add3A_3 = arith.constant 0 : i32
    %add3A_4 = arith.addi %mul3A_2, %add3A_3 : i32
    %mul3A_5 = arith.constant 100000 : i32
    %mul3A_6 = arith.muli %add3A_4, %mul3A_5 : i32
    "tpu.region"() ({
      %run_scoped3A = tpu.sem_alloc : memref<!tpu.dma_semaphore, #tpu.memory_space<semaphore_mem>>
      %dma_start3A_105 = tpu.memref_slice %arg2[%mul3A_6] : memref<12800000xf32, #tpu.memory_space<hbm>> -> memref<100000xf32, #tpu.memory_space<hbm>>
      %dma_start3A_106 = tpu.memref_slice %arg2[%mul3A_6] : memref<12800000xf32, #tpu.memory_space<hbm>> -> memref<100000xf32, #tpu.memory_space<hbm>>
      tpu.enqueue_dma source(%dma_start3A_106 : memref<100000xf32, #tpu.memory_space<hbm>>) target(%arg5 : memref<100000xf32, #tpu.memory_space<vmem>>) target_semaphore(%run_scoped3A : memref<!tpu.dma_semaphore, #tpu.memory_space<semaphore_mem>>)
      %dma_wait3A_107 = tpu.memref_slice %arg2[%mul3A_6] : memref<12800000xf32, #tpu.memory_space<hbm>> -> memref<100000xf32, #tpu.memory_space<hbm>>
      %dma_wait3A_108 = tpu.memref_slice %arg2[%mul3A_6] : memref<12800000xf32, #tpu.memory_space<hbm>> -> memref<100000xf32, #tpu.memory_space<hbm>>
      tpu.wait_dma2 semaphore(%run_scoped3A : memref<!tpu.dma_semaphore, #tpu.memory_space<semaphore_mem>>) src(%dma_wait3A_108 : memref<100000xf32, #tpu.memory_space<hbm>>) dst(%arg5 : memref<100000xf32, #tpu.memory_space<vmem>>)
      tpu.yield
    }) : () -> ()
    %scan3A = arith.constant 0 : i32
    %scan3A_7 = arith.constant 0 : i32
    %scan3A_8 = arith.constant 32 : i32
    %scan3A_9 = arith.addi %scan3A_7, %scan3A_8 : i32
    %scan3A_10 = arith.constant 1 : i32
    scf.for %scan3A_105 = %scan3A_7 to %scan3A_9 step %scan3A_10  : i32 {
      %mul3A_106 = arith.constant 2 : i32
      %mul3A_107 = arith.muli %mul3A_106, %scan3A_105 : i32
      %add3A_108 = arith.constant 0 : i32
      %add3A_109 = arith.addi %mul3A_107, %add3A_108 : i32
      %mul3A_110 = arith.constant 16 : i32
      %mul3A_111 = arith.muli %add3A_109, %mul3A_110 : i32
      %add3A_112 = arith.constant 0 : i32
      %add3A_113 = arith.addi %add3A_112, %mul3A_111 : i32
      %get3A = arith.index_cast %add3A_113 : i32 to index
      %get3A_114 = tpu.vector_load %arg6[%get3A] {strides = array<i32>} : memref<10240xi32, #tpu.memory_space<vmem>>, vector<16xi32>,
      %gather3A = tpu.vector_load_idx %arg5[%get3A_114] : memref<100000xf32, #tpu.memory_space<vmem>>[vector<16xi32>], vector<16xf32>,
      %add3A_115 = arith.constant 1024 : i32
      %add3A_116 = arith.addi %add3A_115, %mul3A_111 : i32
      %get3A_117 = arith.index_cast %add3A_116 : i32 to index
      %get3A_118 = tpu.vector_load %arg6[%get3A_117] {strides = array<i32>} : memref<10240xi32, #tpu.memory_space<vmem>>, vector<16xi32>,
      %gather3A_119 = tpu.vector_load_idx %arg5[%get3A_118] : memref<100000xf32, #tpu.memory_space<vmem>>[vector<16xi32>], vector<16xf32>,
      %add3A_120 = arith.constant 2048 : i32
      %add3A_121 = arith.addi %add3A_120, %mul3A_111 : i32
      %get3A_122 = arith.index_cast %add3A_121 : i32 to index
      %get3A_123 = tpu.vector_load %arg6[%get3A_122] {strides = array<i32>} : memref<10240xi32, #tpu.memory_space<vmem>>, vector<16xi32>,
      %gather3A_124 = tpu.vector_load_idx %arg5[%get3A_123] : memref<100000xf32, #tpu.memory_space<vmem>>[vector<16xi32>], vector<16xf32>,
      %add3A_125 = arith.constant 3072 : i32
      %add3A_126 = arith.addi %add3A_125, %mul3A_111 : i32
      %get3A_127 = arith.index_cast %add3A_126 : i32 to index
      %get3A_128 = tpu.vector_load %arg6[%get3A_127] {strides = array<i32>} : memref<10240xi32, #tpu.memory_space<vmem>>, vector<16xi32>,
      %gather3A_129 = tpu.vector_load_idx %arg5[%get3A_128] : memref<100000xf32, #tpu.memory_space<vmem>>[vector<16xi32>], vector<16xf32>,
      %add3A_130 = arith.constant 4096 : i32
      %add3A_131 = arith.addi %add3A_130, %mul3A_111 : i32
      %get3A_132 = arith.index_cast %add3A_131 : i32 to index
      %get3A_133 = tpu.vector_load %arg6[%get3A_132] {strides = array<i32>} : memref<10240xi32, #tpu.memory_space<vmem>>, vector<16xi32>,
      %gather3A_134 = tpu.vector_load_idx %arg5[%get3A_133] : memref<100000xf32, #tpu.memory_space<vmem>>[vector<16xi32>], vector<16xf32>,
      %add3A_135 = arith.constant 5120 : i32
      %add3A_136 = arith.addi %add3A_135, %mul3A_111 : i32
      %get3A_137 = arith.index_cast %add3A_136 : i32 to index
      %get3A_138 = tpu.vector_load %arg6[%get3A_137] {strides = array<i32>} : memref<10240xi32, #tpu.memory_space<vmem>>, vector<16xi32>,
      %gather3A_139 = tpu.vector_load_idx %arg5[%get3A_138] : memref<100000xf32, #tpu.memory_space<vmem>>[vector<16xi32>], vector<16xf32>,
      %add3A_140 = arith.constant 6144 : i32
      %add3A_141 = arith.addi %add3A_140, %mul3A_111 : i32
      %get3A_142 = arith.index_cast %add3A_141 : i32 to index
      %get3A_143 = tpu.vector_load %arg6[%get3A_142] {strides = array<i32>} : memref<10240xi32, #tpu.memory_space<vmem>>, vector<16xi32>,
      %gather3A_144 = tpu.vector_load_idx %arg5[%get3A_143] : memref<100000xf32, #tpu.memory_space<vmem>>[vector<16xi32>], vector<16xf32>,
      %add3A_145 = arith.constant 7168 : i32
      %add3A_146 = arith.addi %add3A_145, %mul3A_111 : i32
      %get3A_147 = arith.index_cast %add3A_146 : i32 to index
      %get3A_148 = tpu.vector_load %arg6[%get3A_147] {strides = array<i32>} : memref<10240xi32, #tpu.memory_space<vmem>>, vector<16xi32>,
      %gather3A_149 = tpu.vector_load_idx %arg5[%get3A_148] : memref<100000xf32, #tpu.memory_space<vmem>>[vector<16xi32>], vector<16xf32>,
      %add3A_150 = arith.constant 8192 : i32
      %add3A_151 = arith.addi %add3A_150, %mul3A_111 : i32
      %get3A_152 = arith.index_cast %add3A_151 : i32 to index
      %get3A_153 = tpu.vector_load %arg6[%get3A_152] {strides = array<i32>} : memref<10240xi32, #tpu.memory_space<vmem>>, vector<16xi32>,
      %gather3A_154 = tpu.vector_load_idx %arg5[%get3A_153] : memref<100000xf32, #tpu.memory_space<vmem>>[vector<16xi32>], vector<16xf32>,
      %add3A_155 = arith.constant 9216 : i32
      %add3A_156 = arith.addi %add3A_155, %mul3A_111 : i32
      %get3A_157 = arith.index_cast %add3A_156 : i32 to index
      %get3A_158 = tpu.vector_load %arg6[%get3A_157] {strides = array<i32>} : memref<10240xi32, #tpu.memory_space<vmem>>, vector<16xi32>,
      %gather3A_159 = tpu.vector_load_idx %arg5[%get3A_158] : memref<100000xf32, #tpu.memory_space<vmem>>[vector<16xi32>], vector<16xf32>,
      %add3A_160 = arith.addf %gather3A, %gather3A_119 : vector<16xf32>
      %add3A_161 = arith.addf %gather3A_124, %gather3A_129 : vector<16xf32>
      %add3A_162 = arith.addf %gather3A_134, %gather3A_139 : vector<16xf32>
      %add3A_163 = arith.addf %gather3A_144, %gather3A_149 : vector<16xf32>
      %add3A_164 = arith.addf %gather3A_154, %gather3A_159 : vector<16xf32>
      %add3A_165 = arith.addf %add3A_160, %add3A_161 : vector<16xf32>
      %add3A_166 = arith.addf %add3A_162, %add3A_163 : vector<16xf32>
      %add3A_167 = arith.addf %add3A_165, %add3A_166 : vector<16xf32>
      %add3A_168 = arith.addf %add3A_167, %add3A_164 : vector<16xf32>
      %mul3A_169 = arith.constant 1.000000e-01 : f32
      %mul3A_170 = vector.broadcast %mul3A_169 : f32 to vector<16xf32>
      %mul3A_171 = arith.mulf %add3A_168, %mul3A_170 : vector<16xf32>
      %swap3A = arith.index_cast %mul3A_111 : i32 to index
      %swap3A_172 = tpu.vector_load %arg7[%swap3A] {strides = array<i32>} : memref<1024xf32, #tpu.memory_space<vmem>>, vector<16xf32>,
      tpu.vector_store %arg7[%swap3A], %mul3A_171 {strides = array<i32>} : memref<1024xf32, #tpu.memory_space<vmem>>, vector<16xf32>,
      %mul3A_173 = arith.constant 2 : i32
      %mul3A_174 = arith.muli %mul3A_173, %scan3A_105 : i32
      %add3A_175 = arith.constant 1 : i32
      %add3A_176 = arith.addi %mul3A_174, %add3A_175 : i32
      %mul3A_177 = arith.constant 16 : i32
      %mul3A_178 = arith.muli %add3A_176, %mul3A_177 : i32
      %add3A_179 = arith.constant 0 : i32
      %add3A_180 = arith.addi %add3A_179, %mul3A_178 : i32
      %get3A_181 = arith.index_cast %add3A_180 : i32 to index
      %get3A_182 = tpu.vector_load %arg6[%get3A_181] {strides = array<i32>} : memref<10240xi32, #tpu.memory_space<vmem>>, vector<16xi32>,
      %gather3A_183 = tpu.vector_load_idx %arg5[%get3A_182] : memref<100000xf32, #tpu.memory_space<vmem>>[vector<16xi32>], vector<16xf32>,
      %add3A_184 = arith.constant 1024 : i32
      %add3A_185 = arith.addi %add3A_184, %mul3A_178 : i32
      %get3A_186 = arith.index_cast %add3A_185 : i32 to index
      %get3A_187 = tpu.vector_load %arg6[%get3A_186] {strides = array<i32>} : memref<10240xi32, #tpu.memory_space<vmem>>, vector<16xi32>,
      %gather3A_188 = tpu.vector_load_idx %arg5[%get3A_187] : memref<100000xf32, #tpu.memory_space<vmem>>[vector<16xi32>], vector<16xf32>,
      %add3A_189 = arith.constant 2048 : i32
      %add3A_190 = arith.addi %add3A_189, %mul3A_178 : i32
      %get3A_191 = arith.index_cast %add3A_190 : i32 to index
      %get3A_192 = tpu.vector_load %arg6[%get3A_191] {strides = array<i32>} : memref<10240xi32, #tpu.memory_space<vmem>>, vector<16xi32>,
      %gather3A_193 = tpu.vector_load_idx %arg5[%get3A_192] : memref<100000xf32, #tpu.memory_space<vmem>>[vector<16xi32>], vector<16xf32>,
      %add3A_194 = arith.constant 3072 : i32
      %add3A_195 = arith.addi %add3A_194, %mul3A_178 : i32
      %get3A_196 = arith.index_cast %add3A_195 : i32 to index
      %get3A_197 = tpu.vector_load %arg6[%get3A_196] {strides = array<i32>} : memref<10240xi32, #tpu.memory_space<vmem>>, vector<16xi32>,
      %gather3A_198 = tpu.vector_load_idx %arg5[%get3A_197] : memref<100000xf32, #tpu.memory_space<vmem>>[vector<16xi32>], vector<16xf32>,
      %add3A_199 = arith.constant 4096 : i32
      %add3A_200 = arith.addi %add3A_199, %mul3A_178 : i32
      %get3A_201 = arith.index_cast %add3A_200 : i32 to index
      %get3A_202 = tpu.vector_load %arg6[%get3A_201] {strides = array<i32>} : memref<10240xi32, #tpu.memory_space<vmem>>, vector<16xi32>,
      %gather3A_203 = tpu.vector_load_idx %arg5[%get3A_202] : memref<100000xf32, #tpu.memory_space<vmem>>[vector<16xi32>], vector<16xf32>,
      %add3A_204 = arith.constant 5120 : i32
      %add3A_205 = arith.addi %add3A_204, %mul3A_178 : i32
      %get3A_206 = arith.index_cast %add3A_205 : i32 to index
      %get3A_207 = tpu.vector_load %arg6[%get3A_206] {strides = array<i32>} : memref<10240xi32, #tpu.memory_space<vmem>>, vector<16xi32>,
      %gather3A_208 = tpu.vector_load_idx %arg5[%get3A_207] : memref<100000xf32, #tpu.memory_space<vmem>>[vector<16xi32>], vector<16xf32>,
      %add3A_209 = arith.constant 6144 : i32
      %add3A_210 = arith.addi %add3A_209, %mul3A_178 : i32
      %get3A_211 = arith.index_cast %add3A_210 : i32 to index
      %get3A_212 = tpu.vector_load %arg6[%get3A_211] {strides = array<i32>} : memref<10240xi32, #tpu.memory_space<vmem>>, vector<16xi32>,
      %gather3A_213 = tpu.vector_load_idx %arg5[%get3A_212] : memref<100000xf32, #tpu.memory_space<vmem>>[vector<16xi32>], vector<16xf32>,
      %add3A_214 = arith.constant 7168 : i32
      %add3A_215 = arith.addi %add3A_214, %mul3A_178 : i32
      %get3A_216 = arith.index_cast %add3A_215 : i32 to index
      %get3A_217 = tpu.vector_load %arg6[%get3A_216] {strides = array<i32>} : memref<10240xi32, #tpu.memory_space<vmem>>, vector<16xi32>,
      %gather3A_218 = tpu.vector_load_idx %arg5[%get3A_217] : memref<100000xf32, #tpu.memory_space<vmem>>[vector<16xi32>], vector<16xf32>,
      %add3A_219 = arith.constant 8192 : i32
      %add3A_220 = arith.addi %add3A_219, %mul3A_178 : i32
      %get3A_221 = arith.index_cast %add3A_220 : i32 to index
      %get3A_222 = tpu.vector_load %arg6[%get3A_221] {strides = array<i32>} : memref<10240xi32, #tpu.memory_space<vmem>>, vector<16xi32>,
      %gather3A_223 = tpu.vector_load_idx %arg5[%get3A_222] : memref<100000xf32, #tpu.memory_space<vmem>>[vector<16xi32>], vector<16xf32>,
      %add3A_224 = arith.constant 9216 : i32
      %add3A_225 = arith.addi %add3A_224, %mul3A_178 : i32
      %get3A_226 = arith.index_cast %add3A_225 : i32 to index
      %get3A_227 = tpu.vector_load %arg6[%get3A_226] {strides = array<i32>} : memref<10240xi32, #tpu.memory_space<vmem>>, vector<16xi32>,
      %gather3A_228 = tpu.vector_load_idx %arg5[%get3A_227] : memref<100000xf32, #tpu.memory_space<vmem>>[vector<16xi32>], vector<16xf32>,
      %add3A_229 = arith.addf %gather3A_183, %gather3A_188 : vector<16xf32>
      %add3A_230 = arith.addf %gather3A_193, %gather3A_198 : vector<16xf32>
      %add3A_231 = arith.addf %gather3A_203, %gather3A_208 : vector<16xf32>
      %add3A_232 = arith.addf %gather3A_213, %gather3A_218 : vector<16xf32>
      %add3A_233 = arith.addf %gather3A_223, %gather3A_228 : vector<16xf32>
      %add3A_234 = arith.addf %add3A_229, %add3A_230 : vector<16xf32>
      %add3A_235 = arith.addf %add3A_231, %add3A_232 : vector<16xf32>
      %add3A_236 = arith.addf %add3A_234, %add3A_235 : vector<16xf32>
      %add3A_237 = arith.addf %add3A_236, %add3A_233 : vector<16xf32>
      %mul3A_238 = arith.constant 1.000000e-01 : f32
      %mul3A_239 = vector.broadcast %mul3A_238 : f32 to vector<16xf32>
      %mul3A_240 = arith.mulf %add3A_237, %mul3A_239 : vector<16xf32>
      %swap3A_241 = arith.index_cast %mul3A_178 : i32 to index
      %swap3A_242 = tpu.vector_load %arg7[%swap3A_241] {strides = array<i32>} : memref<1024xf32, #tpu.memory_space<vmem>>, vector<16xf32>,
      tpu.vector_store %arg7[%swap3A_241], %mul3A_240 {strides = array<i32>} : memref<1024xf32, #tpu.memory_space<vmem>>, vector<16xf32>,
    }
    %scan3A_11 = arith.constant 32 : i32
    %dma_start3A = arith.constant 0 : i32
    %dma_start3A_12 = tpu.memref_slice %arg4[%add3A_4, %dma_start3A] : memref<128x1024xf32, #tpu.memory_space<hbm>> -> memref<1x1024xf32, #tpu.memory_space<hbm>>
    %dma_start3A_13 = tpu.memref_squeeze %dma_start3A_12 : memref<1x1024xf32, #tpu.memory_space<hbm>> -> memref<1024xf32, #tpu.memory_space<hbm>>
    %dma_start3A_14 = arith.constant 0 : i32
    %dma_start3A_15 = tpu.memref_slice %arg4[%add3A_4, %dma_start3A_14] : memref<128x1024xf32, #tpu.memory_space<hbm>> -> memref<1x1024xf32, #tpu.memory_space<hbm>>
    %dma_start3A_16 = tpu.memref_squeeze %dma_start3A_15 : memref<1x1024xf32, #tpu.memory_space<hbm>> -> memref<1024xf32, #tpu.memory_space<hbm>>
    tpu.enqueue_dma source(%arg7 : memref<1024xf32, #tpu.memory_space<vmem>>) target(%dma_start3A_16 : memref<1024xf32, #tpu.memory_space<hbm>>) target_semaphore(%arg9 : memref<!tpu.dma_semaphore, #tpu.memory_space<semaphore_mem>>)
    %mul3A_17 = arith.constant 4 : i32
    %mul3A_18 = arith.muli %add3A, %mul3A_17 : i32
    %add3A_19 = arith.constant 1 : i32
    %add3A_20 = arith.addi %mul3A_18, %add3A_19 : i32
    %mul3A_21 = arith.constant 100000 : i32
    %mul3A_22 = arith.muli %add3A_20, %mul3A_21 : i32
    "tpu.region"() ({
      %run_scoped3A = tpu.sem_alloc : memref<!tpu.dma_semaphore, #tpu.memory_space<semaphore_mem>>
      %dma_start3A_105 = tpu.memref_slice %arg2[%mul3A_22] : memref<12800000xf32, #tpu.memory_space<hbm>> -> memref<100000xf32, #tpu.memory_space<hbm>>
      %dma_start3A_106 = tpu.memref_slice %arg2[%mul3A_22] : memref<12800000xf32, #tpu.memory_space<hbm>> -> memref<100000xf32, #tpu.memory_space<hbm>>
      tpu.enqueue_dma source(%dma_start3A_106 : memref<100000xf32, #tpu.memory_space<hbm>>) target(%arg5 : memref<100000xf32, #tpu.memory_space<vmem>>) target_semaphore(%run_scoped3A : memref<!tpu.dma_semaphore, #tpu.memory_space<semaphore_mem>>)
      %dma_wait3A_107 = tpu.memref_slice %arg2[%mul3A_22] : memref<12800000xf32, #tpu.memory_space<hbm>> -> memref<100000xf32, #tpu.memory_space<hbm>>
      %dma_wait3A_108 = tpu.memref_slice %arg2[%mul3A_22] : memref<12800000xf32, #tpu.memory_space<hbm>> -> memref<100000xf32, #tpu.memory_space<hbm>>
      tpu.wait_dma2 semaphore(%run_scoped3A : memref<!tpu.dma_semaphore, #tpu.memory_space<semaphore_mem>>) src(%dma_wait3A_108 : memref<100000xf32, #tpu.memory_space<hbm>>) dst(%arg5 : memref<100000xf32, #tpu.memory_space<vmem>>)
      tpu.yield
    }) : () -> ()
    %scan3A_23 = arith.constant 0 : i32
    %scan3A_24 = arith.constant 0 : i32
    %scan3A_25 = arith.constant 32 : i32
    %scan3A_26 = arith.addi %scan3A_24, %scan3A_25 : i32
    %scan3A_27 = arith.constant 1 : i32
    scf.for %scan3A_105 = %scan3A_24 to %scan3A_26 step %scan3A_27  : i32 {
      %mul3A_106 = arith.constant 2 : i32
      %mul3A_107 = arith.muli %mul3A_106, %scan3A_105 : i32
      %add3A_108 = arith.constant 0 : i32
      %add3A_109 = arith.addi %mul3A_107, %add3A_108 : i32
      %mul3A_110 = arith.constant 16 : i32
      %mul3A_111 = arith.muli %add3A_109, %mul3A_110 : i32
      %add3A_112 = arith.constant 0 : i32
      %add3A_113 = arith.addi %add3A_112, %mul3A_111 : i32
      %get3A = arith.index_cast %add3A_113 : i32 to index
      %get3A_114 = tpu.vector_load %arg6[%get3A] {strides = array<i32>} : memref<10240xi32, #tpu.memory_space<vmem>>, vector<16xi32>,
      %gather3A = tpu.vector_load_idx %arg5[%get3A_114] : memref<100000xf32, #tpu.memory_space<vmem>>[vector<16xi32>], vector<16xf32>,
      %add3A_115 = arith.constant 1024 : i32
      %add3A_116 = arith.addi %add3A_115, %mul3A_111 : i32
      %get3A_117 = arith.index_cast %add3A_116 : i32 to index
      %get3A_118 = tpu.vector_load %arg6[%get3A_117] {strides = array<i32>} : memref<10240xi32, #tpu.memory_space<vmem>>, vector<16xi32>,
      %gather3A_119 = tpu.vector_load_idx %arg5[%get3A_118] : memref<100000xf32, #tpu.memory_space<vmem>>[vector<16xi32>], vector<16xf32>,
      %add3A_120 = arith.constant 2048 : i32
      %add3A_121 = arith.addi %add3A_120, %mul3A_111 : i32
      %get3A_122 = arith.index_cast %add3A_121 : i32 to index
      %get3A_123 = tpu.vector_load %arg6[%get3A_122] {strides = array<i32>} : memref<10240xi32, #tpu.memory_space<vmem>>, vector<16xi32>,
      %gather3A_124 = tpu.vector_load_idx %arg5[%get3A_123] : memref<100000xf32, #tpu.memory_space<vmem>>[vector<16xi32>], vector<16xf32>,
      %add3A_125 = arith.constant 3072 : i32
      %add3A_126 = arith.addi %add3A_125, %mul3A_111 : i32
      %get3A_127 = arith.index_cast %add3A_126 : i32 to index
      %get3A_128 = tpu.vector_load %arg6[%get3A_127] {strides = array<i32>} : memref<10240xi32, #tpu.memory_space<vmem>>, vector<16xi32>,
      %gather3A_129 = tpu.vector_load_idx %arg5[%get3A_128] : memref<100000xf32, #tpu.memory_space<vmem>>[vector<16xi32>], vector<16xf32>,
      %add3A_130 = arith.constant 4096 : i32
      %add3A_131 = arith.addi %add3A_130, %mul3A_111 : i32
      %get3A_132 = arith.index_cast %add3A_131 : i32 to index
      %get3A_133 = tpu.vector_load %arg6[%get3A_132] {strides = array<i32>} : memref<10240xi32, #tpu.memory_space<vmem>>, vector<16xi32>,
      %gather3A_134 = tpu.vector_load_idx %arg5[%get3A_133] : memref<100000xf32, #tpu.memory_space<vmem>>[vector<16xi32>], vector<16xf32>,
      %add3A_135 = arith.constant 5120 : i32
      %add3A_136 = arith.addi %add3A_135, %mul3A_111 : i32
      %get3A_137 = arith.index_cast %add3A_136 : i32 to index
      %get3A_138 = tpu.vector_load %arg6[%get3A_137] {strides = array<i32>} : memref<10240xi32, #tpu.memory_space<vmem>>, vector<16xi32>,
      %gather3A_139 = tpu.vector_load_idx %arg5[%get3A_138] : memref<100000xf32, #tpu.memory_space<vmem>>[vector<16xi32>], vector<16xf32>,
      %add3A_140 = arith.constant 6144 : i32
      %add3A_141 = arith.addi %add3A_140, %mul3A_111 : i32
      %get3A_142 = arith.index_cast %add3A_141 : i32 to index
      %get3A_143 = tpu.vector_load %arg6[%get3A_142] {strides = array<i32>} : memref<10240xi32, #tpu.memory_space<vmem>>, vector<16xi32>,
      %gather3A_144 = tpu.vector_load_idx %arg5[%get3A_143] : memref<100000xf32, #tpu.memory_space<vmem>>[vector<16xi32>], vector<16xf32>,
      %add3A_145 = arith.constant 7168 : i32
      %add3A_146 = arith.addi %add3A_145, %mul3A_111 : i32
      %get3A_147 = arith.index_cast %add3A_146 : i32 to index
      %get3A_148 = tpu.vector_load %arg6[%get3A_147] {strides = array<i32>} : memref<10240xi32, #tpu.memory_space<vmem>>, vector<16xi32>,
      %gather3A_149 = tpu.vector_load_idx %arg5[%get3A_148] : memref<100000xf32, #tpu.memory_space<vmem>>[vector<16xi32>], vector<16xf32>,
      %add3A_150 = arith.constant 8192 : i32
      %add3A_151 = arith.addi %add3A_150, %mul3A_111 : i32
      %get3A_152 = arith.index_cast %add3A_151 : i32 to index
      %get3A_153 = tpu.vector_load %arg6[%get3A_152] {strides = array<i32>} : memref<10240xi32, #tpu.memory_space<vmem>>, vector<16xi32>,
      %gather3A_154 = tpu.vector_load_idx %arg5[%get3A_153] : memref<100000xf32, #tpu.memory_space<vmem>>[vector<16xi32>], vector<16xf32>,
      %add3A_155 = arith.constant 9216 : i32
      %add3A_156 = arith.addi %add3A_155, %mul3A_111 : i32
      %get3A_157 = arith.index_cast %add3A_156 : i32 to index
      %get3A_158 = tpu.vector_load %arg6[%get3A_157] {strides = array<i32>} : memref<10240xi32, #tpu.memory_space<vmem>>, vector<16xi32>,
      %gather3A_159 = tpu.vector_load_idx %arg5[%get3A_158] : memref<100000xf32, #tpu.memory_space<vmem>>[vector<16xi32>], vector<16xf32>,
      %add3A_160 = arith.addf %gather3A, %gather3A_119 : vector<16xf32>
      %add3A_161 = arith.addf %gather3A_124, %gather3A_129 : vector<16xf32>
      %add3A_162 = arith.addf %gather3A_134, %gather3A_139 : vector<16xf32>
      %add3A_163 = arith.addf %gather3A_144, %gather3A_149 : vector<16xf32>
      %add3A_164 = arith.addf %gather3A_154, %gather3A_159 : vector<16xf32>
      %add3A_165 = arith.addf %add3A_160, %add3A_161 : vector<16xf32>
      %add3A_166 = arith.addf %add3A_162, %add3A_163 : vector<16xf32>
      %add3A_167 = arith.addf %add3A_165, %add3A_166 : vector<16xf32>
      %add3A_168 = arith.addf %add3A_167, %add3A_164 : vector<16xf32>
      %mul3A_169 = arith.constant 1.000000e-01 : f32
      %mul3A_170 = vector.broadcast %mul3A_169 : f32 to vector<16xf32>
      %mul3A_171 = arith.mulf %add3A_168, %mul3A_170 : vector<16xf32>
      %swap3A = arith.index_cast %mul3A_111 : i32 to index
      %swap3A_172 = tpu.vector_load %arg8[%swap3A] {strides = array<i32>} : memref<1024xf32, #tpu.memory_space<vmem>>, vector<16xf32>,
      tpu.vector_store %arg8[%swap3A], %mul3A_171 {strides = array<i32>} : memref<1024xf32, #tpu.memory_space<vmem>>, vector<16xf32>,
      %mul3A_173 = arith.constant 2 : i32
      %mul3A_174 = arith.muli %mul3A_173, %scan3A_105 : i32
      %add3A_175 = arith.constant 1 : i32
      %add3A_176 = arith.addi %mul3A_174, %add3A_175 : i32
      %mul3A_177 = arith.constant 16 : i32
      %mul3A_178 = arith.muli %add3A_176, %mul3A_177 : i32
      %add3A_179 = arith.constant 0 : i32
      %add3A_180 = arith.addi %add3A_179, %mul3A_178 : i32
      %get3A_181 = arith.index_cast %add3A_180 : i32 to index
      %get3A_182 = tpu.vector_load %arg6[%get3A_181] {strides = array<i32>} : memref<10240xi32, #tpu.memory_space<vmem>>, vector<16xi32>,
      %gather3A_183 = tpu.vector_load_idx %arg5[%get3A_182] : memref<100000xf32, #tpu.memory_space<vmem>>[vector<16xi32>], vector<16xf32>,
      %add3A_184 = arith.constant 1024 : i32
      %add3A_185 = arith.addi %add3A_184, %mul3A_178 : i32
      %get3A_186 = arith.index_cast %add3A_185 : i32 to index
      %get3A_187 = tpu.vector_load %arg6[%get3A_186] {strides = array<i32>} : memref<10240xi32, #tpu.memory_space<vmem>>, vector<16xi32>,
      %gather3A_188 = tpu.vector_load_idx %arg5[%get3A_187] : memref<100000xf32, #tpu.memory_space<vmem>>[vector<16xi32>], vector<16xf32>,
      %add3A_189 = arith.constant 2048 : i32
      %add3A_190 = arith.addi %add3A_189, %mul3A_178 : i32
      %get3A_191 = arith.index_cast %add3A_190 : i32 to index
      %get3A_192 = tpu.vector_load %arg6[%get3A_191] {strides = array<i32>} : memref<10240xi32, #tpu.memory_space<vmem>>, vector<16xi32>,
      %gather3A_193 = tpu.vector_load_idx %arg5[%get3A_192] : memref<100000xf32, #tpu.memory_space<vmem>>[vector<16xi32>], vector<16xf32>,
      %add3A_194 = arith.constant 3072 : i32
      %add3A_195 = arith.addi %add3A_194, %mul3A_178 : i32
      %get3A_196 = arith.index_cast %add3A_195 : i32 to index
      %get3A_197 = tpu.vector_load %arg6[%get3A_196] {strides = array<i32>} : memref<10240xi32, #tpu.memory_space<vmem>>, vector<16xi32>,
      %gather3A_198 = tpu.vector_load_idx %arg5[%get3A_197] : memref<100000xf32, #tpu.memory_space<vmem>>[vector<16xi32>], vector<16xf32>,
      %add3A_199 = arith.constant 4096 : i32
      %add3A_200 = arith.addi %add3A_199, %mul3A_178 : i32
      %get3A_201 = arith.index_cast %add3A_200 : i32 to index
      %get3A_202 = tpu.vector_load %arg6[%get3A_201] {strides = array<i32>} : memref<10240xi32, #tpu.memory_space<vmem>>, vector<16xi32>,
      %gather3A_203 = tpu.vector_load_idx %arg5[%get3A_202] : memref<100000xf32, #tpu.memory_space<vmem>>[vector<16xi32>], vector<16xf32>,
      %add3A_204 = arith.constant 5120 : i32
      %add3A_205 = arith.addi %add3A_204, %mul3A_178 : i32
      %get3A_206 = arith.index_cast %add3A_205 : i32 to index
      %get3A_207 = tpu.vector_load %arg6[%get3A_206] {strides = array<i32>} : memref<10240xi32, #tpu.memory_space<vmem>>, vector<16xi32>,
      %gather3A_208 = tpu.vector_load_idx %arg5[%get3A_207] : memref<100000xf32, #tpu.memory_space<vmem>>[vector<16xi32>], vector<16xf32>,
      %add3A_209 = arith.constant 6144 : i32
      %add3A_210 = arith.addi %add3A_209, %mul3A_178 : i32
      %get3A_211 = arith.index_cast %add3A_210 : i32 to index
      %get3A_212 = tpu.vector_load %arg6[%get3A_211] {strides = array<i32>} : memref<10240xi32, #tpu.memory_space<vmem>>, vector<16xi32>,
      %gather3A_213 = tpu.vector_load_idx %arg5[%get3A_212] : memref<100000xf32, #tpu.memory_space<vmem>>[vector<16xi32>], vector<16xf32>,
      %add3A_214 = arith.constant 7168 : i32
      %add3A_215 = arith.addi %add3A_214, %mul3A_178 : i32
      %get3A_216 = arith.index_cast %add3A_215 : i32 to index
      %get3A_217 = tpu.vector_load %arg6[%get3A_216] {strides = array<i32>} : memref<10240xi32, #tpu.memory_space<vmem>>, vector<16xi32>,
      %gather3A_218 = tpu.vector_load_idx %arg5[%get3A_217] : memref<100000xf32, #tpu.memory_space<vmem>>[vector<16xi32>], vector<16xf32>,
      %add3A_219 = arith.constant 8192 : i32
      %add3A_220 = arith.addi %add3A_219, %mul3A_178 : i32
      %get3A_221 = arith.index_cast %add3A_220 : i32 to index
      %get3A_222 = tpu.vector_load %arg6[%get3A_221] {strides = array<i32>} : memref<10240xi32, #tpu.memory_space<vmem>>, vector<16xi32>,
      %gather3A_223 = tpu.vector_load_idx %arg5[%get3A_222] : memref<100000xf32, #tpu.memory_space<vmem>>[vector<16xi32>], vector<16xf32>,
      %add3A_224 = arith.constant 9216 : i32
      %add3A_225 = arith.addi %add3A_224, %mul3A_178 : i32
      %get3A_226 = arith.index_cast %add3A_225 : i32 to index
      %get3A_227 = tpu.vector_load %arg6[%get3A_226] {strides = array<i32>} : memref<10240xi32, #tpu.memory_space<vmem>>, vector<16xi32>,
      %gather3A_228 = tpu.vector_load_idx %arg5[%get3A_227] : memref<100000xf32, #tpu.memory_space<vmem>>[vector<16xi32>], vector<16xf32>,
      %add3A_229 = arith.addf %gather3A_183, %gather3A_188 : vector<16xf32>
      %add3A_230 = arith.addf %gather3A_193, %gather3A_198 : vector<16xf32>
      %add3A_231 = arith.addf %gather3A_203, %gather3A_208 : vector<16xf32>
      %add3A_232 = arith.addf %gather3A_213, %gather3A_218 : vector<16xf32>
      %add3A_233 = arith.addf %gather3A_223, %gather3A_228 : vector<16xf32>
      %add3A_234 = arith.addf %add3A_229, %add3A_230 : vector<16xf32>
      %add3A_235 = arith.addf %add3A_231, %add3A_232 : vector<16xf32>
      %add3A_236 = arith.addf %add3A_234, %add3A_235 : vector<16xf32>
      %add3A_237 = arith.addf %add3A_236, %add3A_233 : vector<16xf32>
      %mul3A_238 = arith.constant 1.000000e-01 : f32
      %mul3A_239 = vector.broadcast %mul3A_238 : f32 to vector<16xf32>
      %mul3A_240 = arith.mulf %add3A_237, %mul3A_239 : vector<16xf32>
      %swap3A_241 = arith.index_cast %mul3A_178 : i32 to index
      %swap3A_242 = tpu.vector_load %arg8[%swap3A_241] {strides = array<i32>} : memref<1024xf32, #tpu.memory_space<vmem>>, vector<16xf32>,
      tpu.vector_store %arg8[%swap3A_241], %mul3A_240 {strides = array<i32>} : memref<1024xf32, #tpu.memory_space<vmem>>, vector<16xf32>,
    }
    %scan3A_28 = arith.constant 32 : i32
    %dma_start3A_29 = arith.constant 0 : i32
    %dma_start3A_30 = tpu.memref_slice %arg4[%add3A_20, %dma_start3A_29] : memref<128x1024xf32, #tpu.memory_space<hbm>> -> memref<1x1024xf32, #tpu.memory_space<hbm>>
    %dma_start3A_31 = tpu.memref_squeeze %dma_start3A_30 : memref<1x1024xf32, #tpu.memory_space<hbm>> -> memref<1024xf32, #tpu.memory_space<hbm>>
    %dma_start3A_32 = arith.constant 0 : i32
    %dma_start3A_33 = tpu.memref_slice %arg4[%add3A_20, %dma_start3A_32] : memref<128x1024xf32, #tpu.memory_space<hbm>> -> memref<1x1024xf32, #tpu.memory_space<hbm>>
    %dma_start3A_34 = tpu.memref_squeeze %dma_start3A_33 : memref<1x1024xf32, #tpu.memory_space<hbm>> -> memref<1024xf32, #tpu.memory_space<hbm>>
    tpu.enqueue_dma source(%arg8 : memref<1024xf32, #tpu.memory_space<vmem>>) target(%dma_start3A_34 : memref<1024xf32, #tpu.memory_space<hbm>>) target_semaphore(%arg10 : memref<!tpu.dma_semaphore, #tpu.memory_space<semaphore_mem>>)
    %mul3A_35 = arith.constant 4 : i32
    %mul3A_36 = arith.muli %add3A, %mul3A_35 : i32
    %add3A_37 = arith.constant 2 : i32
    %add3A_38 = arith.addi %mul3A_36, %add3A_37 : i32
    %mul3A_39 = arith.constant 100000 : i32
    %mul3A_40 = arith.muli %add3A_38, %mul3A_39 : i32
    "tpu.region"() ({
      %run_scoped3A = tpu.sem_alloc : memref<!tpu.dma_semaphore, #tpu.memory_space<semaphore_mem>>
      %dma_start3A_105 = tpu.memref_slice %arg2[%mul3A_40] : memref<12800000xf32, #tpu.memory_space<hbm>> -> memref<100000xf32, #tpu.memory_space<hbm>>
      %dma_start3A_106 = tpu.memref_slice %arg2[%mul3A_40] : memref<12800000xf32, #tpu.memory_space<hbm>> -> memref<100000xf32, #tpu.memory_space<hbm>>
      tpu.enqueue_dma source(%dma_start3A_106 : memref<100000xf32, #tpu.memory_space<hbm>>) target(%arg5 : memref<100000xf32, #tpu.memory_space<vmem>>) target_semaphore(%run_scoped3A : memref<!tpu.dma_semaphore, #tpu.memory_space<semaphore_mem>>)
      %dma_wait3A_107 = tpu.memref_slice %arg2[%mul3A_40] : memref<12800000xf32, #tpu.memory_space<hbm>> -> memref<100000xf32, #tpu.memory_space<hbm>>
      %dma_wait3A_108 = tpu.memref_slice %arg2[%mul3A_40] : memref<12800000xf32, #tpu.memory_space<hbm>> -> memref<100000xf32, #tpu.memory_space<hbm>>
      tpu.wait_dma2 semaphore(%run_scoped3A : memref<!tpu.dma_semaphore, #tpu.memory_space<semaphore_mem>>) src(%dma_wait3A_108 : memref<100000xf32, #tpu.memory_space<hbm>>) dst(%arg5 : memref<100000xf32, #tpu.memory_space<vmem>>)
      tpu.yield
    }) : () -> ()
    %sub3A = arith.constant 2 : i32
    %sub3A_41 = arith.subi %add3A_38, %sub3A : i32
    %dma_wait3A = arith.constant 0 : i32
    %dma_wait3A_42 = tpu.memref_slice %arg4[%sub3A_41, %dma_wait3A] : memref<128x1024xf32, #tpu.memory_space<hbm>> -> memref<1x1024xf32, #tpu.memory_space<hbm>>
    %dma_wait3A_43 = tpu.memref_squeeze %dma_wait3A_42 : memref<1x1024xf32, #tpu.memory_space<hbm>> -> memref<1024xf32, #tpu.memory_space<hbm>>
    %dma_wait3A_44 = arith.constant 0 : i32
    %dma_wait3A_45 = tpu.memref_slice %arg4[%sub3A_41, %dma_wait3A_44] : memref<128x1024xf32, #tpu.memory_space<hbm>> -> memref<1x1024xf32, #tpu.memory_space<hbm>>
    %dma_wait3A_46 = tpu.memref_squeeze %dma_wait3A_45 : memref<1x1024xf32, #tpu.memory_space<hbm>> -> memref<1024xf32, #tpu.memory_space<hbm>>
    tpu.wait_dma2 semaphore(%arg9 : memref<!tpu.dma_semaphore, #tpu.memory_space<semaphore_mem>>) src(%arg7 : memref<1024xf32, #tpu.memory_space<vmem>>) dst(%dma_wait3A_46 : memref<1024xf32, #tpu.memory_space<hbm>>)
    %scan3A_47 = arith.constant 0 : i32
    %scan3A_48 = arith.constant 0 : i32
    %scan3A_49 = arith.constant 32 : i32
    %scan3A_50 = arith.addi %scan3A_48, %scan3A_49 : i32
    %scan3A_51 = arith.constant 1 : i32
    scf.for %scan3A_105 = %scan3A_48 to %scan3A_50 step %scan3A_51  : i32 {
      %mul3A_106 = arith.constant 2 : i32
      %mul3A_107 = arith.muli %mul3A_106, %scan3A_105 : i32
      %add3A_108 = arith.constant 0 : i32
      %add3A_109 = arith.addi %mul3A_107, %add3A_108 : i32
      %mul3A_110 = arith.constant 16 : i32
      %mul3A_111 = arith.muli %add3A_109, %mul3A_110 : i32
      %add3A_112 = arith.constant 0 : i32
      %add3A_113 = arith.addi %add3A_112, %mul3A_111 : i32
      %get3A = arith.index_cast %add3A_113 : i32 to index
      %get3A_114 = tpu.vector_load %arg6[%get3A] {strides = array<i32>} : memref<10240xi32, #tpu.memory_space<vmem>>, vector<16xi32>,
      %gather3A = tpu.vector_load_idx %arg5[%get3A_114] : memref<100000xf32, #tpu.memory_space<vmem>>[vector<16xi32>], vector<16xf32>,
      %add3A_115 = arith.constant 1024 : i32
      %add3A_116 = arith.addi %add3A_115, %mul3A_111 : i32
      %get3A_117 = arith.index_cast %add3A_116 : i32 to index
      %get3A_118 = tpu.vector_load %arg6[%get3A_117] {strides = array<i32>} : memref<10240xi32, #tpu.memory_space<vmem>>, vector<16xi32>,
      %gather3A_119 = tpu.vector_load_idx %arg5[%get3A_118] : memref<100000xf32, #tpu.memory_space<vmem>>[vector<16xi32>], vector<16xf32>,
      %add3A_120 = arith.constant 2048 : i32
      %add3A_121 = arith.addi %add3A_120, %mul3A_111 : i32
      %get3A_122 = arith.index_cast %add3A_121 : i32 to index
      %get3A_123 = tpu.vector_load %arg6[%get3A_122] {strides = array<i32>} : memref<10240xi32, #tpu.memory_space<vmem>>, vector<16xi32>,
      %gather3A_124 = tpu.vector_load_idx %arg5[%get3A_123] : memref<100000xf32, #tpu.memory_space<vmem>>[vector<16xi32>], vector<16xf32>,
      %add3A_125 = arith.constant 3072 : i32
      %add3A_126 = arith.addi %add3A_125, %mul3A_111 : i32
      %get3A_127 = arith.index_cast %add3A_126 : i32 to index
      %get3A_128 = tpu.vector_load %arg6[%get3A_127] {strides = array<i32>} : memref<10240xi32, #tpu.memory_space<vmem>>, vector<16xi32>,
      %gather3A_129 = tpu.vector_load_idx %arg5[%get3A_128] : memref<100000xf32, #tpu.memory_space<vmem>>[vector<16xi32>], vector<16xf32>,
      %add3A_130 = arith.constant 4096 : i32
      %add3A_131 = arith.addi %add3A_130, %mul3A_111 : i32
      %get3A_132 = arith.index_cast %add3A_131 : i32 to index
      %get3A_133 = tpu.vector_load %arg6[%get3A_132] {strides = array<i32>} : memref<10240xi32, #tpu.memory_space<vmem>>, vector<16xi32>,
      %gather3A_134 = tpu.vector_load_idx %arg5[%get3A_133] : memref<100000xf32, #tpu.memory_space<vmem>>[vector<16xi32>], vector<16xf32>,
      %add3A_135 = arith.constant 5120 : i32
      %add3A_136 = arith.addi %add3A_135, %mul3A_111 : i32
      %get3A_137 = arith.index_cast %add3A_136 : i32 to index
      %get3A_138 = tpu.vector_load %arg6[%get3A_137] {strides = array<i32>} : memref<10240xi32, #tpu.memory_space<vmem>>, vector<16xi32>,
      %gather3A_139 = tpu.vector_load_idx %arg5[%get3A_138] : memref<100000xf32, #tpu.memory_space<vmem>>[vector<16xi32>], vector<16xf32>,
      %add3A_140 = arith.constant 6144 : i32
      %add3A_141 = arith.addi %add3A_140, %mul3A_111 : i32
      %get3A_142 = arith.index_cast %add3A_141 : i32 to index
      %get3A_143 = tpu.vector_load %arg6[%get3A_142] {strides = array<i32>} : memref<10240xi32, #tpu.memory_space<vmem>>, vector<16xi32>,
      %gather3A_144 = tpu.vector_load_idx %arg5[%get3A_143] : memref<100000xf32, #tpu.memory_space<vmem>>[vector<16xi32>], vector<16xf32>,
      %add3A_145 = arith.constant 7168 : i32
      %add3A_146 = arith.addi %add3A_145, %mul3A_111 : i32
      %get3A_147 = arith.index_cast %add3A_146 : i32 to index
      %get3A_148 = tpu.vector_load %arg6[%get3A_147] {strides = array<i32>} : memref<10240xi32, #tpu.memory_space<vmem>>, vector<16xi32>,
      %gather3A_149 = tpu.vector_load_idx %arg5[%get3A_148] : memref<100000xf32, #tpu.memory_space<vmem>>[vector<16xi32>], vector<16xf32>,
      %add3A_150 = arith.constant 8192 : i32
      %add3A_151 = arith.addi %add3A_150, %mul3A_111 : i32
      %get3A_152 = arith.index_cast %add3A_151 : i32 to index
      %get3A_153 = tpu.vector_load %arg6[%get3A_152] {strides = array<i32>} : memref<10240xi32, #tpu.memory_space<vmem>>, vector<16xi32>,
      %gather3A_154 = tpu.vector_load_idx %arg5[%get3A_153] : memref<100000xf32, #tpu.memory_space<vmem>>[vector<16xi32>], vector<16xf32>,
      %add3A_155 = arith.constant 9216 : i32
      %add3A_156 = arith.addi %add3A_155, %mul3A_111 : i32
      %get3A_157 = arith.index_cast %add3A_156 : i32 to index
      %get3A_158 = tpu.vector_load %arg6[%get3A_157] {strides = array<i32>} : memref<10240xi32, #tpu.memory_space<vmem>>, vector<16xi32>,
      %gather3A_159 = tpu.vector_load_idx %arg5[%get3A_158] : memref<100000xf32, #tpu.memory_space<vmem>>[vector<16xi32>], vector<16xf32>,
      %add3A_160 = arith.addf %gather3A, %gather3A_119 : vector<16xf32>
      %add3A_161 = arith.addf %gather3A_124, %gather3A_129 : vector<16xf32>
      %add3A_162 = arith.addf %gather3A_134, %gather3A_139 : vector<16xf32>
      %add3A_163 = arith.addf %gather3A_144, %gather3A_149 : vector<16xf32>
      %add3A_164 = arith.addf %gather3A_154, %gather3A_159 : vector<16xf32>
      %add3A_165 = arith.addf %add3A_160, %add3A_161 : vector<16xf32>
      %add3A_166 = arith.addf %add3A_162, %add3A_163 : vector<16xf32>
      %add3A_167 = arith.addf %add3A_165, %add3A_166 : vector<16xf32>
      %add3A_168 = arith.addf %add3A_167, %add3A_164 : vector<16xf32>
      %mul3A_169 = arith.constant 1.000000e-01 : f32
      %mul3A_170 = vector.broadcast %mul3A_169 : f32 to vector<16xf32>
      %mul3A_171 = arith.mulf %add3A_168, %mul3A_170 : vector<16xf32>
      %swap3A = arith.index_cast %mul3A_111 : i32 to index
      %swap3A_172 = tpu.vector_load %arg7[%swap3A] {strides = array<i32>} : memref<1024xf32, #tpu.memory_space<vmem>>, vector<16xf32>,
      tpu.vector_store %arg7[%swap3A], %mul3A_171 {strides = array<i32>} : memref<1024xf32, #tpu.memory_space<vmem>>, vector<16xf32>,
      %mul3A_173 = arith.constant 2 : i32
      %mul3A_174 = arith.muli %mul3A_173, %scan3A_105 : i32
      %add3A_175 = arith.constant 1 : i32
      %add3A_176 = arith.addi %mul3A_174, %add3A_175 : i32
      %mul3A_177 = arith.constant 16 : i32
      %mul3A_178 = arith.muli %add3A_176, %mul3A_177 : i32
      %add3A_179 = arith.constant 0 : i32
      %add3A_180 = arith.addi %add3A_179, %mul3A_178 : i32
      %get3A_181 = arith.index_cast %add3A_180 : i32 to index
      %get3A_182 = tpu.vector_load %arg6[%get3A_181] {strides = array<i32>} : memref<10240xi32, #tpu.memory_space<vmem>>, vector<16xi32>,
      %gather3A_183 = tpu.vector_load_idx %arg5[%get3A_182] : memref<100000xf32, #tpu.memory_space<vmem>>[vector<16xi32>], vector<16xf32>,
      %add3A_184 = arith.constant 1024 : i32
      %add3A_185 = arith.addi %add3A_184, %mul3A_178 : i32
      %get3A_186 = arith.index_cast %add3A_185 : i32 to index
      %get3A_187 = tpu.vector_load %arg6[%get3A_186] {strides = array<i32>} : memref<10240xi32, #tpu.memory_space<vmem>>, vector<16xi32>,
      %gather3A_188 = tpu.vector_load_idx %arg5[%get3A_187] : memref<100000xf32, #tpu.memory_space<vmem>>[vector<16xi32>], vector<16xf32>,
      %add3A_189 = arith.constant 2048 : i32
      %add3A_190 = arith.addi %add3A_189, %mul3A_178 : i32
      %get3A_191 = arith.index_cast %add3A_190 : i32 to index
      %get3A_192 = tpu.vector_load %arg6[%get3A_191] {strides = array<i32>} : memref<10240xi32, #tpu.memory_space<vmem>>, vector<16xi32>,
      %gather3A_193 = tpu.vector_load_idx %arg5[%get3A_192] : memref<100000xf32, #tpu.memory_space<vmem>>[vector<16xi32>], vector<16xf32>,
      %add3A_194 = arith.constant 3072 : i32
      %add3A_195 = arith.addi %add3A_194, %mul3A_178 : i32
      %get3A_196 = arith.index_cast %add3A_195 : i32 to index
      %get3A_197 = tpu.vector_load %arg6[%get3A_196] {strides = array<i32>} : memref<10240xi32, #tpu.memory_space<vmem>>, vector<16xi32>,
      %gather3A_198 = tpu.vector_load_idx %arg5[%get3A_197] : memref<100000xf32, #tpu.memory_space<vmem>>[vector<16xi32>], vector<16xf32>,
      %add3A_199 = arith.constant 4096 : i32
      %add3A_200 = arith.addi %add3A_199, %mul3A_178 : i32
      %get3A_201 = arith.index_cast %add3A_200 : i32 to index
      %get3A_202 = tpu.vector_load %arg6[%get3A_201] {strides = array<i32>} : memref<10240xi32, #tpu.memory_space<vmem>>, vector<16xi32>,
      %gather3A_203 = tpu.vector_load_idx %arg5[%get3A_202] : memref<100000xf32, #tpu.memory_space<vmem>>[vector<16xi32>], vector<16xf32>,
      %add3A_204 = arith.constant 5120 : i32
      %add3A_205 = arith.addi %add3A_204, %mul3A_178 : i32
      %get3A_206 = arith.index_cast %add3A_205 : i32 to index
      %get3A_207 = tpu.vector_load %arg6[%get3A_206] {strides = array<i32>} : memref<10240xi32, #tpu.memory_space<vmem>>, vector<16xi32>,
      %gather3A_208 = tpu.vector_load_idx %arg5[%get3A_207] : memref<100000xf32, #tpu.memory_space<vmem>>[vector<16xi32>], vector<16xf32>,
      %add3A_209 = arith.constant 6144 : i32
      %add3A_210 = arith.addi %add3A_209, %mul3A_178 : i32
      %get3A_211 = arith.index_cast %add3A_210 : i32 to index
      %get3A_212 = tpu.vector_load %arg6[%get3A_211] {strides = array<i32>} : memref<10240xi32, #tpu.memory_space<vmem>>, vector<16xi32>,
      %gather3A_213 = tpu.vector_load_idx %arg5[%get3A_212] : memref<100000xf32, #tpu.memory_space<vmem>>[vector<16xi32>], vector<16xf32>,
      %add3A_214 = arith.constant 7168 : i32
      %add3A_215 = arith.addi %add3A_214, %mul3A_178 : i32
      %get3A_216 = arith.index_cast %add3A_215 : i32 to index
      %get3A_217 = tpu.vector_load %arg6[%get3A_216] {strides = array<i32>} : memref<10240xi32, #tpu.memory_space<vmem>>, vector<16xi32>,
      %gather3A_218 = tpu.vector_load_idx %arg5[%get3A_217] : memref<100000xf32, #tpu.memory_space<vmem>>[vector<16xi32>], vector<16xf32>,
      %add3A_219 = arith.constant 8192 : i32
      %add3A_220 = arith.addi %add3A_219, %mul3A_178 : i32
      %get3A_221 = arith.index_cast %add3A_220 : i32 to index
      %get3A_222 = tpu.vector_load %arg6[%get3A_221] {strides = array<i32>} : memref<10240xi32, #tpu.memory_space<vmem>>, vector<16xi32>,
      %gather3A_223 = tpu.vector_load_idx %arg5[%get3A_222] : memref<100000xf32, #tpu.memory_space<vmem>>[vector<16xi32>], vector<16xf32>,
      %add3A_224 = arith.constant 9216 : i32
      %add3A_225 = arith.addi %add3A_224, %mul3A_178 : i32
      %get3A_226 = arith.index_cast %add3A_225 : i32 to index
      %get3A_227 = tpu.vector_load %arg6[%get3A_226] {strides = array<i32>} : memref<10240xi32, #tpu.memory_space<vmem>>, vector<16xi32>,
      %gather3A_228 = tpu.vector_load_idx %arg5[%get3A_227] : memref<100000xf32, #tpu.memory_space<vmem>>[vector<16xi32>], vector<16xf32>,
      %add3A_229 = arith.addf %gather3A_183, %gather3A_188 : vector<16xf32>
      %add3A_230 = arith.addf %gather3A_193, %gather3A_198 : vector<16xf32>
      %add3A_231 = arith.addf %gather3A_203, %gather3A_208 : vector<16xf32>
      %add3A_232 = arith.addf %gather3A_213, %gather3A_218 : vector<16xf32>
      %add3A_233 = arith.addf %gather3A_223, %gather3A_228 : vector<16xf32>
      %add3A_234 = arith.addf %add3A_229, %add3A_230 : vector<16xf32>
      %add3A_235 = arith.addf %add3A_231, %add3A_232 : vector<16xf32>
      %add3A_236 = arith.addf %add3A_234, %add3A_235 : vector<16xf32>
      %add3A_237 = arith.addf %add3A_236, %add3A_233 : vector<16xf32>
      %mul3A_238 = arith.constant 1.000000e-01 : f32
      %mul3A_239 = vector.broadcast %mul3A_238 : f32 to vector<16xf32>
      %mul3A_240 = arith.mulf %add3A_237, %mul3A_239 : vector<16xf32>
      %swap3A_241 = arith.index_cast %mul3A_178 : i32 to index
      %swap3A_242 = tpu.vector_load %arg7[%swap3A_241] {strides = array<i32>} : memref<1024xf32, #tpu.memory_space<vmem>>, vector<16xf32>,
      tpu.vector_store %arg7[%swap3A_241], %mul3A_240 {strides = array<i32>} : memref<1024xf32, #tpu.memory_space<vmem>>, vector<16xf32>,
    }
    %scan3A_52 = arith.constant 32 : i32
    %dma_start3A_53 = arith.constant 0 : i32
    %dma_start3A_54 = tpu.memref_slice %arg4[%add3A_38, %dma_start3A_53] : memref<128x1024xf32, #tpu.memory_space<hbm>> -> memref<1x1024xf32, #tpu.memory_space<hbm>>
    %dma_start3A_55 = tpu.memref_squeeze %dma_start3A_54 : memref<1x1024xf32, #tpu.memory_space<hbm>> -> memref<1024xf32, #tpu.memory_space<hbm>>
    %dma_start3A_56 = arith.constant 0 : i32
    %dma_start3A_57 = tpu.memref_slice %arg4[%add3A_38, %dma_start3A_56] : memref<128x1024xf32, #tpu.memory_space<hbm>> -> memref<1x1024xf32, #tpu.memory_space<hbm>>
    %dma_start3A_58 = tpu.memref_squeeze %dma_start3A_57 : memref<1x1024xf32, #tpu.memory_space<hbm>> -> memref<1024xf32, #tpu.memory_space<hbm>>
    tpu.enqueue_dma source(%arg7 : memref<1024xf32, #tpu.memory_space<vmem>>) target(%dma_start3A_58 : memref<1024xf32, #tpu.memory_space<hbm>>) target_semaphore(%arg9 : memref<!tpu.dma_semaphore, #tpu.memory_space<semaphore_mem>>)
    %mul3A_59 = arith.constant 4 : i32
    %mul3A_60 = arith.muli %add3A, %mul3A_59 : i32
    %add3A_61 = arith.constant 3 : i32
    %add3A_62 = arith.addi %mul3A_60, %add3A_61 : i32
    %mul3A_63 = arith.constant 100000 : i32
    %mul3A_64 = arith.muli %add3A_62, %mul3A_63 : i32
    "tpu.region"() ({
      %run_scoped3A = tpu.sem_alloc : memref<!tpu.dma_semaphore, #tpu.memory_space<semaphore_mem>>
      %dma_start3A_105 = tpu.memref_slice %arg2[%mul3A_64] : memref<12800000xf32, #tpu.memory_space<hbm>> -> memref<100000xf32, #tpu.memory_space<hbm>>
      %dma_start3A_106 = tpu.memref_slice %arg2[%mul3A_64] : memref<12800000xf32, #tpu.memory_space<hbm>> -> memref<100000xf32, #tpu.memory_space<hbm>>
      tpu.enqueue_dma source(%dma_start3A_106 : memref<100000xf32, #tpu.memory_space<hbm>>) target(%arg5 : memref<100000xf32, #tpu.memory_space<vmem>>) target_semaphore(%run_scoped3A : memref<!tpu.dma_semaphore, #tpu.memory_space<semaphore_mem>>)
      %dma_wait3A_107 = tpu.memref_slice %arg2[%mul3A_64] : memref<12800000xf32, #tpu.memory_space<hbm>> -> memref<100000xf32, #tpu.memory_space<hbm>>
      %dma_wait3A_108 = tpu.memref_slice %arg2[%mul3A_64] : memref<12800000xf32, #tpu.memory_space<hbm>> -> memref<100000xf32, #tpu.memory_space<hbm>>
      tpu.wait_dma2 semaphore(%run_scoped3A : memref<!tpu.dma_semaphore, #tpu.memory_space<semaphore_mem>>) src(%dma_wait3A_108 : memref<100000xf32, #tpu.memory_space<hbm>>) dst(%arg5 : memref<100000xf32, #tpu.memory_space<vmem>>)
      tpu.yield
    }) : () -> ()
    %sub3A_65 = arith.constant 2 : i32
    %sub3A_66 = arith.subi %add3A_62, %sub3A_65 : i32
    %dma_wait3A_67 = arith.constant 0 : i32
    %dma_wait3A_68 = tpu.memref_slice %arg4[%sub3A_66, %dma_wait3A_67] : memref<128x1024xf32, #tpu.memory_space<hbm>> -> memref<1x1024xf32, #tpu.memory_space<hbm>>
    %dma_wait3A_69 = tpu.memref_squeeze %dma_wait3A_68 : memref<1x1024xf32, #tpu.memory_space<hbm>> -> memref<1024xf32, #tpu.memory_space<hbm>>
    %dma_wait3A_70 = arith.constant 0 : i32
    %dma_wait3A_71 = tpu.memref_slice %arg4[%sub3A_66, %dma_wait3A_70] : memref<128x1024xf32, #tpu.memory_space<hbm>> -> memref<1x1024xf32, #tpu.memory_space<hbm>>
    %dma_wait3A_72 = tpu.memref_squeeze %dma_wait3A_71 : memref<1x1024xf32, #tpu.memory_space<hbm>> -> memref<1024xf32, #tpu.memory_space<hbm>>
    tpu.wait_dma2 semaphore(%arg10 : memref<!tpu.dma_semaphore, #tpu.memory_space<semaphore_mem>>) src(%arg8 : memref<1024xf32, #tpu.memory_space<vmem>>) dst(%dma_wait3A_72 : memref<1024xf32, #tpu.memory_space<hbm>>)
    %scan3A_73 = arith.constant 0 : i32
    %scan3A_74 = arith.constant 0 : i32
    %scan3A_75 = arith.constant 32 : i32
    %scan3A_76 = arith.addi %scan3A_74, %scan3A_75 : i32
    %scan3A_77 = arith.constant 1 : i32
    scf.for %scan3A_105 = %scan3A_74 to %scan3A_76 step %scan3A_77  : i32 {
      %mul3A_106 = arith.constant 2 : i32
      %mul3A_107 = arith.muli %mul3A_106, %scan3A_105 : i32
      %add3A_108 = arith.constant 0 : i32
      %add3A_109 = arith.addi %mul3A_107, %add3A_108 : i32
      %mul3A_110 = arith.constant 16 : i32
      %mul3A_111 = arith.muli %add3A_109, %mul3A_110 : i32
      %add3A_112 = arith.constant 0 : i32
      %add3A_113 = arith.addi %add3A_112, %mul3A_111 : i32
      %get3A = arith.index_cast %add3A_113 : i32 to index
      %get3A_114 = tpu.vector_load %arg6[%get3A] {strides = array<i32>} : memref<10240xi32, #tpu.memory_space<vmem>>, vector<16xi32>,
      %gather3A = tpu.vector_load_idx %arg5[%get3A_114] : memref<100000xf32, #tpu.memory_space<vmem>>[vector<16xi32>], vector<16xf32>,
      %add3A_115 = arith.constant 1024 : i32
      %add3A_116 = arith.addi %add3A_115, %mul3A_111 : i32
      %get3A_117 = arith.index_cast %add3A_116 : i32 to index
      %get3A_118 = tpu.vector_load %arg6[%get3A_117] {strides = array<i32>} : memref<10240xi32, #tpu.memory_space<vmem>>, vector<16xi32>,
      %gather3A_119 = tpu.vector_load_idx %arg5[%get3A_118] : memref<100000xf32, #tpu.memory_space<vmem>>[vector<16xi32>], vector<16xf32>,
      %add3A_120 = arith.constant 2048 : i32
      %add3A_121 = arith.addi %add3A_120, %mul3A_111 : i32
      %get3A_122 = arith.index_cast %add3A_121 : i32 to index
      %get3A_123 = tpu.vector_load %arg6[%get3A_122] {strides = array<i32>} : memref<10240xi32, #tpu.memory_space<vmem>>, vector<16xi32>,
      %gather3A_124 = tpu.vector_load_idx %arg5[%get3A_123] : memref<100000xf32, #tpu.memory_space<vmem>>[vector<16xi32>], vector<16xf32>,
      %add3A_125 = arith.constant 3072 : i32
      %add3A_126 = arith.addi %add3A_125, %mul3A_111 : i32
      %get3A_127 = arith.index_cast %add3A_126 : i32 to index
      %get3A_128 = tpu.vector_load %arg6[%get3A_127] {strides = array<i32>} : memref<10240xi32, #tpu.memory_space<vmem>>, vector<16xi32>,
      %gather3A_129 = tpu.vector_load_idx %arg5[%get3A_128] : memref<100000xf32, #tpu.memory_space<vmem>>[vector<16xi32>], vector<16xf32>,
      %add3A_130 = arith.constant 4096 : i32
      %add3A_131 = arith.addi %add3A_130, %mul3A_111 : i32
      %get3A_132 = arith.index_cast %add3A_131 : i32 to index
      %get3A_133 = tpu.vector_load %arg6[%get3A_132] {strides = array<i32>} : memref<10240xi32, #tpu.memory_space<vmem>>, vector<16xi32>,
      %gather3A_134 = tpu.vector_load_idx %arg5[%get3A_133] : memref<100000xf32, #tpu.memory_space<vmem>>[vector<16xi32>], vector<16xf32>,
      %add3A_135 = arith.constant 5120 : i32
      %add3A_136 = arith.addi %add3A_135, %mul3A_111 : i32
      %get3A_137 = arith.index_cast %add3A_136 : i32 to index
      %get3A_138 = tpu.vector_load %arg6[%get3A_137] {strides = array<i32>} : memref<10240xi32, #tpu.memory_space<vmem>>, vector<16xi32>,
      %gather3A_139 = tpu.vector_load_idx %arg5[%get3A_138] : memref<100000xf32, #tpu.memory_space<vmem>>[vector<16xi32>], vector<16xf32>,
      %add3A_140 = arith.constant 6144 : i32
      %add3A_141 = arith.addi %add3A_140, %mul3A_111 : i32
      %get3A_142 = arith.index_cast %add3A_141 : i32 to index
      %get3A_143 = tpu.vector_load %arg6[%get3A_142] {strides = array<i32>} : memref<10240xi32, #tpu.memory_space<vmem>>, vector<16xi32>,
      %gather3A_144 = tpu.vector_load_idx %arg5[%get3A_143] : memref<100000xf32, #tpu.memory_space<vmem>>[vector<16xi32>], vector<16xf32>,
      %add3A_145 = arith.constant 7168 : i32
      %add3A_146 = arith.addi %add3A_145, %mul3A_111 : i32
      %get3A_147 = arith.index_cast %add3A_146 : i32 to index
      %get3A_148 = tpu.vector_load %arg6[%get3A_147] {strides = array<i32>} : memref<10240xi32, #tpu.memory_space<vmem>>, vector<16xi32>,
      %gather3A_149 = tpu.vector_load_idx %arg5[%get3A_148] : memref<100000xf32, #tpu.memory_space<vmem>>[vector<16xi32>], vector<16xf32>,
      %add3A_150 = arith.constant 8192 : i32
      %add3A_151 = arith.addi %add3A_150, %mul3A_111 : i32
      %get3A_152 = arith.index_cast %add3A_151 : i32 to index
      %get3A_153 = tpu.vector_load %arg6[%get3A_152] {strides = array<i32>} : memref<10240xi32, #tpu.memory_space<vmem>>, vector<16xi32>,
      %gather3A_154 = tpu.vector_load_idx %arg5[%get3A_153] : memref<100000xf32, #tpu.memory_space<vmem>>[vector<16xi32>], vector<16xf32>,
      %add3A_155 = arith.constant 9216 : i32
      %add3A_156 = arith.addi %add3A_155, %mul3A_111 : i32
      %get3A_157 = arith.index_cast %add3A_156 : i32 to index
      %get3A_158 = tpu.vector_load %arg6[%get3A_157] {strides = array<i32>} : memref<10240xi32, #tpu.memory_space<vmem>>, vector<16xi32>,
      %gather3A_159 = tpu.vector_load_idx %arg5[%get3A_158] : memref<100000xf32, #tpu.memory_space<vmem>>[vector<16xi32>], vector<16xf32>,
      %add3A_160 = arith.addf %gather3A, %gather3A_119 : vector<16xf32>
      %add3A_161 = arith.addf %gather3A_124, %gather3A_129 : vector<16xf32>
      %add3A_162 = arith.addf %gather3A_134, %gather3A_139 : vector<16xf32>
      %add3A_163 = arith.addf %gather3A_144, %gather3A_149 : vector<16xf32>
      %add3A_164 = arith.addf %gather3A_154, %gather3A_159 : vector<16xf32>
      %add3A_165 = arith.addf %add3A_160, %add3A_161 : vector<16xf32>
      %add3A_166 = arith.addf %add3A_162, %add3A_163 : vector<16xf32>
      %add3A_167 = arith.addf %add3A_165, %add3A_166 : vector<16xf32>
      %add3A_168 = arith.addf %add3A_167, %add3A_164 : vector<16xf32>
      %mul3A_169 = arith.constant 1.000000e-01 : f32
      %mul3A_170 = vector.broadcast %mul3A_169 : f32 to vector<16xf32>
      %mul3A_171 = arith.mulf %add3A_168, %mul3A_170 : vector<16xf32>
      %swap3A = arith.index_cast %mul3A_111 : i32 to index
      %swap3A_172 = tpu.vector_load %arg8[%swap3A] {strides = array<i32>} : memref<1024xf32, #tpu.memory_space<vmem>>, vector<16xf32>,
      tpu.vector_store %arg8[%swap3A], %mul3A_171 {strides = array<i32>} : memref<1024xf32, #tpu.memory_space<vmem>>, vector<16xf32>,
      %mul3A_173 = arith.constant 2 : i32
      %mul3A_174 = arith.muli %mul3A_173, %scan3A_105 : i32
      %add3A_175 = arith.constant 1 : i32
      %add3A_176 = arith.addi %mul3A_174, %add3A_175 : i32
      %mul3A_177 = arith.constant 16 : i32
      %mul3A_178 = arith.muli %add3A_176, %mul3A_177 : i32
      %add3A_179 = arith.constant 0 : i32
      %add3A_180 = arith.addi %add3A_179, %mul3A_178 : i32
      %get3A_181 = arith.index_cast %add3A_180 : i32 to index
      %get3A_182 = tpu.vector_load %arg6[%get3A_181] {strides = array<i32>} : memref<10240xi32, #tpu.memory_space<vmem>>, vector<16xi32>,
      %gather3A_183 = tpu.vector_load_idx %arg5[%get3A_182] : memref<100000xf32, #tpu.memory_space<vmem>>[vector<16xi32>], vector<16xf32>,
      %add3A_184 = arith.constant 1024 : i32
      %add3A_185 = arith.addi %add3A_184, %mul3A_178 : i32
      %get3A_186 = arith.index_cast %add3A_185 : i32 to index
      %get3A_187 = tpu.vector_load %arg6[%get3A_186] {strides = array<i32>} : memref<10240xi32, #tpu.memory_space<vmem>>, vector<16xi32>,
      %gather3A_188 = tpu.vector_load_idx %arg5[%get3A_187] : memref<100000xf32, #tpu.memory_space<vmem>>[vector<16xi32>], vector<16xf32>,
      %add3A_189 = arith.constant 2048 : i32
      %add3A_190 = arith.addi %add3A_189, %mul3A_178 : i32
      %get3A_191 = arith.index_cast %add3A_190 : i32 to index
      %get3A_192 = tpu.vector_load %arg6[%get3A_191] {strides = array<i32>} : memref<10240xi32, #tpu.memory_space<vmem>>, vector<16xi32>,
      %gather3A_193 = tpu.vector_load_idx %arg5[%get3A_192] : memref<100000xf32, #tpu.memory_space<vmem>>[vector<16xi32>], vector<16xf32>,
      %add3A_194 = arith.constant 3072 : i32
      %add3A_195 = arith.addi %add3A_194, %mul3A_178 : i32
      %get3A_196 = arith.index_cast %add3A_195 : i32 to index
      %get3A_197 = tpu.vector_load %arg6[%get3A_196] {strides = array<i32>} : memref<10240xi32, #tpu.memory_space<vmem>>, vector<16xi32>,
      %gather3A_198 = tpu.vector_load_idx %arg5[%get3A_197] : memref<100000xf32, #tpu.memory_space<vmem>>[vector<16xi32>], vector<16xf32>,
      %add3A_199 = arith.constant 4096 : i32
      %add3A_200 = arith.addi %add3A_199, %mul3A_178 : i32
      %get3A_201 = arith.index_cast %add3A_200 : i32 to index
      %get3A_202 = tpu.vector_load %arg6[%get3A_201] {strides = array<i32>} : memref<10240xi32, #tpu.memory_space<vmem>>, vector<16xi32>,
      %gather3A_203 = tpu.vector_load_idx %arg5[%get3A_202] : memref<100000xf32, #tpu.memory_space<vmem>>[vector<16xi32>], vector<16xf32>,
      %add3A_204 = arith.constant 5120 : i32
      %add3A_205 = arith.addi %add3A_204, %mul3A_178 : i32
      %get3A_206 = arith.index_cast %add3A_205 : i32 to index
      %get3A_207 = tpu.vector_load %arg6[%get3A_206] {strides = array<i32>} : memref<10240xi32, #tpu.memory_space<vmem>>, vector<16xi32>,
      %gather3A_208 = tpu.vector_load_idx %arg5[%get3A_207] : memref<100000xf32, #tpu.memory_space<vmem>>[vector<16xi32>], vector<16xf32>,
      %add3A_209 = arith.constant 6144 : i32
      %add3A_210 = arith.addi %add3A_209, %mul3A_178 : i32
      %get3A_211 = arith.index_cast %add3A_210 : i32 to index
      %get3A_212 = tpu.vector_load %arg6[%get3A_211] {strides = array<i32>} : memref<10240xi32, #tpu.memory_space<vmem>>, vector<16xi32>,
      %gather3A_213 = tpu.vector_load_idx %arg5[%get3A_212] : memref<100000xf32, #tpu.memory_space<vmem>>[vector<16xi32>], vector<16xf32>,
      %add3A_214 = arith.constant 7168 : i32
      %add3A_215 = arith.addi %add3A_214, %mul3A_178 : i32
      %get3A_216 = arith.index_cast %add3A_215 : i32 to index
      %get3A_217 = tpu.vector_load %arg6[%get3A_216] {strides = array<i32>} : memref<10240xi32, #tpu.memory_space<vmem>>, vector<16xi32>,
      %gather3A_218 = tpu.vector_load_idx %arg5[%get3A_217] : memref<100000xf32, #tpu.memory_space<vmem>>[vector<16xi32>], vector<16xf32>,
      %add3A_219 = arith.constant 8192 : i32
      %add3A_220 = arith.addi %add3A_219, %mul3A_178 : i32
      %get3A_221 = arith.index_cast %add3A_220 : i32 to index
      %get3A_222 = tpu.vector_load %arg6[%get3A_221] {strides = array<i32>} : memref<10240xi32, #tpu.memory_space<vmem>>, vector<16xi32>,
      %gather3A_223 = tpu.vector_load_idx %arg5[%get3A_222] : memref<100000xf32, #tpu.memory_space<vmem>>[vector<16xi32>], vector<16xf32>,
      %add3A_224 = arith.constant 9216 : i32
      %add3A_225 = arith.addi %add3A_224, %mul3A_178 : i32
      %get3A_226 = arith.index_cast %add3A_225 : i32 to index
      %get3A_227 = tpu.vector_load %arg6[%get3A_226] {strides = array<i32>} : memref<10240xi32, #tpu.memory_space<vmem>>, vector<16xi32>,
      %gather3A_228 = tpu.vector_load_idx %arg5[%get3A_227] : memref<100000xf32, #tpu.memory_space<vmem>>[vector<16xi32>], vector<16xf32>,
      %add3A_229 = arith.addf %gather3A_183, %gather3A_188 : vector<16xf32>
      %add3A_230 = arith.addf %gather3A_193, %gather3A_198 : vector<16xf32>
      %add3A_231 = arith.addf %gather3A_203, %gather3A_208 : vector<16xf32>
      %add3A_232 = arith.addf %gather3A_213, %gather3A_218 : vector<16xf32>
      %add3A_233 = arith.addf %gather3A_223, %gather3A_228 : vector<16xf32>
      %add3A_234 = arith.addf %add3A_229, %add3A_230 : vector<16xf32>
      %add3A_235 = arith.addf %add3A_231, %add3A_232 : vector<16xf32>
      %add3A_236 = arith.addf %add3A_234, %add3A_235 : vector<16xf32>
      %add3A_237 = arith.addf %add3A_236, %add3A_233 : vector<16xf32>
      %mul3A_238 = arith.constant 1.000000e-01 : f32
      %mul3A_239 = vector.broadcast %mul3A_238 : f32 to vector<16xf32>
      %mul3A_240 = arith.mulf %add3A_237, %mul3A_239 : vector<16xf32>
      %swap3A_241 = arith.index_cast %mul3A_178 : i32 to index
      %swap3A_242 = tpu.vector_load %arg8[%swap3A_241] {strides = array<i32>} : memref<1024xf32, #tpu.memory_space<vmem>>, vector<16xf32>,
      tpu.vector_store %arg8[%swap3A_241], %mul3A_240 {strides = array<i32>} : memref<1024xf32, #tpu.memory_space<vmem>>, vector<16xf32>,
    }
    %scan3A_78 = arith.constant 32 : i32
    %dma_start3A_79 = arith.constant 0 : i32
    %dma_start3A_80 = tpu.memref_slice %arg4[%add3A_62, %dma_start3A_79] : memref<128x1024xf32, #tpu.memory_space<hbm>> -> memref<1x1024xf32, #tpu.memory_space<hbm>>
    %dma_start3A_81 = tpu.memref_squeeze %dma_start3A_80 : memref<1x1024xf32, #tpu.memory_space<hbm>> -> memref<1024xf32, #tpu.memory_space<hbm>>
    %dma_start3A_82 = arith.constant 0 : i32
    %dma_start3A_83 = tpu.memref_slice %arg4[%add3A_62, %dma_start3A_82] : memref<128x1024xf32, #tpu.memory_space<hbm>> -> memref<1x1024xf32, #tpu.memory_space<hbm>>
    %dma_start3A_84 = tpu.memref_squeeze %dma_start3A_83 : memref<1x1024xf32, #tpu.memory_space<hbm>> -> memref<1024xf32, #tpu.memory_space<hbm>>
    tpu.enqueue_dma source(%arg8 : memref<1024xf32, #tpu.memory_space<vmem>>) target(%dma_start3A_84 : memref<1024xf32, #tpu.memory_space<hbm>>) target_semaphore(%arg10 : memref<!tpu.dma_semaphore, #tpu.memory_space<semaphore_mem>>)
    %mul3A_85 = arith.constant 4 : i32
    %mul3A_86 = arith.muli %add3A, %mul3A_85 : i32
    %add3A_87 = arith.constant 2 : i32
    %add3A_88 = arith.addi %mul3A_86, %add3A_87 : i32
    %dma_wait3A_89 = arith.constant 0 : i32
    %dma_wait3A_90 = tpu.memref_slice %arg4[%add3A_88, %dma_wait3A_89] : memref<128x1024xf32, #tpu.memory_space<hbm>> -> memref<1x1024xf32, #tpu.memory_space<hbm>>
    %dma_wait3A_91 = tpu.memref_squeeze %dma_wait3A_90 : memref<1x1024xf32, #tpu.memory_space<hbm>> -> memref<1024xf32, #tpu.memory_space<hbm>>
    %dma_wait3A_92 = arith.constant 0 : i32
    %dma_wait3A_93 = tpu.memref_slice %arg4[%add3A_88, %dma_wait3A_92] : memref<128x1024xf32, #tpu.memory_space<hbm>> -> memref<1x1024xf32, #tpu.memory_space<hbm>>
    %dma_wait3A_94 = tpu.memref_squeeze %dma_wait3A_93 : memref<1x1024xf32, #tpu.memory_space<hbm>> -> memref<1024xf32, #tpu.memory_space<hbm>>
    tpu.wait_dma2 semaphore(%arg9 : memref<!tpu.dma_semaphore, #tpu.memory_space<semaphore_mem>>) src(%arg7 : memref<1024xf32, #tpu.memory_space<vmem>>) dst(%dma_wait3A_94 : memref<1024xf32, #tpu.memory_space<hbm>>)
    %mul3A_95 = arith.constant 4 : i32
    %mul3A_96 = arith.muli %add3A, %mul3A_95 : i32
    %add3A_97 = arith.constant 3 : i32
    %add3A_98 = arith.addi %mul3A_96, %add3A_97 : i32
    %dma_wait3A_99 = arith.constant 0 : i32
    %dma_wait3A_100 = tpu.memref_slice %arg4[%add3A_98, %dma_wait3A_99] : memref<128x1024xf32, #tpu.memory_space<hbm>> -> memref<1x1024xf32, #tpu.memory_space<hbm>>
    %dma_wait3A_101 = tpu.memref_squeeze %dma_wait3A_100 : memref<1x1024xf32, #tpu.memory_space<hbm>> -> memref<1024xf32, #tpu.memory_space<hbm>>
    %dma_wait3A_102 = arith.constant 0 : i32
    %dma_wait3A_103 = tpu.memref_slice %arg4[%add3A_98, %dma_wait3A_102] : memref<128x1024xf32, #tpu.memory_space<hbm>> -> memref<1x1024xf32, #tpu.memory_space<hbm>>
    %dma_wait3A_104 = tpu.memref_squeeze %dma_wait3A_103 : memref<1x1024xf32, #tpu.memory_space<hbm>> -> memref<1024xf32, #tpu.memory_space<hbm>>
    tpu.wait_dma2 semaphore(%arg10 : memref<!tpu.dma_semaphore, #tpu.memory_space<semaphore_mem>>) src(%arg8 : memref<1024xf32, #tpu.memory_space<vmem>>) dst(%dma_wait3A_104 : memref<1024xf32, #tpu.memory_space<hbm>>)
    return
  }
}

module attributes {stable_mosaic.version = 14 : i64} {
  func.func @_ssq_body(%arg0: i32, %arg1: memref<32x100000xf32, #tpu.memory_space<vmem>>, %arg2: memref<1x1xf32, #tpu.memory_space<vmem>>, %arg3: memref<1x1xf32, #tpu.memory_space<smem>>) attributes {dimension_semantics = [#tpu.dimension_semantics<arbitrary>], iteration_bounds = array<i64: 4>, scalar_prefetch = 0 : i64, scratch_operands = 1 : i64, tpu.core_type = #tpu.core_type<tc>, window_params = [{transform_indices = @transform_0, window_bounds = array<i64: 32, 100000>}, {pipeline_mode = #tpu.pipeline_mode<synchronous>, transform_indices = @transform_1, window_bounds = array<i64: 1, 1>}]} {
    %eq3A = arith.constant 0 : i32
    %eq3A_0 = arith.cmpi eq, %arg0, %eq3A : i32
    %convert_element_type3A = arith.extui %eq3A_0 : i1 to i32
    %cond3A = arith.constant 0 : i32
    %cond3A_1 = arith.cmpi ne, %convert_element_type3A, %cond3A : i32
    scf.if %cond3A_1 {
      %swap3A_18 = arith.constant 0.000000e+00 : f32
      %swap3A_19 = arith.constant 0 : index
      %swap3A_20 = arith.constant 0 : index
      %swap3A_21 = memref.load %arg3[%swap3A_19, %swap3A_20] : memref<1x1xf32, #tpu.memory_space<smem>>
      memref.store %swap3A_18, %arg3[%swap3A_19, %swap3A_20] : memref<1x1xf32, #tpu.memory_space<smem>>
    } else {
    }
    %get3A = arith.constant 0 : index
    %get3A_2 = arith.constant 0 : index
    %get3A_3 = vector.load %arg1[%get3A, %get3A_2] : memref<32x100000xf32, #tpu.memory_space<vmem>>, vector<32x100000xf32>
    %get3A_4 = arith.constant 0 : index
    %get3A_5 = arith.constant 0 : index
    %get3A_6 = memref.load %arg3[%get3A_4, %get3A_5] : memref<1x1xf32, #tpu.memory_space<smem>>
    %mul3A = arith.mulf %get3A_3, %get3A_3 : vector<32x100000xf32>
    %reduce_sum3A = vector.shape_cast %mul3A : vector<32x100000xf32> to vector<1x32x100000xf32>
    %reduce_sum3A_7 = arith.constant dense<0.000000e+00> : vector<1xf32>
    %reduce_sum3A_8 = vector.multi_reduction <add>, %reduce_sum3A, %reduce_sum3A_7 [1, 2] : vector<1x32x100000xf32> to vector<1xf32>
    %reduce_sum3A_9 = vector.shape_cast %reduce_sum3A_8 : vector<1xf32> to vector<1x1x1xf32>
    %reduce_sum3A_10 = vector.extract %reduce_sum3A_9[0, 0, 0] : f32 from vector<1x1x1xf32>
    %add3A = arith.addf %get3A_6, %reduce_sum3A_10 : f32
    %swap3A = arith.constant 0 : index
    %swap3A_11 = arith.constant 0 : index
    %swap3A_12 = memref.load %arg3[%swap3A, %swap3A_11] : memref<1x1xf32, #tpu.memory_space<smem>>
    memref.store %add3A, %arg3[%swap3A, %swap3A_11] : memref<1x1xf32, #tpu.memory_space<smem>>
    %eq3A_13 = arith.constant 3 : i32
    %eq3A_14 = arith.cmpi eq, %arg0, %eq3A_13 : i32
    %convert_element_type3A_15 = arith.extui %eq3A_14 : i1 to i32
    %cond3A_16 = arith.constant 0 : i32
    %cond3A_17 = arith.cmpi ne, %convert_element_type3A_15, %cond3A_16 : i32
    scf.if %cond3A_17 {
      %get3A_18 = arith.constant 0 : index
      %get3A_19 = arith.constant 0 : index
      %get3A_20 = memref.load %arg3[%get3A_18, %get3A_19] : memref<1x1xf32, #tpu.memory_space<smem>>
      %broadcast_in_dim3A = vector.broadcast %get3A_20 : f32 to vector<1x1xf32>
      %swap3A_21 = arith.constant 0 : index
      %swap3A_22 = arith.constant 0 : index
      %swap3A_23 = vector.load %arg2[%swap3A_21, %swap3A_22] : memref<1x1xf32, #tpu.memory_space<vmem>>, vector<1x1xf32>
      tpu.vector_store %arg2[%swap3A_21, %swap3A_22], %broadcast_in_dim3A {strides = array<i32>} : memref<1x1xf32, #tpu.memory_space<vmem>>, vector<1x1xf32>,
    } else {
    }
    return
  }
  func.func @transform_0(%arg0: i32) -> (i32, i32) {
    %c0_i32 = arith.constant 0 : i32
    %c0_i32_0 = arith.constant 0 : i32
    return %arg0, %c0_i32 : i32, i32
  }
  func.func @transform_1(%arg0: i32) -> (i32, i32) {
    %c0_i32 = arith.constant 0 : i32
    %c0_i32_0 = arith.constant 0 : i32
    %c0_i32_1 = arith.constant 0 : i32
    return %c0_i32, %c0_i32_0 : i32, i32
  }
}

module attributes {stable_mosaic.version = 14 : i64} {
  func.func @_tc_body(%arg0: memref<128x1024xf32, #tpu.memory_space<vmem>>, %arg1: memref<128x1024xf32, #tpu.memory_space<vmem>>, %arg2: memref<128x10240xf32, #tpu.memory_space<vmem>>, %arg3: memref<1x1xf32, #tpu.memory_space<vmem>>, %arg4: memref<128x128xf32, #tpu.memory_space<vmem>>, %arg5: memref<128x1xf32, #tpu.memory_space<vmem>>, %arg6: memref<1x1xf32, #tpu.memory_space<vmem>>) attributes {dimension_semantics = [], scalar_prefetch = 0 : i64, scratch_operands = 0 : i64, tpu.core_type = #tpu.core_type<tc>} {
    %get3A = arith.constant 0 : index
    %get3A_0 = arith.constant 0 : index
    %get3A_1 = vector.load %arg0[%get3A, %get3A_0] : memref<128x1024xf32, #tpu.memory_space<vmem>>, vector<128x1024xf32>
    %mul3A = arith.mulf %get3A_1, %get3A_1 : vector<128x1024xf32>
    %reduce_sum3A = arith.constant dense<0.000000e+00> : vector<1024xf32>
    %reduce_sum3A_2 = vector.multi_reduction <add>, %mul3A, %reduce_sum3A [0] : vector<128x1024xf32> to vector<1024xf32>
    %broadcast_in_dim3A = vector.shape_cast %reduce_sum3A_2 : vector<1024xf32> to vector<1x1024xf32>
    %sqrt3A = math.sqrt %broadcast_in_dim3A : vector<1x1024xf32>
    %div3A = vector.broadcast %sqrt3A : vector<1x1024xf32> to vector<128x1024xf32>
    %div3A_3 = arith.divf %get3A_1, %div3A : vector<128x1024xf32>
    %get3A_4 = arith.constant 0 : index
    %get3A_5 = arith.constant 0 : index
    %get3A_6 = vector.load %arg4[%get3A_4, %get3A_5] : memref<128x128xf32, #tpu.memory_space<vmem>>, vector<128x128xf32>
    %dot_general3A = arith.constant dense<0.000000e+00> : vector<128x1024xf32>
    %dot_general3A_7 = tpu.matmul %get3A_6, %div3A_3, %dot_general3A {dimension_numbers = #tpu.dot_dimension_numbers<[1], [0], [0], [1], [0, 0, 1, 1], [], []>, transpose_lhs_hint = false} : vector<128x128xf32>, vector<128x1024xf32>, vector<128x1024xf32> -> vector<128x1024xf32>
    %reduce_sum3A_8 = arith.constant dense<0.000000e+00> : vector<128xf32>
    %reduce_sum3A_9 = vector.multi_reduction <add>, %dot_general3A_7, %reduce_sum3A_8 [1] : vector<128x1024xf32> to vector<128xf32>
    %broadcast_in_dim3A_10 = vector.shape_cast %reduce_sum3A_9 : vector<128xf32> to vector<128x1xf32>
    %div3A_11 = arith.constant 1.024000e+03 : f32
    %div3A_12 = vector.broadcast %div3A_11 : f32 to vector<128x1xf32>
    %div3A_13 = arith.divf %broadcast_in_dim3A_10, %div3A_12 : vector<128x1xf32>
    %sub3A = vector.broadcast %div3A_13 : vector<128x1xf32> to vector<128x1024xf32>
    %sub3A_14 = arith.subf %dot_general3A_7, %sub3A : vector<128x1024xf32>
    %integer_pow3A = arith.mulf %sub3A_14, %sub3A_14 : vector<128x1024xf32>
    %reduce_sum3A_15 = arith.constant dense<0.000000e+00> : vector<128xf32>
    %reduce_sum3A_16 = vector.multi_reduction <add>, %integer_pow3A, %reduce_sum3A_15 [1] : vector<128x1024xf32> to vector<128xf32>
    %broadcast_in_dim3A_17 = vector.shape_cast %reduce_sum3A_16 : vector<128xf32> to vector<128x1xf32>
    %div3A_18 = arith.constant 1.023000e+03 : f32
    %div3A_19 = vector.broadcast %div3A_18 : f32 to vector<128x1xf32>
    %div3A_20 = arith.divf %broadcast_in_dim3A_17, %div3A_19 : vector<128x1xf32>
    %sqrt3A_21 = math.sqrt %div3A_20 : vector<128x1xf32>
    %sub3A_22 = vector.broadcast %div3A_13 : vector<128x1xf32> to vector<128x1024xf32>
    %sub3A_23 = arith.subf %dot_general3A_7, %sub3A_22 : vector<128x1024xf32>
    %sqrt3A_24 = math.sqrt %sqrt3A_21 : vector<128x1xf32>
    %div3A_25 = vector.broadcast %sqrt3A_24 : vector<128x1xf32> to vector<128x1024xf32>
    %div3A_26 = arith.divf %sub3A_23, %div3A_25 : vector<128x1024xf32>
    %get3A_27 = arith.constant 0 : index
    %get3A_28 = arith.constant 0 : index
    %get3A_29 = vector.load %arg5[%get3A_27, %get3A_28] : memref<128x1xf32, #tpu.memory_space<vmem>>, vector<128x1xf32>
    %add3A = vector.broadcast %get3A_29 : vector<128x1xf32> to vector<128x1024xf32>
    %add3A_30 = arith.addf %div3A_26, %add3A : vector<128x1024xf32>
    %jit3A = arith.constant -1.000000e+00 : f32
    %jit3A_31 = arith.constant 1.000000e+00 : f32
    %max3A = vector.broadcast %jit3A : f32 to vector<128x1024xf32>
    %max3A_32 = arith.maximumf %max3A, %add3A_30 : vector<128x1024xf32>
    %min3A = vector.broadcast %jit3A_31 : f32 to vector<128x1024xf32>
    %min3A_33 = arith.minimumf %min3A, %max3A_32 : vector<128x1024xf32>
    %get3A_34 = arith.constant 0 : index
    %get3A_35 = arith.constant 0 : index
    %get3A_36 = vector.load %arg1[%get3A_34, %get3A_35] : memref<128x1024xf32, #tpu.memory_space<vmem>>, vector<128x1024xf32>
    %mul3A_37 = arith.mulf %min3A_33, %get3A_36 : vector<128x1024xf32>
    %reduce_sum3A_38 = arith.constant dense<0.000000e+00> : vector<1024xf32>
    %reduce_sum3A_39 = vector.multi_reduction <add>, %mul3A_37, %reduce_sum3A_38 [0] : vector<128x1024xf32> to vector<1024xf32>
    %broadcast_in_dim3A_40 = vector.shape_cast %reduce_sum3A_39 : vector<1024xf32> to vector<1x1024xf32>
    %logistic3A = arith.negf %broadcast_in_dim3A_40 : vector<1x1024xf32>
    %logistic3A_41 = math.exp %logistic3A : vector<1x1024xf32>
    %logistic3A_42 = arith.constant 1.000000e+00 : f32
    %logistic3A_43 = vector.broadcast %logistic3A_42 : f32 to vector<1x1024xf32>
    %logistic3A_44 = arith.addf %logistic3A_43, %logistic3A_41 : vector<1x1024xf32>
    %logistic3A_45 = arith.divf %logistic3A_43, %logistic3A_44 : vector<1x1024xf32>
    %min3A_46 = arith.constant 9.990000e-01 : f32
    %min3A_47 = vector.broadcast %min3A_46 : f32 to vector<1x1024xf32>
    %min3A_48 = arith.minimumf %logistic3A_45, %min3A_47 : vector<1x1024xf32>
    %log3A = math.log %min3A_48 : vector<1x1024xf32>
    %mul3A_49 = arith.constant 1.000000e+01 : f32
    %mul3A_50 = vector.broadcast %mul3A_49 : f32 to vector<1x1024xf32>
    %mul3A_51 = arith.mulf %mul3A_50, %log3A : vector<1x1024xf32>
    %get3A_52 = arith.constant 0 : index
    %get3A_53 = arith.constant 0 : index
    %get3A_54 = vector.load %arg2[%get3A_52, %get3A_53] : memref<128x10240xf32, #tpu.memory_space<vmem>>, vector<128x1024xf32>
    %mul3A_55 = arith.mulf %min3A_33, %get3A_54 : vector<128x1024xf32>
    %reduce_sum3A_56 = arith.constant dense<0.000000e+00> : vector<1024xf32>
    %reduce_sum3A_57 = vector.multi_reduction <add>, %mul3A_55, %reduce_sum3A_56 [0] : vector<128x1024xf32> to vector<1024xf32>
    %broadcast_in_dim3A_58 = vector.shape_cast %reduce_sum3A_57 : vector<1024xf32> to vector<1x1024xf32>
    %logistic3A_59 = arith.negf %broadcast_in_dim3A_58 : vector<1x1024xf32>
    %logistic3A_60 = math.exp %logistic3A_59 : vector<1x1024xf32>
    %logistic3A_61 = arith.constant 1.000000e+00 : f32
    %logistic3A_62 = vector.broadcast %logistic3A_61 : f32 to vector<1x1024xf32>
    %logistic3A_63 = arith.addf %logistic3A_62, %logistic3A_60 : vector<1x1024xf32>
    %logistic3A_64 = arith.divf %logistic3A_62, %logistic3A_63 : vector<1x1024xf32>
    %min3A_65 = arith.constant 9.990000e-01 : f32
    %min3A_66 = vector.broadcast %min3A_65 : f32 to vector<1x1024xf32>
    %min3A_67 = arith.minimumf %logistic3A_64, %min3A_66 : vector<1x1024xf32>
    %sub3A_68 = arith.constant 1.000000e+00 : f32
    %sub3A_69 = vector.broadcast %sub3A_68 : f32 to vector<1x1024xf32>
    %sub3A_70 = arith.subf %sub3A_69, %min3A_67 : vector<1x1024xf32>
    %max3A_71 = arith.constant 0.00999999977 : f32
    %max3A_72 = vector.broadcast %max3A_71 : f32 to vector<1x1024xf32>
    %max3A_73 = arith.maximumf %sub3A_70, %max3A_72 : vector<1x1024xf32>
    %log3A_74 = math.log %max3A_73 : vector<1x1024xf32>
    %add3A_75 = arith.addf %mul3A_51, %log3A_74 : vector<1x1024xf32>
    %get3A_76 = arith.constant 0 : index
    %get3A_77 = arith.constant 1024 : index
    %get3A_78 = vector.load %arg2[%get3A_76, %get3A_77] : memref<128x10240xf32, #tpu.memory_space<vmem>>, vector<128x1024xf32>
    %mul3A_79 = arith.mulf %min3A_33, %get3A_78 : vector<128x1024xf32>
    %reduce_sum3A_80 = arith.constant dense<0.000000e+00> : vector<1024xf32>
    %reduce_sum3A_81 = vector.multi_reduction <add>, %mul3A_79, %reduce_sum3A_80 [0] : vector<128x1024xf32> to vector<1024xf32>
    %broadcast_in_dim3A_82 = vector.shape_cast %reduce_sum3A_81 : vector<1024xf32> to vector<1x1024xf32>
    %logistic3A_83 = arith.negf %broadcast_in_dim3A_82 : vector<1x1024xf32>
    %logistic3A_84 = math.exp %logistic3A_83 : vector<1x1024xf32>
    %logistic3A_85 = arith.constant 1.000000e+00 : f32
    %logistic3A_86 = vector.broadcast %logistic3A_85 : f32 to vector<1x1024xf32>
    %logistic3A_87 = arith.addf %logistic3A_86, %logistic3A_84 : vector<1x1024xf32>
    %logistic3A_88 = arith.divf %logistic3A_86, %logistic3A_87 : vector<1x1024xf32>
    %min3A_89 = arith.constant 9.990000e-01 : f32
    %min3A_90 = vector.broadcast %min3A_89 : f32 to vector<1x1024xf32>
    %min3A_91 = arith.minimumf %logistic3A_88, %min3A_90 : vector<1x1024xf32>
    %sub3A_92 = arith.constant 1.000000e+00 : f32
    %sub3A_93 = vector.broadcast %sub3A_92 : f32 to vector<1x1024xf32>
    %sub3A_94 = arith.subf %sub3A_93, %min3A_91 : vector<1x1024xf32>
    %max3A_95 = arith.constant 0.00999999977 : f32
    %max3A_96 = vector.broadcast %max3A_95 : f32 to vector<1x1024xf32>
    %max3A_97 = arith.maximumf %sub3A_94, %max3A_96 : vector<1x1024xf32>
    %log3A_98 = math.log %max3A_97 : vector<1x1024xf32>
    %add3A_99 = arith.addf %add3A_75, %log3A_98 : vector<1x1024xf32>
    %get3A_100 = arith.constant 0 : index
    %get3A_101 = arith.constant 2048 : index
    %get3A_102 = vector.load %arg2[%get3A_100, %get3A_101] : memref<128x10240xf32, #tpu.memory_space<vmem>>, vector<128x1024xf32>
    %mul3A_103 = arith.mulf %min3A_33, %get3A_102 : vector<128x1024xf32>
    %reduce_sum3A_104 = arith.constant dense<0.000000e+00> : vector<1024xf32>
    %reduce_sum3A_105 = vector.multi_reduction <add>, %mul3A_103, %reduce_sum3A_104 [0] : vector<128x1024xf32> to vector<1024xf32>
    %broadcast_in_dim3A_106 = vector.shape_cast %reduce_sum3A_105 : vector<1024xf32> to vector<1x1024xf32>
    %logistic3A_107 = arith.negf %broadcast_in_dim3A_106 : vector<1x1024xf32>
    %logistic3A_108 = math.exp %logistic3A_107 : vector<1x1024xf32>
    %logistic3A_109 = arith.constant 1.000000e+00 : f32
    %logistic3A_110 = vector.broadcast %logistic3A_109 : f32 to vector<1x1024xf32>
    %logistic3A_111 = arith.addf %logistic3A_110, %logistic3A_108 : vector<1x1024xf32>
    %logistic3A_112 = arith.divf %logistic3A_110, %logistic3A_111 : vector<1x1024xf32>
    %min3A_113 = arith.constant 9.990000e-01 : f32
    %min3A_114 = vector.broadcast %min3A_113 : f32 to vector<1x1024xf32>
    %min3A_115 = arith.minimumf %logistic3A_112, %min3A_114 : vector<1x1024xf32>
    %sub3A_116 = arith.constant 1.000000e+00 : f32
    %sub3A_117 = vector.broadcast %sub3A_116 : f32 to vector<1x1024xf32>
    %sub3A_118 = arith.subf %sub3A_117, %min3A_115 : vector<1x1024xf32>
    %max3A_119 = arith.constant 0.00999999977 : f32
    %max3A_120 = vector.broadcast %max3A_119 : f32 to vector<1x1024xf32>
    %max3A_121 = arith.maximumf %sub3A_118, %max3A_120 : vector<1x1024xf32>
    %log3A_122 = math.log %max3A_121 : vector<1x1024xf32>
    %add3A_123 = arith.addf %add3A_99, %log3A_122 : vector<1x1024xf32>
    %get3A_124 = arith.constant 0 : index
    %get3A_125 = arith.constant 3072 : index
    %get3A_126 = vector.load %arg2[%get3A_124, %get3A_125] : memref<128x10240xf32, #tpu.memory_space<vmem>>, vector<128x1024xf32>
    %mul3A_127 = arith.mulf %min3A_33, %get3A_126 : vector<128x1024xf32>
    %reduce_sum3A_128 = arith.constant dense<0.000000e+00> : vector<1024xf32>
    %reduce_sum3A_129 = vector.multi_reduction <add>, %mul3A_127, %reduce_sum3A_128 [0] : vector<128x1024xf32> to vector<1024xf32>
    %broadcast_in_dim3A_130 = vector.shape_cast %reduce_sum3A_129 : vector<1024xf32> to vector<1x1024xf32>
    %logistic3A_131 = arith.negf %broadcast_in_dim3A_130 : vector<1x1024xf32>
    %logistic3A_132 = math.exp %logistic3A_131 : vector<1x1024xf32>
    %logistic3A_133 = arith.constant 1.000000e+00 : f32
    %logistic3A_134 = vector.broadcast %logistic3A_133 : f32 to vector<1x1024xf32>
    %logistic3A_135 = arith.addf %logistic3A_134, %logistic3A_132 : vector<1x1024xf32>
    %logistic3A_136 = arith.divf %logistic3A_134, %logistic3A_135 : vector<1x1024xf32>
    %min3A_137 = arith.constant 9.990000e-01 : f32
    %min3A_138 = vector.broadcast %min3A_137 : f32 to vector<1x1024xf32>
    %min3A_139 = arith.minimumf %logistic3A_136, %min3A_138 : vector<1x1024xf32>
    %sub3A_140 = arith.constant 1.000000e+00 : f32
    %sub3A_141 = vector.broadcast %sub3A_140 : f32 to vector<1x1024xf32>
    %sub3A_142 = arith.subf %sub3A_141, %min3A_139 : vector<1x1024xf32>
    %max3A_143 = arith.constant 0.00999999977 : f32
    %max3A_144 = vector.broadcast %max3A_143 : f32 to vector<1x1024xf32>
    %max3A_145 = arith.maximumf %sub3A_142, %max3A_144 : vector<1x1024xf32>
    %log3A_146 = math.log %max3A_145 : vector<1x1024xf32>
    %add3A_147 = arith.addf %add3A_123, %log3A_146 : vector<1x1024xf32>
    %get3A_148 = arith.constant 0 : index
    %get3A_149 = arith.constant 4096 : index
    %get3A_150 = vector.load %arg2[%get3A_148, %get3A_149] : memref<128x10240xf32, #tpu.memory_space<vmem>>, vector<128x1024xf32>
    %mul3A_151 = arith.mulf %min3A_33, %get3A_150 : vector<128x1024xf32>
    %reduce_sum3A_152 = arith.constant dense<0.000000e+00> : vector<1024xf32>
    %reduce_sum3A_153 = vector.multi_reduction <add>, %mul3A_151, %reduce_sum3A_152 [0] : vector<128x1024xf32> to vector<1024xf32>
    %broadcast_in_dim3A_154 = vector.shape_cast %reduce_sum3A_153 : vector<1024xf32> to vector<1x1024xf32>
    %logistic3A_155 = arith.negf %broadcast_in_dim3A_154 : vector<1x1024xf32>
    %logistic3A_156 = math.exp %logistic3A_155 : vector<1x1024xf32>
    %logistic3A_157 = arith.constant 1.000000e+00 : f32
    %logistic3A_158 = vector.broadcast %logistic3A_157 : f32 to vector<1x1024xf32>
    %logistic3A_159 = arith.addf %logistic3A_158, %logistic3A_156 : vector<1x1024xf32>
    %logistic3A_160 = arith.divf %logistic3A_158, %logistic3A_159 : vector<1x1024xf32>
    %min3A_161 = arith.constant 9.990000e-01 : f32
    %min3A_162 = vector.broadcast %min3A_161 : f32 to vector<1x1024xf32>
    %min3A_163 = arith.minimumf %logistic3A_160, %min3A_162 : vector<1x1024xf32>
    %sub3A_164 = arith.constant 1.000000e+00 : f32
    %sub3A_165 = vector.broadcast %sub3A_164 : f32 to vector<1x1024xf32>
    %sub3A_166 = arith.subf %sub3A_165, %min3A_163 : vector<1x1024xf32>
    %max3A_167 = arith.constant 0.00999999977 : f32
    %max3A_168 = vector.broadcast %max3A_167 : f32 to vector<1x1024xf32>
    %max3A_169 = arith.maximumf %sub3A_166, %max3A_168 : vector<1x1024xf32>
    %log3A_170 = math.log %max3A_169 : vector<1x1024xf32>
    %add3A_171 = arith.addf %add3A_147, %log3A_170 : vector<1x1024xf32>
    %get3A_172 = arith.constant 0 : index
    %get3A_173 = arith.constant 5120 : index
    %get3A_174 = vector.load %arg2[%get3A_172, %get3A_173] : memref<128x10240xf32, #tpu.memory_space<vmem>>, vector<128x1024xf32>
    %mul3A_175 = arith.mulf %min3A_33, %get3A_174 : vector<128x1024xf32>
    %reduce_sum3A_176 = arith.constant dense<0.000000e+00> : vector<1024xf32>
    %reduce_sum3A_177 = vector.multi_reduction <add>, %mul3A_175, %reduce_sum3A_176 [0] : vector<128x1024xf32> to vector<1024xf32>
    %broadcast_in_dim3A_178 = vector.shape_cast %reduce_sum3A_177 : vector<1024xf32> to vector<1x1024xf32>
    %logistic3A_179 = arith.negf %broadcast_in_dim3A_178 : vector<1x1024xf32>
    %logistic3A_180 = math.exp %logistic3A_179 : vector<1x1024xf32>
    %logistic3A_181 = arith.constant 1.000000e+00 : f32
    %logistic3A_182 = vector.broadcast %logistic3A_181 : f32 to vector<1x1024xf32>
    %logistic3A_183 = arith.addf %logistic3A_182, %logistic3A_180 : vector<1x1024xf32>
    %logistic3A_184 = arith.divf %logistic3A_182, %logistic3A_183 : vector<1x1024xf32>
    %min3A_185 = arith.constant 9.990000e-01 : f32
    %min3A_186 = vector.broadcast %min3A_185 : f32 to vector<1x1024xf32>
    %min3A_187 = arith.minimumf %logistic3A_184, %min3A_186 : vector<1x1024xf32>
    %sub3A_188 = arith.constant 1.000000e+00 : f32
    %sub3A_189 = vector.broadcast %sub3A_188 : f32 to vector<1x1024xf32>
    %sub3A_190 = arith.subf %sub3A_189, %min3A_187 : vector<1x1024xf32>
    %max3A_191 = arith.constant 0.00999999977 : f32
    %max3A_192 = vector.broadcast %max3A_191 : f32 to vector<1x1024xf32>
    %max3A_193 = arith.maximumf %sub3A_190, %max3A_192 : vector<1x1024xf32>
    %log3A_194 = math.log %max3A_193 : vector<1x1024xf32>
    %add3A_195 = arith.addf %add3A_171, %log3A_194 : vector<1x1024xf32>
    %get3A_196 = arith.constant 0 : index
    %get3A_197 = arith.constant 6144 : index
    %get3A_198 = vector.load %arg2[%get3A_196, %get3A_197] : memref<128x10240xf32, #tpu.memory_space<vmem>>, vector<128x1024xf32>
    %mul3A_199 = arith.mulf %min3A_33, %get3A_198 : vector<128x1024xf32>
    %reduce_sum3A_200 = arith.constant dense<0.000000e+00> : vector<1024xf32>
    %reduce_sum3A_201 = vector.multi_reduction <add>, %mul3A_199, %reduce_sum3A_200 [0] : vector<128x1024xf32> to vector<1024xf32>
    %broadcast_in_dim3A_202 = vector.shape_cast %reduce_sum3A_201 : vector<1024xf32> to vector<1x1024xf32>
    %logistic3A_203 = arith.negf %broadcast_in_dim3A_202 : vector<1x1024xf32>
    %logistic3A_204 = math.exp %logistic3A_203 : vector<1x1024xf32>
    %logistic3A_205 = arith.constant 1.000000e+00 : f32
    %logistic3A_206 = vector.broadcast %logistic3A_205 : f32 to vector<1x1024xf32>
    %logistic3A_207 = arith.addf %logistic3A_206, %logistic3A_204 : vector<1x1024xf32>
    %logistic3A_208 = arith.divf %logistic3A_206, %logistic3A_207 : vector<1x1024xf32>
    %min3A_209 = arith.constant 9.990000e-01 : f32
    %min3A_210 = vector.broadcast %min3A_209 : f32 to vector<1x1024xf32>
    %min3A_211 = arith.minimumf %logistic3A_208, %min3A_210 : vector<1x1024xf32>
    %sub3A_212 = arith.constant 1.000000e+00 : f32
    %sub3A_213 = vector.broadcast %sub3A_212 : f32 to vector<1x1024xf32>
    %sub3A_214 = arith.subf %sub3A_213, %min3A_211 : vector<1x1024xf32>
    %max3A_215 = arith.constant 0.00999999977 : f32
    %max3A_216 = vector.broadcast %max3A_215 : f32 to vector<1x1024xf32>
    %max3A_217 = arith.maximumf %sub3A_214, %max3A_216 : vector<1x1024xf32>
    %log3A_218 = math.log %max3A_217 : vector<1x1024xf32>
    %add3A_219 = arith.addf %add3A_195, %log3A_218 : vector<1x1024xf32>
    %get3A_220 = arith.constant 0 : index
    %get3A_221 = arith.constant 7168 : index
    %get3A_222 = vector.load %arg2[%get3A_220, %get3A_221] : memref<128x10240xf32, #tpu.memory_space<vmem>>, vector<128x1024xf32>
    %mul3A_223 = arith.mulf %min3A_33, %get3A_222 : vector<128x1024xf32>
    %reduce_sum3A_224 = arith.constant dense<0.000000e+00> : vector<1024xf32>
    %reduce_sum3A_225 = vector.multi_reduction <add>, %mul3A_223, %reduce_sum3A_224 [0] : vector<128x1024xf32> to vector<1024xf32>
    %broadcast_in_dim3A_226 = vector.shape_cast %reduce_sum3A_225 : vector<1024xf32> to vector<1x1024xf32>
    %logistic3A_227 = arith.negf %broadcast_in_dim3A_226 : vector<1x1024xf32>
    %logistic3A_228 = math.exp %logistic3A_227 : vector<1x1024xf32>
    %logistic3A_229 = arith.constant 1.000000e+00 : f32
    %logistic3A_230 = vector.broadcast %logistic3A_229 : f32 to vector<1x1024xf32>
    %logistic3A_231 = arith.addf %logistic3A_230, %logistic3A_228 : vector<1x1024xf32>
    %logistic3A_232 = arith.divf %logistic3A_230, %logistic3A_231 : vector<1x1024xf32>
    %min3A_233 = arith.constant 9.990000e-01 : f32
    %min3A_234 = vector.broadcast %min3A_233 : f32 to vector<1x1024xf32>
    %min3A_235 = arith.minimumf %logistic3A_232, %min3A_234 : vector<1x1024xf32>
    %sub3A_236 = arith.constant 1.000000e+00 : f32
    %sub3A_237 = vector.broadcast %sub3A_236 : f32 to vector<1x1024xf32>
    %sub3A_238 = arith.subf %sub3A_237, %min3A_235 : vector<1x1024xf32>
    %max3A_239 = arith.constant 0.00999999977 : f32
    %max3A_240 = vector.broadcast %max3A_239 : f32 to vector<1x1024xf32>
    %max3A_241 = arith.maximumf %sub3A_238, %max3A_240 : vector<1x1024xf32>
    %log3A_242 = math.log %max3A_241 : vector<1x1024xf32>
    %add3A_243 = arith.addf %add3A_219, %log3A_242 : vector<1x1024xf32>
    %get3A_244 = arith.constant 0 : index
    %get3A_245 = arith.constant 8192 : index
    %get3A_246 = vector.load %arg2[%get3A_244, %get3A_245] : memref<128x10240xf32, #tpu.memory_space<vmem>>, vector<128x1024xf32>
    %mul3A_247 = arith.mulf %min3A_33, %get3A_246 : vector<128x1024xf32>
    %reduce_sum3A_248 = arith.constant dense<0.000000e+00> : vector<1024xf32>
    %reduce_sum3A_249 = vector.multi_reduction <add>, %mul3A_247, %reduce_sum3A_248 [0] : vector<128x1024xf32> to vector<1024xf32>
    %broadcast_in_dim3A_250 = vector.shape_cast %reduce_sum3A_249 : vector<1024xf32> to vector<1x1024xf32>
    %logistic3A_251 = arith.negf %broadcast_in_dim3A_250 : vector<1x1024xf32>
    %logistic3A_252 = math.exp %logistic3A_251 : vector<1x1024xf32>
    %logistic3A_253 = arith.constant 1.000000e+00 : f32
    %logistic3A_254 = vector.broadcast %logistic3A_253 : f32 to vector<1x1024xf32>
    %logistic3A_255 = arith.addf %logistic3A_254, %logistic3A_252 : vector<1x1024xf32>
    %logistic3A_256 = arith.divf %logistic3A_254, %logistic3A_255 : vector<1x1024xf32>
    %min3A_257 = arith.constant 9.990000e-01 : f32
    %min3A_258 = vector.broadcast %min3A_257 : f32 to vector<1x1024xf32>
    %min3A_259 = arith.minimumf %logistic3A_256, %min3A_258 : vector<1x1024xf32>
    %sub3A_260 = arith.constant 1.000000e+00 : f32
    %sub3A_261 = vector.broadcast %sub3A_260 : f32 to vector<1x1024xf32>
    %sub3A_262 = arith.subf %sub3A_261, %min3A_259 : vector<1x1024xf32>
    %max3A_263 = arith.constant 0.00999999977 : f32
    %max3A_264 = vector.broadcast %max3A_263 : f32 to vector<1x1024xf32>
    %max3A_265 = arith.maximumf %sub3A_262, %max3A_264 : vector<1x1024xf32>
    %log3A_266 = math.log %max3A_265 : vector<1x1024xf32>
    %add3A_267 = arith.addf %add3A_243, %log3A_266 : vector<1x1024xf32>
    %get3A_268 = arith.constant 0 : index
    %get3A_269 = arith.constant 9216 : index
    %get3A_270 = vector.load %arg2[%get3A_268, %get3A_269] : memref<128x10240xf32, #tpu.memory_space<vmem>>, vector<128x1024xf32>
    %mul3A_271 = arith.mulf %min3A_33, %get3A_270 : vector<128x1024xf32>
    %reduce_sum3A_272 = arith.constant dense<0.000000e+00> : vector<1024xf32>
    %reduce_sum3A_273 = vector.multi_reduction <add>, %mul3A_271, %reduce_sum3A_272 [0] : vector<128x1024xf32> to vector<1024xf32>
    %broadcast_in_dim3A_274 = vector.shape_cast %reduce_sum3A_273 : vector<1024xf32> to vector<1x1024xf32>
    %logistic3A_275 = arith.negf %broadcast_in_dim3A_274 : vector<1x1024xf32>
    %logistic3A_276 = math.exp %logistic3A_275 : vector<1x1024xf32>
    %logistic3A_277 = arith.constant 1.000000e+00 : f32
    %logistic3A_278 = vector.broadcast %logistic3A_277 : f32 to vector<1x1024xf32>
    %logistic3A_279 = arith.addf %logistic3A_278, %logistic3A_276 : vector<1x1024xf32>
    %logistic3A_280 = arith.divf %logistic3A_278, %logistic3A_279 : vector<1x1024xf32>
    %min3A_281 = arith.constant 9.990000e-01 : f32
    %min3A_282 = vector.broadcast %min3A_281 : f32 to vector<1x1024xf32>
    %min3A_283 = arith.minimumf %logistic3A_280, %min3A_282 : vector<1x1024xf32>
    %sub3A_284 = arith.constant 1.000000e+00 : f32
    %sub3A_285 = vector.broadcast %sub3A_284 : f32 to vector<1x1024xf32>
    %sub3A_286 = arith.subf %sub3A_285, %min3A_283 : vector<1x1024xf32>
    %max3A_287 = arith.constant 0.00999999977 : f32
    %max3A_288 = vector.broadcast %max3A_287 : f32 to vector<1x1024xf32>
    %max3A_289 = arith.maximumf %sub3A_286, %max3A_288 : vector<1x1024xf32>
    %log3A_290 = math.log %max3A_289 : vector<1x1024xf32>
    %add3A_291 = arith.addf %add3A_267, %log3A_290 : vector<1x1024xf32>
    %reduce_sum3A_292 = vector.shape_cast %add3A_291 : vector<1x1024xf32> to vector<1x1x1024xf32>
    %reduce_sum3A_293 = arith.constant dense<0.000000e+00> : vector<1xf32>
    %reduce_sum3A_294 = vector.multi_reduction <add>, %reduce_sum3A_292, %reduce_sum3A_293 [1, 2] : vector<1x1x1024xf32> to vector<1xf32>
    %reduce_sum3A_295 = vector.shape_cast %reduce_sum3A_294 : vector<1xf32> to vector<1x1x1xf32>
    %reduce_sum3A_296 = vector.extract %reduce_sum3A_295[0, 0, 0] : f32 from vector<1x1x1xf32>
    %mul3A_297 = arith.constant 5.500000e-01 : f32
    %mul3A_298 = arith.mulf %reduce_sum3A_296, %mul3A_297 : f32
    %get3A_299 = arith.constant 0 : index
    %get3A_300 = arith.constant 0 : index
    %get3A_301 = vector.load %arg3[%get3A_299, %get3A_300] : memref<1x1xf32, #tpu.memory_space<vmem>>, vector<1x1xf32>
    %get3A_302 = vector.extract %get3A_301[0, 0] : f32 from vector<1x1xf32>
    %get3A_303 = arith.constant 0 : index
    %get3A_304 = arith.constant 0 : index
    %get3A_305 = vector.load %arg4[%get3A_303, %get3A_304] : memref<128x128xf32, #tpu.memory_space<vmem>>, vector<128x128xf32>
    %get3A_306 = arith.constant 0 : index
    %get3A_307 = arith.constant 0 : index
    %get3A_308 = vector.load %arg4[%get3A_306, %get3A_307] : memref<128x128xf32, #tpu.memory_space<vmem>>, vector<128x128xf32>
    %mul3A_309 = arith.mulf %get3A_305, %get3A_308 : vector<128x128xf32>
    %reduce_sum3A_310 = vector.shape_cast %mul3A_309 : vector<128x128xf32> to vector<1x128x128xf32>
    %reduce_sum3A_311 = arith.constant dense<0.000000e+00> : vector<1xf32>
    %reduce_sum3A_312 = vector.multi_reduction <add>, %reduce_sum3A_310, %reduce_sum3A_311 [1, 2] : vector<1x128x128xf32> to vector<1xf32>
    %reduce_sum3A_313 = vector.shape_cast %reduce_sum3A_312 : vector<1xf32> to vector<1x1x1xf32>
    %reduce_sum3A_314 = vector.extract %reduce_sum3A_313[0, 0, 0] : f32 from vector<1x1x1xf32>
    %add3A_315 = arith.addf %get3A_302, %reduce_sum3A_314 : f32
    %div3A_316 = arith.constant 1.024000e+03 : f32
    %div3A_317 = arith.divf %mul3A_298, %div3A_316 : f32
    %mul3A_318 = arith.constant 4.88281239E-6 : f32
    %mul3A_319 = arith.mulf %mul3A_318, %add3A_315 : f32
    %add3A_320 = arith.addf %div3A_317, %mul3A_319 : f32
    %broadcast_in_dim3A_321 = vector.broadcast %add3A_320 : f32 to vector<1x1xf32>
    %swap3A = arith.constant 0 : index
    %swap3A_322 = arith.constant 0 : index
    %swap3A_323 = vector.load %arg6[%swap3A, %swap3A_322] : memref<1x1xf32, #tpu.memory_space<vmem>>, vector<1x1xf32>
    tpu.vector_store %arg6[%swap3A, %swap3A_322], %broadcast_in_dim3A_321 {strides = array<i32>} : memref<1x1xf32, #tpu.memory_space<vmem>>, vector<1x1xf32>,
    return
  }
}

</mosaic_0001>

<sc_bundles>
// kernel: kernel.6.cloned.1.call-start
scs
__scs_entry_jumppad:
0x0: {  	(pc) =	sbr.rel $0x88, $3  }
0x1: {  	(tag) =	ssettag $0x0;
	lr =	simm.s32 $0x1  }
0x2: {  	[smem:$0x3F9A] =	sst lr;
	_ =	strace $0xD0000000  }
0x3: {  	_ = 	snop  }
0x4: {  	_ = 	snop  }
0x5: {  	_ = 	snop  }
0x6: {  	_ = 	snop  }
0x7: {  	_ = 	snop  }
__scs_overlays_trampoline_lowered:
0x8: {  	[smem:$0x3FA9] =	sst s0  }
0x9: {  	[smem:$0x3FAA] =	sst s1  }
0xa: {  	[smem:$0x3FAB] =	sst s2  }
0xb: {  	[smem:$0x3FAC] =	sst s3  }
0xc: {  	[smem:$0x3FAD] =	sst s4  }
0xd: {  	[smem:$0x3FAE] =	sst s5  }
0xe: {  	[smem:$0x3FAF] =	sst s6  }
0xf: {  	[smem:$0x3FB0] =	sst s7  }
0x10: {  	[smem:$0x3FB1] =	sst s8  }
0x11: {  	[smem:$0x3FB2] =	sst s9;
	s0 =	simm.s32 @!p0 $0x0  }
0x12: {  	s1 =	sld [smem:$0x3F98];
	s0 =	simm.s32 @p0 $0x1  }
0x13: {  	[smem:$0x3FB3] =	sst s0;
	s0 =	simm.s32 @!p1 $0x0  }
0x14: {  	s2 =	sld [smem:$0x3F97];
	s0 =	simm.s32 @p1 $0x1  }
0x15: {  	[smem:$0x3FB4] =	sst s0;
	s0 =	simm.s32 @!p2 $0x0  }
0x16: {  	s3 =	sld [smem:$0x3FDB];
	s0 =	simm.s32 @p2 $0x1  }
0x17: {  	s4 =	simm.s32 $0x1BF5;
	[smem:$0x3FB6] =	sst s0  }
0x18: {  	s0 =	sld [smem:$0x3F99];
	_ =	swait.ge [sflag:s4], $0x0  }
0x19: {  	s7 =	sld [smem:$0x3F9A]  }
0x1a: {  	s8 =	sadd.s32 $0xFFFFE003, lr  }
0x1b: {  	s9 =	sadd.s32 $0xFFFFFEF7, lr;
	s5 =	simm.s32 $0xFFFFFFFF;
	p2 =	slt.u32 s8, $0xFFFFF086  }
0x1c: {  	p1 =	slt.u32 s9, $0xF7A;
	s5 =	simm.s32 @!p2 $0x0  }
0x1d: {  	s5 =	simm.s32 @p1 $0x1;
	p0 =	seq.s32 s7, s2  }
0x1e: {  	s7 =	smul.u32 @!p0 $0xF7A, s2;
	p2 =	seq.s32 @!p0 s5, $0x0  }
0x1f: {  	s9 =	smul.u32 $0xF7A, s1;
	s8 =	simm.s32 @!p0 $0x1BF5;
	p2 =	por !p2, p0  }
0x20: {  	[sflag:s8] =	ssyncset.s32 @!p0 $0xFFFFF086;
	s6 =	sadd.s32 @!p0 s3, s7;
	s7 =	simm.s32 @!p0 $0x108  }
0x21: {  	s3 =	sadd.s32 s3, s9;
	s6 =	sadd.s32 @!p0 $0x88, s6;
	s7 =	simm.s32 @p2 $0x1082  }
0x22: {  	[simem:s7], [sflag:s8] =	dma.local @!p0 [hbm:s6], $0xF7A  }
0x23: {  	s9 =	sor.u32 $0xD0000000, s2;
	s6 =	simm.s32 $0x108;
	_ =	swait.ge @!p0 [sflag:s8], $0x0  }
0x24: {  	s3 =	sadd.s32 $0x88, s3;
	s6 =	simm.s32 @!p1 $0x1082;
	[sflag:s4] =	ssyncset.s32 $0xFFFFF086  }
0x25: {  	[simem:s6], [sflag:s4] =	dma.local [hbm:s3], $0xF7A  }
0x26: {  	[smem:$0x3F9A] =	sst s1;
	(tag) =	ssettag s2;
	_ =	strace s9  }
0x27: {  	s1 =	sld [smem:$0x3FAA]  }
0x28: {  	s2 =	sld [smem:$0x3FAB]  }
0x29: {  	s4 =	sld [smem:$0x3FAD]  }
0x2a: {  	p0 =	seq.s32 s5, $0x0;
	s5 =	sld [smem:$0x3FAE]  }
0x2b: {  	s6 =	sld [smem:$0x3FAF]  }
0x2c: {  	s7 =	sld [smem:$0x3FB0]  }
0x2d: {  	s3 =	simm.s32 $0x108;
	s8 =	sld [smem:$0x3FB1]  }
0x2e: {  	s3 =	simm.s32 @!p0 $0x1082;
	s9 =	sld [smem:$0x3FB2]  }
0x2f: {  	lr =	sadd.s32 s0, s3;
	s0 =	sld [smem:$0x3FA9]  }
0x30: {  	s3 =	sld [smem:$0x3FAC]  }
0x31: {  	[smem:$0x3FB5] =	sst s10  }
0x32: {  	s10 =	sld [smem:$0x3FB3];
	_ =	sdelay $0x3  }
0x33: {  	p0 =	seq.s32 s10, $0x1;
	s10 =	sld [smem:$0x3FB5];
	_ =	sdelay $0x3  }
0x34: {  	[smem:$0x3FB5] =	sst s10  }
0x35: {  	s10 =	sld [smem:$0x3FB4];
	_ =	sdelay $0x3  }
0x36: {  	p1 =	seq.s32 s10, $0x1;
	s10 =	sld [smem:$0x3FB5];
	_ =	sdelay $0x3  }
0x37: {  	[smem:$0x3FB5] =	sst s10  }
0x38: {  	s10 =	sld [smem:$0x3FB6]  }
0x39: {  	_ = 	snop;
	(pc) =	sbr.ind lr, $3  }
0x3a: {  	_ = 	snop  }
0x3b: {  	_ = 	snop  }
0x3c: {  	p2 =	seq.s32 s10, $0x1;
	s10 =	sld [smem:$0x3FB5]  }
0x3d: {  	_ =	shalt  }
0x3e: {  	_ =	shalt  }
0x3f: {  	_ =	shalt  }
0x40: {  	_ =	shalt  }
0x41: {  	_ =	shalt  }
0x42: {  	_ =	shalt  }
0x43: {  	_ =	shalt  }
0x44: {  	_ =	shalt  }
0x45: {  	_ =	shalt  }
0x46: {  	_ =	shalt  }
0x47: {  	_ =	shalt  }
0x48: {  	_ =	shalt  }
0x49: {  	_ =	shalt  }
0x4a: {  	_ =	shalt  }
0x4b: {  	_ =	shalt  }
0x4c: {  	_ =	shalt  }
0x4d: {  	_ =	shalt  }
0x4e: {  	_ =	shalt  }
0x4f: {  	_ =	shalt  }
0x50: {  	_ =	shalt  }
0x51: {  	_ =	shalt  }
0x52: {  	_ =	shalt  }
0x53: {  	_ =	shalt  }
0x54: {  	_ =	shalt  }
0x55: {  	_ =	shalt  }
0x56: {  	_ =	shalt  }
0x57: {  	_ =	shalt  }
0x58: {  	_ =	shalt  }
0x59: {  	_ =	shalt  }
0x5a: {  	_ =	shalt  }
0x5b: {  	_ =	shalt  }
0x5c: {  	_ =	shalt  }
0x5d: {  	_ =	shalt  }
0x5e: {  	_ =	shalt  }
0x5f: {  	_ =	shalt  }
0x60: {  	_ =	shalt  }
0x61: {  	_ =	shalt  }
0x62: {  	_ =	shalt  }
0x63: {  	_ =	shalt  }
0x64: {  	_ =	shalt  }
0x65: {  	_ =	shalt  }
0x66: {  	_ =	shalt  }
0x67: {  	_ =	shalt  }
0x68: {  	_ =	shalt  }
0x69: {  	_ =	shalt  }
0x6a: {  	_ =	shalt  }
0x6b: {  	_ =	shalt  }
0x6c: {  	_ =	shalt  }
0x6d: {  	_ =	shalt  }
0x6e: {  	_ =	shalt  }
0x6f: {  	_ =	shalt  }
0x70: {  	_ =	shalt  }
0x71: {  	_ =	shalt  }
0x72: {  	_ =	shalt  }
0x73: {  	_ =	shalt  }
0x74: {  	_ =	shalt  }
0x75: {  	_ =	shalt  }
0x76: {  	_ =	shalt  }
0x77: {  	_ =	shalt  }
0x78: {  	_ =	shalt  }
0x79: {  	_ =	shalt  }
0x7a: {  	_ =	shalt  }
0x7b: {  	_ =	shalt  }
0x7c: {  	_ =	shalt  }
0x7d: {  	_ =	shalt  }
0x7e: {  	_ =	shalt  }
0x7f: {  	_ =	shalt  }
0x80: {  	_ =	shalt  }
0x81: {  	_ =	shalt  }
0x82: {  	_ =	shalt  }
0x83: {  	_ =	shalt  }
0x84: {  	_ =	shalt  }
0x85: {  	_ =	shalt  }
0x86: {  	_ =	shalt  }
0x87: {  	_ =	shalt  }
.Lfunc_end0:
.L_simem_size_0:
called_computation_lowered:
.L_overlay_start_0:
0x88: {  	s2 =	sld [smem:$0x3FD9]  }
0x89: {  	s3 =	sld [smem:$0x3FFE];
	_ =	sdelay $0x1  }
0x8a: {  	s1 =	srdreg.scid  }
0x8b: {  	s0 =	sand.u32 $0x1, s1  }
0x8c: {  	s16 =	sshll.u32 s0, $0xA;
	s2 =	sadd.s32 s3, s2  }
0x8d: {  	s2 =	sadd.s32 s2, s16  }
0x8e: {  	[smem:$0x3FC1] =	sst s2  }
0x8f: {  	_ = 	snop  }
0x90: {  	(tm) =	ssettm $0x1  }
0x91: {  	s17 =	sld [smem:$0x3FFB];
	_ =	sdelay $0x3  }
0x92: {  	_ =	strace s17  }
0x93: {  	s2 =	sld [smem:$0x3FFC];
	_ =	sdelay $0x3  }
0x94: {  	_ =	strace s2  }
0x95: {  	s2 =	sld [smem:$0x3FFD];
	_ =	sdelay $0x3  }
0x96: {  	_ =	strace s2  }
0x97: {  	_ =	strace $0x8FFFFFFF  }
0x98: {  	s18 =	sld [smem:$0x3FDB];
	_ =	sdelay $0x1  }
0x99: {  	s19 =	simm.s32 $_scs_section_size  }
0x9a: {  	s4 =	simm.s32 $_size__tile_overlayer_lowered;
	s5 =	simm.s32 $_tile_overlayer_lowered  }
0x9b: {  	s22 =	simm.s32 $0x1BFF;
	s21 =	sshll.u32 s5, $0x1;
	s2 =	sadd.s32 s19, s18  }
0x9c: {  	s6 =	simm.s32 $0x0;
	s20 =	sshll.u32 s4, $0x1;
	s4 =	sadd.s32 s21, s2  }
0x9d: {  	[timem:s6], [sflag:s22] =	dma.local [hbm:s4], s20  }
0x9e: {  	_ =	swait.ge [sflag:s22], s20  }
0x9f: {  	s3 =	ssub.s32 $0x0, s20;
	[sflag:s22] =	ssyncset.done $0x0  }
0xa0: {  	[sflag:s22] =	ssyncadd.s32 s3;
	_ =	sdelay $0x1  }
0xa1: {  	s23 =	simm.s32 $0x1B8B  }
0xa2: {  	_ =	swait.ge [sflag:s23], $0x1  }
0xa3: {  	[sflag:s23] =	ssyncset.done $0x0  }
0xa4: {  	s25 =	simm.s32 $0x1B8E;
	s24 =	sld [smem:$0x3FFE];
	[sflag:s23] =	ssyncadd.s32 $0xFFFFFFFF  }
0xa5: {  	s26 =	simm.s32 $execute0_lowered;
	[smem:$0x3FD2] =	sst s25  }
0xa6: {  	s4 =	sshll.u32 s26, $0x1;
	_ =	strace $0x80000046;
	[dreg:$0x1] =	wrdreg $0xFFFFFFFF  }
0xa7: {  	s28 =	simm.s32 $_size_execute0_lowered;
	s2 =	sadd.s32 s2, s4;
	[dreg:$0x0] =	wrdreg $0x0  }
0xa8: {  	s4 =	sshll.u32 s28, $0x1;
	[dreg:$0x2] =	wrdreg s2  }
0xa9: {  	[dreg:$0x3] =	wrdreg s4  }
0xaa: {  	[dreg:$0x4] =	wrdreg $0xC0  }
0xab: {  	_ =	task [dreg:s6], $0x5FFFF  }
0xac: {  	[dreg:$0x1] =	wrdreg $0xFFFFFFFF  }
0xad: {  	[dreg:$0x0] =	wrdreg $0x60  }
0xae: {  	[dreg:$0x2] =	wrdreg s24  }
0xaf: {  	[dreg:$0x3] =	wrdreg $0x9  }
0xb0: {  	_ =	task.clear_ibuf [dreg:s6], $0x4FFFF;
	_ =	strace $0x90000046  }
0xb1: {  	s29 =	simm.s32 $0x9;
	_ =	strace $0x80000048  }
0xb2: {  	_ =	swait.ge [sflag:s29], $0x1  }
0xb3: {  	[sflag:s29] =	ssyncadd.s32 $0xFFFFFFFF  }
0xb4: {  	_ =	strace $0x90000048  }
0xb5: {  	_ =	sfence  }
0xb6: {  	s30 =	sld [smem:$0x0];
	_ =	sdelay $0x2  }
0xb7: {  	s31 =	sshll.u32 s1, $0xD;
	s1 =	sshrl.u32 s1, $0x2  }
0xb8: {  	s3 =	sand.u32 $0x4000, s31;
	s1 =	sadd.s32 s1, s30  }
0xb9: {  	s0 =	sor.u32 s3, s0;
	s1 =	sshll.u32 s1, $0x11  }
0xba: {  	s0 =	sor.u32 s1, s0  }
0xbb: {  	s0 =	sadd.s32 $0x8F2B, s0  }
0xbc: {  	[sflag:s0] =	ssyncadd.remote.s32 $0x1  }
0xbd: {  	_ =	sfence.sel $0xFFFF  }
0xbe: {  	[dreg:$0x0] =	wrdreg $0xFFFFFFFF;
	(pc) =	sbr.abs _section_cstart, $3  }
0xbf: {  	[dreg:$0x1] =	wrdreg $0xFFFFFFFF  }
0xc0: {  	_ =	task.clear_ibuf [dreg:s6], $0x2FFFF;
	_ =	strace $0x9FFFFFFF  }
0xc1: {  	(tm) =	ssettm $0x7FFFFFFF  }
tec
execute0_lowered:
.L_overlay_start_1:
0x0: {  	(tag) =	ssettag $0x1  }
0x1: {  	s4 =	rddreg [dreg:$0x0]  }
0x2: {  	s0 =	rddreg [dreg:$0x1];
	s1 =	simm.s32 $0x0;
	s2 =	srdreg.scid  }
0x3: {  	s16 =	simm.s32 $0x400;
	s17 =	simm.s32 $0x1AF00;
	s18 =	simm.s32 $0x1B300  }
0x4: {  	s19 =	simm.s32 $0x1;
	s20 =	simm.s32 $0x2;
	s21 =	simm.s32 $0x0  }
0x5: {  	[smem:$0x7FF] =	sst s1;
	s5 =	sand.u32 $0x1, s2;
	s10 =	sadd.s32 $0x188A00, s4  }
0x6: {  	s2 =	stileid.u32;
	s3 =	sadd.s32 $0x1A00, s4;
	s11 =	sadd.s32 $0x2000, s4  }
0x7: {  	_ =	strace $0x80000047;
	s6 =	ssub.s32 $0x2, s5;
	s8 =	sshll.u32 s2, $0x1  }
0x8: {  	s9 =	sshll.u32 s2, $0xD;
	s23 =	sshll.u32 s5, $0x9;
	s7 =	sshrl.u32 s6, $0x1  }
0x9: {  	s22 =	sor.u32 s5, s8;
	s4 =	sor.u32 s23, s9;
	s12 =	ssub.s32 s6, s7  }
0xa: {  	s8 =	sshll.u32 s22, $0x2;
	s24 =	smul.u32 $0xC350, s22;
	s13 =	sshrl.u32 s4, $0x3  }
0xb: {  	s15 =	sshllo.u32 s22, $0x2;
	s25 =	sor.u32 $0x1, s8;
	s5 =	sadd.s32 s11, s13  }
0xc: {  	s8 =	sor.u32 $0x2, s8;
	s30 =	sshll.u32 s15, $0x7;
	s15 =	smul.u32 $0x30D4, s15  }
0xd: {  	s12 =	smax.u32 s12, $0x1;
	s14 =	smul.u32 $0x30D4, s25;
	s6 =	sshll.u32 s25, $0x7  }
0xe: {  	s4 =	sadd.s32 s10, s24;
	s28 =	sshll.u32 s8, $0x7;
	s8 =	smul.u32 $0x30D4, s8  }
0xf: {  	s26 =	sand.u32 $0x280, s6;
	s29 =	sand.u32 $0x300, s28;
	s6 =	sadd.s32 s10, s14  }
0x10: {  	s13 =	sor.u32 s9, s26;
	s14 =	sand.u32 $0x380, s30;
	s8 =	sadd.s32 s10, s8  }
0x11: {  	s10 =	sadd.s32 s10, s15;
	s15 =	simm.s32 $0x80;
	s13 =	sshrl.u32 s13, $0x3  }
0x12: {  	s14 =	sor.u32 s9, s14;
	s7 =	sadd.s32 s11, s13;
	s13 =	sor.u32 s9, s29  }
0x13: {  	s31 =	sshrl.u32 s14, $0x3;
	s14 =	simm.s32 $0x3;
	s13 =	sshrl.u32 s13, $0x3  }
0x14: {  	s9 =	sadd.s32 s11, s13;
	s11 =	sadd.s32 s11, s31;
	s13 =	simm.s32 $0x18700  }
.LBB2_1:
0x15: {  	[tilespmem:s13], [sflag:$0x3] =	stream.linear.gather [hbm4b:s3+s1], $0x2800, $0x38;
	[tilespmem:$0x1B700] =	vst v63  }
0x16: {  	_ =	swait.ge [sflag:s14], $0x2800  }
0x17: {  	[sflag:s14] =	ssyncset.done $0x0  }
0x18: {  	[sflag:s14] =	ssyncadd.s32 $0xFFFFD800  }
0x19: {  	[tilespmem:s1], [sflag:$0x3] =	stream.linear.gather [hbm4b:s4+s1], $0x186A0, $0x38;
	[tilespmem:$0x1B700] =	vst v63  }
0x1a: {  	_ =	swait.ge [sflag:s14], $0x186A0  }
0x1b: {  	[sflag:s14] =	ssyncset.done $0x0  }
0x1c: {  	s22 =	simm.s32 $0x19B10;
	[sflag:s14] =	ssyncadd.s32 $0xFFFE7960  }
0x1d: {  	s23 =	sand.u32 $0x3E0, s1;
	v0 =	vld [tilespmem:s22+$0xFFFFEBF0]  }
0x1e: {  	v1 =	vld [tilespmem:s23+$0x1A700]  }
0x1f: {  	v2 =	vld [tilespmem:s23+$0x1AB00]  }
0x20: {  	v3 =	vld [tilespmem:s23+$0x1A300]  }
0x21: {  	v4 =	vld [tilespmem:s23+$0x19700]  }
0x22: {  	v5 =	vld [tilespmem:s23+$0x19300]  }
0x23: {  	v6 =	vld [tilespmem:s23+$0x18F00]  }
0x24: {  	v7 =	vld [tilespmem:s23+$0x19F00]  }
0x25: {  	v8 =	vld [tilespmem:s23+$0x18B00]  }
0x26: {  	v9 =	vld [tilespmem:s23+$0x19B00]  }
0x27: {  	v0 =	vld.idx.msk [tilespmem:v0+s1+$0x0], $0xffff  }
0x28: {  	v3 =	vld.idx.msk [tilespmem:v3+s1+$0x0], $0xffff  }
0x29: {  	v4 =	vld.idx.msk [tilespmem:v4+s1+$0x0], $0xffff  }
0x2a: {  	v5 =	vld.idx.msk [tilespmem:v5+s1+$0x0], $0xffff  }
0x2b: {  	v6 =	vld.idx.msk [tilespmem:v6+s1+$0x0], $0xffff  }
0x2c: {  	v7 =	vld.idx.msk [tilespmem:v7+s1+$0x0], $0xffff  }
0x2d: {  	v8 =	vld.idx.msk [tilespmem:v8+s1+$0x0], $0xffff  }
0x2e: {  	v9 =	vld.idx.msk [tilespmem:v9+s1+$0x0], $0xffff;
	_ =	sdelay $0x2  }
0x2f: {  	v1 =	vld.idx.msk [tilespmem:v1+s1+$0x0], $0xffff  }
0x30: {  	v2 =	vld.idx.msk [tilespmem:v2+s1+$0x0], $0xffff;
	v5 =	vadd.f32 v5, v6;
	v0 =	vadd.f32 v8, v0  }
0x31: {  	v4 =	vadd.f32 v9, v4;
	v3 =	vadd.f32 v3, v7;
	_ =	sdelay $0x1  }
0x32: {  	v0 =	vadd.f32 v5, v0;
	v3 =	vadd.f32 v3, v4;
	_ =	sdelay $0x1  }
0x33: {  	v1 =	vadd.f32 v2, v1;
	v0 =	vadd.f32 v3, v0;
	_ =	sdelay $0x1  }
0x34: {  	v0 =	vadd.f32 v1, v0;
	_ =	sdelay $0x1  }
0x35: {  	v0 =	vmul.f32 $1.000000010e-01, v0  }
0x36: {  	s23 =	simm.s32 $0x1AF10  }
0x37: {  	[tilespmem:s23+$0xFFFFFFF0] =	vst v0  }
0x38: {  	v0 =	vld [tilespmem:s22+$0xC00]  }
0x39: {  	v1 =	vld [tilespmem:s22+$0xFFFFEC00]  }
0x3a: {  	v2 =	vld [tilespmem:s22+$0x0]  }
0x3b: {  	v8 =	vld [tilespmem:s22+$0x800]  }
0x3c: {  	v3 =	vld [tilespmem:s22+$0xFFFFFC00]  }
0x3d: {  	v9 =	vld [tilespmem:s22+$0xFFFFF800]  }
0x3e: {  	v10 =	vld [tilespmem:s22+$0xFFFFF000]  }
0x3f: {  	v7 =	vld [tilespmem:s22+$0xFFFFF400]  }
0x40: {  	v5 =	vld [tilespmem:s22+$0x400]  }
0x41: {  	v6 =	vld [tilespmem:s22+$0x1000]  }
0x42: {  	v1 =	vld.idx.msk [tilespmem:v1+s1+$0x0], $0xffff  }
0x43: {  	v2 =	vld.idx.msk [tilespmem:v2+s1+$0x0], $0xffff  }
0x44: {  	v4 =	vld.idx.msk [tilespmem:v3+s1+$0x0], $0xffff  }
0x45: {  	v3 =	vld.idx.msk [tilespmem:v9+s1+$0x0], $0xffff  }
0x46: {  	v9 =	vld.idx.msk [tilespmem:v10+s1+$0x0], $0xffff  }
0x47: {  	s25 =	simm.s32 $0x20;
	s24 =	simm.s32 $0x1AF10;
	v8 =	vld.idx.msk [tilespmem:v8+s1+$0x0], $0xffff  }
.LBB2_2:
0x48: {  	p0 =	sne.s32 s25, $0x3E0;
	v7 =	vld.idx.msk [tilespmem:v7+s1+$0x0], $0xffff;
	s22 =	sadd.s32 $0x20, s22;
	s23 =	sadd.s32 $0x20, s23  }
0x49: {  	s26 =	smov.u32 s25;
	s25 =	sadd.s32 $0x20, s25;
	v5 =	vld.idx.msk [tilespmem:v5+s1+$0x0], $0xffff  }
0x4a: {  	v6 =	vld.idx.msk [tilespmem:v6+s1+$0x0], $0xffff  }
0x4b: {  	v0 =	vld.idx.msk [tilespmem:v0+s1+$0x0], $0xffff  }
0x4c: {  	v2 =	vadd.f32 v2, v4;
	v1 =	vadd.f32 v9, v1;
	_ =	sdelay $0x1  }
0x4d: {  	v3 =	vadd.f32 v3, v7  }
0x4e: {  	v4 =	vadd.f32 v8, v5  }
0x4f: {  	v1 =	vadd.f32 v3, v1  }
0x50: {  	v0 =	vadd.f32 v6, v0;
	v2 =	vadd.f32 v4, v2;
	_ =	sdelay $0x1  }
0x51: {  	v1 =	vadd.f32 v2, v1;
	_ =	sdelay $0x1  }
0x52: {  	v0 =	vadd.f32 v0, v1;
	_ =	sdelay $0x1  }
0x53: {  	v0 =	vmul.f32 $1.000000010e-01, v0;
	_ =	sdelay $0x1  }
0x54: {  	[tilespmem:s24+$0x0] =	vst v0;
	s24 =	smov.u32 s23  }
0x55: {  	s26 =	sand.u32 $0x3E0, s26;
	v0 =	vld [tilespmem:s22+$0xFFFFEBF0]  }
0x56: {  	v1 =	vld [tilespmem:s26+$0x1A700]  }
0x57: {  	v2 =	vld [tilespmem:s26+$0x1AB00]  }
0x58: {  	v3 =	vld [tilespmem:s26+$0x1A300]  }
0x59: {  	v4 =	vld [tilespmem:s26+$0x19700]  }
0x5a: {  	v5 =	vld [tilespmem:s26+$0x19300]  }
0x5b: {  	v6 =	vld [tilespmem:s26+$0x18F00]  }
0x5c: {  	v7 =	vld [tilespmem:s26+$0x19F00]  }
0x5d: {  	v8 =	vld [tilespmem:s26+$0x18B00]  }
0x5e: {  	v9 =	vld [tilespmem:s26+$0x19B00]  }
0x5f: {  	v0 =	vld.idx.msk [tilespmem:v0+s1+$0x0], $0xffff  }
0x60: {  	v3 =	vld.idx.msk [tilespmem:v3+s1+$0x0], $0xffff  }
0x61: {  	v4 =	vld.idx.msk [tilespmem:v4+s1+$0x0], $0xffff  }
0x62: {  	v5 =	vld.idx.msk [tilespmem:v5+s1+$0x0], $0xffff  }
0x63: {  	v6 =	vld.idx.msk [tilespmem:v6+s1+$0x0], $0xffff  }
0x64: {  	v7 =	vld.idx.msk [tilespmem:v7+s1+$0x0], $0xffff  }
0x65: {  	v8 =	vld.idx.msk [tilespmem:v8+s1+$0x0], $0xffff  }
0x66: {  	v9 =	vld.idx.msk [tilespmem:v9+s1+$0x0], $0xffff;
	_ =	sdelay $0x2  }
0x67: {  	v5 =	vadd.f32 v5, v6;
	v1 =	vld.idx.msk [tilespmem:v1+s1+$0x0], $0xffff  }
0x68: {  	v2 =	vld.idx.msk [tilespmem:v2+s1+$0x0], $0xffff  }
0x69: {  	v0 =	vadd.f32 v8, v0  }
0x6a: {  	v3 =	vadd.f32 v3, v7;
	v4 =	vadd.f32 v9, v4;
	_ =	sdelay $0x1  }
0x6b: {  	v0 =	vadd.f32 v5, v0;
	v3 =	vadd.f32 v3, v4;
	_ =	sdelay $0x1  }
0x6c: {  	v1 =	vadd.f32 v2, v1;
	v0 =	vadd.f32 v3, v0;
	_ =	sdelay $0x1  }
0x6d: {  	v0 =	vadd.f32 v1, v0;
	_ =	sdelay $0x1  }
0x6e: {  	v0 =	vmul.f32 $1.000000010e-01, v0;
	_ =	sdelay $0x1  }
0x6f: {  	[tilespmem:s23+$0xFFFFFFF0] =	vst v0  }
0x70: {  	v0 =	vld [tilespmem:s22+$0xC00]  }
0x71: {  	v1 =	vld [tilespmem:s22+$0xFFFFEC00]  }
0x72: {  	v2 =	vld [tilespmem:s22+$0x0]  }
0x73: {  	v8 =	vld [tilespmem:s22+$0x800]  }
0x74: {  	v3 =	vld [tilespmem:s22+$0xFFFFFC00]  }
0x75: {  	v9 =	vld [tilespmem:s22+$0xFFFFF800]  }
0x76: {  	v10 =	vld [tilespmem:s22+$0xFFFFF000]  }
0x77: {  	v7 =	vld [tilespmem:s22+$0xFFFFF400]  }
0x78: {  	v5 =	vld [tilespmem:s22+$0x400]  }
0x79: {  	v1 =	vld.idx.msk [tilespmem:v1+s1+$0x0], $0xffff  }
0x7a: {  	v6 =	vld [tilespmem:s22+$0x1000]  }
.Ltmp0:
0x7b: {  	v2 =	vld.idx.msk [tilespmem:v2+s1+$0x0], $0xffff;
	(pc) =	sbr.rel @p0 .LBB2_2-.Ltmp0, $4  }
0x7c: {  	v4 =	vld.idx.msk [tilespmem:v3+s1+$0x0], $0xffff  }
0x7d: {  	v3 =	vld.idx.msk [tilespmem:v9+s1+$0x0], $0xffff  }
0x7e: {  	v9 =	vld.idx.msk [tilespmem:v10+s1+$0x0], $0xffff  }
0x7f: {  	v8 =	vld.idx.msk [tilespmem:v8+s1+$0x0], $0xffff  }
0x80: {  	_ =	sdelay $0x3  }
0x81: {  	v7 =	vld.idx.msk [tilespmem:v7+s1+$0x0], $0xffff  }
0x82: {  	v5 =	vld.idx.msk [tilespmem:v5+s1+$0x0], $0xffff;
	_ =	sdelay $0x2  }
0x83: {  	v6 =	vld.idx.msk [tilespmem:v6+s1+$0x0], $0xffff  }
0x84: {  	v0 =	vld.idx.msk [tilespmem:v0+s1+$0x0], $0xffff;
	v2 =	vadd.f32 v2, v4;
	v1 =	vadd.f32 v9, v1  }
0x85: {  	v3 =	vadd.f32 v3, v7;
	v4 =	vadd.f32 v8, v5;
	_ =	sdelay $0x1  }
0x86: {  	v1 =	vadd.f32 v3, v1;
	v2 =	vadd.f32 v4, v2;
	_ =	sdelay $0x1  }
0x87: {  	v0 =	vadd.f32 v6, v0;
	v1 =	vadd.f32 v2, v1;
	_ =	sdelay $0x1  }
0x88: {  	v0 =	vadd.f32 v0, v1;
	_ =	sdelay $0x1  }
0x89: {  	v0 =	vmul.f32 $1.000000010e-01, v0;
	_ =	sdelay $0x1  }
0x8a: {  	[tilespmem:s24+$0x0] =	vst v0  }
0x8b: {  	[hbm4b:s5+s15] =	stream.strided.scatter [tilespmem:s17], [sflag:$0x1], $0x400, s16, s15, $0x38;
	[tilespmem:$0x1B700] =	vst v63  }
0x8c: {  	s23 =	simm.s32 $0x0  }
0x8d: {  	[tilespmem:s23], [sflag:$0x3] =	stream.linear.gather [hbm4b:s6+s23], $0x186A0, $0x38;
	[tilespmem:$0x1B700] =	vst v63  }
0x8e: {  	_ =	swait.ge [sflag:s14], $0x186A0  }
0x8f: {  	[sflag:s14] =	ssyncset.done $0x0  }
0x90: {  	s22 =	simm.s32 $0x19B10;
	[sflag:s14] =	ssyncadd.s32 $0xFFFE7960  }
0x91: {  	s23 =	sand.u32 $0x3E0, s23;
	v0 =	vld [tilespmem:s22+$0xFFFFEBF0]  }
0x92: {  	v1 =	vld [tilespmem:s23+$0x1A700]  }
0x93: {  	v2 =	vld [tilespmem:s23+$0x1AB00]  }
0x94: {  	v3 =	vld [tilespmem:s23+$0x1A300]  }
0x95: {  	v4 =	vld [tilespmem:s23+$0x19700]  }
0x96: {  	v5 =	vld [tilespmem:s23+$0x19300]  }
0x97: {  	v6 =	vld [tilespmem:s23+$0x18F00]  }
0x98: {  	v7 =	vld [tilespmem:s23+$0x19F00]  }
0x99: {  	v8 =	vld [tilespmem:s23+$0x18B00]  }
0x9a: {  	v9 =	vld [tilespmem:s23+$0x19B00]  }
0x9b: {  	v0 =	vld.idx.msk [tilespmem:v0+s1+$0x0], $0xffff  }
0x9c: {  	v3 =	vld.idx.msk [tilespmem:v3+s1+$0x0], $0xffff  }
0x9d: {  	v4 =	vld.idx.msk [tilespmem:v4+s1+$0x0], $0xffff  }
0x9e: {  	v5 =	vld.idx.msk [tilespmem:v5+s1+$0x0], $0xffff  }
0x9f: {  	v6 =	vld.idx.msk [tilespmem:v6+s1+$0x0], $0xffff  }
0xa0: {  	v7 =	vld.idx.msk [tilespmem:v7+s1+$0x0], $0xffff  }
0xa1: {  	v8 =	vld.idx.msk [tilespmem:v8+s1+$0x0], $0xffff  }
0xa2: {  	v9 =	vld.idx.msk [tilespmem:v9+s1+$0x0], $0xffff;
	_ =	sdelay $0x2  }
0xa3: {  	v1 =	vld.idx.msk [tilespmem:v1+s1+$0x0], $0xffff  }
0xa4: {  	v2 =	vld.idx.msk [tilespmem:v2+s1+$0x0], $0xffff;
	v5 =	vadd.f32 v5, v6;
	v0 =	vadd.f32 v8, v0  }
0xa5: {  	v4 =	vadd.f32 v9, v4;
	v3 =	vadd.f32 v3, v7;
	_ =	sdelay $0x1  }
0xa6: {  	v0 =	vadd.f32 v5, v0;
	v3 =	vadd.f32 v3, v4;
	_ =	sdelay $0x1  }
0xa7: {  	v1 =	vadd.f32 v2, v1;
	v0 =	vadd.f32 v3, v0;
	_ =	sdelay $0x1  }
0xa8: {  	v0 =	vadd.f32 v1, v0;
	_ =	sdelay $0x1  }
0xa9: {  	v0 =	vmul.f32 $1.000000010e-01, v0  }
0xaa: {  	s23 =	simm.s32 $0x1B310  }
0xab: {  	[tilespmem:s23+$0xFFFFFFF0] =	vst v0  }
0xac: {  	v0 =	vld [tilespmem:s22+$0xC00]  }
0xad: {  	v1 =	vld [tilespmem:s22+$0xFFFFEC00]  }
0xae: {  	v2 =	vld [tilespmem:s22+$0x0]  }
0xaf: {  	v8 =	vld [tilespmem:s22+$0x800]  }
0xb0: {  	v3 =	vld [tilespmem:s22+$0xFFFFFC00]  }
0xb1: {  	v9 =	vld [tilespmem:s22+$0xFFFFF800]  }
0xb2: {  	v10 =	vld [tilespmem:s22+$0xFFFFF000]  }
0xb3: {  	v7 =	vld [tilespmem:s22+$0xFFFFF400]  }
0xb4: {  	v5 =	vld [tilespmem:s22+$0x400]  }
0xb5: {  	v6 =	vld [tilespmem:s22+$0x1000]  }
0xb6: {  	v1 =	vld.idx.msk [tilespmem:v1+s1+$0x0], $0xffff  }
0xb7: {  	v2 =	vld.idx.msk [tilespmem:v2+s1+$0x0], $0xffff  }
0xb8: {  	v4 =	vld.idx.msk [tilespmem:v3+s1+$0x0], $0xffff  }
0xb9: {  	v3 =	vld.idx.msk [tilespmem:v9+s1+$0x0], $0xffff  }
0xba: {  	v9 =	vld.idx.msk [tilespmem:v10+s1+$0x0], $0xffff  }
0xbb: {  	s25 =	simm.s32 $0x20;
	s24 =	simm.s32 $0x1B310;
	v8 =	vld.idx.msk [tilespmem:v8+s1+$0x0], $0xffff  }
.LBB2_4:
0xbc: {  	p0 =	sne.s32 s25, $0x3E0;
	v7 =	vld.idx.msk [tilespmem:v7+s1+$0x0], $0xffff;
	s22 =	sadd.s32 $0x20, s22;
	s23 =	sadd.s32 $0x20, s23  }
0xbd: {  	s26 =	smov.u32 s25;
	s25 =	sadd.s32 $0x20, s25;
	v5 =	vld.idx.msk [tilespmem:v5+s1+$0x0], $0xffff  }
0xbe: {  	v6 =	vld.idx.msk [tilespmem:v6+s1+$0x0], $0xffff  }
0xbf: {  	v0 =	vld.idx.msk [tilespmem:v0+s1+$0x0], $0xffff  }
0xc0: {  	v2 =	vadd.f32 v2, v4;
	v1 =	vadd.f32 v9, v1;
	_ =	sdelay $0x1  }
0xc1: {  	v3 =	vadd.f32 v3, v7  }
0xc2: {  	v4 =	vadd.f32 v8, v5  }
0xc3: {  	v1 =	vadd.f32 v3, v1  }
0xc4: {  	v0 =	vadd.f32 v6, v0;
	v2 =	vadd.f32 v4, v2;
	_ =	sdelay $0x1  }
0xc5: {  	v1 =	vadd.f32 v2, v1;
	_ =	sdelay $0x1  }
0xc6: {  	v0 =	vadd.f32 v0, v1;
	_ =	sdelay $0x1  }
0xc7: {  	v0 =	vmul.f32 $1.000000010e-01, v0;
	_ =	sdelay $0x1  }
0xc8: {  	[tilespmem:s24+$0x0] =	vst v0;
	s24 =	smov.u32 s23  }
0xc9: {  	s26 =	sand.u32 $0x3E0, s26;
	v0 =	vld [tilespmem:s22+$0xFFFFEBF0]  }
0xca: {  	v1 =	vld [tilespmem:s26+$0x1A700]  }
0xcb: {  	v2 =	vld [tilespmem:s26+$0x1AB00]  }
0xcc: {  	v3 =	vld [tilespmem:s26+$0x1A300]  }
0xcd: {  	v4 =	vld [tilespmem:s26+$0x19700]  }
0xce: {  	v5 =	vld [tilespmem:s26+$0x19300]  }
0xcf: {  	v6 =	vld [tilespmem:s26+$0x18F00]  }
0xd0: {  	v7 =	vld [tilespmem:s26+$0x19F00]  }
0xd1: {  	v8 =	vld [tilespmem:s26+$0x18B00]  }
0xd2: {  	v9 =	vld [tilespmem:s26+$0x19B00]  }
0xd3: {  	v0 =	vld.idx.msk [tilespmem:v0+s1+$0x0], $0xffff  }
0xd4: {  	v3 =	vld.idx.msk [tilespmem:v3+s1+$0x0], $0xffff  }
0xd5: {  	v4 =	vld.idx.msk [tilespmem:v4+s1+$0x0], $0xffff  }
0xd6: {  	v5 =	vld.idx.msk [tilespmem:v5+s1+$0x0], $0xffff  }
0xd7: {  	v6 =	vld.idx.msk [tilespmem:v6+s1+$0x0], $0xffff  }
0xd8: {  	v7 =	vld.idx.msk [tilespmem:v7+s1+$0x0], $0xffff  }
0xd9: {  	v8 =	vld.idx.msk [tilespmem:v8+s1+$0x0], $0xffff  }
0xda: {  	v9 =	vld.idx.msk [tilespmem:v9+s1+$0x0], $0xffff;
	_ =	sdelay $0x2  }
0xdb: {  	v5 =	vadd.f32 v5, v6;
	v1 =	vld.idx.msk [tilespmem:v1+s1+$0x0], $0xffff  }
0xdc: {  	v2 =	vld.idx.msk [tilespmem:v2+s1+$0x0], $0xffff  }
0xdd: {  	v0 =	vadd.f32 v8, v0  }
0xde: {  	v3 =	vadd.f32 v3, v7;
	v4 =	vadd.f32 v9, v4;
	_ =	sdelay $0x1  }
0xdf: {  	v0 =	vadd.f32 v5, v0;
	v3 =	vadd.f32 v3, v4;
	_ =	sdelay $0x1  }
0xe0: {  	v1 =	vadd.f32 v2, v1;
	v0 =	vadd.f32 v3, v0;
	_ =	sdelay $0x1  }
0xe1: {  	v0 =	vadd.f32 v1, v0;
	_ =	sdelay $0x1  }
0xe2: {  	v0 =	vmul.f32 $1.000000010e-01, v0;
	_ =	sdelay $0x1  }
0xe3: {  	[tilespmem:s23+$0xFFFFFFF0] =	vst v0  }
0xe4: {  	v0 =	vld [tilespmem:s22+$0xC00]  }
0xe5: {  	v1 =	vld [tilespmem:s22+$0xFFFFEC00]  }
0xe6: {  	v2 =	vld [tilespmem:s22+$0x0]  }
0xe7: {  	v8 =	vld [tilespmem:s22+$0x800]  }
0xe8: {  	v3 =	vld [tilespmem:s22+$0xFFFFFC00]  }
0xe9: {  	v9 =	vld [tilespmem:s22+$0xFFFFF800]  }
0xea: {  	v10 =	vld [tilespmem:s22+$0xFFFFF000]  }
0xeb: {  	v7 =	vld [tilespmem:s22+$0xFFFFF400]  }
0xec: {  	v5 =	vld [tilespmem:s22+$0x400]  }
0xed: {  	v1 =	vld.idx.msk [tilespmem:v1+s1+$0x0], $0xffff  }
0xee: {  	v6 =	vld [tilespmem:s22+$0x1000]  }
.Ltmp1:
0xef: {  	v2 =	vld.idx.msk [tilespmem:v2+s1+$0x0], $0xffff;
	(pc) =	sbr.rel @p0 .LBB2_4-.Ltmp1, $4  }
0xf0: {  	v4 =	vld.idx.msk [tilespmem:v3+s1+$0x0], $0xffff  }
0xf1: {  	v3 =	vld.idx.msk [tilespmem:v9+s1+$0x0], $0xffff  }
0xf2: {  	v9 =	vld.idx.msk [tilespmem:v10+s1+$0x0], $0xffff  }
0xf3: {  	v8 =	vld.idx.msk [tilespmem:v8+s1+$0x0], $0xffff  }
0xf4: {  	_ =	sdelay $0x3  }
0xf5: {  	v7 =	vld.idx.msk [tilespmem:v7+s1+$0x0], $0xffff  }
0xf6: {  	v5 =	vld.idx.msk [tilespmem:v5+s1+$0x0], $0xffff;
	_ =	sdelay $0x2  }
0xf7: {  	v6 =	vld.idx.msk [tilespmem:v6+s1+$0x0], $0xffff  }
0xf8: {  	v0 =	vld.idx.msk [tilespmem:v0+s1+$0x0], $0xffff;
	v2 =	vadd.f32 v2, v4;
	v1 =	vadd.f32 v9, v1  }
0xf9: {  	v3 =	vadd.f32 v3, v7;
	v4 =	vadd.f32 v8, v5;
	_ =	sdelay $0x1  }
0xfa: {  	v1 =	vadd.f32 v3, v1;
	v2 =	vadd.f32 v4, v2;
	_ =	sdelay $0x1  }
0xfb: {  	v0 =	vadd.f32 v6, v0;
	v1 =	vadd.f32 v2, v1;
	_ =	sdelay $0x1  }
0xfc: {  	v0 =	vadd.f32 v0, v1;
	_ =	sdelay $0x1  }
0xfd: {  	v0 =	vmul.f32 $1.000000010e-01, v0;
	_ =	sdelay $0x1  }
0xfe: {  	[tilespmem:s24+$0x0] =	vst v0  }
0xff: {  	[hbm4b:s7+s15] =	stream.strided.scatter [tilespmem:s18], [sflag:$0x2], $0x400, s16, s15, $0x38;
	[tilespmem:$0x1B700] =	vst v63  }
0x100: {  	s23 =	simm.s32 $0x0  }
0x101: {  	[tilespmem:s23], [sflag:$0x3] =	stream.linear.gather [hbm4b:s8+s23], $0x186A0, $0x38;
	[tilespmem:$0x1B700] =	vst v63  }
0x102: {  	_ =	swait.ge [sflag:s14], $0x186A0  }
0x103: {  	[sflag:s14] =	ssyncset.done $0x0  }
0x104: {  	[sflag:s14] =	ssyncadd.s32 $0xFFFE7960  }
0x105: {  	_ =	swait.ge [sflag:s19], $0x400  }
0x106: {  	[sflag:s19] =	ssyncset.done $0x0  }
0x107: {  	s22 =	simm.s32 $0x19B10;
	[sflag:s19] =	ssyncadd.s32 $0xFFFFFC00  }
0x108: {  	s23 =	sand.u32 $0x3E0, s23;
	v0 =	vld [tilespmem:s22+$0xFFFFEBF0]  }
0x109: {  	v1 =	vld [tilespmem:s23+$0x1A700]  }
0x10a: {  	v2 =	vld [tilespmem:s23+$0x1AB00]  }
0x10b: {  	v3 =	vld [tilespmem:s23+$0x1A300]  }
0x10c: {  	v4 =	vld [tilespmem:s23+$0x19700]  }
0x10d: {  	v5 =	vld [tilespmem:s23+$0x19300]  }
0x10e: {  	v6 =	vld [tilespmem:s23+$0x18F00]  }
0x10f: {  	v7 =	vld [tilespmem:s23+$0x19F00]  }
0x110: {  	v8 =	vld [tilespmem:s23+$0x18B00]  }
0x111: {  	v9 =	vld [tilespmem:s23+$0x19B00]  }
0x112: {  	v0 =	vld.idx.msk [tilespmem:v0+s1+$0x0], $0xffff  }
0x113: {  	v3 =	vld.idx.msk [tilespmem:v3+s1+$0x0], $0xffff  }
0x114: {  	v4 =	vld.idx.msk [tilespmem:v4+s1+$0x0], $0xffff  }
0x115: {  	v5 =	vld.idx.msk [tilespmem:v5+s1+$0x0], $0xffff  }
0x116: {  	v6 =	vld.idx.msk [tilespmem:v6+s1+$0x0], $0xffff  }
0x117: {  	v7 =	vld.idx.msk [tilespmem:v7+s1+$0x0], $0xffff  }
0x118: {  	v8 =	vld.idx.msk [tilespmem:v8+s1+$0x0], $0xffff  }
0x119: {  	v9 =	vld.idx.msk [tilespmem:v9+s1+$0x0], $0xffff;
	_ =	sdelay $0x2  }
0x11a: {  	v1 =	vld.idx.msk [tilespmem:v1+s1+$0x0], $0xffff  }
0x11b: {  	v2 =	vld.idx.msk [tilespmem:v2+s1+$0x0], $0xffff;
	v5 =	vadd.f32 v5, v6;
	v0 =	vadd.f32 v8, v0  }
0x11c: {  	v4 =	vadd.f32 v9, v4;
	v3 =	vadd.f32 v3, v7;
	_ =	sdelay $0x1  }
0x11d: {  	v0 =	vadd.f32 v5, v0;
	v3 =	vadd.f32 v3, v4;
	_ =	sdelay $0x1  }
0x11e: {  	v1 =	vadd.f32 v2, v1;
	v0 =	vadd.f32 v3, v0;
	_ =	sdelay $0x1  }
0x11f: {  	v0 =	vadd.f32 v1, v0;
	_ =	sdelay $0x1  }
0x120: {  	v0 =	vmul.f32 $1.000000010e-01, v0  }
0x121: {  	s23 =	simm.s32 $0x1AF10  }
0x122: {  	[tilespmem:s23+$0xFFFFFFF0] =	vst v0  }
0x123: {  	v0 =	vld [tilespmem:s22+$0xC00]  }
0x124: {  	v1 =	vld [tilespmem:s22+$0xFFFFEC00]  }
0x125: {  	v2 =	vld [tilespmem:s22+$0x0]  }
0x126: {  	v8 =	vld [tilespmem:s22+$0x800]  }
0x127: {  	v3 =	vld [tilespmem:s22+$0xFFFFFC00]  }
0x128: {  	v9 =	vld [tilespmem:s22+$0xFFFFF800]  }
0x129: {  	v10 =	vld [tilespmem:s22+$0xFFFFF000]  }
0x12a: {  	v7 =	vld [tilespmem:s22+$0xFFFFF400]  }
0x12b: {  	v5 =	vld [tilespmem:s22+$0x400]  }
0x12c: {  	v6 =	vld [tilespmem:s22+$0x1000]  }
0x12d: {  	v1 =	vld.idx.msk [tilespmem:v1+s1+$0x0], $0xffff  }
0x12e: {  	v2 =	vld.idx.msk [tilespmem:v2+s1+$0x0], $0xffff  }
0x12f: {  	v4 =	vld.idx.msk [tilespmem:v3+s1+$0x0], $0xffff  }
0x130: {  	v3 =	vld.idx.msk [tilespmem:v9+s1+$0x0], $0xffff  }
0x131: {  	v9 =	vld.idx.msk [tilespmem:v10+s1+$0x0], $0xffff  }
0x132: {  	s25 =	simm.s32 $0x20;
	s24 =	simm.s32 $0x1AF10;
	v8 =	vld.idx.msk [tilespmem:v8+s1+$0x0], $0xffff  }
.LBB2_6:
0x133: {  	p0 =	sne.s32 s25, $0x3E0;
	v7 =	vld.idx.msk [tilespmem:v7+s1+$0x0], $0xffff;
	s22 =	sadd.s32 $0x20, s22;
	s23 =	sadd.s32 $0x20, s23  }
0x134: {  	s26 =	smov.u32 s25;
	s25 =	sadd.s32 $0x20, s25;
	v5 =	vld.idx.msk [tilespmem:v5+s1+$0x0], $0xffff  }
0x135: {  	v6 =	vld.idx.msk [tilespmem:v6+s1+$0x0], $0xffff  }
0x136: {  	v0 =	vld.idx.msk [tilespmem:v0+s1+$0x0], $0xffff  }
0x137: {  	v2 =	vadd.f32 v2, v4;
	v1 =	vadd.f32 v9, v1;
	_ =	sdelay $0x1  }
0x138: {  	v3 =	vadd.f32 v3, v7  }
0x139: {  	v4 =	vadd.f32 v8, v5  }
0x13a: {  	v1 =	vadd.f32 v3, v1  }
0x13b: {  	v0 =	vadd.f32 v6, v0;
	v2 =	vadd.f32 v4, v2;
	_ =	sdelay $0x1  }
0x13c: {  	v1 =	vadd.f32 v2, v1;
	_ =	sdelay $0x1  }
0x13d: {  	v0 =	vadd.f32 v0, v1;
	_ =	sdelay $0x1  }
0x13e: {  	v0 =	vmul.f32 $1.000000010e-01, v0;
	_ =	sdelay $0x1  }
0x13f: {  	[tilespmem:s24+$0x0] =	vst v0;
	s24 =	smov.u32 s23  }
0x140: {  	s26 =	sand.u32 $0x3E0, s26;
	v0 =	vld [tilespmem:s22+$0xFFFFEBF0]  }
0x141: {  	v1 =	vld [tilespmem:s26+$0x1A700]  }
0x142: {  	v2 =	vld [tilespmem:s26+$0x1AB00]  }
0x143: {  	v3 =	vld [tilespmem:s26+$0x1A300]  }
0x144: {  	v4 =	vld [tilespmem:s26+$0x19700]  }
0x145: {  	v5 =	vld [tilespmem:s26+$0x19300]  }
0x146: {  	v6 =	vld [tilespmem:s26+$0x18F00]  }
0x147: {  	v7 =	vld [tilespmem:s26+$0x19F00]  }
0x148: {  	v8 =	vld [tilespmem:s26+$0x18B00]  }
0x149: {  	v9 =	vld [tilespmem:s26+$0x19B00]  }
0x14a: {  	v0 =	vld.idx.msk [tilespmem:v0+s1+$0x0], $0xffff  }
0x14b: {  	v3 =	vld.idx.msk [tilespmem:v3+s1+$0x0], $0xffff  }
0x14c: {  	v4 =	vld.idx.msk [tilespmem:v4+s1+$0x0], $0xffff  }
0x14d: {  	v5 =	vld.idx.msk [tilespmem:v5+s1+$0x0], $0xffff  }
0x14e: {  	v6 =	vld.idx.msk [tilespmem:v6+s1+$0x0], $0xffff  }
0x14f: {  	v7 =	vld.idx.msk [tilespmem:v7+s1+$0x0], $0xffff  }
0x150: {  	v8 =	vld.idx.msk [tilespmem:v8+s1+$0x0], $0xffff  }
0x151: {  	v9 =	vld.idx.msk [tilespmem:v9+s1+$0x0], $0xffff;
	_ =	sdelay $0x2  }
0x152: {  	v5 =	vadd.f32 v5, v6;
	v1 =	vld.idx.msk [tilespmem:v1+s1+$0x0], $0xffff  }
0x153: {  	v2 =	vld.idx.msk [tilespmem:v2+s1+$0x0], $0xffff  }
0x154: {  	v0 =	vadd.f32 v8, v0  }
0x155: {  	v3 =	vadd.f32 v3, v7;
	v4 =	vadd.f32 v9, v4;
	_ =	sdelay $0x1  }
0x156: {  	v0 =	vadd.f32 v5, v0;
	v3 =	vadd.f32 v3, v4;
	_ =	sdelay $0x1  }
0x157: {  	v1 =	vadd.f32 v2, v1;
	v0 =	vadd.f32 v3, v0;
	_ =	sdelay $0x1  }
0x158: {  	v0 =	vadd.f32 v1, v0;
	_ =	sdelay $0x1  }
0x159: {  	v0 =	vmul.f32 $1.000000010e-01, v0;
	_ =	sdelay $0x1  }
0x15a: {  	[tilespmem:s23+$0xFFFFFFF0] =	vst v0  }
0x15b: {  	v0 =	vld [tilespmem:s22+$0xC00]  }
0x15c: {  	v1 =	vld [tilespmem:s22+$0xFFFFEC00]  }
0x15d: {  	v2 =	vld [tilespmem:s22+$0x0]  }
0x15e: {  	v8 =	vld [tilespmem:s22+$0x800]  }
0x15f: {  	v3 =	vld [tilespmem:s22+$0xFFFFFC00]  }
0x160: {  	v9 =	vld [tilespmem:s22+$0xFFFFF800]  }
0x161: {  	v10 =	vld [tilespmem:s22+$0xFFFFF000]  }
0x162: {  	v7 =	vld [tilespmem:s22+$0xFFFFF400]  }
0x163: {  	v5 =	vld [tilespmem:s22+$0x400]  }
0x164: {  	v1 =	vld.idx.msk [tilespmem:v1+s1+$0x0], $0xffff  }
0x165: {  	v6 =	vld [tilespmem:s22+$0x1000]  }
.Ltmp2:
0x166: {  	v2 =	vld.idx.msk [tilespmem:v2+s1+$0x0], $0xffff;
	(pc) =	sbr.rel @p0 .LBB2_6-.Ltmp2, $4  }
0x167: {  	v4 =	vld.idx.msk [tilespmem:v3+s1+$0x0], $0xffff  }
0x168: {  	v3 =	vld.idx.msk [tilespmem:v9+s1+$0x0], $0xffff  }
0x169: {  	v9 =	vld.idx.msk [tilespmem:v10+s1+$0x0], $0xffff  }
0x16a: {  	v8 =	vld.idx.msk [tilespmem:v8+s1+$0x0], $0xffff  }
0x16b: {  	_ =	sdelay $0x3  }
0x16c: {  	v7 =	vld.idx.msk [tilespmem:v7+s1+$0x0], $0xffff  }
0x16d: {  	v5 =	vld.idx.msk [tilespmem:v5+s1+$0x0], $0xffff;
	_ =	sdelay $0x2  }
0x16e: {  	v6 =	vld.idx.msk [tilespmem:v6+s1+$0x0], $0xffff  }
0x16f: {  	v0 =	vld.idx.msk [tilespmem:v0+s1+$0x0], $0xffff;
	v2 =	vadd.f32 v2, v4;
	v1 =	vadd.f32 v9, v1  }
0x170: {  	v3 =	vadd.f32 v3, v7;
	v4 =	vadd.f32 v8, v5;
	_ =	sdelay $0x1  }
0x171: {  	v1 =	vadd.f32 v3, v1;
	v2 =	vadd.f32 v4, v2;
	_ =	sdelay $0x1  }
0x172: {  	v0 =	vadd.f32 v6, v0;
	v1 =	vadd.f32 v2, v1;
	_ =	sdelay $0x1  }
0x173: {  	v0 =	vadd.f32 v0, v1;
	_ =	sdelay $0x1  }
0x174: {  	v0 =	vmul.f32 $1.000000010e-01, v0;
	_ =	sdelay $0x1  }
0x175: {  	[tilespmem:s24+$0x0] =	vst v0  }
0x176: {  	[hbm4b:s9+s15] =	stream.strided.scatter [tilespmem:s17], [sflag:$0x1], $0x400, s16, s15, $0x38;
	[tilespmem:$0x1B700] =	vst v63  }
0x177: {  	s23 =	simm.s32 $0x0  }
0x178: {  	[tilespmem:s23], [sflag:$0x3] =	stream.linear.gather [hbm4b:s10+s23], $0x186A0, $0x38;
	[tilespmem:$0x1B700] =	vst v63  }
0x179: {  	_ =	swait.ge [sflag:s14], $0x186A0  }
0x17a: {  	[sflag:s14] =	ssyncset.done $0x0  }
0x17b: {  	[sflag:s14] =	ssyncadd.s32 $0xFFFE7960  }
0x17c: {  	_ =	swait.ge [sflag:s20], $0x400  }
0x17d: {  	[sflag:s20] =	ssyncset.done $0x0  }
0x17e: {  	s22 =	simm.s32 $0x19B10;
	[sflag:s20] =	ssyncadd.s32 $0xFFFFFC00  }
0x17f: {  	s23 =	sand.u32 $0x3E0, s23;
	v0 =	vld [tilespmem:s22+$0xFFFFEBF0]  }
0x180: {  	v1 =	vld [tilespmem:s23+$0x1A700]  }
0x181: {  	v2 =	vld [tilespmem:s23+$0x1AB00]  }
0x182: {  	v3 =	vld [tilespmem:s23+$0x1A300]  }
0x183: {  	v4 =	vld [tilespmem:s23+$0x19700]  }
0x184: {  	v5 =	vld [tilespmem:s23+$0x19300]  }
0x185: {  	v6 =	vld [tilespmem:s23+$0x18F00]  }
0x186: {  	v7 =	vld [tilespmem:s23+$0x19F00]  }
0x187: {  	v8 =	vld [tilespmem:s23+$0x18B00]  }
0x188: {  	v9 =	vld [tilespmem:s23+$0x19B00]  }
0x189: {  	v0 =	vld.idx.msk [tilespmem:v0+s1+$0x0], $0xffff  }
0x18a: {  	v3 =	vld.idx.msk [tilespmem:v3+s1+$0x0], $0xffff  }
0x18b: {  	v4 =	vld.idx.msk [tilespmem:v4+s1+$0x0], $0xffff  }
0x18c: {  	v5 =	vld.idx.msk [tilespmem:v5+s1+$0x0], $0xffff  }
0x18d: {  	v6 =	vld.idx.msk [tilespmem:v6+s1+$0x0], $0xffff  }
0x18e: {  	v7 =	vld.idx.msk [tilespmem:v7+s1+$0x0], $0xffff  }
0x18f: {  	v8 =	vld.idx.msk [tilespmem:v8+s1+$0x0], $0xffff  }
0x190: {  	v9 =	vld.idx.msk [tilespmem:v9+s1+$0x0], $0xffff;
	_ =	sdelay $0x2  }
0x191: {  	v1 =	vld.idx.msk [tilespmem:v1+s1+$0x0], $0xffff  }
0x192: {  	v2 =	vld.idx.msk [tilespmem:v2+s1+$0x0], $0xffff;
	v5 =	vadd.f32 v5, v6;
	v0 =	vadd.f32 v8, v0  }
0x193: {  	v4 =	vadd.f32 v9, v4;
	v3 =	vadd.f32 v3, v7;
	_ =	sdelay $0x1  }
0x194: {  	v0 =	vadd.f32 v5, v0;
	v3 =	vadd.f32 v3, v4;
	_ =	sdelay $0x1  }
0x195: {  	v1 =	vadd.f32 v2, v1;
	v0 =	vadd.f32 v3, v0;
	_ =	sdelay $0x1  }
0x196: {  	v0 =	vadd.f32 v1, v0;
	_ =	sdelay $0x1  }
0x197: {  	v0 =	vmul.f32 $1.000000010e-01, v0  }
0x198: {  	s23 =	simm.s32 $0x1B310  }
0x199: {  	[tilespmem:s23+$0xFFFFFFF0] =	vst v0  }
0x19a: {  	v0 =	vld [tilespmem:s22+$0xC00]  }
0x19b: {  	v1 =	vld [tilespmem:s22+$0xFFFFEC00]  }
0x19c: {  	v2 =	vld [tilespmem:s22+$0x0]  }
0x19d: {  	v8 =	vld [tilespmem:s22+$0x800]  }
0x19e: {  	v3 =	vld [tilespmem:s22+$0xFFFFFC00]  }
0x19f: {  	v9 =	vld [tilespmem:s22+$0xFFFFF800]  }
0x1a0: {  	v10 =	vld [tilespmem:s22+$0xFFFFF000]  }
0x1a1: {  	v7 =	vld [tilespmem:s22+$0xFFFFF400]  }
0x1a2: {  	v5 =	vld [tilespmem:s22+$0x400]  }
0x1a3: {  	v6 =	vld [tilespmem:s22+$0x1000]  }
0x1a4: {  	v1 =	vld.idx.msk [tilespmem:v1+s1+$0x0], $0xffff  }
0x1a5: {  	v2 =	vld.idx.msk [tilespmem:v2+s1+$0x0], $0xffff  }
0x1a6: {  	v4 =	vld.idx.msk [tilespmem:v3+s1+$0x0], $0xffff  }
0x1a7: {  	v3 =	vld.idx.msk [tilespmem:v9+s1+$0x0], $0xffff  }
0x1a8: {  	v9 =	vld.idx.msk [tilespmem:v10+s1+$0x0], $0xffff  }
0x1a9: {  	s25 =	simm.s32 $0x20;
	s24 =	simm.s32 $0x1B310;
	v8 =	vld.idx.msk [tilespmem:v8+s1+$0x0], $0xffff  }
.LBB2_8:
0x1aa: {  	p0 =	sne.s32 s25, $0x3E0;
	v7 =	vld.idx.msk [tilespmem:v7+s1+$0x0], $0xffff;
	s22 =	sadd.s32 $0x20, s22;
	s23 =	sadd.s32 $0x20, s23  }
0x1ab: {  	s26 =	smov.u32 s25;
	s25 =	sadd.s32 $0x20, s25;
	v5 =	vld.idx.msk [tilespmem:v5+s1+$0x0], $0xffff  }
0x1ac: {  	v6 =	vld.idx.msk [tilespmem:v6+s1+$0x0], $0xffff  }
0x1ad: {  	v0 =	vld.idx.msk [tilespmem:v0+s1+$0x0], $0xffff  }
0x1ae: {  	v2 =	vadd.f32 v2, v4;
	v1 =	vadd.f32 v9, v1;
	_ =	sdelay $0x1  }
0x1af: {  	v3 =	vadd.f32 v3, v7  }
0x1b0: {  	v4 =	vadd.f32 v8, v5  }
0x1b1: {  	v1 =	vadd.f32 v3, v1  }
0x1b2: {  	v0 =	vadd.f32 v6, v0;
	v2 =	vadd.f32 v4, v2;
	_ =	sdelay $0x1  }
0x1b3: {  	v1 =	vadd.f32 v2, v1;
	_ =	sdelay $0x1  }
0x1b4: {  	v0 =	vadd.f32 v0, v1;
	_ =	sdelay $0x1  }
0x1b5: {  	v0 =	vmul.f32 $1.000000010e-01, v0;
	_ =	sdelay $0x1  }
0x1b6: {  	[tilespmem:s24+$0x0] =	vst v0;
	s24 =	smov.u32 s23  }
0x1b7: {  	s26 =	sand.u32 $0x3E0, s26;
	v0 =	vld [tilespmem:s22+$0xFFFFEBF0]  }
0x1b8: {  	v1 =	vld [tilespmem:s26+$0x1A700]  }
0x1b9: {  	v2 =	vld [tilespmem:s26+$0x1AB00]  }
0x1ba: {  	v3 =	vld [tilespmem:s26+$0x1A300]  }
0x1bb: {  	v4 =	vld [tilespmem:s26+$0x19700]  }
0x1bc: {  	v5 =	vld [tilespmem:s26+$0x19300]  }
0x1bd: {  	v6 =	vld [tilespmem:s26+$0x18F00]  }
0x1be: {  	v7 =	vld [tilespmem:s26+$0x19F00]  }
0x1bf: {  	v8 =	vld [tilespmem:s26+$0x18B00]  }
0x1c0: {  	v9 =	vld [tilespmem:s26+$0x19B00]  }
0x1c1: {  	v0 =	vld.idx.msk [tilespmem:v0+s1+$0x0], $0xffff  }
0x1c2: {  	v3 =	vld.idx.msk [tilespmem:v3+s1+$0x0], $0xffff  }
0x1c3: {  	v4 =	vld.idx.msk [tilespmem:v4+s1+$0x0], $0xffff  }
0x1c4: {  	v5 =	vld.idx.msk [tilespmem:v5+s1+$0x0], $0xffff  }
0x1c5: {  	v6 =	vld.idx.msk [tilespmem:v6+s1+$0x0], $0xffff  }
0x1c6: {  	v7 =	vld.idx.msk [tilespmem:v7+s1+$0x0], $0xffff  }
0x1c7: {  	v8 =	vld.idx.msk [tilespmem:v8+s1+$0x0], $0xffff  }
0x1c8: {  	v9 =	vld.idx.msk [tilespmem:v9+s1+$0x0], $0xffff;
	_ =	sdelay $0x2  }
0x1c9: {  	v5 =	vadd.f32 v5, v6;
	v1 =	vld.idx.msk [tilespmem:v1+s1+$0x0], $0xffff  }
0x1ca: {  	v2 =	vld.idx.msk [tilespmem:v2+s1+$0x0], $0xffff  }
0x1cb: {  	v0 =	vadd.f32 v8, v0  }
0x1cc: {  	v3 =	vadd.f32 v3, v7;
	v4 =	vadd.f32 v9, v4;
	_ =	sdelay $0x1  }
0x1cd: {  	v0 =	vadd.f32 v5, v0;
	v3 =	vadd.f32 v3, v4;
	_ =	sdelay $0x1  }
0x1ce: {  	v1 =	vadd.f32 v2, v1;
	v0 =	vadd.f32 v3, v0;
	_ =	sdelay $0x1  }
0x1cf: {  	v0 =	vadd.f32 v1, v0;
	_ =	sdelay $0x1  }
0x1d0: {  	v0 =	vmul.f32 $1.000000010e-01, v0;
	_ =	sdelay $0x1  }
0x1d1: {  	[tilespmem:s23+$0xFFFFFFF0] =	vst v0  }
0x1d2: {  	v0 =	vld [tilespmem:s22+$0xC00]  }
0x1d3: {  	v1 =	vld [tilespmem:s22+$0xFFFFEC00]  }
0x1d4: {  	v2 =	vld [tilespmem:s22+$0x0]  }
0x1d5: {  	v8 =	vld [tilespmem:s22+$0x800]  }
0x1d6: {  	v3 =	vld [tilespmem:s22+$0xFFFFFC00]  }
0x1d7: {  	v9 =	vld [tilespmem:s22+$0xFFFFF800]  }
0x1d8: {  	v10 =	vld [tilespmem:s22+$0xFFFFF000]  }
0x1d9: {  	v7 =	vld [tilespmem:s22+$0xFFFFF400]  }
0x1da: {  	v5 =	vld [tilespmem:s22+$0x400]  }
0x1db: {  	v1 =	vld.idx.msk [tilespmem:v1+s1+$0x0], $0xffff  }
0x1dc: {  	v6 =	vld [tilespmem:s22+$0x1000]  }
.Ltmp3:
0x1dd: {  	v2 =	vld.idx.msk [tilespmem:v2+s1+$0x0], $0xffff;
	(pc) =	sbr.rel @p0 .LBB2_8-.Ltmp3, $4  }
0x1de: {  	v4 =	vld.idx.msk [tilespmem:v3+s1+$0x0], $0xffff  }
0x1df: {  	v3 =	vld.idx.msk [tilespmem:v9+s1+$0x0], $0xffff  }
0x1e0: {  	v9 =	vld.idx.msk [tilespmem:v10+s1+$0x0], $0xffff  }
0x1e1: {  	v8 =	vld.idx.msk [tilespmem:v8+s1+$0x0], $0xffff  }
0x1e2: {  	_ =	sdelay $0x3  }
0x1e3: {  	v7 =	vld.idx.msk [tilespmem:v7+s1+$0x0], $0xffff  }
0x1e4: {  	v5 =	vld.idx.msk [tilespmem:v5+s1+$0x0], $0xffff;
	_ =	sdelay $0x2  }
0x1e5: {  	v6 =	vld.idx.msk [tilespmem:v6+s1+$0x0], $0xffff  }
0x1e6: {  	v0 =	vld.idx.msk [tilespmem:v0+s1+$0x0], $0xffff;
	v2 =	vadd.f32 v2, v4;
	v1 =	vadd.f32 v9, v1  }
0x1e7: {  	v3 =	vadd.f32 v3, v7;
	v63 =	vadd.f32 v8, v5;
	_ =	sdelay $0x1  }
0x1e8: {  	v1 =	vadd.f32 v3, v1;
	v2 =	vadd.f32 v63, v2;
	_ =	sdelay $0x1  }
0x1e9: {  	v0 =	vadd.f32 v6, v0;
	v1 =	vadd.f32 v2, v1;
	_ =	sdelay $0x1  }
0x1ea: {  	v0 =	vadd.f32 v0, v1;
	_ =	sdelay $0x1  }
0x1eb: {  	v0 =	vmul.f32 $1.000000010e-01, v0;
	_ =	sdelay $0x1  }
0x1ec: {  	s21 =	sadd.s32 $0x1, s21;
	[tilespmem:s24+$0x0] =	vst v0  }
0x1ed: {  	[hbm4b:s11+s15] =	stream.strided.scatter [tilespmem:s18], [sflag:$0x2], $0x400, s16, s15, $0x38;
	[tilespmem:$0x1B700] =	vst v63  }
0x1ee: {  	p0 =	sne.s32 s21, s12;
	_ =	swait.ge [sflag:s19], $0x400  }
.Ltmp4:
0x1ef: {  	[sflag:s19] =	ssyncset.done $0x0;
	(pc) =	sbr.rel @p0 .LBB2_1-.Ltmp4, $4  }
0x1f0: {  	[sflag:s19] =	ssyncadd.s32 $0xFFFFFC00  }
0x1f1: {  	_ =	swait.ge [sflag:s20], $0x400  }
0x1f2: {  	[sflag:s20] =	ssyncset.done $0x0  }
0x1f3: {  	[sflag:s20] =	ssyncadd.s32 $0xFFFFFC00  }
0x1f4: {  	_ =	sfence.sel $0x180000  }
0x1f5: {  	[bflag:$0x0] =	sbarrier.arrive $0xFFFF  }
0x1f6: {  	p0 =	sne.s32 s2, $0x0;
	_ =	strace $0x90000047  }
0x1f7: {  	s0 =	sadd.s32 @!p0 $0x100000, s0;
	[bflag:$0x2] =	sbarrier.arrive $0xFFFF  }
0x1f8: {  	[sflag:s0] =	ssyncadd.tile.s32 @!p0 $0x1;
	_ =	shalt  }
.Lfunc_end2:
_tile_overlayer_lowered:
.L_overlay_start_2:
0x1f9: {  	(tag) =	ssettag $0x2  }
0x1fa: {  	s0 =	rddreg [dreg:$0x0];
	s2 =	stileid.u32  }
0x1fb: {  	s1 =	rddreg [dreg:$0x1];
	p0 =	sne.s32 s2, $0x0  }
0x1fc: {  	s3 =	rddreg [dreg:$0x2];
	[bflag:$0x3] =	sbarrier.arrive $0xFFFF;
	s2 =	simm.s32 @!p0 $0x1C03  }
0x1fd: {  	[timem:s3], [sflag:s2] =	dma.local @!p0 [hbm:s0], s1  }
0x1fe: {  	s0 =	simm.s32 @!p0 $0x3  }
0x1ff: {  	_ =	swait.ge @!p0 [sflag:s0], s1  }
0x200: {  	s1 =	ssub.s32 @!p0 $0x0, s1;
	[sflag:s0] =	ssyncset.done @!p0 $0x0  }
0x201: {  	[sflag:s0] =	ssyncadd.s32 @!p0 s1  }
0x202: {  	[bflag:$0x3] =	sbarrier.arrive $0xFFFF  }
0x203: {  	_ =	shalt  }

// kernel: kernel.9.cloned.1.call-start
scs
__scs_entry_jumppad:
0x0: {  	(pc) =	sbr.rel $0x88, $3  }
0x1: {  	(tag) =	ssettag $0x0;
	lr =	simm.s32 $0x1  }
0x2: {  	[smem:$0x3F9A] =	sst lr;
	_ =	strace $0xD0000000  }
0x3: {  	_ = 	snop  }
0x4: {  	_ = 	snop  }
0x5: {  	_ = 	snop  }
0x6: {  	_ = 	snop  }
0x7: {  	_ = 	snop  }
__scs_overlays_trampoline_lowered:
0x8: {  	[smem:$0x3FA9] =	sst s0  }
0x9: {  	[smem:$0x3FAA] =	sst s1  }
0xa: {  	[smem:$0x3FAB] =	sst s2  }
0xb: {  	[smem:$0x3FAC] =	sst s3  }
0xc: {  	[smem:$0x3FAD] =	sst s4  }
0xd: {  	[smem:$0x3FAE] =	sst s5  }
0xe: {  	[smem:$0x3FAF] =	sst s6  }
0xf: {  	[smem:$0x3FB0] =	sst s7  }
0x10: {  	[smem:$0x3FB1] =	sst s8  }
0x11: {  	[smem:$0x3FB2] =	sst s9;
	s0 =	simm.s32 @!p0 $0x0  }
0x12: {  	s1 =	sld [smem:$0x3F98];
	s0 =	simm.s32 @p0 $0x1  }
0x13: {  	[smem:$0x3FB3] =	sst s0;
	s0 =	simm.s32 @!p1 $0x0  }
0x14: {  	s2 =	sld [smem:$0x3F97];
	s0 =	simm.s32 @p1 $0x1  }
0x15: {  	[smem:$0x3FB4] =	sst s0;
	s0 =	simm.s32 @!p2 $0x0  }
0x16: {  	s3 =	sld [smem:$0x3FDB];
	s0 =	simm.s32 @p2 $0x1  }
0x17: {  	s4 =	simm.s32 $0x1BF5;
	[smem:$0x3FB6] =	sst s0  }
0x18: {  	s0 =	sld [smem:$0x3F99];
	_ =	swait.ge [sflag:s4], $0x0  }
0x19: {  	s7 =	sld [smem:$0x3F9A]  }
0x1a: {  	s8 =	sadd.s32 $0xFFFFE003, lr  }
0x1b: {  	s9 =	sadd.s32 $0xFFFFFEF7, lr;
	s5 =	simm.s32 $0xFFFFFFFF;
	p2 =	slt.u32 s8, $0xFFFFF086  }
0x1c: {  	p1 =	slt.u32 s9, $0xF7A;
	s5 =	simm.s32 @!p2 $0x0  }
0x1d: {  	s5 =	simm.s32 @p1 $0x1;
	p0 =	seq.s32 s7, s2  }
0x1e: {  	s7 =	smul.u32 @!p0 $0xF7A, s2;
	p2 =	seq.s32 @!p0 s5, $0x0  }
0x1f: {  	s9 =	smul.u32 $0xF7A, s1;
	s8 =	simm.s32 @!p0 $0x1BF5;
	p2 =	por !p2, p0  }
0x20: {  	[sflag:s8] =	ssyncset.s32 @!p0 $0xFFFFF086;
	s6 =	sadd.s32 @!p0 s3, s7;
	s7 =	simm.s32 @!p0 $0x108  }
0x21: {  	s3 =	sadd.s32 s3, s9;
	s6 =	sadd.s32 @!p0 $0x88, s6;
	s7 =	simm.s32 @p2 $0x1082  }
0x22: {  	[simem:s7], [sflag:s8] =	dma.local @!p0 [hbm:s6], $0xF7A  }
0x23: {  	s9 =	sor.u32 $0xD0000000, s2;
	s6 =	simm.s32 $0x108;
	_ =	swait.ge @!p0 [sflag:s8], $0x0  }
0x24: {  	s3 =	sadd.s32 $0x88, s3;
	s6 =	simm.s32 @!p1 $0x1082;
	[sflag:s4] =	ssyncset.s32 $0xFFFFF086  }
0x25: {  	[simem:s6], [sflag:s4] =	dma.local [hbm:s3], $0xF7A  }
0x26: {  	[smem:$0x3F9A] =	sst s1;
	(tag) =	ssettag s2;
	_ =	strace s9  }
0x27: {  	s1 =	sld [smem:$0x3FAA]  }
0x28: {  	s2 =	sld [smem:$0x3FAB]  }
0x29: {  	s4 =	sld [smem:$0x3FAD]  }
0x2a: {  	p0 =	seq.s32 s5, $0x0;
	s5 =	sld [smem:$0x3FAE]  }
0x2b: {  	s6 =	sld [smem:$0x3FAF]  }
0x2c: {  	s7 =	sld [smem:$0x3FB0]  }
0x2d: {  	s3 =	simm.s32 $0x108;
	s8 =	sld [smem:$0x3FB1]  }
0x2e: {  	s3 =	simm.s32 @!p0 $0x1082;
	s9 =	sld [smem:$0x3FB2]  }
0x2f: {  	lr =	sadd.s32 s0, s3;
	s0 =	sld [smem:$0x3FA9]  }
0x30: {  	s3 =	sld [smem:$0x3FAC]  }
0x31: {  	[smem:$0x3FB5] =	sst s10  }
0x32: {  	s10 =	sld [smem:$0x3FB3];
	_ =	sdelay $0x3  }
0x33: {  	p0 =	seq.s32 s10, $0x1;
	s10 =	sld [smem:$0x3FB5];
	_ =	sdelay $0x3  }
0x34: {  	[smem:$0x3FB5] =	sst s10  }
0x35: {  	s10 =	sld [smem:$0x3FB4];
	_ =	sdelay $0x3  }
0x36: {  	p1 =	seq.s32 s10, $0x1;
	s10 =	sld [smem:$0x3FB5];
	_ =	sdelay $0x3  }
0x37: {  	[smem:$0x3FB5] =	sst s10  }
0x38: {  	s10 =	sld [smem:$0x3FB6]  }
0x39: {  	_ = 	snop;
	(pc) =	sbr.ind lr, $3  }
0x3a: {  	_ = 	snop  }
0x3b: {  	_ = 	snop  }
0x3c: {  	p2 =	seq.s32 s10, $0x1;
	s10 =	sld [smem:$0x3FB5]  }
0x3d: {  	_ =	shalt  }
0x3e: {  	_ =	shalt  }
0x3f: {  	_ =	shalt  }
0x40: {  	_ =	shalt  }
0x41: {  	_ =	shalt  }
0x42: {  	_ =	shalt  }
0x43: {  	_ =	shalt  }
0x44: {  	_ =	shalt  }
0x45: {  	_ =	shalt  }
0x46: {  	_ =	shalt  }
0x47: {  	_ =	shalt  }
0x48: {  	_ =	shalt  }
0x49: {  	_ =	shalt  }
0x4a: {  	_ =	shalt  }
0x4b: {  	_ =	shalt  }
0x4c: {  	_ =	shalt  }
0x4d: {  	_ =	shalt  }
0x4e: {  	_ =	shalt  }
0x4f: {  	_ =	shalt  }
0x50: {  	_ =	shalt  }
0x51: {  	_ =	shalt  }
0x52: {  	_ =	shalt  }
0x53: {  	_ =	shalt  }
0x54: {  	_ =	shalt  }
0x55: {  	_ =	shalt  }
0x56: {  	_ =	shalt  }
0x57: {  	_ =	shalt  }
0x58: {  	_ =	shalt  }
0x59: {  	_ =	shalt  }
0x5a: {  	_ =	shalt  }
0x5b: {  	_ =	shalt  }
0x5c: {  	_ =	shalt  }
0x5d: {  	_ =	shalt  }
0x5e: {  	_ =	shalt  }
0x5f: {  	_ =	shalt  }
0x60: {  	_ =	shalt  }
0x61: {  	_ =	shalt  }
0x62: {  	_ =	shalt  }
0x63: {  	_ =	shalt  }
0x64: {  	_ =	shalt  }
0x65: {  	_ =	shalt  }
0x66: {  	_ =	shalt  }
0x67: {  	_ =	shalt  }
0x68: {  	_ =	shalt  }
0x69: {  	_ =	shalt  }
0x6a: {  	_ =	shalt  }
0x6b: {  	_ =	shalt  }
0x6c: {  	_ =	shalt  }
0x6d: {  	_ =	shalt  }
0x6e: {  	_ =	shalt  }
0x6f: {  	_ =	shalt  }
0x70: {  	_ =	shalt  }
0x71: {  	_ =	shalt  }
0x72: {  	_ =	shalt  }
0x73: {  	_ =	shalt  }
0x74: {  	_ =	shalt  }
0x75: {  	_ =	shalt  }
0x76: {  	_ =	shalt  }
0x77: {  	_ =	shalt  }
0x78: {  	_ =	shalt  }
0x79: {  	_ =	shalt  }
0x7a: {  	_ =	shalt  }
0x7b: {  	_ =	shalt  }
0x7c: {  	_ =	shalt  }
0x7d: {  	_ =	shalt  }
0x7e: {  	_ =	shalt  }
0x7f: {  	_ =	shalt  }
0x80: {  	_ =	shalt  }
0x81: {  	_ =	shalt  }
0x82: {  	_ =	shalt  }
0x83: {  	_ =	shalt  }
0x84: {  	_ =	shalt  }
0x85: {  	_ =	shalt  }
0x86: {  	_ =	shalt  }
0x87: {  	_ =	shalt  }
.Lfunc_end0:
.L_simem_size_0:
called_computation.1_lowered:
.L_overlay_start_0:
0x88: {  	s2 =	sld [smem:$0x3FD9]  }
0x89: {  	s3 =	sld [smem:$0x3FFE];
	_ =	sdelay $0x1  }
0x8a: {  	s1 =	srdreg.scid  }
0x8b: {  	s0 =	sand.u32 $0x1, s1  }
0x8c: {  	s17 =	sshll.u32 s0, $0xA;
	s2 =	sadd.s32 s3, s2  }
0x8d: {  	s2 =	sadd.s32 s2, s17  }
0x8e: {  	[smem:$0x3FC1] =	sst s2  }
0x8f: {  	_ = 	snop  }
0x90: {  	s18 =	sld [smem:$0x3FC4];
	(tm) =	ssettm $0x1  }
0x91: {  	s19 =	sld [smem:$0x3FFB];
	_ =	sdelay $0x3  }
0x92: {  	_ =	strace s19  }
0x93: {  	s2 =	sld [smem:$0x3FFC];
	_ =	sdelay $0x3  }
0x94: {  	_ =	strace s2  }
0x95: {  	s2 =	sld [smem:$0x3FFD];
	_ =	sdelay $0x3  }
0x96: {  	_ =	strace s2  }
0x97: {  	_ =	strace $0x8FFFFFFF  }
0x98: {  	s20 =	sld [smem:$0x3FDB];
	_ =	sdelay $0x1  }
0x99: {  	s4 =	simm.s32 $_scs_section_size  }
0x9a: {  	s5 =	simm.s32 $_size__tile_overlayer_lowered;
	s6 =	simm.s32 $_tile_overlayer_lowered  }
0x9b: {  	s7 =	simm.s32 $0x1BFF;
	s21 =	sshll.u32 s6, $0x1;
	s4 =	sadd.s32 s4, s20  }
0x9c: {  	s22 =	simm.s32 $0x0;
	s5 =	sshll.u32 s5, $0x1;
	s6 =	sadd.s32 s21, s4  }
0x9d: {  	[timem:s22], [sflag:s7] =	dma.local [hbm:s6], s5  }
0x9e: {  	_ =	swait.ge [sflag:s7], s5  }
0x9f: {  	s5 =	ssub.s32 $0x0, s5;
	[sflag:s7] =	ssyncset.done $0x0  }
0xa0: {  	[sflag:s7] =	ssyncadd.s32 s5;
	_ =	sdelay $0x1  }
0xa1: {  	s23 =	simm.s32 $0x1B8B  }
0xa2: {  	_ =	swait.ge [sflag:s23], $0x1  }
0xa3: {  	[sflag:s23] =	ssyncset.done $0x0  }
0xa4: {  	[sflag:s23] =	ssyncadd.s32 $0xFFFFFFFF  }
0xa5: {  	s5 =	sld [smem:$0x0]  }
0xa6: {  	s6 =	sand.u32 $0xFFFFFFFE, s1  }
0xa7: {  	p0 =	sne.s32 s1, s6  }
0xa8: {  	s6 =	sshll.u32 @p0 s6, $0xE  }
0xa9: {  	s6 =	sadd.s32 @p0 $0x11B8D, s6;
	s7 =	sshll.u32 @p0 s5, $0x11  }
0xaa: {  	s6 =	sor.u32 @p0 s7, s6  }
0xab: {  	[sflag:s6] =	ssyncadd.remote.s32 @p0 $0x1;
	_ =	sdelay $0x1  }
0xac: {  	s6 =	simm.s32 @p0 $0x1B8D  }
0xad: {  	_ =	swait.eq @p0 [sflag:s6], $0x1  }
0xae: {  	[sflag:s6] =	ssyncadd.s32 @p0 $0xFFFFFFFF  }
0xaf: {  	s7 =	sshll.u32 @!p0 s1, $0xE  }
0xb0: {  	s7 =	sor.u32 @!p0 $0x4000, s7;
	s6 =	simm.s32 @!p0 $0x1B8D  }
0xb1: {  	s5 =	sshll.u32 @!p0 s5, $0x11;
	s7 =	sadd.s32 @!p0 $0x11B8D, s7;
	_ =	swait.eq @!p0 [sflag:s6], $0x1  }
0xb2: {  	s5 =	sor.u32 @!p0 s5, s7;
	[sflag:s6] =	ssyncadd.s32 @!p0 $0xFFFFFFFF  }
0xb3: {  	s25 =	simm.s32 $0x1B8E;
	s24 =	sld [smem:$0x3FFE];
	[sflag:s5] =	ssyncadd.remote.s32 @!p0 $0x1  }
0xb4: {  	s26 =	simm.s32 $execute0_lowered;
	[smem:$0x3FD2] =	sst s25  }
0xb5: {  	s6 =	sshll.u32 s26, $0x1;
	_ =	strace $0x80000049;
	[dreg:$0x1] =	wrdreg $0xFFFFFFFF  }
0xb6: {  	s28 =	simm.s32 $_size_execute0_lowered;
	s4 =	sadd.s32 s4, s6;
	[dreg:$0x0] =	wrdreg $0x0  }
0xb7: {  	s6 =	sshll.u32 s28, $0x1;
	[dreg:$0x2] =	wrdreg s4  }
0xb8: {  	[dreg:$0x3] =	wrdreg s6  }
0xb9: {  	[dreg:$0x4] =	wrdreg $0xC0  }
0xba: {  	_ =	task [dreg:s22], $0x5FFFF  }
0xbb: {  	[dreg:$0x1] =	wrdreg $0xFFFFFFFF  }
0xbc: {  	[dreg:$0x0] =	wrdreg $0x60  }
0xbd: {  	[dreg:$0x2] =	wrdreg s24  }
0xbe: {  	[dreg:$0x3] =	wrdreg s18  }
0xbf: {  	[dreg:$0x4] =	wrdreg $0xA  }
0xc0: {  	_ =	task.clear_ibuf [dreg:s22], $0x5FFFF;
	_ =	strace $0x90000049  }
0xc1: {  	s29 =	simm.s32 $0xA;
	_ =	strace $0x8000004B  }
0xc2: {  	_ =	swait.ge [sflag:s29], $0x1  }
0xc3: {  	[sflag:s29] =	ssyncadd.s32 $0xFFFFFFFF  }
0xc4: {  	_ =	strace $0x9000004B  }
0xc5: {  	_ =	sfence  }
0xc6: {  	s30 =	sld [smem:$0x0];
	_ =	sdelay $0x2  }
0xc7: {  	s31 =	sshll.u32 s1, $0xD;
	s1 =	sshrl.u32 s1, $0x2  }
0xc8: {  	s4 =	sand.u32 $0x4000, s31;
	s1 =	sadd.s32 s1, s30  }
0xc9: {  	s0 =	sor.u32 s4, s0;
	s1 =	sshll.u32 s1, $0x11  }
0xca: {  	s0 =	sor.u32 s1, s0  }
0xcb: {  	s0 =	sadd.s32 $0x8F2B, s0  }
0xcc: {  	[sflag:s0] =	ssyncadd.remote.s32 $0x1  }
0xcd: {  	_ =	sfence.sel $0xFFFF  }
0xce: {  	[dreg:$0x0] =	wrdreg $0xFFFFFFFF;
	(pc) =	sbr.abs _section_cstart, $3  }
0xcf: {  	[dreg:$0x1] =	wrdreg $0xFFFFFFFF  }
0xd0: {  	_ =	task.clear_ibuf [dreg:s22], $0x2FFFF;
	_ =	strace $0x9FFFFFFF  }
0xd1: {  	(tm) =	ssettm $0x7FFFFFFF  }
tec
execute0_lowered:
.L_overlay_start_1:
0x0: {  	(tag) =	ssettag $0x1  }
0x1: {  	s0 =	rddreg [dreg:$0x0]  }
0x2: {  	s1 =	rddreg [dreg:$0x1]  }
0x3: {  	s2 =	simm.s32 $0x0;
	s5 =	srdreg.scid;
	s8 =	stileid.u32  }
0x4: {  	s28 =	simm.s32 $0x1;
	s29 =	simm.s32 $0x2;
	s30 =	simm.s32 $0x0  }
0x5: {  	[smem:$0x7FF] =	sst s2;
	s3 =	sadd.s32 $0x30F400, s0;
	s4 =	sadd.s32 $0x6000, s0  }
0x6: {  	s5 =	sand.u32 $0x1, s5;
	s14 =	smul.u32 $0xC3800, s8;
	s15 =	sadd.s32 $0x2E600, s0  }
0x7: {  	s0 =	sadd.s32 $0x6600, s0;
	s16 =	smul.u32 $0x14000, s8;
	s18 =	sshll.u32 s8, $0xD  }
0x8: {  	_ =	strace $0x8000004A;
	s6 =	ssub.s32 $0x2, s5;
	s12 =	sshll.u32 s5, $0x9  }
0x9: {  	s20 =	sshrl.u32 s6, $0x1;
	s7 =	sor.u32 s12, s14;
	s9 =	sor.u32 $0x80, s12  }
0xa: {  	s22 =	sor.u32 s12, s18;
	s23 =	sor.u32 s12, s16;
	s13 =	sor.u32 $0x100, s12  }
0xb: {  	s17 =	ssub.s32 s6, s20;
	s21 =	sshrl.u32 s7, $0x3;
	s24 =	sor.u32 s14, s9  }
0xc: {  	s6 =	sshrl.u32 s22, $0x3;
	s7 =	sshrl.u32 s23, $0x3;
	s10 =	sor.u32 s18, s9  }
0xd: {  	s9 =	sor.u32 s16, s9;
	s19 =	sor.u32 s14, s13;
	s26 =	sor.u32 s18, s13  }
0xe: {  	s13 =	sor.u32 s16, s13;
	s20 =	sor.u32 $0x180, s12;
	s22 =	simm.s32 $0x400  }
0xf: {  	s23 =	simm.s32 $0x1B300;
	s5 =	sadd.s32 s3, s21;
	s8 =	sshrl.u32 s24, $0x3  }
0x10: {  	s6 =	sadd.s32 s15, s6;
	s7 =	sadd.s32 s0, s7;
	s10 =	sshrl.u32 s10, $0x3  }
0x11: {  	s11 =	sshrl.u32 s9, $0x3;
	s25 =	sshrl.u32 s19, $0x3;
	s19 =	sshrl.u32 s26, $0x3  }
0x12: {  	s13 =	sshrl.u32 s13, $0x3;
	s14 =	sor.u32 s14, s20;
	s18 =	sor.u32 s18, s20  }
0x13: {  	s16 =	sor.u32 s16, s20;
	s17 =	smax.u32 s17, $0x1;
	s20 =	simm.s32 $0x1AF00  }
0x14: {  	s21 =	simm.s32 $0x80;
	s24 =	simm.s32 $0x1BB00;
	s26 =	simm.s32 $0x1B700  }
0x15: {  	s8 =	sadd.s32 s3, s8;
	s9 =	sadd.s32 s15, s10;
	s10 =	sadd.s32 s0, s11  }
0x16: {  	s11 =	sadd.s32 s3, s25;
	s12 =	sadd.s32 s15, s19;
	s13 =	sadd.s32 s0, s13  }
0x17: {  	s14 =	sshrl.u32 s14, $0x3;
	s31 =	sshrl.u32 s18, $0x3;
	s16 =	sshrl.u32 s16, $0x3  }
0x18: {  	s18 =	simm.s32 $0x18700;
	s19 =	simm.s32 $0x4;
	s25 =	simm.s32 $0x3  }
0x19: {  	s14 =	sadd.s32 s3, s14;
	s15 =	sadd.s32 s15, s31;
	s16 =	sadd.s32 s0, s16  }
.LBB2_1:
0x1a: {  	[tilespmem:s18], [sflag:$0x4] =	stream.linear.gather [hbm4b:s4+s2], $0x2800, $0x38;
	[tilespmem:$0x1E300] =	vst v63  }
0x1b: {  	_ =	swait.ge [sflag:s19], $0x2800  }
0x1c: {  	[sflag:s19] =	ssyncset.done $0x0  }
0x1d: {  	[sflag:s19] =	ssyncadd.s32 $0xFFFFD800  }
0x1e: {  	[tilespmem:s20], [sflag:$0x4] =	stream.linear.gather [hbm4b:s1+s2], $0x400, $0x38;
	[tilespmem:$0x1E300] =	vst v63  }
0x1f: {  	_ =	swait.ge [sflag:s19], $0x400  }
0x20: {  	[sflag:s19] =	ssyncset.done $0x0  }
0x21: {  	[sflag:s19] =	ssyncadd.s32 $0xFFFFFC00  }
0x22: {  	[tilespmem:s2], [sflag:$0x4] =	stream.strided.gather [hbm4b:s5+s21], $0x18700, s22, s21, $0x38;
	[tilespmem:$0x1E300] =	vst v63  }
0x23: {  	_ =	swait.ge [sflag:s19], $0x18700  }
0x24: {  	[sflag:s19] =	ssyncset.done $0x0  }
0x25: {  	s0 =	simm.s32 $0x0;
	[sflag:s19] =	ssyncadd.s32 $0xFFFE7900  }
0x26: {  	v0 =	vld [tilespmem:s0+$0x1AF00];
	_ =	sdelay $0x5  }
0x27: {  	v1 =	vld [tilespmem:s0+$0x1AF10];
	_ =	sdelay $0x1  }
0x28: {  	v0 =	vld.idx.msk [tilespmem:v0+s2+$0x0], $0xffff;
	_ =	sdelay $0x4  }
0x29: {  	v2 =	vld [tilespmem:s0+$0x1AF20];
	[tilespmem:s0+$0x1B300] =	vst v0  }
0x2a: {  	v0 =	vld.idx.msk [tilespmem:v1+s2+$0x0], $0xffff;
	_ =	sdelay $0x4  }
0x2b: {  	[tilespmem:s0+$0x1B310] =	vst v0;
	v0 =	vld [tilespmem:s0+$0x1AF30];
	_ =	sdelay $0x1  }
0x2c: {  	v1 =	vld.idx.msk [tilespmem:v2+s2+$0x0], $0xffff;
	_ =	sdelay $0x3  }
0x2d: {  	s31 =	simm.s32 $0x40;
	s3 =	simm.s32 $0x200  }
.LBB2_2:
0x2e: {  	p0 =	sne.s32 s3, $0xF00;
	v2 =	vld [tilespmem:s31+$0x1AF00];
	[tilespmem:s0+$0x1B320] =	vst v1  }
0x2f: {  	v0 =	vld.idx.msk [tilespmem:v0+s2+$0x0], $0xffff;
	_ =	sdelay $0x5  }
0x30: {  	v1 =	vld [tilespmem:s31+$0x1AF10];
	[tilespmem:s0+$0x1B330] =	vst v0;
	s0 =	smov.u32 s31  }
0x31: {  	v0 =	vld.idx.msk [tilespmem:v2+s2+$0x0], $0xffff;
	_ =	sdelay $0x5  }
0x32: {  	[tilespmem:s0+$0x1B300] =	vst v0;
	v2 =	vld [tilespmem:s0+$0x1AF20]  }
0x33: {  	v0 =	vld.idx.msk [tilespmem:v1+s2+$0x0], $0xffff;
	_ =	sdelay $0x5  }
0x34: {  	[tilespmem:s0+$0x1B310] =	vst v0;
	v0 =	vld [tilespmem:s0+$0x1AF30]  }
0x35: {  	v1 =	vld.idx.msk [tilespmem:v2+s2+$0x0], $0xffff  }
.Ltmp0:
0x36: {  	(pc) =	sbr.rel @p0 .LBB2_2-.Ltmp0, $2  }
0x37: {  	_ =	sdelay $0x2  }
0x38: {  	s31 =	sshra.s32 s3, $0x2;
	s3 =	sadd.s32 $0x100, s3  }
0x39: {  	_ =	sdelay $0x1  }
0x3a: {  	v2 =	vld [tilespmem:s31+$0x1AF00]  }
0x3b: {  	[tilespmem:s0+$0x1B320] =	vst v1  }
0x3c: {  	v0 =	vld.idx.msk [tilespmem:v0+s2+$0x0], $0xffff;
	_ =	sdelay $0x3  }
0x3d: {  	v1 =	vld [tilespmem:s31+$0x1AF10]  }
0x3e: {  	[tilespmem:s0+$0x1B330] =	vst v0  }
0x3f: {  	v0 =	vld.idx.msk [tilespmem:v2+s2+$0x0], $0xffff;
	_ =	sdelay $0x4  }
0x40: {  	[tilespmem:s31+$0x1B300] =	vst v0;
	v0 =	vld [tilespmem:s31+$0x1AF20]  }
0x41: {  	v1 =	vld.idx.msk [tilespmem:v1+s2+$0x0], $0xffff;
	_ =	sdelay $0x4  }
0x42: {  	[tilespmem:s31+$0x1B310] =	vst v1;
	v1 =	vld [tilespmem:s31+$0x1AF30];
	_ =	sdelay $0x1  }
0x43: {  	v0 =	vld.idx.msk [tilespmem:v0+s2+$0x0], $0xffff;
	_ =	sdelay $0x4  }
0x44: {  	[tilespmem:s31+$0x1B320] =	vst v0  }
0x45: {  	v0 =	vld.idx.msk [tilespmem:v1+s2+$0x0], $0xffff;
	_ =	sdelay $0x4  }
0x46: {  	[tilespmem:s31+$0x1B330] =	vst v0;
	s31 =	simm.s32 $0xFFFFFC00  }
0x47: {  	[hbm4b:s6+s21] =	stream.strided.scatter [tilespmem:s23], [sflag:$0x1], $0x400, s22, s21, $0x38;
	[tilespmem:$0x1E300] =	vst v63  }
0x48: {  	v0 =	vld [tilespmem:s31+$0x18B00];
	_ =	sdelay $0x5  }
0x49: {  	v1 =	vld [tilespmem:s31+$0x18B10];
	_ =	sdelay $0x1  }
0x4a: {  	v0 =	vld.idx.msk [tilespmem:v0+s2+$0x0], $0xffff;
	_ =	sdelay $0x4  }
0x4b: {  	[tilespmem:s31+$0x1BF00] =	vst v0;
	v0 =	vld [tilespmem:s31+$0x18F00]  }
0x4c: {  	v1 =	vld.idx.msk [tilespmem:v1+s2+$0x0], $0xffff;
	_ =	sdelay $0x4  }
0x4d: {  	[tilespmem:s31+$0x1BF10] =	vst v1;
	v1 =	vld [tilespmem:s31+$0x18F10];
	_ =	sdelay $0x1  }
0x4e: {  	v0 =	vld.idx.msk [tilespmem:v0+s2+$0x0], $0xffff;
	_ =	sdelay $0x4  }
0x4f: {  	[tilespmem:s31+$0x1C300] =	vst v0;
	v0 =	vld [tilespmem:s31+$0x19300]  }
0x50: {  	v1 =	vld.idx.msk [tilespmem:v1+s2+$0x0], $0xffff;
	_ =	sdelay $0x4  }
0x51: {  	[tilespmem:s31+$0x1C310] =	vst v1;
	v1 =	vld [tilespmem:s31+$0x19310];
	_ =	sdelay $0x1  }
0x52: {  	v0 =	vld.idx.msk [tilespmem:v0+s2+$0x0], $0xffff;
	_ =	sdelay $0x4  }
0x53: {  	[tilespmem:s31+$0x1C700] =	vst v0;
	v0 =	vld [tilespmem:s31+$0x19700]  }
0x54: {  	v1 =	vld.idx.msk [tilespmem:v1+s2+$0x0], $0xffff;
	_ =	sdelay $0x4  }
0x55: {  	[tilespmem:s31+$0x1C710] =	vst v1;
	v1 =	vld [tilespmem:s31+$0x19710];
	_ =	sdelay $0x1  }
0x56: {  	v0 =	vld.idx.msk [tilespmem:v0+s2+$0x0], $0xffff;
	_ =	sdelay $0x4  }
0x57: {  	[tilespmem:s31+$0x1CB00] =	vst v0;
	v0 =	vld [tilespmem:s31+$0x19B00]  }
0x58: {  	v1 =	vld.idx.msk [tilespmem:v1+s2+$0x0], $0xffff;
	_ =	sdelay $0x4  }
0x59: {  	[tilespmem:s31+$0x1CB10] =	vst v1;
	v1 =	vld [tilespmem:s31+$0x19B10];
	_ =	sdelay $0x1  }
0x5a: {  	v0 =	vld.idx.msk [tilespmem:v0+s2+$0x0], $0xffff;
	_ =	sdelay $0x4  }
0x5b: {  	[tilespmem:s31+$0x1CF00] =	vst v0;
	v0 =	vld [tilespmem:s31+$0x19F00]  }
0x5c: {  	v1 =	vld.idx.msk [tilespmem:v1+s2+$0x0], $0xffff;
	_ =	sdelay $0x4  }
0x5d: {  	[tilespmem:s31+$0x1CF10] =	vst v1;
	v1 =	vld [tilespmem:s31+$0x19F10];
	_ =	sdelay $0x1  }
0x5e: {  	v0 =	vld.idx.msk [tilespmem:v0+s2+$0x0], $0xffff;
	_ =	sdelay $0x4  }
0x5f: {  	[tilespmem:s31+$0x1D300] =	vst v0;
	v0 =	vld [tilespmem:s31+$0x1A300]  }
0x60: {  	v1 =	vld.idx.msk [tilespmem:v1+s2+$0x0], $0xffff;
	_ =	sdelay $0x4  }
0x61: {  	[tilespmem:s31+$0x1D310] =	vst v1;
	v1 =	vld [tilespmem:s31+$0x1A310];
	_ =	sdelay $0x1  }
0x62: {  	v0 =	vld.idx.msk [tilespmem:v0+s2+$0x0], $0xffff;
	_ =	sdelay $0x4  }
0x63: {  	[tilespmem:s31+$0x1D700] =	vst v0;
	v0 =	vld [tilespmem:s31+$0x1A700]  }
0x64: {  	v1 =	vld.idx.msk [tilespmem:v1+s2+$0x0], $0xffff;
	_ =	sdelay $0x4  }
0x65: {  	[tilespmem:s31+$0x1D710] =	vst v1;
	v1 =	vld [tilespmem:s31+$0x1A710];
	_ =	sdelay $0x1  }
0x66: {  	v0 =	vld.idx.msk [tilespmem:v0+s2+$0x0], $0xffff;
	_ =	sdelay $0x4  }
0x67: {  	[tilespmem:s31+$0x1DB00] =	vst v0;
	v0 =	vld [tilespmem:s31+$0x1AB00]  }
0x68: {  	v1 =	vld.idx.msk [tilespmem:v1+s2+$0x0], $0xffff;
	_ =	sdelay $0x4  }
0x69: {  	[tilespmem:s31+$0x1DB10] =	vst v1;
	v1 =	vld [tilespmem:s31+$0x1AB10];
	_ =	sdelay $0x1  }
0x6a: {  	v0 =	vld.idx.msk [tilespmem:v0+s2+$0x0], $0xffff;
	_ =	sdelay $0x4  }
0x6b: {  	v2 =	vld [tilespmem:s31+$0x1AF00];
	[tilespmem:s31+$0x1DF00] =	vst v0  }
0x6c: {  	v0 =	vld.idx.msk [tilespmem:v1+s2+$0x0], $0xffff;
	_ =	sdelay $0x4  }
0x6d: {  	[tilespmem:s31+$0x1DF10] =	vst v0;
	v0 =	vld [tilespmem:s31+$0x1AF10];
	_ =	sdelay $0x1  }
0x6e: {  	v1 =	vld.idx.msk [tilespmem:v2+s2+$0x0], $0xffff;
	_ =	sdelay $0x3  }
0x6f: {  	s3 =	simm.s32 $0xFFFFFC20;
	s0 =	simm.s32 $0xFFFFF100  }
.LBB2_4:
0x70: {  	p0 =	sne.s32 s0, $0xFFFFFF80;
	v2 =	vld [tilespmem:s3+$0x18B00];
	[tilespmem:s31+$0x1E300] =	vst v1  }
0x71: {  	v0 =	vld.idx.msk [tilespmem:v0+s2+$0x0], $0xffff;
	_ =	sdelay $0x5  }
0x72: {  	v1 =	vld [tilespmem:s3+$0x18B10];
	[tilespmem:s31+$0x1E310] =	vst v0;
	s31 =	smov.u32 s3  }
0x73: {  	v0 =	vld.idx.msk [tilespmem:v2+s2+$0x0], $0xffff;
	_ =	sdelay $0x5  }
0x74: {  	[tilespmem:s31+$0x1BF00] =	vst v0;
	v0 =	vld [tilespmem:s31+$0x18F00]  }
0x75: {  	v1 =	vld.idx.msk [tilespmem:v1+s2+$0x0], $0xffff;
	_ =	sdelay $0x5  }
0x76: {  	[tilespmem:s31+$0x1BF10] =	vst v1;
	v1 =	vld [tilespmem:s31+$0x18F10]  }
0x77: {  	v0 =	vld.idx.msk [tilespmem:v0+s2+$0x0], $0xffff;
	_ =	sdelay $0x5  }
0x78: {  	[tilespmem:s31+$0x1C300] =	vst v0;
	v0 =	vld [tilespmem:s31+$0x19300]  }
0x79: {  	v1 =	vld.idx.msk [tilespmem:v1+s2+$0x0], $0xffff;
	_ =	sdelay $0x5  }
0x7a: {  	[tilespmem:s31+$0x1C310] =	vst v1;
	v1 =	vld [tilespmem:s31+$0x19310]  }
0x7b: {  	v0 =	vld.idx.msk [tilespmem:v0+s2+$0x0], $0xffff;
	_ =	sdelay $0x5  }
0x7c: {  	[tilespmem:s31+$0x1C700] =	vst v0;
	v0 =	vld [tilespmem:s31+$0x19700]  }
0x7d: {  	v1 =	vld.idx.msk [tilespmem:v1+s2+$0x0], $0xffff;
	_ =	sdelay $0x5  }
0x7e: {  	[tilespmem:s31+$0x1C710] =	vst v1;
	v1 =	vld [tilespmem:s31+$0x19710]  }
0x7f: {  	v0 =	vld.idx.msk [tilespmem:v0+s2+$0x0], $0xffff;
	_ =	sdelay $0x5  }
0x80: {  	[tilespmem:s31+$0x1CB00] =	vst v0;
	v0 =	vld [tilespmem:s31+$0x19B00]  }
0x81: {  	v1 =	vld.idx.msk [tilespmem:v1+s2+$0x0], $0xffff;
	_ =	sdelay $0x5  }
0x82: {  	[tilespmem:s31+$0x1CB10] =	vst v1;
	v1 =	vld [tilespmem:s31+$0x19B10]  }
0x83: {  	v0 =	vld.idx.msk [tilespmem:v0+s2+$0x0], $0xffff;
	_ =	sdelay $0x5  }
0x84: {  	[tilespmem:s31+$0x1CF00] =	vst v0;
	v0 =	vld [tilespmem:s31+$0x19F00]  }
0x85: {  	v1 =	vld.idx.msk [tilespmem:v1+s2+$0x0], $0xffff;
	_ =	sdelay $0x5  }
0x86: {  	[tilespmem:s31+$0x1CF10] =	vst v1;
	v1 =	vld [tilespmem:s31+$0x19F10]  }
0x87: {  	v0 =	vld.idx.msk [tilespmem:v0+s2+$0x0], $0xffff;
	_ =	sdelay $0x5  }
0x88: {  	[tilespmem:s31+$0x1D300] =	vst v0;
	v0 =	vld [tilespmem:s31+$0x1A300]  }
0x89: {  	v1 =	vld.idx.msk [tilespmem:v1+s2+$0x0], $0xffff;
	_ =	sdelay $0x5  }
0x8a: {  	[tilespmem:s31+$0x1D310] =	vst v1;
	v1 =	vld [tilespmem:s31+$0x1A310]  }
0x8b: {  	v0 =	vld.idx.msk [tilespmem:v0+s2+$0x0], $0xffff;
	_ =	sdelay $0x5  }
0x8c: {  	[tilespmem:s31+$0x1D700] =	vst v0;
	v0 =	vld [tilespmem:s31+$0x1A700]  }
0x8d: {  	v1 =	vld.idx.msk [tilespmem:v1+s2+$0x0], $0xffff;
	_ =	sdelay $0x5  }
0x8e: {  	[tilespmem:s31+$0x1D710] =	vst v1;
	v1 =	vld [tilespmem:s31+$0x1A710]  }
0x8f: {  	v0 =	vld.idx.msk [tilespmem:v0+s2+$0x0], $0xffff;
	_ =	sdelay $0x5  }
0x90: {  	[tilespmem:s31+$0x1DB00] =	vst v0;
	v0 =	vld [tilespmem:s31+$0x1AB00]  }
0x91: {  	v1 =	vld.idx.msk [tilespmem:v1+s2+$0x0], $0xffff;
	_ =	sdelay $0x5  }
0x92: {  	[tilespmem:s31+$0x1DB10] =	vst v1;
	v1 =	vld [tilespmem:s31+$0x1AB10]  }
0x93: {  	v0 =	vld.idx.msk [tilespmem:v0+s2+$0x0], $0xffff;
	_ =	sdelay $0x5  }
0x94: {  	[tilespmem:s31+$0x1DF00] =	vst v0;
	v2 =	vld [tilespmem:s31+$0x1AF00]  }
0x95: {  	v0 =	vld.idx.msk [tilespmem:v1+s2+$0x0], $0xffff;
	_ =	sdelay $0x5  }
0x96: {  	[tilespmem:s31+$0x1DF10] =	vst v0;
	v0 =	vld [tilespmem:s31+$0x1AF10]  }
0x97: {  	v1 =	vld.idx.msk [tilespmem:v2+s2+$0x0], $0xffff  }
.Ltmp1:
0x98: {  	(pc) =	sbr.rel @p0 .LBB2_4-.Ltmp1, $2  }
0x99: {  	_ =	sdelay $0x2  }
0x9a: {  	s3 =	sshra.s32 s0, $0x2;
	s0 =	sadd.s32 $0x80, s0  }
0x9b: {  	_ =	sdelay $0x1  }
0x9c: {  	v2 =	vld [tilespmem:s3+$0x18B00]  }
0x9d: {  	[tilespmem:s31+$0x1E300] =	vst v1  }
0x9e: {  	v0 =	vld.idx.msk [tilespmem:v0+s2+$0x0], $0xffff;
	_ =	sdelay $0x3  }
0x9f: {  	v1 =	vld [tilespmem:s3+$0x18B10]  }
0xa0: {  	[tilespmem:s31+$0x1E310] =	vst v0  }
0xa1: {  	v0 =	vld.idx.msk [tilespmem:v2+s2+$0x0], $0xffff;
	_ =	sdelay $0x4  }
0xa2: {  	[tilespmem:s3+$0x1BF00] =	vst v0;
	v0 =	vld [tilespmem:s3+$0x18F00]  }
0xa3: {  	v1 =	vld.idx.msk [tilespmem:v1+s2+$0x0], $0xffff;
	_ =	sdelay $0x4  }
0xa4: {  	[tilespmem:s3+$0x1BF10] =	vst v1;
	v1 =	vld [tilespmem:s3+$0x18F10];
	_ =	sdelay $0x1  }
0xa5: {  	v0 =	vld.idx.msk [tilespmem:v0+s2+$0x0], $0xffff;
	_ =	sdelay $0x4  }
0xa6: {  	[tilespmem:s3+$0x1C300] =	vst v0;
	v0 =	vld [tilespmem:s3+$0x19300]  }
0xa7: {  	v1 =	vld.idx.msk [tilespmem:v1+s2+$0x0], $0xffff;
	_ =	sdelay $0x4  }
0xa8: {  	[tilespmem:s3+$0x1C310] =	vst v1;
	v1 =	vld [tilespmem:s3+$0x19310];
	_ =	sdelay $0x1  }
0xa9: {  	v0 =	vld.idx.msk [tilespmem:v0+s2+$0x0], $0xffff;
	_ =	sdelay $0x4  }
0xaa: {  	[tilespmem:s3+$0x1C700] =	vst v0;
	v0 =	vld [tilespmem:s3+$0x19700]  }
0xab: {  	v1 =	vld.idx.msk [tilespmem:v1+s2+$0x0], $0xffff;
	_ =	sdelay $0x4  }
0xac: {  	[tilespmem:s3+$0x1C710] =	vst v1;
	v1 =	vld [tilespmem:s3+$0x19710];
	_ =	sdelay $0x1  }
0xad: {  	v0 =	vld.idx.msk [tilespmem:v0+s2+$0x0], $0xffff;
	_ =	sdelay $0x4  }
0xae: {  	[tilespmem:s3+$0x1CB00] =	vst v0;
	v0 =	vld [tilespmem:s3+$0x19B00]  }
0xaf: {  	v1 =	vld.idx.msk [tilespmem:v1+s2+$0x0], $0xffff;
	_ =	sdelay $0x4  }
0xb0: {  	[tilespmem:s3+$0x1CB10] =	vst v1;
	v1 =	vld [tilespmem:s3+$0x19B10];
	_ =	sdelay $0x1  }
0xb1: {  	v0 =	vld.idx.msk [tilespmem:v0+s2+$0x0], $0xffff;
	_ =	sdelay $0x4  }
0xb2: {  	[tilespmem:s3+$0x1CF00] =	vst v0;
	v0 =	vld [tilespmem:s3+$0x19F00]  }
0xb3: {  	v1 =	vld.idx.msk [tilespmem:v1+s2+$0x0], $0xffff;
	_ =	sdelay $0x4  }
0xb4: {  	[tilespmem:s3+$0x1CF10] =	vst v1;
	v1 =	vld [tilespmem:s3+$0x19F10];
	_ =	sdelay $0x1  }
0xb5: {  	v0 =	vld.idx.msk [tilespmem:v0+s2+$0x0], $0xffff;
	_ =	sdelay $0x4  }
0xb6: {  	[tilespmem:s3+$0x1D300] =	vst v0;
	v0 =	vld [tilespmem:s3+$0x1A300]  }
0xb7: {  	v1 =	vld.idx.msk [tilespmem:v1+s2+$0x0], $0xffff;
	_ =	sdelay $0x4  }
0xb8: {  	[tilespmem:s3+$0x1D310] =	vst v1;
	v1 =	vld [tilespmem:s3+$0x1A310];
	_ =	sdelay $0x1  }
0xb9: {  	v0 =	vld.idx.msk [tilespmem:v0+s2+$0x0], $0xffff;
	_ =	sdelay $0x4  }
0xba: {  	[tilespmem:s3+$0x1D700] =	vst v0;
	v0 =	vld [tilespmem:s3+$0x1A700]  }
0xbb: {  	v1 =	vld.idx.msk [tilespmem:v1+s2+$0x0], $0xffff;
	_ =	sdelay $0x4  }
0xbc: {  	[tilespmem:s3+$0x1D710] =	vst v1;
	v1 =	vld [tilespmem:s3+$0x1A710];
	_ =	sdelay $0x1  }
0xbd: {  	v0 =	vld.idx.msk [tilespmem:v0+s2+$0x0], $0xffff;
	_ =	sdelay $0x4  }
0xbe: {  	[tilespmem:s3+$0x1DB00] =	vst v0;
	v0 =	vld [tilespmem:s3+$0x1AB00]  }
0xbf: {  	v1 =	vld.idx.msk [tilespmem:v1+s2+$0x0], $0xffff;
	_ =	sdelay $0x4  }
0xc0: {  	[tilespmem:s3+$0x1DB10] =	vst v1;
	v1 =	vld [tilespmem:s3+$0x1AB10];
	_ =	sdelay $0x1  }
0xc1: {  	v0 =	vld.idx.msk [tilespmem:v0+s2+$0x0], $0xffff;
	_ =	sdelay $0x4  }
0xc2: {  	[tilespmem:s3+$0x1DF00] =	vst v0;
	v0 =	vld [tilespmem:s3+$0x1AF00]  }
0xc3: {  	v1 =	vld.idx.msk [tilespmem:v1+s2+$0x0], $0xffff;
	_ =	sdelay $0x4  }
0xc4: {  	[tilespmem:s3+$0x1DF10] =	vst v1;
	v1 =	vld [tilespmem:s3+$0x1AF10];
	_ =	sdelay $0x1  }
0xc5: {  	v0 =	vld.idx.msk [tilespmem:v0+s2+$0x0], $0xffff;
	_ =	sdelay $0x4  }
0xc6: {  	[tilespmem:s3+$0x1E300] =	vst v0  }
0xc7: {  	v0 =	vld.idx.msk [tilespmem:v1+s2+$0x0], $0xffff;
	_ =	sdelay $0x4  }
0xc8: {  	[tilespmem:s3+$0x1E310] =	vst v0  }
0xc9: {  	[hbm4b:s7+s21] =	stream.strided.scatter [tilespmem:s24], [sflag:$0x3], $0x2800, s22, s21, $0x38;
	[tilespmem:$0x1E300] =	vst v63  }
0xca: {  	s0 =	simm.s32 $0x0  }
0xcb: {  	[tilespmem:s0], [sflag:$0x4] =	stream.strided.gather [hbm4b:s8+s21], $0x18700, s22, s21, $0x38;
	[tilespmem:$0x1E300] =	vst v63  }
0xcc: {  	_ =	swait.ge [sflag:s19], $0x18700  }
0xcd: {  	[sflag:s19] =	ssyncset.done $0x0  }
0xce: {  	[sflag:s19] =	ssyncadd.s32 $0xFFFE7900  }
0xcf: {  	_ =	swait.ge [sflag:s25], $0x2800  }
0xd0: {  	[sflag:s25] =	ssyncset.done $0x0  }
0xd1: {  	s0 =	simm.s32 $0x0;
	[sflag:s25] =	ssyncadd.s32 $0xFFFFD800  }
0xd2: {  	v0 =	vld [tilespmem:s0+$0x1AF00];
	_ =	sdelay $0x5  }
0xd3: {  	v1 =	vld [tilespmem:s0+$0x1AF10];
	_ =	sdelay $0x1  }
0xd4: {  	v0 =	vld.idx.msk [tilespmem:v0+s2+$0x0], $0xffff;
	_ =	sdelay $0x4  }
0xd5: {  	v2 =	vld [tilespmem:s0+$0x1AF20];
	[tilespmem:s0+$0x1B700] =	vst v0  }
0xd6: {  	v0 =	vld.idx.msk [tilespmem:v1+s2+$0x0], $0xffff;
	_ =	sdelay $0x4  }
0xd7: {  	[tilespmem:s0+$0x1B710] =	vst v0;
	v0 =	vld [tilespmem:s0+$0x1AF30];
	_ =	sdelay $0x1  }
0xd8: {  	v1 =	vld.idx.msk [tilespmem:v2+s2+$0x0], $0xffff;
	_ =	sdelay $0x3  }
0xd9: {  	s31 =	simm.s32 $0x40;
	s3 =	simm.s32 $0x200  }
.LBB2_6:
0xda: {  	p0 =	sne.s32 s3, $0xF00;
	v2 =	vld [tilespmem:s31+$0x1AF00];
	[tilespmem:s0+$0x1B720] =	vst v1  }
0xdb: {  	v0 =	vld.idx.msk [tilespmem:v0+s2+$0x0], $0xffff;
	_ =	sdelay $0x5  }
0xdc: {  	v1 =	vld [tilespmem:s31+$0x1AF10];
	[tilespmem:s0+$0x1B730] =	vst v0;
	s0 =	smov.u32 s31  }
0xdd: {  	v0 =	vld.idx.msk [tilespmem:v2+s2+$0x0], $0xffff;
	_ =	sdelay $0x5  }
0xde: {  	[tilespmem:s0+$0x1B700] =	vst v0;
	v2 =	vld [tilespmem:s0+$0x1AF20]  }
0xdf: {  	v0 =	vld.idx.msk [tilespmem:v1+s2+$0x0], $0xffff;
	_ =	sdelay $0x5  }
0xe0: {  	[tilespmem:s0+$0x1B710] =	vst v0;
	v0 =	vld [tilespmem:s0+$0x1AF30]  }
0xe1: {  	v1 =	vld.idx.msk [tilespmem:v2+s2+$0x0], $0xffff  }
.Ltmp2:
0xe2: {  	(pc) =	sbr.rel @p0 .LBB2_6-.Ltmp2, $2  }
0xe3: {  	_ =	sdelay $0x2  }
0xe4: {  	s31 =	sshra.s32 s3, $0x2;
	s3 =	sadd.s32 $0x100, s3  }
0xe5: {  	_ =	sdelay $0x1  }
0xe6: {  	v2 =	vld [tilespmem:s31+$0x1AF00]  }
0xe7: {  	[tilespmem:s0+$0x1B720] =	vst v1  }
0xe8: {  	v0 =	vld.idx.msk [tilespmem:v0+s2+$0x0], $0xffff;
	_ =	sdelay $0x3  }
0xe9: {  	v1 =	vld [tilespmem:s31+$0x1AF10]  }
0xea: {  	[tilespmem:s0+$0x1B730] =	vst v0  }
0xeb: {  	v0 =	vld.idx.msk [tilespmem:v2+s2+$0x0], $0xffff;
	_ =	sdelay $0x4  }
0xec: {  	[tilespmem:s31+$0x1B700] =	vst v0;
	v0 =	vld [tilespmem:s31+$0x1AF20]  }
0xed: {  	v1 =	vld.idx.msk [tilespmem:v1+s2+$0x0], $0xffff;
	_ =	sdelay $0x4  }
0xee: {  	[tilespmem:s31+$0x1B710] =	vst v1;
	v1 =	vld [tilespmem:s31+$0x1AF30];
	_ =	sdelay $0x1  }
0xef: {  	v0 =	vld.idx.msk [tilespmem:v0+s2+$0x0], $0xffff;
	_ =	sdelay $0x4  }
0xf0: {  	[tilespmem:s31+$0x1B720] =	vst v0  }
0xf1: {  	v0 =	vld.idx.msk [tilespmem:v1+s2+$0x0], $0xffff;
	_ =	sdelay $0x4  }
0xf2: {  	[tilespmem:s31+$0x1B730] =	vst v0;
	s31 =	simm.s32 $0xFFFFFC00  }
0xf3: {  	[hbm4b:s9+s21] =	stream.strided.scatter [tilespmem:s26], [sflag:$0x2], $0x400, s22, s21, $0x38;
	[tilespmem:$0x1E300] =	vst v63  }
0xf4: {  	v0 =	vld [tilespmem:s31+$0x18B00];
	_ =	sdelay $0x5  }
0xf5: {  	v1 =	vld [tilespmem:s31+$0x18B10];
	_ =	sdelay $0x1  }
0xf6: {  	v0 =	vld.idx.msk [tilespmem:v0+s2+$0x0], $0xffff;
	_ =	sdelay $0x4  }
0xf7: {  	[tilespmem:s31+$0x1BF00] =	vst v0;
	v0 =	vld [tilespmem:s31+$0x18F00]  }
0xf8: {  	v1 =	vld.idx.msk [tilespmem:v1+s2+$0x0], $0xffff;
	_ =	sdelay $0x4  }
0xf9: {  	[tilespmem:s31+$0x1BF10] =	vst v1;
	v1 =	vld [tilespmem:s31+$0x18F10];
	_ =	sdelay $0x1  }
0xfa: {  	v0 =	vld.idx.msk [tilespmem:v0+s2+$0x0], $0xffff;
	_ =	sdelay $0x4  }
0xfb: {  	[tilespmem:s31+$0x1C300] =	vst v0;
	v0 =	vld [tilespmem:s31+$0x19300]  }
0xfc: {  	v1 =	vld.idx.msk [tilespmem:v1+s2+$0x0], $0xffff;
	_ =	sdelay $0x4  }
0xfd: {  	[tilespmem:s31+$0x1C310] =	vst v1;
	v1 =	vld [tilespmem:s31+$0x19310];
	_ =	sdelay $0x1  }
0xfe: {  	v0 =	vld.idx.msk [tilespmem:v0+s2+$0x0], $0xffff;
	_ =	sdelay $0x4  }
0xff: {  	[tilespmem:s31+$0x1C700] =	vst v0;
	v0 =	vld [tilespmem:s31+$0x19700]  }
0x100: {  	v1 =	vld.idx.msk [tilespmem:v1+s2+$0x0], $0xffff;
	_ =	sdelay $0x4  }
0x101: {  	[tilespmem:s31+$0x1C710] =	vst v1;
	v1 =	vld [tilespmem:s31+$0x19710];
	_ =	sdelay $0x1  }
0x102: {  	v0 =	vld.idx.msk [tilespmem:v0+s2+$0x0], $0xffff;
	_ =	sdelay $0x4  }
0x103: {  	[tilespmem:s31+$0x1CB00] =	vst v0;
	v0 =	vld [tilespmem:s31+$0x19B00]  }
0x104: {  	v1 =	vld.idx.msk [tilespmem:v1+s2+$0x0], $0xffff;
	_ =	sdelay $0x4  }
0x105: {  	[tilespmem:s31+$0x1CB10] =	vst v1;
	v1 =	vld [tilespmem:s31+$0x19B10];
	_ =	sdelay $0x1  }
0x106: {  	v0 =	vld.idx.msk [tilespmem:v0+s2+$0x0], $0xffff;
	_ =	sdelay $0x4  }
0x107: {  	[tilespmem:s31+$0x1CF00] =	vst v0;
	v0 =	vld [tilespmem:s31+$0x19F00]  }
0x108: {  	v1 =	vld.idx.msk [tilespmem:v1+s2+$0x0], $0xffff;
	_ =	sdelay $0x4  }
0x109: {  	[tilespmem:s31+$0x1CF10] =	vst v1;
	v1 =	vld [tilespmem:s31+$0x19F10];
	_ =	sdelay $0x1  }
0x10a: {  	v0 =	vld.idx.msk [tilespmem:v0+s2+$0x0], $0xffff;
	_ =	sdelay $0x4  }
0x10b: {  	[tilespmem:s31+$0x1D300] =	vst v0;
	v0 =	vld [tilespmem:s31+$0x1A300]  }
0x10c: {  	v1 =	vld.idx.msk [tilespmem:v1+s2+$0x0], $0xffff;
	_ =	sdelay $0x4  }
0x10d: {  	[tilespmem:s31+$0x1D310] =	vst v1;
	v1 =	vld [tilespmem:s31+$0x1A310];
	_ =	sdelay $0x1  }
0x10e: {  	v0 =	vld.idx.msk [tilespmem:v0+s2+$0x0], $0xffff;
	_ =	sdelay $0x4  }
0x10f: {  	[tilespmem:s31+$0x1D700] =	vst v0;
	v0 =	vld [tilespmem:s31+$0x1A700]  }
0x110: {  	v1 =	vld.idx.msk [tilespmem:v1+s2+$0x0], $0xffff;
	_ =	sdelay $0x4  }
0x111: {  	[tilespmem:s31+$0x1D710] =	vst v1;
	v1 =	vld [tilespmem:s31+$0x1A710];
	_ =	sdelay $0x1  }
0x112: {  	v0 =	vld.idx.msk [tilespmem:v0+s2+$0x0], $0xffff;
	_ =	sdelay $0x4  }
0x113: {  	[tilespmem:s31+$0x1DB00] =	vst v0;
	v0 =	vld [tilespmem:s31+$0x1AB00]  }
0x114: {  	v1 =	vld.idx.msk [tilespmem:v1+s2+$0x0], $0xffff;
	_ =	sdelay $0x4  }
0x115: {  	[tilespmem:s31+$0x1DB10] =	vst v1;
	v1 =	vld [tilespmem:s31+$0x1AB10];
	_ =	sdelay $0x1  }
0x116: {  	v0 =	vld.idx.msk [tilespmem:v0+s2+$0x0], $0xffff;
	_ =	sdelay $0x4  }
0x117: {  	v2 =	vld [tilespmem:s31+$0x1AF00];
	[tilespmem:s31+$0x1DF00] =	vst v0  }
0x118: {  	v0 =	vld.idx.msk [tilespmem:v1+s2+$0x0], $0xffff;
	_ =	sdelay $0x4  }
0x119: {  	[tilespmem:s31+$0x1DF10] =	vst v0;
	v0 =	vld [tilespmem:s31+$0x1AF10];
	_ =	sdelay $0x1  }
0x11a: {  	v1 =	vld.idx.msk [tilespmem:v2+s2+$0x0], $0xffff;
	_ =	sdelay $0x3  }
0x11b: {  	s3 =	simm.s32 $0xFFFFFC20;
	s0 =	simm.s32 $0xFFFFF100  }
.LBB2_8:
0x11c: {  	p0 =	sne.s32 s0, $0xFFFFFF80;
	v2 =	vld [tilespmem:s3+$0x18B00];
	[tilespmem:s31+$0x1E300] =	vst v1  }
0x11d: {  	v0 =	vld.idx.msk [tilespmem:v0+s2+$0x0], $0xffff;
	_ =	sdelay $0x5  }
0x11e: {  	v1 =	vld [tilespmem:s3+$0x18B10];
	[tilespmem:s31+$0x1E310] =	vst v0;
	s31 =	smov.u32 s3  }
0x11f: {  	v0 =	vld.idx.msk [tilespmem:v2+s2+$0x0], $0xffff;
	_ =	sdelay $0x5  }
0x120: {  	[tilespmem:s31+$0x1BF00] =	vst v0;
	v0 =	vld [tilespmem:s31+$0x18F00]  }
0x121: {  	v1 =	vld.idx.msk [tilespmem:v1+s2+$0x0], $0xffff;
	_ =	sdelay $0x5  }
0x122: {  	[tilespmem:s31+$0x1BF10] =	vst v1;
	v1 =	vld [tilespmem:s31+$0x18F10]  }
0x123: {  	v0 =	vld.idx.msk [tilespmem:v0+s2+$0x0], $0xffff;
	_ =	sdelay $0x5  }
0x124: {  	[tilespmem:s31+$0x1C300] =	vst v0;
	v0 =	vld [tilespmem:s31+$0x19300]  }
0x125: {  	v1 =	vld.idx.msk [tilespmem:v1+s2+$0x0], $0xffff;
	_ =	sdelay $0x5  }
0x126: {  	[tilespmem:s31+$0x1C310] =	vst v1;
	v1 =	vld [tilespmem:s31+$0x19310]  }
0x127: {  	v0 =	vld.idx.msk [tilespmem:v0+s2+$0x0], $0xffff;
	_ =	sdelay $0x5  }
0x128: {  	[tilespmem:s31+$0x1C700] =	vst v0;
	v0 =	vld [tilespmem:s31+$0x19700]  }
0x129: {  	v1 =	vld.idx.msk [tilespmem:v1+s2+$0x0], $0xffff;
	_ =	sdelay $0x5  }
0x12a: {  	[tilespmem:s31+$0x1C710] =	vst v1;
	v1 =	vld [tilespmem:s31+$0x19710]  }
0x12b: {  	v0 =	vld.idx.msk [tilespmem:v0+s2+$0x0], $0xffff;
	_ =	sdelay $0x5  }
0x12c: {  	[tilespmem:s31+$0x1CB00] =	vst v0;
	v0 =	vld [tilespmem:s31+$0x19B00]  }
0x12d: {  	v1 =	vld.idx.msk [tilespmem:v1+s2+$0x0], $0xffff;
	_ =	sdelay $0x5  }
0x12e: {  	[tilespmem:s31+$0x1CB10] =	vst v1;
	v1 =	vld [tilespmem:s31+$0x19B10]  }
0x12f: {  	v0 =	vld.idx.msk [tilespmem:v0+s2+$0x0], $0xffff;
	_ =	sdelay $0x5  }
0x130: {  	[tilespmem:s31+$0x1CF00] =	vst v0;
	v0 =	vld [tilespmem:s31+$0x19F00]  }
0x131: {  	v1 =	vld.idx.msk [tilespmem:v1+s2+$0x0], $0xffff;
	_ =	sdelay $0x5  }
0x132: {  	[tilespmem:s31+$0x1CF10] =	vst v1;
	v1 =	vld [tilespmem:s31+$0x19F10]  }
0x133: {  	v0 =	vld.idx.msk [tilespmem:v0+s2+$0x0], $0xffff;
	_ =	sdelay $0x5  }
0x134: {  	[tilespmem:s31+$0x1D300] =	vst v0;
	v0 =	vld [tilespmem:s31+$0x1A300]  }
0x135: {  	v1 =	vld.idx.msk [tilespmem:v1+s2+$0x0], $0xffff;
	_ =	sdelay $0x5  }
0x136: {  	[tilespmem:s31+$0x1D310] =	vst v1;
	v1 =	vld [tilespmem:s31+$0x1A310]  }
0x137: {  	v0 =	vld.idx.msk [tilespmem:v0+s2+$0x0], $0xffff;
	_ =	sdelay $0x5  }
0x138: {  	[tilespmem:s31+$0x1D700] =	vst v0;
	v0 =	vld [tilespmem:s31+$0x1A700]  }
0x139: {  	v1 =	vld.idx.msk [tilespmem:v1+s2+$0x0], $0xffff;
	_ =	sdelay $0x5  }
0x13a: {  	[tilespmem:s31+$0x1D710] =	vst v1;
	v1 =	vld [tilespmem:s31+$0x1A710]  }
0x13b: {  	v0 =	vld.idx.msk [tilespmem:v0+s2+$0x0], $0xffff;
	_ =	sdelay $0x5  }
0x13c: {  	[tilespmem:s31+$0x1DB00] =	vst v0;
	v0 =	vld [tilespmem:s31+$0x1AB00]  }
0x13d: {  	v1 =	vld.idx.msk [tilespmem:v1+s2+$0x0], $0xffff;
	_ =	sdelay $0x5  }
0x13e: {  	[tilespmem:s31+$0x1DB10] =	vst v1;
	v1 =	vld [tilespmem:s31+$0x1AB10]  }
0x13f: {  	v0 =	vld.idx.msk [tilespmem:v0+s2+$0x0], $0xffff;
	_ =	sdelay $0x5  }
0x140: {  	[tilespmem:s31+$0x1DF00] =	vst v0;
	v2 =	vld [tilespmem:s31+$0x1AF00]  }
0x141: {  	v0 =	vld.idx.msk [tilespmem:v1+s2+$0x0], $0xffff;
	_ =	sdelay $0x5  }
0x142: {  	[tilespmem:s31+$0x1DF10] =	vst v0;
	v0 =	vld [tilespmem:s31+$0x1AF10]  }
0x143: {  	v1 =	vld.idx.msk [tilespmem:v2+s2+$0x0], $0xffff  }
.Ltmp3:
0x144: {  	(pc) =	sbr.rel @p0 .LBB2_8-.Ltmp3, $2  }
0x145: {  	_ =	sdelay $0x2  }
0x146: {  	s3 =	sshra.s32 s0, $0x2;
	s0 =	sadd.s32 $0x80, s0  }
0x147: {  	_ =	sdelay $0x1  }
0x148: {  	v2 =	vld [tilespmem:s3+$0x18B00]  }
0x149: {  	[tilespmem:s31+$0x1E300] =	vst v1  }
0x14a: {  	v0 =	vld.idx.msk [tilespmem:v0+s2+$0x0], $0xffff;
	_ =	sdelay $0x3  }
0x14b: {  	v1 =	vld [tilespmem:s3+$0x18B10]  }
0x14c: {  	[tilespmem:s31+$0x1E310] =	vst v0  }
0x14d: {  	v0 =	vld.idx.msk [tilespmem:v2+s2+$0x0], $0xffff;
	_ =	sdelay $0x4  }
0x14e: {  	[tilespmem:s3+$0x1BF00] =	vst v0;
	v0 =	vld [tilespmem:s3+$0x18F00]  }
0x14f: {  	v1 =	vld.idx.msk [tilespmem:v1+s2+$0x0], $0xffff;
	_ =	sdelay $0x4  }
0x150: {  	[tilespmem:s3+$0x1BF10] =	vst v1;
	v1 =	vld [tilespmem:s3+$0x18F10];
	_ =	sdelay $0x1  }
0x151: {  	v0 =	vld.idx.msk [tilespmem:v0+s2+$0x0], $0xffff;
	_ =	sdelay $0x4  }
0x152: {  	[tilespmem:s3+$0x1C300] =	vst v0;
	v0 =	vld [tilespmem:s3+$0x19300]  }
0x153: {  	v1 =	vld.idx.msk [tilespmem:v1+s2+$0x0], $0xffff;
	_ =	sdelay $0x4  }
0x154: {  	[tilespmem:s3+$0x1C310] =	vst v1;
	v1 =	vld [tilespmem:s3+$0x19310];
	_ =	sdelay $0x1  }
0x155: {  	v0 =	vld.idx.msk [tilespmem:v0+s2+$0x0], $0xffff;
	_ =	sdelay $0x4  }
0x156: {  	[tilespmem:s3+$0x1C700] =	vst v0;
	v0 =	vld [tilespmem:s3+$0x19700]  }
0x157: {  	v1 =	vld.idx.msk [tilespmem:v1+s2+$0x0], $0xffff;
	_ =	sdelay $0x4  }
0x158: {  	[tilespmem:s3+$0x1C710] =	vst v1;
	v1 =	vld [tilespmem:s3+$0x19710];
	_ =	sdelay $0x1  }
0x159: {  	v0 =	vld.idx.msk [tilespmem:v0+s2+$0x0], $0xffff;
	_ =	sdelay $0x4  }
0x15a: {  	[tilespmem:s3+$0x1CB00] =	vst v0;
	v0 =	vld [tilespmem:s3+$0x19B00]  }
0x15b: {  	v1 =	vld.idx.msk [tilespmem:v1+s2+$0x0], $0xffff;
	_ =	sdelay $0x4  }
0x15c: {  	[tilespmem:s3+$0x1CB10] =	vst v1;
	v1 =	vld [tilespmem:s3+$0x19B10];
	_ =	sdelay $0x1  }
0x15d: {  	v0 =	vld.idx.msk [tilespmem:v0+s2+$0x0], $0xffff;
	_ =	sdelay $0x4  }
0x15e: {  	[tilespmem:s3+$0x1CF00] =	vst v0;
	v0 =	vld [tilespmem:s3+$0x19F00]  }
0x15f: {  	v1 =	vld.idx.msk [tilespmem:v1+s2+$0x0], $0xffff;
	_ =	sdelay $0x4  }
0x160: {  	[tilespmem:s3+$0x1CF10] =	vst v1;
	v1 =	vld [tilespmem:s3+$0x19F10];
	_ =	sdelay $0x1  }
0x161: {  	v0 =	vld.idx.msk [tilespmem:v0+s2+$0x0], $0xffff;
	_ =	sdelay $0x4  }
0x162: {  	[tilespmem:s3+$0x1D300] =	vst v0;
	v0 =	vld [tilespmem:s3+$0x1A300]  }
0x163: {  	v1 =	vld.idx.msk [tilespmem:v1+s2+$0x0], $0xffff;
	_ =	sdelay $0x4  }
0x164: {  	[tilespmem:s3+$0x1D310] =	vst v1;
	v1 =	vld [tilespmem:s3+$0x1A310];
	_ =	sdelay $0x1  }
0x165: {  	v0 =	vld.idx.msk [tilespmem:v0+s2+$0x0], $0xffff;
	_ =	sdelay $0x4  }
0x166: {  	[tilespmem:s3+$0x1D700] =	vst v0;
	v0 =	vld [tilespmem:s3+$0x1A700]  }
0x167: {  	v1 =	vld.idx.msk [tilespmem:v1+s2+$0x0], $0xffff;
	_ =	sdelay $0x4  }
0x168: {  	[tilespmem:s3+$0x1D710] =	vst v1;
	v1 =	vld [tilespmem:s3+$0x1A710];
	_ =	sdelay $0x1  }
0x169: {  	v0 =	vld.idx.msk [tilespmem:v0+s2+$0x0], $0xffff;
	_ =	sdelay $0x4  }
0x16a: {  	[tilespmem:s3+$0x1DB00] =	vst v0;
	v0 =	vld [tilespmem:s3+$0x1AB00]  }
0x16b: {  	v1 =	vld.idx.msk [tilespmem:v1+s2+$0x0], $0xffff;
	_ =	sdelay $0x4  }
0x16c: {  	[tilespmem:s3+$0x1DB10] =	vst v1;
	v1 =	vld [tilespmem:s3+$0x1AB10];
	_ =	sdelay $0x1  }
0x16d: {  	v0 =	vld.idx.msk [tilespmem:v0+s2+$0x0], $0xffff;
	_ =	sdelay $0x4  }
0x16e: {  	[tilespmem:s3+$0x1DF00] =	vst v0;
	v0 =	vld [tilespmem:s3+$0x1AF00]  }
0x16f: {  	v1 =	vld.idx.msk [tilespmem:v1+s2+$0x0], $0xffff;
	_ =	sdelay $0x4  }
0x170: {  	[tilespmem:s3+$0x1DF10] =	vst v1;
	v1 =	vld [tilespmem:s3+$0x1AF10];
	_ =	sdelay $0x1  }
0x171: {  	v0 =	vld.idx.msk [tilespmem:v0+s2+$0x0], $0xffff;
	_ =	sdelay $0x4  }
0x172: {  	[tilespmem:s3+$0x1E300] =	vst v0  }
0x173: {  	v0 =	vld.idx.msk [tilespmem:v1+s2+$0x0], $0xffff;
	_ =	sdelay $0x4  }
0x174: {  	[tilespmem:s3+$0x1E310] =	vst v0  }
0x175: {  	[hbm4b:s10+s21] =	stream.strided.scatter [tilespmem:s24], [sflag:$0x3], $0x2800, s22, s21, $0x38;
	[tilespmem:$0x1E300] =	vst v63  }
0x176: {  	s0 =	simm.s32 $0x0  }
0x177: {  	[tilespmem:s0], [sflag:$0x4] =	stream.strided.gather [hbm4b:s11+s21], $0x18700, s22, s21, $0x38;
	[tilespmem:$0x1E300] =	vst v63  }
0x178: {  	_ =	swait.ge [sflag:s19], $0x18700  }
0x179: {  	[sflag:s19] =	ssyncset.done $0x0  }
0x17a: {  	[sflag:s19] =	ssyncadd.s32 $0xFFFE7900  }
0x17b: {  	_ =	swait.ge [sflag:s28], $0x400  }
0x17c: {  	[sflag:s28] =	ssyncset.done $0x0  }
0x17d: {  	[sflag:s28] =	ssyncadd.s32 $0xFFFFFC00  }
0x17e: {  	_ =	swait.ge [sflag:s25], $0x2800  }
0x17f: {  	[sflag:s25] =	ssyncset.done $0x0  }
0x180: {  	s0 =	simm.s32 $0x0;
	[sflag:s25] =	ssyncadd.s32 $0xFFFFD800  }
0x181: {  	v0 =	vld [tilespmem:s0+$0x1AF00];
	_ =	sdelay $0x5  }
0x182: {  	v1 =	vld [tilespmem:s0+$0x1AF10];
	_ =	sdelay $0x1  }
0x183: {  	v0 =	vld.idx.msk [tilespmem:v0+s2+$0x0], $0xffff;
	_ =	sdelay $0x4  }
0x184: {  	v2 =	vld [tilespmem:s0+$0x1AF20];
	[tilespmem:s0+$0x1B300] =	vst v0  }
0x185: {  	v0 =	vld.idx.msk [tilespmem:v1+s2+$0x0], $0xffff;
	_ =	sdelay $0x4  }
0x186: {  	[tilespmem:s0+$0x1B310] =	vst v0;
	v0 =	vld [tilespmem:s0+$0x1AF30];
	_ =	sdelay $0x1  }
0x187: {  	v1 =	vld.idx.msk [tilespmem:v2+s2+$0x0], $0xffff;
	_ =	sdelay $0x3  }
0x188: {  	s31 =	simm.s32 $0x40;
	s3 =	simm.s32 $0x200  }
.LBB2_10:
0x189: {  	p0 =	sne.s32 s3, $0xF00;
	v2 =	vld [tilespmem:s31+$0x1AF00];
	[tilespmem:s0+$0x1B320] =	vst v1  }
0x18a: {  	v0 =	vld.idx.msk [tilespmem:v0+s2+$0x0], $0xffff;
	_ =	sdelay $0x5  }
0x18b: {  	v1 =	vld [tilespmem:s31+$0x1AF10];
	[tilespmem:s0+$0x1B330] =	vst v0;
	s0 =	smov.u32 s31  }
0x18c: {  	v0 =	vld.idx.msk [tilespmem:v2+s2+$0x0], $0xffff;
	_ =	sdelay $0x5  }
0x18d: {  	[tilespmem:s0+$0x1B300] =	vst v0;
	v2 =	vld [tilespmem:s0+$0x1AF20]  }
0x18e: {  	v0 =	vld.idx.msk [tilespmem:v1+s2+$0x0], $0xffff;
	_ =	sdelay $0x5  }
0x18f: {  	[tilespmem:s0+$0x1B310] =	vst v0;
	v0 =	vld [tilespmem:s0+$0x1AF30]  }
0x190: {  	v1 =	vld.idx.msk [tilespmem:v2+s2+$0x0], $0xffff  }
.Ltmp4:
0x191: {  	(pc) =	sbr.rel @p0 .LBB2_10-.Ltmp4, $2  }
0x192: {  	_ =	sdelay $0x2  }
0x193: {  	s31 =	sshra.s32 s3, $0x2;
	s3 =	sadd.s32 $0x100, s3  }
0x194: {  	_ =	sdelay $0x1  }
0x195: {  	v2 =	vld [tilespmem:s31+$0x1AF00]  }
0x196: {  	[tilespmem:s0+$0x1B320] =	vst v1  }
0x197: {  	v0 =	vld.idx.msk [tilespmem:v0+s2+$0x0], $0xffff;
	_ =	sdelay $0x3  }
0x198: {  	v1 =	vld [tilespmem:s31+$0x1AF10]  }
0x199: {  	[tilespmem:s0+$0x1B330] =	vst v0  }
0x19a: {  	v0 =	vld.idx.msk [tilespmem:v2+s2+$0x0], $0xffff;
	_ =	sdelay $0x4  }
0x19b: {  	[tilespmem:s31+$0x1B300] =	vst v0;
	v0 =	vld [tilespmem:s31+$0x1AF20]  }
0x19c: {  	v1 =	vld.idx.msk [tilespmem:v1+s2+$0x0], $0xffff;
	_ =	sdelay $0x4  }
0x19d: {  	[tilespmem:s31+$0x1B310] =	vst v1;
	v1 =	vld [tilespmem:s31+$0x1AF30];
	_ =	sdelay $0x1  }
0x19e: {  	v0 =	vld.idx.msk [tilespmem:v0+s2+$0x0], $0xffff;
	_ =	sdelay $0x4  }
0x19f: {  	[tilespmem:s31+$0x1B320] =	vst v0  }
0x1a0: {  	v0 =	vld.idx.msk [tilespmem:v1+s2+$0x0], $0xffff;
	_ =	sdelay $0x4  }
0x1a1: {  	[tilespmem:s31+$0x1B330] =	vst v0;
	s31 =	simm.s32 $0xFFFFFC00  }
0x1a2: {  	[hbm4b:s12+s21] =	stream.strided.scatter [tilespmem:s23], [sflag:$0x1], $0x400, s22, s21, $0x38;
	[tilespmem:$0x1E300] =	vst v63  }
0x1a3: {  	v0 =	vld [tilespmem:s31+$0x18B00];
	_ =	sdelay $0x5  }
0x1a4: {  	v1 =	vld [tilespmem:s31+$0x18B10];
	_ =	sdelay $0x1  }
0x1a5: {  	v0 =	vld.idx.msk [tilespmem:v0+s2+$0x0], $0xffff;
	_ =	sdelay $0x4  }
0x1a6: {  	[tilespmem:s31+$0x1BF00] =	vst v0;
	v0 =	vld [tilespmem:s31+$0x18F00]  }
0x1a7: {  	v1 =	vld.idx.msk [tilespmem:v1+s2+$0x0], $0xffff;
	_ =	sdelay $0x4  }
0x1a8: {  	[tilespmem:s31+$0x1BF10] =	vst v1;
	v1 =	vld [tilespmem:s31+$0x18F10];
	_ =	sdelay $0x1  }
0x1a9: {  	v0 =	vld.idx.msk [tilespmem:v0+s2+$0x0], $0xffff;
	_ =	sdelay $0x4  }
0x1aa: {  	[tilespmem:s31+$0x1C300] =	vst v0;
	v0 =	vld [tilespmem:s31+$0x19300]  }
0x1ab: {  	v1 =	vld.idx.msk [tilespmem:v1+s2+$0x0], $0xffff;
	_ =	sdelay $0x4  }
0x1ac: {  	[tilespmem:s31+$0x1C310] =	vst v1;
	v1 =	vld [tilespmem:s31+$0x19310];
	_ =	sdelay $0x1  }
0x1ad: {  	v0 =	vld.idx.msk [tilespmem:v0+s2+$0x0], $0xffff;
	_ =	sdelay $0x4  }
0x1ae: {  	[tilespmem:s31+$0x1C700] =	vst v0;
	v0 =	vld [tilespmem:s31+$0x19700]  }
0x1af: {  	v1 =	vld.idx.msk [tilespmem:v1+s2+$0x0], $0xffff;
	_ =	sdelay $0x4  }
0x1b0: {  	[tilespmem:s31+$0x1C710] =	vst v1;
	v1 =	vld [tilespmem:s31+$0x19710];
	_ =	sdelay $0x1  }
0x1b1: {  	v0 =	vld.idx.msk [tilespmem:v0+s2+$0x0], $0xffff;
	_ =	sdelay $0x4  }
0x1b2: {  	[tilespmem:s31+$0x1CB00] =	vst v0;
	v0 =	vld [tilespmem:s31+$0x19B00]  }
0x1b3: {  	v1 =	vld.idx.msk [tilespmem:v1+s2+$0x0], $0xffff;
	_ =	sdelay $0x4  }
0x1b4: {  	[tilespmem:s31+$0x1CB10] =	vst v1;
	v1 =	vld [tilespmem:s31+$0x19B10];
	_ =	sdelay $0x1  }
0x1b5: {  	v0 =	vld.idx.msk [tilespmem:v0+s2+$0x0], $0xffff;
	_ =	sdelay $0x4  }
0x1b6: {  	[tilespmem:s31+$0x1CF00] =	vst v0;
	v0 =	vld [tilespmem:s31+$0x19F00]  }
0x1b7: {  	v1 =	vld.idx.msk [tilespmem:v1+s2+$0x0], $0xffff;
	_ =	sdelay $0x4  }
0x1b8: {  	[tilespmem:s31+$0x1CF10] =	vst v1;
	v1 =	vld [tilespmem:s31+$0x19F10];
	_ =	sdelay $0x1  }
0x1b9: {  	v0 =	vld.idx.msk [tilespmem:v0+s2+$0x0], $0xffff;
	_ =	sdelay $0x4  }
0x1ba: {  	[tilespmem:s31+$0x1D300] =	vst v0;
	v0 =	vld [tilespmem:s31+$0x1A300]  }
0x1bb: {  	v1 =	vld.idx.msk [tilespmem:v1+s2+$0x0], $0xffff;
	_ =	sdelay $0x4  }
0x1bc: {  	[tilespmem:s31+$0x1D310] =	vst v1;
	v1 =	vld [tilespmem:s31+$0x1A310];
	_ =	sdelay $0x1  }
0x1bd: {  	v0 =	vld.idx.msk [tilespmem:v0+s2+$0x0], $0xffff;
	_ =	sdelay $0x4  }
0x1be: {  	[tilespmem:s31+$0x1D700] =	vst v0;
	v0 =	vld [tilespmem:s31+$0x1A700]  }
0x1bf: {  	v1 =	vld.idx.msk [tilespmem:v1+s2+$0x0], $0xffff;
	_ =	sdelay $0x4  }
0x1c0: {  	[tilespmem:s31+$0x1D710] =	vst v1;
	v1 =	vld [tilespmem:s31+$0x1A710];
	_ =	sdelay $0x1  }
0x1c1: {  	v0 =	vld.idx.msk [tilespmem:v0+s2+$0x0], $0xffff;
	_ =	sdelay $0x4  }
0x1c2: {  	[tilespmem:s31+$0x1DB00] =	vst v0;
	v0 =	vld [tilespmem:s31+$0x1AB00]  }
0x1c3: {  	v1 =	vld.idx.msk [tilespmem:v1+s2+$0x0], $0xffff;
	_ =	sdelay $0x4  }
0x1c4: {  	[tilespmem:s31+$0x1DB10] =	vst v1;
	v1 =	vld [tilespmem:s31+$0x1AB10];
	_ =	sdelay $0x1  }
0x1c5: {  	v0 =	vld.idx.msk [tilespmem:v0+s2+$0x0], $0xffff;
	_ =	sdelay $0x4  }
0x1c6: {  	v2 =	vld [tilespmem:s31+$0x1AF00];
	[tilespmem:s31+$0x1DF00] =	vst v0  }
0x1c7: {  	v0 =	vld.idx.msk [tilespmem:v1+s2+$0x0], $0xffff;
	_ =	sdelay $0x4  }
0x1c8: {  	[tilespmem:s31+$0x1DF10] =	vst v0;
	v0 =	vld [tilespmem:s31+$0x1AF10];
	_ =	sdelay $0x1  }
0x1c9: {  	v1 =	vld.idx.msk [tilespmem:v2+s2+$0x0], $0xffff;
	_ =	sdelay $0x3  }
0x1ca: {  	s3 =	simm.s32 $0xFFFFFC20;
	s0 =	simm.s32 $0xFFFFF100  }
.LBB2_12:
0x1cb: {  	p0 =	sne.s32 s0, $0xFFFFFF80;
	v2 =	vld [tilespmem:s3+$0x18B00];
	[tilespmem:s31+$0x1E300] =	vst v1  }
0x1cc: {  	v0 =	vld.idx.msk [tilespmem:v0+s2+$0x0], $0xffff;
	_ =	sdelay $0x5  }
0x1cd: {  	v1 =	vld [tilespmem:s3+$0x18B10];
	[tilespmem:s31+$0x1E310] =	vst v0;
	s31 =	smov.u32 s3  }
0x1ce: {  	v0 =	vld.idx.msk [tilespmem:v2+s2+$0x0], $0xffff;
	_ =	sdelay $0x5  }
0x1cf: {  	[tilespmem:s31+$0x1BF00] =	vst v0;
	v0 =	vld [tilespmem:s31+$0x18F00]  }
0x1d0: {  	v1 =	vld.idx.msk [tilespmem:v1+s2+$0x0], $0xffff;
	_ =	sdelay $0x5  }
0x1d1: {  	[tilespmem:s31+$0x1BF10] =	vst v1;
	v1 =	vld [tilespmem:s31+$0x18F10]  }
0x1d2: {  	v0 =	vld.idx.msk [tilespmem:v0+s2+$0x0], $0xffff;
	_ =	sdelay $0x5  }
0x1d3: {  	[tilespmem:s31+$0x1C300] =	vst v0;
	v0 =	vld [tilespmem:s31+$0x19300]  }
0x1d4: {  	v1 =	vld.idx.msk [tilespmem:v1+s2+$0x0], $0xffff;
	_ =	sdelay $0x5  }
0x1d5: {  	[tilespmem:s31+$0x1C310] =	vst v1;
	v1 =	vld [tilespmem:s31+$0x19310]  }
0x1d6: {  	v0 =	vld.idx.msk [tilespmem:v0+s2+$0x0], $0xffff;
	_ =	sdelay $0x5  }
0x1d7: {  	[tilespmem:s31+$0x1C700] =	vst v0;
	v0 =	vld [tilespmem:s31+$0x19700]  }
0x1d8: {  	v1 =	vld.idx.msk [tilespmem:v1+s2+$0x0], $0xffff;
	_ =	sdelay $0x5  }
0x1d9: {  	[tilespmem:s31+$0x1C710] =	vst v1;
	v1 =	vld [tilespmem:s31+$0x19710]  }
0x1da: {  	v0 =	vld.idx.msk [tilespmem:v0+s2+$0x0], $0xffff;
	_ =	sdelay $0x5  }
0x1db: {  	[tilespmem:s31+$0x1CB00] =	vst v0;
	v0 =	vld [tilespmem:s31+$0x19B00]  }
0x1dc: {  	v1 =	vld.idx.msk [tilespmem:v1+s2+$0x0], $0xffff;
	_ =	sdelay $0x5  }
0x1dd: {  	[tilespmem:s31+$0x1CB10] =	vst v1;
	v1 =	vld [tilespmem:s31+$0x19B10]  }
0x1de: {  	v0 =	vld.idx.msk [tilespmem:v0+s2+$0x0], $0xffff;
	_ =	sdelay $0x5  }
0x1df: {  	[tilespmem:s31+$0x1CF00] =	vst v0;
	v0 =	vld [tilespmem:s31+$0x19F00]  }
0x1e0: {  	v1 =	vld.idx.msk [tilespmem:v1+s2+$0x0], $0xffff;
	_ =	sdelay $0x5  }
0x1e1: {  	[tilespmem:s31+$0x1CF10] =	vst v1;
	v1 =	vld [tilespmem:s31+$0x19F10]  }
0x1e2: {  	v0 =	vld.idx.msk [tilespmem:v0+s2+$0x0], $0xffff;
	_ =	sdelay $0x5  }
0x1e3: {  	[tilespmem:s31+$0x1D300] =	vst v0;
	v0 =	vld [tilespmem:s31+$0x1A300]  }
0x1e4: {  	v1 =	vld.idx.msk [tilespmem:v1+s2+$0x0], $0xffff;
	_ =	sdelay $0x5  }
0x1e5: {  	[tilespmem:s31+$0x1D310] =	vst v1;
	v1 =	vld [tilespmem:s31+$0x1A310]  }
0x1e6: {  	v0 =	vld.idx.msk [tilespmem:v0+s2+$0x0], $0xffff;
	_ =	sdelay $0x5  }
0x1e7: {  	[tilespmem:s31+$0x1D700] =	vst v0;
	v0 =	vld [tilespmem:s31+$0x1A700]  }
0x1e8: {  	v1 =	vld.idx.msk [tilespmem:v1+s2+$0x0], $0xffff;
	_ =	sdelay $0x5  }
0x1e9: {  	[tilespmem:s31+$0x1D710] =	vst v1;
	v1 =	vld [tilespmem:s31+$0x1A710]  }
0x1ea: {  	v0 =	vld.idx.msk [tilespmem:v0+s2+$0x0], $0xffff;
	_ =	sdelay $0x5  }
0x1eb: {  	[tilespmem:s31+$0x1DB00] =	vst v0;
	v0 =	vld [tilespmem:s31+$0x1AB00]  }
0x1ec: {  	v1 =	vld.idx.msk [tilespmem:v1+s2+$0x0], $0xffff;
	_ =	sdelay $0x5  }
0x1ed: {  	[tilespmem:s31+$0x1DB10] =	vst v1;
	v1 =	vld [tilespmem:s31+$0x1AB10]  }
0x1ee: {  	v0 =	vld.idx.msk [tilespmem:v0+s2+$0x0], $0xffff;
	_ =	sdelay $0x5  }
0x1ef: {  	[tilespmem:s31+$0x1DF00] =	vst v0;
	v2 =	vld [tilespmem:s31+$0x1AF00]  }
0x1f0: {  	v0 =	vld.idx.msk [tilespmem:v1+s2+$0x0], $0xffff;
	_ =	sdelay $0x5  }
0x1f1: {  	[tilespmem:s31+$0x1DF10] =	vst v0;
	v0 =	vld [tilespmem:s31+$0x1AF10]  }
0x1f2: {  	v1 =	vld.idx.msk [tilespmem:v2+s2+$0x0], $0xffff  }
.Ltmp5:
0x1f3: {  	(pc) =	sbr.rel @p0 .LBB2_12-.Ltmp5, $2  }
0x1f4: {  	_ =	sdelay $0x2  }
0x1f5: {  	s3 =	sshra.s32 s0, $0x2;
	s0 =	sadd.s32 $0x80, s0  }
0x1f6: {  	_ =	sdelay $0x1  }
0x1f7: {  	v2 =	vld [tilespmem:s3+$0x18B00]  }
0x1f8: {  	[tilespmem:s31+$0x1E300] =	vst v1  }
0x1f9: {  	v0 =	vld.idx.msk [tilespmem:v0+s2+$0x0], $0xffff;
	_ =	sdelay $0x3  }
0x1fa: {  	v1 =	vld [tilespmem:s3+$0x18B10]  }
0x1fb: {  	[tilespmem:s31+$0x1E310] =	vst v0  }
0x1fc: {  	v0 =	vld.idx.msk [tilespmem:v2+s2+$0x0], $0xffff;
	_ =	sdelay $0x4  }
0x1fd: {  	[tilespmem:s3+$0x1BF00] =	vst v0;
	v0 =	vld [tilespmem:s3+$0x18F00]  }
0x1fe: {  	v1 =	vld.idx.msk [tilespmem:v1+s2+$0x0], $0xffff;
	_ =	sdelay $0x4  }
0x1ff: {  	[tilespmem:s3+$0x1BF10] =	vst v1;
	v1 =	vld [tilespmem:s3+$0x18F10];
	_ =	sdelay $0x1  }
0x200: {  	v0 =	vld.idx.msk [tilespmem:v0+s2+$0x0], $0xffff;
	_ =	sdelay $0x4  }
0x201: {  	[tilespmem:s3+$0x1C300] =	vst v0;
	v0 =	vld [tilespmem:s3+$0x19300]  }
0x202: {  	v1 =	vld.idx.msk [tilespmem:v1+s2+$0x0], $0xffff;
	_ =	sdelay $0x4  }
0x203: {  	[tilespmem:s3+$0x1C310] =	vst v1;
	v1 =	vld [tilespmem:s3+$0x19310];
	_ =	sdelay $0x1  }
0x204: {  	v0 =	vld.idx.msk [tilespmem:v0+s2+$0x0], $0xffff;
	_ =	sdelay $0x4  }
0x205: {  	[tilespmem:s3+$0x1C700] =	vst v0;
	v0 =	vld [tilespmem:s3+$0x19700]  }
0x206: {  	v1 =	vld.idx.msk [tilespmem:v1+s2+$0x0], $0xffff;
	_ =	sdelay $0x4  }
0x207: {  	[tilespmem:s3+$0x1C710] =	vst v1;
	v1 =	vld [tilespmem:s3+$0x19710];
	_ =	sdelay $0x1  }
0x208: {  	v0 =	vld.idx.msk [tilespmem:v0+s2+$0x0], $0xffff;
	_ =	sdelay $0x4  }
0x209: {  	[tilespmem:s3+$0x1CB00] =	vst v0;
	v0 =	vld [tilespmem:s3+$0x19B00]  }
0x20a: {  	v1 =	vld.idx.msk [tilespmem:v1+s2+$0x0], $0xffff;
	_ =	sdelay $0x4  }
0x20b: {  	[tilespmem:s3+$0x1CB10] =	vst v1;
	v1 =	vld [tilespmem:s3+$0x19B10];
	_ =	sdelay $0x1  }
0x20c: {  	v0 =	vld.idx.msk [tilespmem:v0+s2+$0x0], $0xffff;
	_ =	sdelay $0x4  }
0x20d: {  	[tilespmem:s3+$0x1CF00] =	vst v0;
	v0 =	vld [tilespmem:s3+$0x19F00]  }
0x20e: {  	v1 =	vld.idx.msk [tilespmem:v1+s2+$0x0], $0xffff;
	_ =	sdelay $0x4  }
0x20f: {  	[tilespmem:s3+$0x1CF10] =	vst v1;
	v1 =	vld [tilespmem:s3+$0x19F10];
	_ =	sdelay $0x1  }
0x210: {  	v0 =	vld.idx.msk [tilespmem:v0+s2+$0x0], $0xffff;
	_ =	sdelay $0x4  }
0x211: {  	[tilespmem:s3+$0x1D300] =	vst v0;
	v0 =	vld [tilespmem:s3+$0x1A300]  }
0x212: {  	v1 =	vld.idx.msk [tilespmem:v1+s2+$0x0], $0xffff;
	_ =	sdelay $0x4  }
0x213: {  	[tilespmem:s3+$0x1D310] =	vst v1;
	v1 =	vld [tilespmem:s3+$0x1A310];
	_ =	sdelay $0x1  }
0x214: {  	v0 =	vld.idx.msk [tilespmem:v0+s2+$0x0], $0xffff;
	_ =	sdelay $0x4  }
0x215: {  	[tilespmem:s3+$0x1D700] =	vst v0;
	v0 =	vld [tilespmem:s3+$0x1A700]  }
0x216: {  	v1 =	vld.idx.msk [tilespmem:v1+s2+$0x0], $0xffff;
	_ =	sdelay $0x4  }
0x217: {  	[tilespmem:s3+$0x1D710] =	vst v1;
	v1 =	vld [tilespmem:s3+$0x1A710];
	_ =	sdelay $0x1  }
0x218: {  	v0 =	vld.idx.msk [tilespmem:v0+s2+$0x0], $0xffff;
	_ =	sdelay $0x4  }
0x219: {  	[tilespmem:s3+$0x1DB00] =	vst v0;
	v0 =	vld [tilespmem:s3+$0x1AB00]  }
0x21a: {  	v1 =	vld.idx.msk [tilespmem:v1+s2+$0x0], $0xffff;
	_ =	sdelay $0x4  }
0x21b: {  	[tilespmem:s3+$0x1DB10] =	vst v1;
	v1 =	vld [tilespmem:s3+$0x1AB10];
	_ =	sdelay $0x1  }
0x21c: {  	v0 =	vld.idx.msk [tilespmem:v0+s2+$0x0], $0xffff;
	_ =	sdelay $0x4  }
0x21d: {  	[tilespmem:s3+$0x1DF00] =	vst v0;
	v0 =	vld [tilespmem:s3+$0x1AF00]  }
0x21e: {  	v1 =	vld.idx.msk [tilespmem:v1+s2+$0x0], $0xffff;
	_ =	sdelay $0x4  }
0x21f: {  	[tilespmem:s3+$0x1DF10] =	vst v1;
	v1 =	vld [tilespmem:s3+$0x1AF10];
	_ =	sdelay $0x1  }
0x220: {  	v0 =	vld.idx.msk [tilespmem:v0+s2+$0x0], $0xffff;
	_ =	sdelay $0x4  }
0x221: {  	[tilespmem:s3+$0x1E300] =	vst v0  }
0x222: {  	v0 =	vld.idx.msk [tilespmem:v1+s2+$0x0], $0xffff;
	_ =	sdelay $0x4  }
0x223: {  	[tilespmem:s3+$0x1E310] =	vst v0  }
0x224: {  	[hbm4b:s13+s21] =	stream.strided.scatter [tilespmem:s24], [sflag:$0x3], $0x2800, s22, s21, $0x38;
	[tilespmem:$0x1E300] =	vst v63  }
0x225: {  	s0 =	simm.s32 $0x0  }
0x226: {  	[tilespmem:s0], [sflag:$0x4] =	stream.strided.gather [hbm4b:s14+s21], $0x18700, s22, s21, $0x38;
	[tilespmem:$0x1E300] =	vst v63  }
0x227: {  	_ =	swait.ge [sflag:s19], $0x18700  }
0x228: {  	[sflag:s19] =	ssyncset.done $0x0  }
0x229: {  	[sflag:s19] =	ssyncadd.s32 $0xFFFE7900  }
0x22a: {  	_ =	swait.ge [sflag:s29], $0x400  }
0x22b: {  	[sflag:s29] =	ssyncset.done $0x0  }
0x22c: {  	[sflag:s29] =	ssyncadd.s32 $0xFFFFFC00  }
0x22d: {  	_ =	swait.ge [sflag:s25], $0x2800  }
0x22e: {  	[sflag:s25] =	ssyncset.done $0x0  }
0x22f: {  	s0 =	simm.s32 $0x0;
	[sflag:s25] =	ssyncadd.s32 $0xFFFFD800  }
0x230: {  	v0 =	vld [tilespmem:s0+$0x1AF00];
	_ =	sdelay $0x5  }
0x231: {  	v1 =	vld [tilespmem:s0+$0x1AF10];
	_ =	sdelay $0x1  }
0x232: {  	v0 =	vld.idx.msk [tilespmem:v0+s2+$0x0], $0xffff;
	_ =	sdelay $0x4  }
0x233: {  	v2 =	vld [tilespmem:s0+$0x1AF20];
	[tilespmem:s0+$0x1B700] =	vst v0  }
0x234: {  	v0 =	vld.idx.msk [tilespmem:v1+s2+$0x0], $0xffff;
	_ =	sdelay $0x4  }
0x235: {  	[tilespmem:s0+$0x1B710] =	vst v0;
	v0 =	vld [tilespmem:s0+$0x1AF30];
	_ =	sdelay $0x1  }
0x236: {  	v1 =	vld.idx.msk [tilespmem:v2+s2+$0x0], $0xffff;
	_ =	sdelay $0x3  }
0x237: {  	s31 =	simm.s32 $0x40;
	s3 =	simm.s32 $0x200  }
.LBB2_14:
0x238: {  	p0 =	sne.s32 s3, $0xF00;
	v2 =	vld [tilespmem:s31+$0x1AF00];
	[tilespmem:s0+$0x1B720] =	vst v1  }
0x239: {  	v0 =	vld.idx.msk [tilespmem:v0+s2+$0x0], $0xffff;
	_ =	sdelay $0x5  }
0x23a: {  	v1 =	vld [tilespmem:s31+$0x1AF10];
	[tilespmem:s0+$0x1B730] =	vst v0;
	s0 =	smov.u32 s31  }
0x23b: {  	v0 =	vld.idx.msk [tilespmem:v2+s2+$0x0], $0xffff;
	_ =	sdelay $0x5  }
0x23c: {  	[tilespmem:s0+$0x1B700] =	vst v0;
	v2 =	vld [tilespmem:s0+$0x1AF20]  }
0x23d: {  	v0 =	vld.idx.msk [tilespmem:v1+s2+$0x0], $0xffff;
	_ =	sdelay $0x5  }
0x23e: {  	[tilespmem:s0+$0x1B710] =	vst v0;
	v0 =	vld [tilespmem:s0+$0x1AF30]  }
0x23f: {  	v1 =	vld.idx.msk [tilespmem:v2+s2+$0x0], $0xffff  }
.Ltmp6:
0x240: {  	(pc) =	sbr.rel @p0 .LBB2_14-.Ltmp6, $2  }
0x241: {  	_ =	sdelay $0x2  }
0x242: {  	s31 =	sshra.s32 s3, $0x2;
	s3 =	sadd.s32 $0x100, s3  }
0x243: {  	_ =	sdelay $0x1  }
0x244: {  	v2 =	vld [tilespmem:s31+$0x1AF00]  }
0x245: {  	[tilespmem:s0+$0x1B720] =	vst v1  }
0x246: {  	v0 =	vld.idx.msk [tilespmem:v0+s2+$0x0], $0xffff;
	_ =	sdelay $0x3  }
0x247: {  	v1 =	vld [tilespmem:s31+$0x1AF10]  }
0x248: {  	[tilespmem:s0+$0x1B730] =	vst v0  }
0x249: {  	v0 =	vld.idx.msk [tilespmem:v2+s2+$0x0], $0xffff;
	_ =	sdelay $0x4  }
0x24a: {  	[tilespmem:s31+$0x1B700] =	vst v0;
	v0 =	vld [tilespmem:s31+$0x1AF20]  }
0x24b: {  	v1 =	vld.idx.msk [tilespmem:v1+s2+$0x0], $0xffff;
	_ =	sdelay $0x4  }
0x24c: {  	[tilespmem:s31+$0x1B710] =	vst v1;
	v1 =	vld [tilespmem:s31+$0x1AF30];
	_ =	sdelay $0x1  }
0x24d: {  	v0 =	vld.idx.msk [tilespmem:v0+s2+$0x0], $0xffff;
	_ =	sdelay $0x4  }
0x24e: {  	[tilespmem:s31+$0x1B720] =	vst v0  }
0x24f: {  	v0 =	vld.idx.msk [tilespmem:v1+s2+$0x0], $0xffff;
	_ =	sdelay $0x4  }
0x250: {  	[tilespmem:s31+$0x1B730] =	vst v0;
	s31 =	simm.s32 $0xFFFFFC00  }
0x251: {  	[hbm4b:s15+s21] =	stream.strided.scatter [tilespmem:s26], [sflag:$0x2], $0x400, s22, s21, $0x38;
	[tilespmem:$0x1E300] =	vst v63  }
0x252: {  	v0 =	vld [tilespmem:s31+$0x18B00];
	_ =	sdelay $0x5  }
0x253: {  	v1 =	vld [tilespmem:s31+$0x18B10];
	_ =	sdelay $0x1  }
0x254: {  	v0 =	vld.idx.msk [tilespmem:v0+s2+$0x0], $0xffff;
	_ =	sdelay $0x4  }
0x255: {  	[tilespmem:s31+$0x1BF00] =	vst v0;
	v0 =	vld [tilespmem:s31+$0x18F00]  }
0x256: {  	v1 =	vld.idx.msk [tilespmem:v1+s2+$0x0], $0xffff;
	_ =	sdelay $0x4  }
0x257: {  	[tilespmem:s31+$0x1BF10] =	vst v1;
	v1 =	vld [tilespmem:s31+$0x18F10];
	_ =	sdelay $0x1  }
0x258: {  	v0 =	vld.idx.msk [tilespmem:v0+s2+$0x0], $0xffff;
	_ =	sdelay $0x4  }
0x259: {  	[tilespmem:s31+$0x1C300] =	vst v0;
	v0 =	vld [tilespmem:s31+$0x19300]  }
0x25a: {  	v1 =	vld.idx.msk [tilespmem:v1+s2+$0x0], $0xffff;
	_ =	sdelay $0x4  }
0x25b: {  	[tilespmem:s31+$0x1C310] =	vst v1;
	v1 =	vld [tilespmem:s31+$0x19310];
	_ =	sdelay $0x1  }
0x25c: {  	v0 =	vld.idx.msk [tilespmem:v0+s2+$0x0], $0xffff;
	_ =	sdelay $0x4  }
0x25d: {  	[tilespmem:s31+$0x1C700] =	vst v0;
	v0 =	vld [tilespmem:s31+$0x19700]  }
0x25e: {  	v1 =	vld.idx.msk [tilespmem:v1+s2+$0x0], $0xffff;
	_ =	sdelay $0x4  }
0x25f: {  	[tilespmem:s31+$0x1C710] =	vst v1;
	v1 =	vld [tilespmem:s31+$0x19710];
	_ =	sdelay $0x1  }
0x260: {  	v0 =	vld.idx.msk [tilespmem:v0+s2+$0x0], $0xffff;
	_ =	sdelay $0x4  }
0x261: {  	[tilespmem:s31+$0x1CB00] =	vst v0;
	v0 =	vld [tilespmem:s31+$0x19B00]  }
0x262: {  	v1 =	vld.idx.msk [tilespmem:v1+s2+$0x0], $0xffff;
	_ =	sdelay $0x4  }
0x263: {  	[tilespmem:s31+$0x1CB10] =	vst v1;
	v1 =	vld [tilespmem:s31+$0x19B10];
	_ =	sdelay $0x1  }
0x264: {  	v0 =	vld.idx.msk [tilespmem:v0+s2+$0x0], $0xffff;
	_ =	sdelay $0x4  }
0x265: {  	[tilespmem:s31+$0x1CF00] =	vst v0;
	v0 =	vld [tilespmem:s31+$0x19F00]  }
0x266: {  	v1 =	vld.idx.msk [tilespmem:v1+s2+$0x0], $0xffff;
	_ =	sdelay $0x4  }
0x267: {  	[tilespmem:s31+$0x1CF10] =	vst v1;
	v1 =	vld [tilespmem:s31+$0x19F10];
	_ =	sdelay $0x1  }
0x268: {  	v0 =	vld.idx.msk [tilespmem:v0+s2+$0x0], $0xffff;
	_ =	sdelay $0x4  }
0x269: {  	[tilespmem:s31+$0x1D300] =	vst v0;
	v0 =	vld [tilespmem:s31+$0x1A300]  }
0x26a: {  	v1 =	vld.idx.msk [tilespmem:v1+s2+$0x0], $0xffff;
	_ =	sdelay $0x4  }
0x26b: {  	[tilespmem:s31+$0x1D310] =	vst v1;
	v1 =	vld [tilespmem:s31+$0x1A310];
	_ =	sdelay $0x1  }
0x26c: {  	v0 =	vld.idx.msk [tilespmem:v0+s2+$0x0], $0xffff;
	_ =	sdelay $0x4  }
0x26d: {  	[tilespmem:s31+$0x1D700] =	vst v0;
	v0 =	vld [tilespmem:s31+$0x1A700]  }
0x26e: {  	v1 =	vld.idx.msk [tilespmem:v1+s2+$0x0], $0xffff;
	_ =	sdelay $0x4  }
0x26f: {  	[tilespmem:s31+$0x1D710] =	vst v1;
	v1 =	vld [tilespmem:s31+$0x1A710];
	_ =	sdelay $0x1  }
0x270: {  	v0 =	vld.idx.msk [tilespmem:v0+s2+$0x0], $0xffff;
	_ =	sdelay $0x4  }
0x271: {  	[tilespmem:s31+$0x1DB00] =	vst v0;
	v0 =	vld [tilespmem:s31+$0x1AB00]  }
0x272: {  	v1 =	vld.idx.msk [tilespmem:v1+s2+$0x0], $0xffff;
	_ =	sdelay $0x4  }
0x273: {  	[tilespmem:s31+$0x1DB10] =	vst v1;
	v1 =	vld [tilespmem:s31+$0x1AB10];
	_ =	sdelay $0x1  }
0x274: {  	v0 =	vld.idx.msk [tilespmem:v0+s2+$0x0], $0xffff;
	_ =	sdelay $0x4  }
0x275: {  	v2 =	vld [tilespmem:s31+$0x1AF00];
	[tilespmem:s31+$0x1DF00] =	vst v0  }
0x276: {  	v0 =	vld.idx.msk [tilespmem:v1+s2+$0x0], $0xffff;
	_ =	sdelay $0x4  }
0x277: {  	[tilespmem:s31+$0x1DF10] =	vst v0;
	v0 =	vld [tilespmem:s31+$0x1AF10];
	_ =	sdelay $0x1  }
0x278: {  	v1 =	vld.idx.msk [tilespmem:v2+s2+$0x0], $0xffff;
	_ =	sdelay $0x3  }
0x279: {  	s3 =	simm.s32 $0xFFFFFC20;
	s0 =	simm.s32 $0xFFFFF100  }
.LBB2_16:
0x27a: {  	p0 =	sne.s32 s0, $0xFFFFFF80;
	v2 =	vld [tilespmem:s3+$0x18B00];
	[tilespmem:s31+$0x1E300] =	vst v1  }
0x27b: {  	v0 =	vld.idx.msk [tilespmem:v0+s2+$0x0], $0xffff;
	_ =	sdelay $0x5  }
0x27c: {  	v1 =	vld [tilespmem:s3+$0x18B10];
	[tilespmem:s31+$0x1E310] =	vst v0;
	s31 =	smov.u32 s3  }
0x27d: {  	v0 =	vld.idx.msk [tilespmem:v2+s2+$0x0], $0xffff;
	_ =	sdelay $0x5  }
0x27e: {  	[tilespmem:s31+$0x1BF00] =	vst v0;
	v0 =	vld [tilespmem:s31+$0x18F00]  }
0x27f: {  	v1 =	vld.idx.msk [tilespmem:v1+s2+$0x0], $0xffff;
	_ =	sdelay $0x5  }
0x280: {  	[tilespmem:s31+$0x1BF10] =	vst v1;
	v1 =	vld [tilespmem:s31+$0x18F10]  }
0x281: {  	v0 =	vld.idx.msk [tilespmem:v0+s2+$0x0], $0xffff;
	_ =	sdelay $0x5  }
0x282: {  	[tilespmem:s31+$0x1C300] =	vst v0;
	v0 =	vld [tilespmem:s31+$0x19300]  }
0x283: {  	v1 =	vld.idx.msk [tilespmem:v1+s2+$0x0], $0xffff;
	_ =	sdelay $0x5  }
0x284: {  	[tilespmem:s31+$0x1C310] =	vst v1;
	v1 =	vld [tilespmem:s31+$0x19310]  }
0x285: {  	v0 =	vld.idx.msk [tilespmem:v0+s2+$0x0], $0xffff;
	_ =	sdelay $0x5  }
0x286: {  	[tilespmem:s31+$0x1C700] =	vst v0;
	v0 =	vld [tilespmem:s31+$0x19700]  }
0x287: {  	v1 =	vld.idx.msk [tilespmem:v1+s2+$0x0], $0xffff;
	_ =	sdelay $0x5  }
0x288: {  	[tilespmem:s31+$0x1C710] =	vst v1;
	v1 =	vld [tilespmem:s31+$0x19710]  }
0x289: {  	v0 =	vld.idx.msk [tilespmem:v0+s2+$0x0], $0xffff;
	_ =	sdelay $0x5  }
0x28a: {  	[tilespmem:s31+$0x1CB00] =	vst v0;
	v0 =	vld [tilespmem:s31+$0x19B00]  }
0x28b: {  	v1 =	vld.idx.msk [tilespmem:v1+s2+$0x0], $0xffff;
	_ =	sdelay $0x5  }
0x28c: {  	[tilespmem:s31+$0x1CB10] =	vst v1;
	v1 =	vld [tilespmem:s31+$0x19B10]  }
0x28d: {  	v0 =	vld.idx.msk [tilespmem:v0+s2+$0x0], $0xffff;
	_ =	sdelay $0x5  }
0x28e: {  	[tilespmem:s31+$0x1CF00] =	vst v0;
	v0 =	vld [tilespmem:s31+$0x19F00]  }
0x28f: {  	v1 =	vld.idx.msk [tilespmem:v1+s2+$0x0], $0xffff;
	_ =	sdelay $0x5  }
0x290: {  	[tilespmem:s31+$0x1CF10] =	vst v1;
	v1 =	vld [tilespmem:s31+$0x19F10]  }
0x291: {  	v0 =	vld.idx.msk [tilespmem:v0+s2+$0x0], $0xffff;
	_ =	sdelay $0x5  }
0x292: {  	[tilespmem:s31+$0x1D300] =	vst v0;
	v0 =	vld [tilespmem:s31+$0x1A300]  }
0x293: {  	v1 =	vld.idx.msk [tilespmem:v1+s2+$0x0], $0xffff;
	_ =	sdelay $0x5  }
0x294: {  	[tilespmem:s31+$0x1D310] =	vst v1;
	v1 =	vld [tilespmem:s31+$0x1A310]  }
0x295: {  	v0 =	vld.idx.msk [tilespmem:v0+s2+$0x0], $0xffff;
	_ =	sdelay $0x5  }
0x296: {  	[tilespmem:s31+$0x1D700] =	vst v0;
	v0 =	vld [tilespmem:s31+$0x1A700]  }
0x297: {  	v1 =	vld.idx.msk [tilespmem:v1+s2+$0x0], $0xffff;
	_ =	sdelay $0x5  }
0x298: {  	[tilespmem:s31+$0x1D710] =	vst v1;
	v1 =	vld [tilespmem:s31+$0x1A710]  }
0x299: {  	v0 =	vld.idx.msk [tilespmem:v0+s2+$0x0], $0xffff;
	_ =	sdelay $0x5  }
0x29a: {  	[tilespmem:s31+$0x1DB00] =	vst v0;
	v0 =	vld [tilespmem:s31+$0x1AB00]  }
0x29b: {  	v1 =	vld.idx.msk [tilespmem:v1+s2+$0x0], $0xffff;
	_ =	sdelay $0x5  }
0x29c: {  	[tilespmem:s31+$0x1DB10] =	vst v1;
	v1 =	vld [tilespmem:s31+$0x1AB10]  }
0x29d: {  	v0 =	vld.idx.msk [tilespmem:v0+s2+$0x0], $0xffff;
	_ =	sdelay $0x5  }
0x29e: {  	[tilespmem:s31+$0x1DF00] =	vst v0;
	v2 =	vld [tilespmem:s31+$0x1AF00]  }
0x29f: {  	v0 =	vld.idx.msk [tilespmem:v1+s2+$0x0], $0xffff;
	_ =	sdelay $0x5  }
0x2a0: {  	[tilespmem:s31+$0x1DF10] =	vst v0;
	v0 =	vld [tilespmem:s31+$0x1AF10]  }
0x2a1: {  	v1 =	vld.idx.msk [tilespmem:v2+s2+$0x0], $0xffff  }
.Ltmp7:
0x2a2: {  	(pc) =	sbr.rel @p0 .LBB2_16-.Ltmp7, $2  }
0x2a3: {  	_ =	sdelay $0x2  }
0x2a4: {  	s3 =	sshra.s32 s0, $0x2;
	s0 =	sadd.s32 $0x80, s0  }
0x2a5: {  	_ =	sdelay $0x1  }
0x2a6: {  	v2 =	vld [tilespmem:s3+$0x18B00]  }
0x2a7: {  	[tilespmem:s31+$0x1E300] =	vst v1  }
0x2a8: {  	v0 =	vld.idx.msk [tilespmem:v0+s2+$0x0], $0xffff;
	_ =	sdelay $0x3  }
0x2a9: {  	v1 =	vld [tilespmem:s3+$0x18B10]  }
0x2aa: {  	[tilespmem:s31+$0x1E310] =	vst v0  }
0x2ab: {  	v0 =	vld.idx.msk [tilespmem:v2+s2+$0x0], $0xffff;
	_ =	sdelay $0x3  }
0x2ac: {  	v46 =	vld [tilespmem:s3+$0x18F00]  }
0x2ad: {  	[tilespmem:s3+$0x1BF00] =	vst v0  }
0x2ae: {  	v1 =	vld.idx.msk [tilespmem:v1+s2+$0x0], $0xffff;
	_ =	sdelay $0x3  }
0x2af: {  	v47 =	vld [tilespmem:s3+$0x18F10]  }
0x2b0: {  	[tilespmem:s3+$0x1BF10] =	vst v1  }
0x2b1: {  	v0 =	vld.idx.msk [tilespmem:v46+s2+$0x0], $0xffff;
	_ =	sdelay $0x3  }
0x2b2: {  	v48 =	vld [tilespmem:s3+$0x19300]  }
0x2b3: {  	[tilespmem:s3+$0x1C300] =	vst v0  }
0x2b4: {  	v1 =	vld.idx.msk [tilespmem:v47+s2+$0x0], $0xffff;
	_ =	sdelay $0x3  }
0x2b5: {  	v49 =	vld [tilespmem:s3+$0x19310]  }
0x2b6: {  	[tilespmem:s3+$0x1C310] =	vst v1  }
0x2b7: {  	v0 =	vld.idx.msk [tilespmem:v48+s2+$0x0], $0xffff;
	_ =	sdelay $0x3  }
0x2b8: {  	v50 =	vld [tilespmem:s3+$0x19700]  }
0x2b9: {  	[tilespmem:s3+$0x1C700] =	vst v0  }
0x2ba: {  	v1 =	vld.idx.msk [tilespmem:v49+s2+$0x0], $0xffff;
	_ =	sdelay $0x3  }
0x2bb: {  	v51 =	vld [tilespmem:s3+$0x19710]  }
0x2bc: {  	[tilespmem:s3+$0x1C710] =	vst v1  }
0x2bd: {  	v0 =	vld.idx.msk [tilespmem:v50+s2+$0x0], $0xffff;
	_ =	sdelay $0x3  }
0x2be: {  	v52 =	vld [tilespmem:s3+$0x19B00]  }
0x2bf: {  	[tilespmem:s3+$0x1CB00] =	vst v0  }
0x2c0: {  	v1 =	vld.idx.msk [tilespmem:v51+s2+$0x0], $0xffff;
	_ =	sdelay $0x3  }
0x2c1: {  	v53 =	vld [tilespmem:s3+$0x19B10]  }
0x2c2: {  	[tilespmem:s3+$0x1CB10] =	vst v1  }
0x2c3: {  	v0 =	vld.idx.msk [tilespmem:v52+s2+$0x0], $0xffff;
	_ =	sdelay $0x3  }
0x2c4: {  	v54 =	vld [tilespmem:s3+$0x19F00]  }
0x2c5: {  	[tilespmem:s3+$0x1CF00] =	vst v0  }
0x2c6: {  	v1 =	vld.idx.msk [tilespmem:v53+s2+$0x0], $0xffff;
	_ =	sdelay $0x3  }
0x2c7: {  	v55 =	vld [tilespmem:s3+$0x19F10]  }
0x2c8: {  	[tilespmem:s3+$0x1CF10] =	vst v1  }
0x2c9: {  	v0 =	vld.idx.msk [tilespmem:v54+s2+$0x0], $0xffff;
	_ =	sdelay $0x3  }
0x2ca: {  	v56 =	vld [tilespmem:s3+$0x1A300]  }
0x2cb: {  	[tilespmem:s3+$0x1D300] =	vst v0  }
0x2cc: {  	v1 =	vld.idx.msk [tilespmem:v55+s2+$0x0], $0xffff;
	_ =	sdelay $0x3  }
0x2cd: {  	v57 =	vld [tilespmem:s3+$0x1A310]  }
0x2ce: {  	[tilespmem:s3+$0x1D310] =	vst v1  }
0x2cf: {  	v0 =	vld.idx.msk [tilespmem:v56+s2+$0x0], $0xffff;
	_ =	sdelay $0x3  }
0x2d0: {  	v58 =	vld [tilespmem:s3+$0x1A700]  }
0x2d1: {  	[tilespmem:s3+$0x1D700] =	vst v0  }
0x2d2: {  	v1 =	vld.idx.msk [tilespmem:v57+s2+$0x0], $0xffff;
	_ =	sdelay $0x3  }
0x2d3: {  	v59 =	vld [tilespmem:s3+$0x1A710]  }
0x2d4: {  	[tilespmem:s3+$0x1D710] =	vst v1  }
0x2d5: {  	v0 =	vld.idx.msk [tilespmem:v58+s2+$0x0], $0xffff;
	_ =	sdelay $0x3  }
0x2d6: {  	v60 =	vld [tilespmem:s3+$0x1AB00]  }
0x2d7: {  	[tilespmem:s3+$0x1DB00] =	vst v0  }
0x2d8: {  	v1 =	vld.idx.msk [tilespmem:v59+s2+$0x0], $0xffff;
	_ =	sdelay $0x3  }
0x2d9: {  	v61 =	vld [tilespmem:s3+$0x1AB10]  }
0x2da: {  	[tilespmem:s3+$0x1DB10] =	vst v1  }
0x2db: {  	v0 =	vld.idx.msk [tilespmem:v60+s2+$0x0], $0xffff;
	_ =	sdelay $0x3  }
0x2dc: {  	v62 =	vld [tilespmem:s3+$0x1AF00]  }
0x2dd: {  	[tilespmem:s3+$0x1DF00] =	vst v0  }
0x2de: {  	v1 =	vld.idx.msk [tilespmem:v61+s2+$0x0], $0xffff;
	_ =	sdelay $0x3  }
0x2df: {  	v63 =	vld [tilespmem:s3+$0x1AF10]  }
0x2e0: {  	[tilespmem:s3+$0x1DF10] =	vst v1  }
0x2e1: {  	v0 =	vld.idx.msk [tilespmem:v62+s2+$0x0], $0xffff;
	_ =	sdelay $0x4  }
0x2e2: {  	[tilespmem:s3+$0x1E300] =	vst v0  }
0x2e3: {  	v0 =	vld.idx.msk [tilespmem:v63+s2+$0x0], $0xffff;
	_ =	sdelay $0x4  }
0x2e4: {  	[tilespmem:s3+$0x1E310] =	vst v0  }
0x2e5: {  	[hbm4b:s16+s21] =	stream.strided.scatter [tilespmem:s24], [sflag:$0x3], $0x2800, s22, s21, $0x38;
	[tilespmem:$0x1E300] =	vst v63  }
0x2e6: {  	_ =	swait.ge [sflag:s28], $0x400  }
0x2e7: {  	[sflag:s28] =	ssyncset.done $0x0  }
0x2e8: {  	s30 =	sadd.s32 $0x1, s30;
	[sflag:s28] =	ssyncadd.s32 $0xFFFFFC00  }
0x2e9: {  	p0 =	sne.s32 s30, s17;
	_ =	swait.ge [sflag:s29], $0x400  }
.Ltmp8:
0x2ea: {  	[sflag:s29] =	ssyncset.done $0x0;
	(pc) =	sbr.rel @p0 .LBB2_1-.Ltmp8, $4  }
0x2eb: {  	[sflag:s29] =	ssyncadd.s32 $0xFFFFFC00  }
0x2ec: {  	_ =	swait.ge [sflag:s25], $0x2800  }
0x2ed: {  	[sflag:s25] =	ssyncset.done $0x0  }
0x2ee: {  	[sflag:s25] =	ssyncadd.s32 $0xFFFFD800  }
0x2ef: {  	_ =	sfence.sel $0x180000  }
0x2f0: {  	[bflag:$0x0] =	sbarrier.arrive $0xFFFF  }
0x2f1: {  	_ =	strace $0x9000004A  }
0x2f2: {  	s0 =	stileid.u32;
	[bflag:$0x2] =	sbarrier.arrive $0xFFFF  }
0x2f3: {  	p0 =	sne.s32 s0, $0x0;
	s0 =	rddreg [dreg:$0x2]  }
0x2f4: {  	s0 =	sadd.s32 @!p0 $0x100000, s0  }
0x2f5: {  	[sflag:s0] =	ssyncadd.tile.s32 @!p0 $0x1;
	_ =	shalt  }
.Lfunc_end2:
_tile_overlayer_lowered:
.L_overlay_start_2:
0x2f6: {  	(tag) =	ssettag $0x2  }
0x2f7: {  	s0 =	rddreg [dreg:$0x0];
	s2 =	stileid.u32  }
0x2f8: {  	s1 =	rddreg [dreg:$0x1];
	p0 =	sne.s32 s2, $0x0  }
0x2f9: {  	s3 =	rddreg [dreg:$0x2];
	[bflag:$0x3] =	sbarrier.arrive $0xFFFF;
	s2 =	simm.s32 @!p0 $0x1C04  }
0x2fa: {  	[timem:s3], [sflag:s2] =	dma.local @!p0 [hbm:s0], s1  }
0x2fb: {  	s0 =	simm.s32 @!p0 $0x4  }
0x2fc: {  	_ =	swait.ge @!p0 [sflag:s0], s1  }
0x2fd: {  	s1 =	ssub.s32 @!p0 $0x0, s1;
	[sflag:s0] =	ssyncset.done @!p0 $0x0  }
0x2fe: {  	[sflag:s0] =	ssyncadd.s32 @!p0 s1  }
0x2ff: {  	[bflag:$0x3] =	sbarrier.arrive $0xFFFF  }
0x300: {  	_ =	shalt  }

</sc_bundles>
